<compile_context>
chip_gen: v7x
topology: tpu7x:2x2x1
jax: 0.10.2.dev20260603
libtpu: 0.0.44.dev20260713+nightly
codegen_flags: <defaults>
</compile_context>

<pallas_src>
import functools

import jax
import jax.numpy as jnp
from jax import lax
from jax.experimental import pallas as pl
from jax.experimental.pallas import tpu as pltpu
from jax.experimental.pallas import tpu_sc as plsc

NUM_EMBEDDINGS = 1000000
EMBEDDING_DIM = 64
BATCH = 16384

_INFO = plsc.get_sparse_core_info()
_NC = _INFO.num_cores
_NS = _INFO.num_subcores
_NW = _NC * _NS
_B_PER_W = BATCH // _NW
_GROUPS_AHEAD = 8


@functools.partial(
    pl.kernel,
    mesh=plsc.VectorSubcoreMesh(core_axis_name="c", subcore_axis_name="s"),
    out_type=jax.ShapeDtypeStruct((BATCH, EMBEDDING_DIM), jnp.float32),
    scratch_types=[
        pltpu.VMEM((_B_PER_W,), jnp.int32),
        pltpu.VMEM((_B_PER_W, EMBEDDING_DIM), jnp.float32),
        pltpu.SemaphoreType.DMA,
    ],
    compiler_params=pltpu.CompilerParams(has_side_effects=False),
)
def _gather_kernel(idx_hbm, table_hbm, out_hbm, idx_v, rows_v, sem):
    wid = lax.axis_index("s") * _NC + lax.axis_index("c")
    base = wid * _B_PER_W
    n_groups = _B_PER_W // 16
    pltpu.sync_copy(idx_hbm.at[pl.ds(base, _B_PER_W)], idx_v)

    def start_group(g):
        row_base = pl.multiple_of(g * 16, 16)
        vec = idx_v[pl.ds(row_base, 16)]
        for j in range(16):
            s = lax.squeeze(lax.slice(vec, (j,), (j + 1,)), (0,))
            pltpu.async_copy(
                table_hbm.at[pl.ds(s, 1)],
                rows_v.at[pl.ds(row_base + j, 1)],
                sem,
            )

    def drain_group():
        pltpu.make_async_copy(
            table_hbm.at[pl.ds(0, 16)], rows_v.at[pl.ds(0, 16)], sem
        ).wait()

    def prologue(g, carry):
        start_group(g)
        return carry

    def steady(g, carry):
        start_group(g)
        drain_group()
        return carry

    def epilogue(g, carry):
        drain_group()
        return carry

    lax.fori_loop(0, _GROUPS_AHEAD, prologue, 0, unroll=True)
    lax.fori_loop(_GROUPS_AHEAD, n_groups, steady, 0, unroll=2)
    lax.fori_loop(0, _GROUPS_AHEAD, epilogue, 0, unroll=True)

    pltpu.sync_copy(rows_v, out_hbm.at[pl.ds(base, _B_PER_W)])


def kernel(inputs, weights):
    out = _gather_kernel(inputs, weights)
    return out.astype(jnp.bfloat16)

# --- scband reference (transcript-rebuilt; emitter-appended) ---
"""Pipeline reference for scband-casted-sparse-embedding-36842229465668 (READ-ONLY COPY).

The authoritative reference and input builder live on the scoring server;
editing this copy changes nothing except your own understanding.
"""

import jax, jax.numpy as jnp
import numpy as np

NUM_EMBEDDINGS = 1000000
EMBEDDING_DIM = 64
BATCH = 16384


def setup_inputs(seed: int = 0) -> dict:
    key = jax.random.key(seed)
    k_idx, k_w = jax.random.split(key)
    inputs = jax.random.randint(k_idx, (BATCH,), 0, NUM_EMBEDDINGS, dtype=jnp.int32)
    # Learned embedding table (trunc_normal init approximated with normal * std)
    weights = jax.random.normal(k_w, (NUM_EMBEDDINGS, EMBEDDING_DIM), dtype=jnp.float32) * 0.02
    return {"inputs": inputs, "weights": weights}


def reference(inputs, weights):
    # CastedSparseEmbedding forward: gather rows from the global table and cast.
    # In training mode the torch module copies weights[inputs] into a local buffer
    # and returns it cast to bfloat16; functionally the output is the same gather+cast.
    out = jnp.take(weights, inputs, axis=0)
    return out.astype(jnp.bfloat16)

if __name__ == "__main__":
    import jax
    _d = setup_inputs()
    print(jax.jit(kernel)(*tuple(_d.values())))

</pallas_src>

<mosaic_0001>
#map = affine_map<(d0, d1) -> (0)>
#map1 = affine_map<(d0, d1) -> (0, 0)>
module attributes {stable_mosaic.version = 14 : i64} {
  func.func @_gather_kernel(%arg0: i32, %arg1: i32, %arg2: memref<16384xi32, #tpu.memory_space<hbm>>, %arg3: memref<1000000x64xf32, #tpu.memory_space<hbm>>, %arg4: memref<16384x64xf32, #tpu.memory_space<hbm>>, %arg5: memref<512xi32, #tpu.memory_space<vmem>>, %arg6: memref<512x64xf32, #tpu.memory_space<vmem>>, %arg7: memref<!tpu.dma_semaphore, #tpu.memory_space<semaphore_mem>>) attributes {dimension_semantics = [#tpu.dimension_semantics<core_parallel>, #tpu.dimension_semantics<subcore_parallel>], iteration_bounds = array<i64: 2, 16>, scalar_prefetch = 0 : i64, scratch_operands = 3 : i64, tpu.core_type = #tpu.core_type<sc_vector_subcore>, window_params = [{transform_indices = #map}, {transform_indices = #map1}, {transform_indices = #map1}]} {
    %mul3A = arith.constant 2 : i32
    %mul3A_0 = arith.muli %arg1, %mul3A : i32
    %add3A = arith.addi %mul3A_0, %arg0 : i32
    %mul3A_1 = arith.constant 512 : i32
    %mul3A_2 = arith.muli %add3A, %mul3A_1 : i32
    "tpu.region"() ({
      %run_scoped3A = tpu.sem_alloc : memref<!tpu.dma_semaphore, #tpu.memory_space<semaphore_mem>>
      %dma_start3A_1702 = tpu.memref_slice %arg2[%mul3A_2] : memref<16384xi32, #tpu.memory_space<hbm>> -> memref<512xi32, #tpu.memory_space<hbm>>
      %dma_start3A_1703 = tpu.memref_slice %arg2[%mul3A_2] : memref<16384xi32, #tpu.memory_space<hbm>> -> memref<512xi32, #tpu.memory_space<hbm>>
      tpu.enqueue_dma source(%dma_start3A_1703 : memref<512xi32, #tpu.memory_space<hbm>>) target(%arg5 : memref<512xi32, #tpu.memory_space<vmem>>) target_semaphore(%run_scoped3A : memref<!tpu.dma_semaphore, #tpu.memory_space<semaphore_mem>>)
      %dma_wait3A_1704 = tpu.memref_slice %arg2[%mul3A_2] : memref<16384xi32, #tpu.memory_space<hbm>> -> memref<512xi32, #tpu.memory_space<hbm>>
      %dma_wait3A_1705 = tpu.memref_slice %arg2[%mul3A_2] : memref<16384xi32, #tpu.memory_space<hbm>> -> memref<512xi32, #tpu.memory_space<hbm>>
      tpu.wait_dma2 semaphore(%run_scoped3A : memref<!tpu.dma_semaphore, #tpu.memory_space<semaphore_mem>>) src(%dma_wait3A_1705 : memref<512xi32, #tpu.memory_space<hbm>>) dst(%arg5 : memref<512xi32, #tpu.memory_space<vmem>>)
      tpu.yield
    }) : () -> ()
    %scan3A = arith.constant 0 : i32
    %scan3A_3 = arith.constant 0 : i32
    %mul3A_4 = arith.constant 16 : i32
    %mul3A_5 = arith.muli %scan3A_3, %mul3A_4 : i32
    %multiple_of3A = tpu.assume_multiple %mul3A_5, 16 : i32
    %get3A = arith.index_cast %multiple_of3A : i32 to index
    %get3A_6 = tpu.vector_load %arg5[%get3A] {strides = array<i32>} : memref<512xi32, #tpu.memory_space<vmem>>, vector<16xi32>,
    %get3A_7 = vector.shape_cast %get3A_6 : vector<16xi32> to vector<16xi32>
    %slice3A = vector.extract_strided_slice %get3A_7 {offsets = [0], sizes = [1], strides = [1]} : vector<16xi32> to vector<1xi32>
    %squeeze3A = vector.extract %slice3A[0] : i32 from vector<1xi32>
    %add3A_8 = arith.constant 0 : i32
    %add3A_9 = arith.addi %multiple_of3A, %add3A_8 : i32
    %dma_start3A = arith.constant 0 : i32
    %dma_start3A_10 = tpu.memref_slice %arg6[%add3A_9, %dma_start3A] : memref<512x64xf32, #tpu.memory_space<vmem>> -> memref<1x64xf32, #tpu.memory_space<vmem>>
    %dma_start3A_11 = arith.constant 0 : i32
    %dma_start3A_12 = tpu.memref_slice %arg3[%squeeze3A, %dma_start3A_11] : memref<1000000x64xf32, #tpu.memory_space<hbm>> -> memref<1x64xf32, #tpu.memory_space<hbm>>
    %dma_start3A_13 = arith.constant 0 : i32
    %dma_start3A_14 = tpu.memref_slice %arg6[%add3A_9, %dma_start3A_13] : memref<512x64xf32, #tpu.memory_space<vmem>> -> memref<1x64xf32, #tpu.memory_space<vmem>>
    %dma_start3A_15 = arith.constant 0 : i32
    %dma_start3A_16 = tpu.memref_slice %arg3[%squeeze3A, %dma_start3A_15] : memref<1000000x64xf32, #tpu.memory_space<hbm>> -> memref<1x64xf32, #tpu.memory_space<hbm>>
    tpu.enqueue_dma source(%dma_start3A_16 : memref<1x64xf32, #tpu.memory_space<hbm>>) target(%dma_start3A_14 : memref<1x64xf32, #tpu.memory_space<vmem>>) target_semaphore(%arg7 : memref<!tpu.dma_semaphore, #tpu.memory_space<semaphore_mem>>)
    %slice3A_17 = vector.extract_strided_slice %get3A_7 {offsets = [1], sizes = [1], strides = [1]} : vector<16xi32> to vector<1xi32>
    %squeeze3A_18 = vector.extract %slice3A_17[0] : i32 from vector<1xi32>
    %add3A_19 = arith.constant 1 : i32
    %add3A_20 = arith.addi %multiple_of3A, %add3A_19 : i32
    %dma_start3A_21 = arith.constant 0 : i32
    %dma_start3A_22 = tpu.memref_slice %arg6[%add3A_20, %dma_start3A_21] : memref<512x64xf32, #tpu.memory_space<vmem>> -> memref<1x64xf32, #tpu.memory_space<vmem>>
    %dma_start3A_23 = arith.constant 0 : i32
    %dma_start3A_24 = tpu.memref_slice %arg3[%squeeze3A_18, %dma_start3A_23] : memref<1000000x64xf32, #tpu.memory_space<hbm>> -> memref<1x64xf32, #tpu.memory_space<hbm>>
    %dma_start3A_25 = arith.constant 0 : i32
    %dma_start3A_26 = tpu.memref_slice %arg6[%add3A_20, %dma_start3A_25] : memref<512x64xf32, #tpu.memory_space<vmem>> -> memref<1x64xf32, #tpu.memory_space<vmem>>
    %dma_start3A_27 = arith.constant 0 : i32
    %dma_start3A_28 = tpu.memref_slice %arg3[%squeeze3A_18, %dma_start3A_27] : memref<1000000x64xf32, #tpu.memory_space<hbm>> -> memref<1x64xf32, #tpu.memory_space<hbm>>
    tpu.enqueue_dma source(%dma_start3A_28 : memref<1x64xf32, #tpu.memory_space<hbm>>) target(%dma_start3A_26 : memref<1x64xf32, #tpu.memory_space<vmem>>) target_semaphore(%arg7 : memref<!tpu.dma_semaphore, #tpu.memory_space<semaphore_mem>>)
    %slice3A_29 = vector.extract_strided_slice %get3A_7 {offsets = [2], sizes = [1], strides = [1]} : vector<16xi32> to vector<1xi32>
    %squeeze3A_30 = vector.extract %slice3A_29[0] : i32 from vector<1xi32>
    %add3A_31 = arith.constant 2 : i32
    %add3A_32 = arith.addi %multiple_of3A, %add3A_31 : i32
    %dma_start3A_33 = arith.constant 0 : i32
    %dma_start3A_34 = tpu.memref_slice %arg6[%add3A_32, %dma_start3A_33] : memref<512x64xf32, #tpu.memory_space<vmem>> -> memref<1x64xf32, #tpu.memory_space<vmem>>
    %dma_start3A_35 = arith.constant 0 : i32
    %dma_start3A_36 = tpu.memref_slice %arg3[%squeeze3A_30, %dma_start3A_35] : memref<1000000x64xf32, #tpu.memory_space<hbm>> -> memref<1x64xf32, #tpu.memory_space<hbm>>
    %dma_start3A_37 = arith.constant 0 : i32
    %dma_start3A_38 = tpu.memref_slice %arg6[%add3A_32, %dma_start3A_37] : memref<512x64xf32, #tpu.memory_space<vmem>> -> memref<1x64xf32, #tpu.memory_space<vmem>>
    %dma_start3A_39 = arith.constant 0 : i32
    %dma_start3A_40 = tpu.memref_slice %arg3[%squeeze3A_30, %dma_start3A_39] : memref<1000000x64xf32, #tpu.memory_space<hbm>> -> memref<1x64xf32, #tpu.memory_space<hbm>>
    tpu.enqueue_dma source(%dma_start3A_40 : memref<1x64xf32, #tpu.memory_space<hbm>>) target(%dma_start3A_38 : memref<1x64xf32, #tpu.memory_space<vmem>>) target_semaphore(%arg7 : memref<!tpu.dma_semaphore, #tpu.memory_space<semaphore_mem>>)
    %slice3A_41 = vector.extract_strided_slice %get3A_7 {offsets = [3], sizes = [1], strides = [1]} : vector<16xi32> to vector<1xi32>
    %squeeze3A_42 = vector.extract %slice3A_41[0] : i32 from vector<1xi32>
    %add3A_43 = arith.constant 3 : i32
    %add3A_44 = arith.addi %multiple_of3A, %add3A_43 : i32
    %dma_start3A_45 = arith.constant 0 : i32
    %dma_start3A_46 = tpu.memref_slice %arg6[%add3A_44, %dma_start3A_45] : memref<512x64xf32, #tpu.memory_space<vmem>> -> memref<1x64xf32, #tpu.memory_space<vmem>>
    %dma_start3A_47 = arith.constant 0 : i32
    %dma_start3A_48 = tpu.memref_slice %arg3[%squeeze3A_42, %dma_start3A_47] : memref<1000000x64xf32, #tpu.memory_space<hbm>> -> memref<1x64xf32, #tpu.memory_space<hbm>>
    %dma_start3A_49 = arith.constant 0 : i32
    %dma_start3A_50 = tpu.memref_slice %arg6[%add3A_44, %dma_start3A_49] : memref<512x64xf32, #tpu.memory_space<vmem>> -> memref<1x64xf32, #tpu.memory_space<vmem>>
    %dma_start3A_51 = arith.constant 0 : i32
    %dma_start3A_52 = tpu.memref_slice %arg3[%squeeze3A_42, %dma_start3A_51] : memref<1000000x64xf32, #tpu.memory_space<hbm>> -> memref<1x64xf32, #tpu.memory_space<hbm>>
    tpu.enqueue_dma source(%dma_start3A_52 : memref<1x64xf32, #tpu.memory_space<hbm>>) target(%dma_start3A_50 : memref<1x64xf32, #tpu.memory_space<vmem>>) target_semaphore(%arg7 : memref<!tpu.dma_semaphore, #tpu.memory_space<semaphore_mem>>)
    %slice3A_53 = vector.extract_strided_slice %get3A_7 {offsets = [4], sizes = [1], strides = [1]} : vector<16xi32> to vector<1xi32>
    %squeeze3A_54 = vector.extract %slice3A_53[0] : i32 from vector<1xi32>
    %add3A_55 = arith.constant 4 : i32
    %add3A_56 = arith.addi %multiple_of3A, %add3A_55 : i32
    %dma_start3A_57 = arith.constant 0 : i32
    %dma_start3A_58 = tpu.memref_slice %arg6[%add3A_56, %dma_start3A_57] : memref<512x64xf32, #tpu.memory_space<vmem>> -> memref<1x64xf32, #tpu.memory_space<vmem>>
    %dma_start3A_59 = arith.constant 0 : i32
    %dma_start3A_60 = tpu.memref_slice %arg3[%squeeze3A_54, %dma_start3A_59] : memref<1000000x64xf32, #tpu.memory_space<hbm>> -> memref<1x64xf32, #tpu.memory_space<hbm>>
    %dma_start3A_61 = arith.constant 0 : i32
    %dma_start3A_62 = tpu.memref_slice %arg6[%add3A_56, %dma_start3A_61] : memref<512x64xf32, #tpu.memory_space<vmem>> -> memref<1x64xf32, #tpu.memory_space<vmem>>
    %dma_start3A_63 = arith.constant 0 : i32
    %dma_start3A_64 = tpu.memref_slice %arg3[%squeeze3A_54, %dma_start3A_63] : memref<1000000x64xf32, #tpu.memory_space<hbm>> -> memref<1x64xf32, #tpu.memory_space<hbm>>
    tpu.enqueue_dma source(%dma_start3A_64 : memref<1x64xf32, #tpu.memory_space<hbm>>) target(%dma_start3A_62 : memref<1x64xf32, #tpu.memory_space<vmem>>) target_semaphore(%arg7 : memref<!tpu.dma_semaphore, #tpu.memory_space<semaphore_mem>>)
    %slice3A_65 = vector.extract_strided_slice %get3A_7 {offsets = [5], sizes = [1], strides = [1]} : vector<16xi32> to vector<1xi32>
    %squeeze3A_66 = vector.extract %slice3A_65[0] : i32 from vector<1xi32>
    %add3A_67 = arith.constant 5 : i32
    %add3A_68 = arith.addi %multiple_of3A, %add3A_67 : i32
    %dma_start3A_69 = arith.constant 0 : i32
    %dma_start3A_70 = tpu.memref_slice %arg6[%add3A_68, %dma_start3A_69] : memref<512x64xf32, #tpu.memory_space<vmem>> -> memref<1x64xf32, #tpu.memory_space<vmem>>
    %dma_start3A_71 = arith.constant 0 : i32
    %dma_start3A_72 = tpu.memref_slice %arg3[%squeeze3A_66, %dma_start3A_71] : memref<1000000x64xf32, #tpu.memory_space<hbm>> -> memref<1x64xf32, #tpu.memory_space<hbm>>
    %dma_start3A_73 = arith.constant 0 : i32
    %dma_start3A_74 = tpu.memref_slice %arg6[%add3A_68, %dma_start3A_73] : memref<512x64xf32, #tpu.memory_space<vmem>> -> memref<1x64xf32, #tpu.memory_space<vmem>>
    %dma_start3A_75 = arith.constant 0 : i32
    %dma_start3A_76 = tpu.memref_slice %arg3[%squeeze3A_66, %dma_start3A_75] : memref<1000000x64xf32, #tpu.memory_space<hbm>> -> memref<1x64xf32, #tpu.memory_space<hbm>>
    tpu.enqueue_dma source(%dma_start3A_76 : memref<1x64xf32, #tpu.memory_space<hbm>>) target(%dma_start3A_74 : memref<1x64xf32, #tpu.memory_space<vmem>>) target_semaphore(%arg7 : memref<!tpu.dma_semaphore, #tpu.memory_space<semaphore_mem>>)
    %slice3A_77 = vector.extract_strided_slice %get3A_7 {offsets = [6], sizes = [1], strides = [1]} : vector<16xi32> to vector<1xi32>
    %squeeze3A_78 = vector.extract %slice3A_77[0] : i32 from vector<1xi32>
    %add3A_79 = arith.constant 6 : i32
    %add3A_80 = arith.addi %multiple_of3A, %add3A_79 : i32
    %dma_start3A_81 = arith.constant 0 : i32
    %dma_start3A_82 = tpu.memref_slice %arg6[%add3A_80, %dma_start3A_81] : memref<512x64xf32, #tpu.memory_space<vmem>> -> memref<1x64xf32, #tpu.memory_space<vmem>>
    %dma_start3A_83 = arith.constant 0 : i32
    %dma_start3A_84 = tpu.memref_slice %arg3[%squeeze3A_78, %dma_start3A_83] : memref<1000000x64xf32, #tpu.memory_space<hbm>> -> memref<1x64xf32, #tpu.memory_space<hbm>>
    %dma_start3A_85 = arith.constant 0 : i32
    %dma_start3A_86 = tpu.memref_slice %arg6[%add3A_80, %dma_start3A_85] : memref<512x64xf32, #tpu.memory_space<vmem>> -> memref<1x64xf32, #tpu.memory_space<vmem>>
    %dma_start3A_87 = arith.constant 0 : i32
    %dma_start3A_88 = tpu.memref_slice %arg3[%squeeze3A_78, %dma_start3A_87] : memref<1000000x64xf32, #tpu.memory_space<hbm>> -> memref<1x64xf32, #tpu.memory_space<hbm>>
    tpu.enqueue_dma source(%dma_start3A_88 : memref<1x64xf32, #tpu.memory_space<hbm>>) target(%dma_start3A_86 : memref<1x64xf32, #tpu.memory_space<vmem>>) target_semaphore(%arg7 : memref<!tpu.dma_semaphore, #tpu.memory_space<semaphore_mem>>)
    %slice3A_89 = vector.extract_strided_slice %get3A_7 {offsets = [7], sizes = [1], strides = [1]} : vector<16xi32> to vector<1xi32>
    %squeeze3A_90 = vector.extract %slice3A_89[0] : i32 from vector<1xi32>
    %add3A_91 = arith.constant 7 : i32
    %add3A_92 = arith.addi %multiple_of3A, %add3A_91 : i32
    %dma_start3A_93 = arith.constant 0 : i32
    %dma_start3A_94 = tpu.memref_slice %arg6[%add3A_92, %dma_start3A_93] : memref<512x64xf32, #tpu.memory_space<vmem>> -> memref<1x64xf32, #tpu.memory_space<vmem>>
    %dma_start3A_95 = arith.constant 0 : i32
    %dma_start3A_96 = tpu.memref_slice %arg3[%squeeze3A_90, %dma_start3A_95] : memref<1000000x64xf32, #tpu.memory_space<hbm>> -> memref<1x64xf32, #tpu.memory_space<hbm>>
    %dma_start3A_97 = arith.constant 0 : i32
    %dma_start3A_98 = tpu.memref_slice %arg6[%add3A_92, %dma_start3A_97] : memref<512x64xf32, #tpu.memory_space<vmem>> -> memref<1x64xf32, #tpu.memory_space<vmem>>
    %dma_start3A_99 = arith.constant 0 : i32
    %dma_start3A_100 = tpu.memref_slice %arg3[%squeeze3A_90, %dma_start3A_99] : memref<1000000x64xf32, #tpu.memory_space<hbm>> -> memref<1x64xf32, #tpu.memory_space<hbm>>
    tpu.enqueue_dma source(%dma_start3A_100 : memref<1x64xf32, #tpu.memory_space<hbm>>) target(%dma_start3A_98 : memref<1x64xf32, #tpu.memory_space<vmem>>) target_semaphore(%arg7 : memref<!tpu.dma_semaphore, #tpu.memory_space<semaphore_mem>>)
    %slice3A_101 = vector.extract_strided_slice %get3A_7 {offsets = [8], sizes = [1], strides = [1]} : vector<16xi32> to vector<1xi32>
    %squeeze3A_102 = vector.extract %slice3A_101[0] : i32 from vector<1xi32>
    %add3A_103 = arith.constant 8 : i32
    %add3A_104 = arith.addi %multiple_of3A, %add3A_103 : i32
    %dma_start3A_105 = arith.constant 0 : i32
    %dma_start3A_106 = tpu.memref_slice %arg6[%add3A_104, %dma_start3A_105] : memref<512x64xf32, #tpu.memory_space<vmem>> -> memref<1x64xf32, #tpu.memory_space<vmem>>
    %dma_start3A_107 = arith.constant 0 : i32
    %dma_start3A_108 = tpu.memref_slice %arg3[%squeeze3A_102, %dma_start3A_107] : memref<1000000x64xf32, #tpu.memory_space<hbm>> -> memref<1x64xf32, #tpu.memory_space<hbm>>
    %dma_start3A_109 = arith.constant 0 : i32
    %dma_start3A_110 = tpu.memref_slice %arg6[%add3A_104, %dma_start3A_109] : memref<512x64xf32, #tpu.memory_space<vmem>> -> memref<1x64xf32, #tpu.memory_space<vmem>>
    %dma_start3A_111 = arith.constant 0 : i32
    %dma_start3A_112 = tpu.memref_slice %arg3[%squeeze3A_102, %dma_start3A_111] : memref<1000000x64xf32, #tpu.memory_space<hbm>> -> memref<1x64xf32, #tpu.memory_space<hbm>>
    tpu.enqueue_dma source(%dma_start3A_112 : memref<1x64xf32, #tpu.memory_space<hbm>>) target(%dma_start3A_110 : memref<1x64xf32, #tpu.memory_space<vmem>>) target_semaphore(%arg7 : memref<!tpu.dma_semaphore, #tpu.memory_space<semaphore_mem>>)
    %slice3A_113 = vector.extract_strided_slice %get3A_7 {offsets = [9], sizes = [1], strides = [1]} : vector<16xi32> to vector<1xi32>
    %squeeze3A_114 = vector.extract %slice3A_113[0] : i32 from vector<1xi32>
    %add3A_115 = arith.constant 9 : i32
    %add3A_116 = arith.addi %multiple_of3A, %add3A_115 : i32
    %dma_start3A_117 = arith.constant 0 : i32
    %dma_start3A_118 = tpu.memref_slice %arg6[%add3A_116, %dma_start3A_117] : memref<512x64xf32, #tpu.memory_space<vmem>> -> memref<1x64xf32, #tpu.memory_space<vmem>>
    %dma_start3A_119 = arith.constant 0 : i32
    %dma_start3A_120 = tpu.memref_slice %arg3[%squeeze3A_114, %dma_start3A_119] : memref<1000000x64xf32, #tpu.memory_space<hbm>> -> memref<1x64xf32, #tpu.memory_space<hbm>>
    %dma_start3A_121 = arith.constant 0 : i32
    %dma_start3A_122 = tpu.memref_slice %arg6[%add3A_116, %dma_start3A_121] : memref<512x64xf32, #tpu.memory_space<vmem>> -> memref<1x64xf32, #tpu.memory_space<vmem>>
    %dma_start3A_123 = arith.constant 0 : i32
    %dma_start3A_124 = tpu.memref_slice %arg3[%squeeze3A_114, %dma_start3A_123] : memref<1000000x64xf32, #tpu.memory_space<hbm>> -> memref<1x64xf32, #tpu.memory_space<hbm>>
    tpu.enqueue_dma source(%dma_start3A_124 : memref<1x64xf32, #tpu.memory_space<hbm>>) target(%dma_start3A_122 : memref<1x64xf32, #tpu.memory_space<vmem>>) target_semaphore(%arg7 : memref<!tpu.dma_semaphore, #tpu.memory_space<semaphore_mem>>)
    %slice3A_125 = vector.extract_strided_slice %get3A_7 {offsets = [10], sizes = [1], strides = [1]} : vector<16xi32> to vector<1xi32>
    %squeeze3A_126 = vector.extract %slice3A_125[0] : i32 from vector<1xi32>
    %add3A_127 = arith.constant 10 : i32
    %add3A_128 = arith.addi %multiple_of3A, %add3A_127 : i32
    %dma_start3A_129 = arith.constant 0 : i32
    %dma_start3A_130 = tpu.memref_slice %arg6[%add3A_128, %dma_start3A_129] : memref<512x64xf32, #tpu.memory_space<vmem>> -> memref<1x64xf32, #tpu.memory_space<vmem>>
    %dma_start3A_131 = arith.constant 0 : i32
    %dma_start3A_132 = tpu.memref_slice %arg3[%squeeze3A_126, %dma_start3A_131] : memref<1000000x64xf32, #tpu.memory_space<hbm>> -> memref<1x64xf32, #tpu.memory_space<hbm>>
    %dma_start3A_133 = arith.constant 0 : i32
    %dma_start3A_134 = tpu.memref_slice %arg6[%add3A_128, %dma_start3A_133] : memref<512x64xf32, #tpu.memory_space<vmem>> -> memref<1x64xf32, #tpu.memory_space<vmem>>
    %dma_start3A_135 = arith.constant 0 : i32
    %dma_start3A_136 = tpu.memref_slice %arg3[%squeeze3A_126, %dma_start3A_135] : memref<1000000x64xf32, #tpu.memory_space<hbm>> -> memref<1x64xf32, #tpu.memory_space<hbm>>
    tpu.enqueue_dma source(%dma_start3A_136 : memref<1x64xf32, #tpu.memory_space<hbm>>) target(%dma_start3A_134 : memref<1x64xf32, #tpu.memory_space<vmem>>) target_semaphore(%arg7 : memref<!tpu.dma_semaphore, #tpu.memory_space<semaphore_mem>>)
    %slice3A_137 = vector.extract_strided_slice %get3A_7 {offsets = [11], sizes = [1], strides = [1]} : vector<16xi32> to vector<1xi32>
    %squeeze3A_138 = vector.extract %slice3A_137[0] : i32 from vector<1xi32>
    %add3A_139 = arith.constant 11 : i32
    %add3A_140 = arith.addi %multiple_of3A, %add3A_139 : i32
    %dma_start3A_141 = arith.constant 0 : i32
    %dma_start3A_142 = tpu.memref_slice %arg6[%add3A_140, %dma_start3A_141] : memref<512x64xf32, #tpu.memory_space<vmem>> -> memref<1x64xf32, #tpu.memory_space<vmem>>
    %dma_start3A_143 = arith.constant 0 : i32
    %dma_start3A_144 = tpu.memref_slice %arg3[%squeeze3A_138, %dma_start3A_143] : memref<1000000x64xf32, #tpu.memory_space<hbm>> -> memref<1x64xf32, #tpu.memory_space<hbm>>
    %dma_start3A_145 = arith.constant 0 : i32
    %dma_start3A_146 = tpu.memref_slice %arg6[%add3A_140, %dma_start3A_145] : memref<512x64xf32, #tpu.memory_space<vmem>> -> memref<1x64xf32, #tpu.memory_space<vmem>>
    %dma_start3A_147 = arith.constant 0 : i32
    %dma_start3A_148 = tpu.memref_slice %arg3[%squeeze3A_138, %dma_start3A_147] : memref<1000000x64xf32, #tpu.memory_space<hbm>> -> memref<1x64xf32, #tpu.memory_space<hbm>>
    tpu.enqueue_dma source(%dma_start3A_148 : memref<1x64xf32, #tpu.memory_space<hbm>>) target(%dma_start3A_146 : memref<1x64xf32, #tpu.memory_space<vmem>>) target_semaphore(%arg7 : memref<!tpu.dma_semaphore, #tpu.memory_space<semaphore_mem>>)
    %slice3A_149 = vector.extract_strided_slice %get3A_7 {offsets = [12], sizes = [1], strides = [1]} : vector<16xi32> to vector<1xi32>
    %squeeze3A_150 = vector.extract %slice3A_149[0] : i32 from vector<1xi32>
    %add3A_151 = arith.constant 12 : i32
    %add3A_152 = arith.addi %multiple_of3A, %add3A_151 : i32
    %dma_start3A_153 = arith.constant 0 : i32
    %dma_start3A_154 = tpu.memref_slice %arg6[%add3A_152, %dma_start3A_153] : memref<512x64xf32, #tpu.memory_space<vmem>> -> memref<1x64xf32, #tpu.memory_space<vmem>>
    %dma_start3A_155 = arith.constant 0 : i32
    %dma_start3A_156 = tpu.memref_slice %arg3[%squeeze3A_150, %dma_start3A_155] : memref<1000000x64xf32, #tpu.memory_space<hbm>> -> memref<1x64xf32, #tpu.memory_space<hbm>>
    %dma_start3A_157 = arith.constant 0 : i32
    %dma_start3A_158 = tpu.memref_slice %arg6[%add3A_152, %dma_start3A_157] : memref<512x64xf32, #tpu.memory_space<vmem>> -> memref<1x64xf32, #tpu.memory_space<vmem>>
    %dma_start3A_159 = arith.constant 0 : i32
    %dma_start3A_160 = tpu.memref_slice %arg3[%squeeze3A_150, %dma_start3A_159] : memref<1000000x64xf32, #tpu.memory_space<hbm>> -> memref<1x64xf32, #tpu.memory_space<hbm>>
    tpu.enqueue_dma source(%dma_start3A_160 : memref<1x64xf32, #tpu.memory_space<hbm>>) target(%dma_start3A_158 : memref<1x64xf32, #tpu.memory_space<vmem>>) target_semaphore(%arg7 : memref<!tpu.dma_semaphore, #tpu.memory_space<semaphore_mem>>)
    %slice3A_161 = vector.extract_strided_slice %get3A_7 {offsets = [13], sizes = [1], strides = [1]} : vector<16xi32> to vector<1xi32>
    %squeeze3A_162 = vector.extract %slice3A_161[0] : i32 from vector<1xi32>
    %add3A_163 = arith.constant 13 : i32
    %add3A_164 = arith.addi %multiple_of3A, %add3A_163 : i32
    %dma_start3A_165 = arith.constant 0 : i32
    %dma_start3A_166 = tpu.memref_slice %arg6[%add3A_164, %dma_start3A_165] : memref<512x64xf32, #tpu.memory_space<vmem>> -> memref<1x64xf32, #tpu.memory_space<vmem>>
    %dma_start3A_167 = arith.constant 0 : i32
    %dma_start3A_168 = tpu.memref_slice %arg3[%squeeze3A_162, %dma_start3A_167] : memref<1000000x64xf32, #tpu.memory_space<hbm>> -> memref<1x64xf32, #tpu.memory_space<hbm>>
    %dma_start3A_169 = arith.constant 0 : i32
    %dma_start3A_170 = tpu.memref_slice %arg6[%add3A_164, %dma_start3A_169] : memref<512x64xf32, #tpu.memory_space<vmem>> -> memref<1x64xf32, #tpu.memory_space<vmem>>
    %dma_start3A_171 = arith.constant 0 : i32
    %dma_start3A_172 = tpu.memref_slice %arg3[%squeeze3A_162, %dma_start3A_171] : memref<1000000x64xf32, #tpu.memory_space<hbm>> -> memref<1x64xf32, #tpu.memory_space<hbm>>
    tpu.enqueue_dma source(%dma_start3A_172 : memref<1x64xf32, #tpu.memory_space<hbm>>) target(%dma_start3A_170 : memref<1x64xf32, #tpu.memory_space<vmem>>) target_semaphore(%arg7 : memref<!tpu.dma_semaphore, #tpu.memory_space<semaphore_mem>>)
    %slice3A_173 = vector.extract_strided_slice %get3A_7 {offsets = [14], sizes = [1], strides = [1]} : vector<16xi32> to vector<1xi32>
    %squeeze3A_174 = vector.extract %slice3A_173[0] : i32 from vector<1xi32>
    %add3A_175 = arith.constant 14 : i32
    %add3A_176 = arith.addi %multiple_of3A, %add3A_175 : i32
    %dma_start3A_177 = arith.constant 0 : i32
    %dma_start3A_178 = tpu.memref_slice %arg6[%add3A_176, %dma_start3A_177] : memref<512x64xf32, #tpu.memory_space<vmem>> -> memref<1x64xf32, #tpu.memory_space<vmem>>
    %dma_start3A_179 = arith.constant 0 : i32
    %dma_start3A_180 = tpu.memref_slice %arg3[%squeeze3A_174, %dma_start3A_179] : memref<1000000x64xf32, #tpu.memory_space<hbm>> -> memref<1x64xf32, #tpu.memory_space<hbm>>
    %dma_start3A_181 = arith.constant 0 : i32
    %dma_start3A_182 = tpu.memref_slice %arg6[%add3A_176, %dma_start3A_181] : memref<512x64xf32, #tpu.memory_space<vmem>> -> memref<1x64xf32, #tpu.memory_space<vmem>>
    %dma_start3A_183 = arith.constant 0 : i32
    %dma_start3A_184 = tpu.memref_slice %arg3[%squeeze3A_174, %dma_start3A_183] : memref<1000000x64xf32, #tpu.memory_space<hbm>> -> memref<1x64xf32, #tpu.memory_space<hbm>>
    tpu.enqueue_dma source(%dma_start3A_184 : memref<1x64xf32, #tpu.memory_space<hbm>>) target(%dma_start3A_182 : memref<1x64xf32, #tpu.memory_space<vmem>>) target_semaphore(%arg7 : memref<!tpu.dma_semaphore, #tpu.memory_space<semaphore_mem>>)
    %slice3A_185 = vector.extract_strided_slice %get3A_7 {offsets = [15], sizes = [1], strides = [1]} : vector<16xi32> to vector<1xi32>
    %squeeze3A_186 = vector.extract %slice3A_185[0] : i32 from vector<1xi32>
    %add3A_187 = arith.constant 15 : i32
    %add3A_188 = arith.addi %multiple_of3A, %add3A_187 : i32
    %dma_start3A_189 = arith.constant 0 : i32
    %dma_start3A_190 = tpu.memref_slice %arg6[%add3A_188, %dma_start3A_189] : memref<512x64xf32, #tpu.memory_space<vmem>> -> memref<1x64xf32, #tpu.memory_space<vmem>>
    %dma_start3A_191 = arith.constant 0 : i32
    %dma_start3A_192 = tpu.memref_slice %arg3[%squeeze3A_186, %dma_start3A_191] : memref<1000000x64xf32, #tpu.memory_space<hbm>> -> memref<1x64xf32, #tpu.memory_space<hbm>>
    %dma_start3A_193 = arith.constant 0 : i32
    %dma_start3A_194 = tpu.memref_slice %arg6[%add3A_188, %dma_start3A_193] : memref<512x64xf32, #tpu.memory_space<vmem>> -> memref<1x64xf32, #tpu.memory_space<vmem>>
    %dma_start3A_195 = arith.constant 0 : i32
    %dma_start3A_196 = tpu.memref_slice %arg3[%squeeze3A_186, %dma_start3A_195] : memref<1000000x64xf32, #tpu.memory_space<hbm>> -> memref<1x64xf32, #tpu.memory_space<hbm>>
    tpu.enqueue_dma source(%dma_start3A_196 : memref<1x64xf32, #tpu.memory_space<hbm>>) target(%dma_start3A_194 : memref<1x64xf32, #tpu.memory_space<vmem>>) target_semaphore(%arg7 : memref<!tpu.dma_semaphore, #tpu.memory_space<semaphore_mem>>)
    %scan3A_197 = arith.constant 1 : i32
    %mul3A_198 = arith.constant 16 : i32
    %mul3A_199 = arith.muli %scan3A_197, %mul3A_198 : i32
    %multiple_of3A_200 = tpu.assume_multiple %mul3A_199, 16 : i32
    %get3A_201 = arith.index_cast %multiple_of3A_200 : i32 to index
    %get3A_202 = tpu.vector_load %arg5[%get3A_201] {strides = array<i32>} : memref<512xi32, #tpu.memory_space<vmem>>, vector<16xi32>,
    %get3A_203 = vector.shape_cast %get3A_202 : vector<16xi32> to vector<16xi32>
    %slice3A_204 = vector.extract_strided_slice %get3A_203 {offsets = [0], sizes = [1], strides = [1]} : vector<16xi32> to vector<1xi32>
    %squeeze3A_205 = vector.extract %slice3A_204[0] : i32 from vector<1xi32>
    %add3A_206 = arith.constant 0 : i32
    %add3A_207 = arith.addi %multiple_of3A_200, %add3A_206 : i32
    %dma_start3A_208 = arith.constant 0 : i32
    %dma_start3A_209 = tpu.memref_slice %arg6[%add3A_207, %dma_start3A_208] : memref<512x64xf32, #tpu.memory_space<vmem>> -> memref<1x64xf32, #tpu.memory_space<vmem>>
    %dma_start3A_210 = arith.constant 0 : i32
    %dma_start3A_211 = tpu.memref_slice %arg3[%squeeze3A_205, %dma_start3A_210] : memref<1000000x64xf32, #tpu.memory_space<hbm>> -> memref<1x64xf32, #tpu.memory_space<hbm>>
    %dma_start3A_212 = arith.constant 0 : i32
    %dma_start3A_213 = tpu.memref_slice %arg6[%add3A_207, %dma_start3A_212] : memref<512x64xf32, #tpu.memory_space<vmem>> -> memref<1x64xf32, #tpu.memory_space<vmem>>
    %dma_start3A_214 = arith.constant 0 : i32
    %dma_start3A_215 = tpu.memref_slice %arg3[%squeeze3A_205, %dma_start3A_214] : memref<1000000x64xf32, #tpu.memory_space<hbm>> -> memref<1x64xf32, #tpu.memory_space<hbm>>
    tpu.enqueue_dma source(%dma_start3A_215 : memref<1x64xf32, #tpu.memory_space<hbm>>) target(%dma_start3A_213 : memref<1x64xf32, #tpu.memory_space<vmem>>) target_semaphore(%arg7 : memref<!tpu.dma_semaphore, #tpu.memory_space<semaphore_mem>>)
    %slice3A_216 = vector.extract_strided_slice %get3A_203 {offsets = [1], sizes = [1], strides = [1]} : vector<16xi32> to vector<1xi32>
    %squeeze3A_217 = vector.extract %slice3A_216[0] : i32 from vector<1xi32>
    %add3A_218 = arith.constant 1 : i32
    %add3A_219 = arith.addi %multiple_of3A_200, %add3A_218 : i32
    %dma_start3A_220 = arith.constant 0 : i32
    %dma_start3A_221 = tpu.memref_slice %arg6[%add3A_219, %dma_start3A_220] : memref<512x64xf32, #tpu.memory_space<vmem>> -> memref<1x64xf32, #tpu.memory_space<vmem>>
    %dma_start3A_222 = arith.constant 0 : i32
    %dma_start3A_223 = tpu.memref_slice %arg3[%squeeze3A_217, %dma_start3A_222] : memref<1000000x64xf32, #tpu.memory_space<hbm>> -> memref<1x64xf32, #tpu.memory_space<hbm>>
    %dma_start3A_224 = arith.constant 0 : i32
    %dma_start3A_225 = tpu.memref_slice %arg6[%add3A_219, %dma_start3A_224] : memref<512x64xf32, #tpu.memory_space<vmem>> -> memref<1x64xf32, #tpu.memory_space<vmem>>
    %dma_start3A_226 = arith.constant 0 : i32
    %dma_start3A_227 = tpu.memref_slice %arg3[%squeeze3A_217, %dma_start3A_226] : memref<1000000x64xf32, #tpu.memory_space<hbm>> -> memref<1x64xf32, #tpu.memory_space<hbm>>
    tpu.enqueue_dma source(%dma_start3A_227 : memref<1x64xf32, #tpu.memory_space<hbm>>) target(%dma_start3A_225 : memref<1x64xf32, #tpu.memory_space<vmem>>) target_semaphore(%arg7 : memref<!tpu.dma_semaphore, #tpu.memory_space<semaphore_mem>>)
    %slice3A_228 = vector.extract_strided_slice %get3A_203 {offsets = [2], sizes = [1], strides = [1]} : vector<16xi32> to vector<1xi32>
    %squeeze3A_229 = vector.extract %slice3A_228[0] : i32 from vector<1xi32>
    %add3A_230 = arith.constant 2 : i32
    %add3A_231 = arith.addi %multiple_of3A_200, %add3A_230 : i32
    %dma_start3A_232 = arith.constant 0 : i32
    %dma_start3A_233 = tpu.memref_slice %arg6[%add3A_231, %dma_start3A_232] : memref<512x64xf32, #tpu.memory_space<vmem>> -> memref<1x64xf32, #tpu.memory_space<vmem>>
    %dma_start3A_234 = arith.constant 0 : i32
    %dma_start3A_235 = tpu.memref_slice %arg3[%squeeze3A_229, %dma_start3A_234] : memref<1000000x64xf32, #tpu.memory_space<hbm>> -> memref<1x64xf32, #tpu.memory_space<hbm>>
    %dma_start3A_236 = arith.constant 0 : i32
    %dma_start3A_237 = tpu.memref_slice %arg6[%add3A_231, %dma_start3A_236] : memref<512x64xf32, #tpu.memory_space<vmem>> -> memref<1x64xf32, #tpu.memory_space<vmem>>
    %dma_start3A_238 = arith.constant 0 : i32
    %dma_start3A_239 = tpu.memref_slice %arg3[%squeeze3A_229, %dma_start3A_238] : memref<1000000x64xf32, #tpu.memory_space<hbm>> -> memref<1x64xf32, #tpu.memory_space<hbm>>
    tpu.enqueue_dma source(%dma_start3A_239 : memref<1x64xf32, #tpu.memory_space<hbm>>) target(%dma_start3A_237 : memref<1x64xf32, #tpu.memory_space<vmem>>) target_semaphore(%arg7 : memref<!tpu.dma_semaphore, #tpu.memory_space<semaphore_mem>>)
    %slice3A_240 = vector.extract_strided_slice %get3A_203 {offsets = [3], sizes = [1], strides = [1]} : vector<16xi32> to vector<1xi32>
    %squeeze3A_241 = vector.extract %slice3A_240[0] : i32 from vector<1xi32>
    %add3A_242 = arith.constant 3 : i32
    %add3A_243 = arith.addi %multiple_of3A_200, %add3A_242 : i32
    %dma_start3A_244 = arith.constant 0 : i32
    %dma_start3A_245 = tpu.memref_slice %arg6[%add3A_243, %dma_start3A_244] : memref<512x64xf32, #tpu.memory_space<vmem>> -> memref<1x64xf32, #tpu.memory_space<vmem>>
    %dma_start3A_246 = arith.constant 0 : i32
    %dma_start3A_247 = tpu.memref_slice %arg3[%squeeze3A_241, %dma_start3A_246] : memref<1000000x64xf32, #tpu.memory_space<hbm>> -> memref<1x64xf32, #tpu.memory_space<hbm>>
    %dma_start3A_248 = arith.constant 0 : i32
    %dma_start3A_249 = tpu.memref_slice %arg6[%add3A_243, %dma_start3A_248] : memref<512x64xf32, #tpu.memory_space<vmem>> -> memref<1x64xf32, #tpu.memory_space<vmem>>
    %dma_start3A_250 = arith.constant 0 : i32
    %dma_start3A_251 = tpu.memref_slice %arg3[%squeeze3A_241, %dma_start3A_250] : memref<1000000x64xf32, #tpu.memory_space<hbm>> -> memref<1x64xf32, #tpu.memory_space<hbm>>
    tpu.enqueue_dma source(%dma_start3A_251 : memref<1x64xf32, #tpu.memory_space<hbm>>) target(%dma_start3A_249 : memref<1x64xf32, #tpu.memory_space<vmem>>) target_semaphore(%arg7 : memref<!tpu.dma_semaphore, #tpu.memory_space<semaphore_mem>>)
    %slice3A_252 = vector.extract_strided_slice %get3A_203 {offsets = [4], sizes = [1], strides = [1]} : vector<16xi32> to vector<1xi32>
    %squeeze3A_253 = vector.extract %slice3A_252[0] : i32 from vector<1xi32>
    %add3A_254 = arith.constant 4 : i32
    %add3A_255 = arith.addi %multiple_of3A_200, %add3A_254 : i32
    %dma_start3A_256 = arith.constant 0 : i32
    %dma_start3A_257 = tpu.memref_slice %arg6[%add3A_255, %dma_start3A_256] : memref<512x64xf32, #tpu.memory_space<vmem>> -> memref<1x64xf32, #tpu.memory_space<vmem>>
    %dma_start3A_258 = arith.constant 0 : i32
    %dma_start3A_259 = tpu.memref_slice %arg3[%squeeze3A_253, %dma_start3A_258] : memref<1000000x64xf32, #tpu.memory_space<hbm>> -> memref<1x64xf32, #tpu.memory_space<hbm>>
    %dma_start3A_260 = arith.constant 0 : i32
    %dma_start3A_261 = tpu.memref_slice %arg6[%add3A_255, %dma_start3A_260] : memref<512x64xf32, #tpu.memory_space<vmem>> -> memref<1x64xf32, #tpu.memory_space<vmem>>
    %dma_start3A_262 = arith.constant 0 : i32
    %dma_start3A_263 = tpu.memref_slice %arg3[%squeeze3A_253, %dma_start3A_262] : memref<1000000x64xf32, #tpu.memory_space<hbm>> -> memref<1x64xf32, #tpu.memory_space<hbm>>
    tpu.enqueue_dma source(%dma_start3A_263 : memref<1x64xf32, #tpu.memory_space<hbm>>) target(%dma_start3A_261 : memref<1x64xf32, #tpu.memory_space<vmem>>) target_semaphore(%arg7 : memref<!tpu.dma_semaphore, #tpu.memory_space<semaphore_mem>>)
    %slice3A_264 = vector.extract_strided_slice %get3A_203 {offsets = [5], sizes = [1], strides = [1]} : vector<16xi32> to vector<1xi32>
    %squeeze3A_265 = vector.extract %slice3A_264[0] : i32 from vector<1xi32>
    %add3A_266 = arith.constant 5 : i32
    %add3A_267 = arith.addi %multiple_of3A_200, %add3A_266 : i32
    %dma_start3A_268 = arith.constant 0 : i32
    %dma_start3A_269 = tpu.memref_slice %arg6[%add3A_267, %dma_start3A_268] : memref<512x64xf32, #tpu.memory_space<vmem>> -> memref<1x64xf32, #tpu.memory_space<vmem>>
    %dma_start3A_270 = arith.constant 0 : i32
    %dma_start3A_271 = tpu.memref_slice %arg3[%squeeze3A_265, %dma_start3A_270] : memref<1000000x64xf32, #tpu.memory_space<hbm>> -> memref<1x64xf32, #tpu.memory_space<hbm>>
    %dma_start3A_272 = arith.constant 0 : i32
    %dma_start3A_273 = tpu.memref_slice %arg6[%add3A_267, %dma_start3A_272] : memref<512x64xf32, #tpu.memory_space<vmem>> -> memref<1x64xf32, #tpu.memory_space<vmem>>
    %dma_start3A_274 = arith.constant 0 : i32
    %dma_start3A_275 = tpu.memref_slice %arg3[%squeeze3A_265, %dma_start3A_274] : memref<1000000x64xf32, #tpu.memory_space<hbm>> -> memref<1x64xf32, #tpu.memory_space<hbm>>
    tpu.enqueue_dma source(%dma_start3A_275 : memref<1x64xf32, #tpu.memory_space<hbm>>) target(%dma_start3A_273 : memref<1x64xf32, #tpu.memory_space<vmem>>) target_semaphore(%arg7 : memref<!tpu.dma_semaphore, #tpu.memory_space<semaphore_mem>>)
    %slice3A_276 = vector.extract_strided_slice %get3A_203 {offsets = [6], sizes = [1], strides = [1]} : vector<16xi32> to vector<1xi32>
    %squeeze3A_277 = vector.extract %slice3A_276[0] : i32 from vector<1xi32>
    %add3A_278 = arith.constant 6 : i32
    %add3A_279 = arith.addi %multiple_of3A_200, %add3A_278 : i32
    %dma_start3A_280 = arith.constant 0 : i32
    %dma_start3A_281 = tpu.memref_slice %arg6[%add3A_279, %dma_start3A_280] : memref<512x64xf32, #tpu.memory_space<vmem>> -> memref<1x64xf32, #tpu.memory_space<vmem>>
    %dma_start3A_282 = arith.constant 0 : i32
    %dma_start3A_283 = tpu.memref_slice %arg3[%squeeze3A_277, %dma_start3A_282] : memref<1000000x64xf32, #tpu.memory_space<hbm>> -> memref<1x64xf32, #tpu.memory_space<hbm>>
    %dma_start3A_284 = arith.constant 0 : i32
    %dma_start3A_285 = tpu.memref_slice %arg6[%add3A_279, %dma_start3A_284] : memref<512x64xf32, #tpu.memory_space<vmem>> -> memref<1x64xf32, #tpu.memory_space<vmem>>
    %dma_start3A_286 = arith.constant 0 : i32
    %dma_start3A_287 = tpu.memref_slice %arg3[%squeeze3A_277, %dma_start3A_286] : memref<1000000x64xf32, #tpu.memory_space<hbm>> -> memref<1x64xf32, #tpu.memory_space<hbm>>
    tpu.enqueue_dma source(%dma_start3A_287 : memref<1x64xf32, #tpu.memory_space<hbm>>) target(%dma_start3A_285 : memref<1x64xf32, #tpu.memory_space<vmem>>) target_semaphore(%arg7 : memref<!tpu.dma_semaphore, #tpu.memory_space<semaphore_mem>>)
    %slice3A_288 = vector.extract_strided_slice %get3A_203 {offsets = [7], sizes = [1], strides = [1]} : vector<16xi32> to vector<1xi32>
    %squeeze3A_289 = vector.extract %slice3A_288[0] : i32 from vector<1xi32>
    %add3A_290 = arith.constant 7 : i32
    %add3A_291 = arith.addi %multiple_of3A_200, %add3A_290 : i32
    %dma_start3A_292 = arith.constant 0 : i32
    %dma_start3A_293 = tpu.memref_slice %arg6[%add3A_291, %dma_start3A_292] : memref<512x64xf32, #tpu.memory_space<vmem>> -> memref<1x64xf32, #tpu.memory_space<vmem>>
    %dma_start3A_294 = arith.constant 0 : i32
    %dma_start3A_295 = tpu.memref_slice %arg3[%squeeze3A_289, %dma_start3A_294] : memref<1000000x64xf32, #tpu.memory_space<hbm>> -> memref<1x64xf32, #tpu.memory_space<hbm>>
    %dma_start3A_296 = arith.constant 0 : i32
    %dma_start3A_297 = tpu.memref_slice %arg6[%add3A_291, %dma_start3A_296] : memref<512x64xf32, #tpu.memory_space<vmem>> -> memref<1x64xf32, #tpu.memory_space<vmem>>
    %dma_start3A_298 = arith.constant 0 : i32
    %dma_start3A_299 = tpu.memref_slice %arg3[%squeeze3A_289, %dma_start3A_298] : memref<1000000x64xf32, #tpu.memory_space<hbm>> -> memref<1x64xf32, #tpu.memory_space<hbm>>
    tpu.enqueue_dma source(%dma_start3A_299 : memref<1x64xf32, #tpu.memory_space<hbm>>) target(%dma_start3A_297 : memref<1x64xf32, #tpu.memory_space<vmem>>) target_semaphore(%arg7 : memref<!tpu.dma_semaphore, #tpu.memory_space<semaphore_mem>>)
    %slice3A_300 = vector.extract_strided_slice %get3A_203 {offsets = [8], sizes = [1], strides = [1]} : vector<16xi32> to vector<1xi32>
    %squeeze3A_301 = vector.extract %slice3A_300[0] : i32 from vector<1xi32>
    %add3A_302 = arith.constant 8 : i32
    %add3A_303 = arith.addi %multiple_of3A_200, %add3A_302 : i32
    %dma_start3A_304 = arith.constant 0 : i32
    %dma_start3A_305 = tpu.memref_slice %arg6[%add3A_303, %dma_start3A_304] : memref<512x64xf32, #tpu.memory_space<vmem>> -> memref<1x64xf32, #tpu.memory_space<vmem>>
    %dma_start3A_306 = arith.constant 0 : i32
    %dma_start3A_307 = tpu.memref_slice %arg3[%squeeze3A_301, %dma_start3A_306] : memref<1000000x64xf32, #tpu.memory_space<hbm>> -> memref<1x64xf32, #tpu.memory_space<hbm>>
    %dma_start3A_308 = arith.constant 0 : i32
    %dma_start3A_309 = tpu.memref_slice %arg6[%add3A_303, %dma_start3A_308] : memref<512x64xf32, #tpu.memory_space<vmem>> -> memref<1x64xf32, #tpu.memory_space<vmem>>
    %dma_start3A_310 = arith.constant 0 : i32
    %dma_start3A_311 = tpu.memref_slice %arg3[%squeeze3A_301, %dma_start3A_310] : memref<1000000x64xf32, #tpu.memory_space<hbm>> -> memref<1x64xf32, #tpu.memory_space<hbm>>
    tpu.enqueue_dma source(%dma_start3A_311 : memref<1x64xf32, #tpu.memory_space<hbm>>) target(%dma_start3A_309 : memref<1x64xf32, #tpu.memory_space<vmem>>) target_semaphore(%arg7 : memref<!tpu.dma_semaphore, #tpu.memory_space<semaphore_mem>>)
    %slice3A_312 = vector.extract_strided_slice %get3A_203 {offsets = [9], sizes = [1], strides = [1]} : vector<16xi32> to vector<1xi32>
    %squeeze3A_313 = vector.extract %slice3A_312[0] : i32 from vector<1xi32>
    %add3A_314 = arith.constant 9 : i32
    %add3A_315 = arith.addi %multiple_of3A_200, %add3A_314 : i32
    %dma_start3A_316 = arith.constant 0 : i32
    %dma_start3A_317 = tpu.memref_slice %arg6[%add3A_315, %dma_start3A_316] : memref<512x64xf32, #tpu.memory_space<vmem>> -> memref<1x64xf32, #tpu.memory_space<vmem>>
    %dma_start3A_318 = arith.constant 0 : i32
    %dma_start3A_319 = tpu.memref_slice %arg3[%squeeze3A_313, %dma_start3A_318] : memref<1000000x64xf32, #tpu.memory_space<hbm>> -> memref<1x64xf32, #tpu.memory_space<hbm>>
    %dma_start3A_320 = arith.constant 0 : i32
    %dma_start3A_321 = tpu.memref_slice %arg6[%add3A_315, %dma_start3A_320] : memref<512x64xf32, #tpu.memory_space<vmem>> -> memref<1x64xf32, #tpu.memory_space<vmem>>
    %dma_start3A_322 = arith.constant 0 : i32
    %dma_start3A_323 = tpu.memref_slice %arg3[%squeeze3A_313, %dma_start3A_322] : memref<1000000x64xf32, #tpu.memory_space<hbm>> -> memref<1x64xf32, #tpu.memory_space<hbm>>
    tpu.enqueue_dma source(%dma_start3A_323 : memref<1x64xf32, #tpu.memory_space<hbm>>) target(%dma_start3A_321 : memref<1x64xf32, #tpu.memory_space<vmem>>) target_semaphore(%arg7 : memref<!tpu.dma_semaphore, #tpu.memory_space<semaphore_mem>>)
    %slice3A_324 = vector.extract_strided_slice %get3A_203 {offsets = [10], sizes = [1], strides = [1]} : vector<16xi32> to vector<1xi32>
    %squeeze3A_325 = vector.extract %slice3A_324[0] : i32 from vector<1xi32>
    %add3A_326 = arith.constant 10 : i32
    %add3A_327 = arith.addi %multiple_of3A_200, %add3A_326 : i32
    %dma_start3A_328 = arith.constant 0 : i32
    %dma_start3A_329 = tpu.memref_slice %arg6[%add3A_327, %dma_start3A_328] : memref<512x64xf32, #tpu.memory_space<vmem>> -> memref<1x64xf32, #tpu.memory_space<vmem>>
    %dma_start3A_330 = arith.constant 0 : i32
    %dma_start3A_331 = tpu.memref_slice %arg3[%squeeze3A_325, %dma_start3A_330] : memref<1000000x64xf32, #tpu.memory_space<hbm>> -> memref<1x64xf32, #tpu.memory_space<hbm>>
    %dma_start3A_332 = arith.constant 0 : i32
    %dma_start3A_333 = tpu.memref_slice %arg6[%add3A_327, %dma_start3A_332] : memref<512x64xf32, #tpu.memory_space<vmem>> -> memref<1x64xf32, #tpu.memory_space<vmem>>
    %dma_start3A_334 = arith.constant 0 : i32
    %dma_start3A_335 = tpu.memref_slice %arg3[%squeeze3A_325, %dma_start3A_334] : memref<1000000x64xf32, #tpu.memory_space<hbm>> -> memref<1x64xf32, #tpu.memory_space<hbm>>
    tpu.enqueue_dma source(%dma_start3A_335 : memref<1x64xf32, #tpu.memory_space<hbm>>) target(%dma_start3A_333 : memref<1x64xf32, #tpu.memory_space<vmem>>) target_semaphore(%arg7 : memref<!tpu.dma_semaphore, #tpu.memory_space<semaphore_mem>>)
    %slice3A_336 = vector.extract_strided_slice %get3A_203 {offsets = [11], sizes = [1], strides = [1]} : vector<16xi32> to vector<1xi32>
    %squeeze3A_337 = vector.extract %slice3A_336[0] : i32 from vector<1xi32>
    %add3A_338 = arith.constant 11 : i32
    %add3A_339 = arith.addi %multiple_of3A_200, %add3A_338 : i32
    %dma_start3A_340 = arith.constant 0 : i32
    %dma_start3A_341 = tpu.memref_slice %arg6[%add3A_339, %dma_start3A_340] : memref<512x64xf32, #tpu.memory_space<vmem>> -> memref<1x64xf32, #tpu.memory_space<vmem>>
    %dma_start3A_342 = arith.constant 0 : i32
    %dma_start3A_343 = tpu.memref_slice %arg3[%squeeze3A_337, %dma_start3A_342] : memref<1000000x64xf32, #tpu.memory_space<hbm>> -> memref<1x64xf32, #tpu.memory_space<hbm>>
    %dma_start3A_344 = arith.constant 0 : i32
    %dma_start3A_345 = tpu.memref_slice %arg6[%add3A_339, %dma_start3A_344] : memref<512x64xf32, #tpu.memory_space<vmem>> -> memref<1x64xf32, #tpu.memory_space<vmem>>
    %dma_start3A_346 = arith.constant 0 : i32
    %dma_start3A_347 = tpu.memref_slice %arg3[%squeeze3A_337, %dma_start3A_346] : memref<1000000x64xf32, #tpu.memory_space<hbm>> -> memref<1x64xf32, #tpu.memory_space<hbm>>
    tpu.enqueue_dma source(%dma_start3A_347 : memref<1x64xf32, #tpu.memory_space<hbm>>) target(%dma_start3A_345 : memref<1x64xf32, #tpu.memory_space<vmem>>) target_semaphore(%arg7 : memref<!tpu.dma_semaphore, #tpu.memory_space<semaphore_mem>>)
    %slice3A_348 = vector.extract_strided_slice %get3A_203 {offsets = [12], sizes = [1], strides = [1]} : vector<16xi32> to vector<1xi32>
    %squeeze3A_349 = vector.extract %slice3A_348[0] : i32 from vector<1xi32>
    %add3A_350 = arith.constant 12 : i32
    %add3A_351 = arith.addi %multiple_of3A_200, %add3A_350 : i32
    %dma_start3A_352 = arith.constant 0 : i32
    %dma_start3A_353 = tpu.memref_slice %arg6[%add3A_351, %dma_start3A_352] : memref<512x64xf32, #tpu.memory_space<vmem>> -> memref<1x64xf32, #tpu.memory_space<vmem>>
    %dma_start3A_354 = arith.constant 0 : i32
    %dma_start3A_355 = tpu.memref_slice %arg3[%squeeze3A_349, %dma_start3A_354] : memref<1000000x64xf32, #tpu.memory_space<hbm>> -> memref<1x64xf32, #tpu.memory_space<hbm>>
    %dma_start3A_356 = arith.constant 0 : i32
    %dma_start3A_357 = tpu.memref_slice %arg6[%add3A_351, %dma_start3A_356] : memref<512x64xf32, #tpu.memory_space<vmem>> -> memref<1x64xf32, #tpu.memory_space<vmem>>
    %dma_start3A_358 = arith.constant 0 : i32
    %dma_start3A_359 = tpu.memref_slice %arg3[%squeeze3A_349, %dma_start3A_358] : memref<1000000x64xf32, #tpu.memory_space<hbm>> -> memref<1x64xf32, #tpu.memory_space<hbm>>
    tpu.enqueue_dma source(%dma_start3A_359 : memref<1x64xf32, #tpu.memory_space<hbm>>) target(%dma_start3A_357 : memref<1x64xf32, #tpu.memory_space<vmem>>) target_semaphore(%arg7 : memref<!tpu.dma_semaphore, #tpu.memory_space<semaphore_mem>>)
    %slice3A_360 = vector.extract_strided_slice %get3A_203 {offsets = [13], sizes = [1], strides = [1]} : vector<16xi32> to vector<1xi32>
    %squeeze3A_361 = vector.extract %slice3A_360[0] : i32 from vector<1xi32>
    %add3A_362 = arith.constant 13 : i32
    %add3A_363 = arith.addi %multiple_of3A_200, %add3A_362 : i32
    %dma_start3A_364 = arith.constant 0 : i32
    %dma_start3A_365 = tpu.memref_slice %arg6[%add3A_363, %dma_start3A_364] : memref<512x64xf32, #tpu.memory_space<vmem>> -> memref<1x64xf32, #tpu.memory_space<vmem>>
    %dma_start3A_366 = arith.constant 0 : i32
    %dma_start3A_367 = tpu.memref_slice %arg3[%squeeze3A_361, %dma_start3A_366] : memref<1000000x64xf32, #tpu.memory_space<hbm>> -> memref<1x64xf32, #tpu.memory_space<hbm>>
    %dma_start3A_368 = arith.constant 0 : i32
    %dma_start3A_369 = tpu.memref_slice %arg6[%add3A_363, %dma_start3A_368] : memref<512x64xf32, #tpu.memory_space<vmem>> -> memref<1x64xf32, #tpu.memory_space<vmem>>
    %dma_start3A_370 = arith.constant 0 : i32
    %dma_start3A_371 = tpu.memref_slice %arg3[%squeeze3A_361, %dma_start3A_370] : memref<1000000x64xf32, #tpu.memory_space<hbm>> -> memref<1x64xf32, #tpu.memory_space<hbm>>
    tpu.enqueue_dma source(%dma_start3A_371 : memref<1x64xf32, #tpu.memory_space<hbm>>) target(%dma_start3A_369 : memref<1x64xf32, #tpu.memory_space<vmem>>) target_semaphore(%arg7 : memref<!tpu.dma_semaphore, #tpu.memory_space<semaphore_mem>>)
    %slice3A_372 = vector.extract_strided_slice %get3A_203 {offsets = [14], sizes = [1], strides = [1]} : vector<16xi32> to vector<1xi32>
    %squeeze3A_373 = vector.extract %slice3A_372[0] : i32 from vector<1xi32>
    %add3A_374 = arith.constant 14 : i32
    %add3A_375 = arith.addi %multiple_of3A_200, %add3A_374 : i32
    %dma_start3A_376 = arith.constant 0 : i32
    %dma_start3A_377 = tpu.memref_slice %arg6[%add3A_375, %dma_start3A_376] : memref<512x64xf32, #tpu.memory_space<vmem>> -> memref<1x64xf32, #tpu.memory_space<vmem>>
    %dma_start3A_378 = arith.constant 0 : i32
    %dma_start3A_379 = tpu.memref_slice %arg3[%squeeze3A_373, %dma_start3A_378] : memref<1000000x64xf32, #tpu.memory_space<hbm>> -> memref<1x64xf32, #tpu.memory_space<hbm>>
    %dma_start3A_380 = arith.constant 0 : i32
    %dma_start3A_381 = tpu.memref_slice %arg6[%add3A_375, %dma_start3A_380] : memref<512x64xf32, #tpu.memory_space<vmem>> -> memref<1x64xf32, #tpu.memory_space<vmem>>
    %dma_start3A_382 = arith.constant 0 : i32
    %dma_start3A_383 = tpu.memref_slice %arg3[%squeeze3A_373, %dma_start3A_382] : memref<1000000x64xf32, #tpu.memory_space<hbm>> -> memref<1x64xf32, #tpu.memory_space<hbm>>
    tpu.enqueue_dma source(%dma_start3A_383 : memref<1x64xf32, #tpu.memory_space<hbm>>) target(%dma_start3A_381 : memref<1x64xf32, #tpu.memory_space<vmem>>) target_semaphore(%arg7 : memref<!tpu.dma_semaphore, #tpu.memory_space<semaphore_mem>>)
    %slice3A_384 = vector.extract_strided_slice %get3A_203 {offsets = [15], sizes = [1], strides = [1]} : vector<16xi32> to vector<1xi32>
    %squeeze3A_385 = vector.extract %slice3A_384[0] : i32 from vector<1xi32>
    %add3A_386 = arith.constant 15 : i32
    %add3A_387 = arith.addi %multiple_of3A_200, %add3A_386 : i32
    %dma_start3A_388 = arith.constant 0 : i32
    %dma_start3A_389 = tpu.memref_slice %arg6[%add3A_387, %dma_start3A_388] : memref<512x64xf32, #tpu.memory_space<vmem>> -> memref<1x64xf32, #tpu.memory_space<vmem>>
    %dma_start3A_390 = arith.constant 0 : i32
    %dma_start3A_391 = tpu.memref_slice %arg3[%squeeze3A_385, %dma_start3A_390] : memref<1000000x64xf32, #tpu.memory_space<hbm>> -> memref<1x64xf32, #tpu.memory_space<hbm>>
    %dma_start3A_392 = arith.constant 0 : i32
    %dma_start3A_393 = tpu.memref_slice %arg6[%add3A_387, %dma_start3A_392] : memref<512x64xf32, #tpu.memory_space<vmem>> -> memref<1x64xf32, #tpu.memory_space<vmem>>
    %dma_start3A_394 = arith.constant 0 : i32
    %dma_start3A_395 = tpu.memref_slice %arg3[%squeeze3A_385, %dma_start3A_394] : memref<1000000x64xf32, #tpu.memory_space<hbm>> -> memref<1x64xf32, #tpu.memory_space<hbm>>
    tpu.enqueue_dma source(%dma_start3A_395 : memref<1x64xf32, #tpu.memory_space<hbm>>) target(%dma_start3A_393 : memref<1x64xf32, #tpu.memory_space<vmem>>) target_semaphore(%arg7 : memref<!tpu.dma_semaphore, #tpu.memory_space<semaphore_mem>>)
    %scan3A_396 = arith.constant 2 : i32
    %mul3A_397 = arith.constant 16 : i32
    %mul3A_398 = arith.muli %scan3A_396, %mul3A_397 : i32
    %multiple_of3A_399 = tpu.assume_multiple %mul3A_398, 16 : i32
    %get3A_400 = arith.index_cast %multiple_of3A_399 : i32 to index
    %get3A_401 = tpu.vector_load %arg5[%get3A_400] {strides = array<i32>} : memref<512xi32, #tpu.memory_space<vmem>>, vector<16xi32>,
    %get3A_402 = vector.shape_cast %get3A_401 : vector<16xi32> to vector<16xi32>
    %slice3A_403 = vector.extract_strided_slice %get3A_402 {offsets = [0], sizes = [1], strides = [1]} : vector<16xi32> to vector<1xi32>
    %squeeze3A_404 = vector.extract %slice3A_403[0] : i32 from vector<1xi32>
    %add3A_405 = arith.constant 0 : i32
    %add3A_406 = arith.addi %multiple_of3A_399, %add3A_405 : i32
    %dma_start3A_407 = arith.constant 0 : i32
    %dma_start3A_408 = tpu.memref_slice %arg6[%add3A_406, %dma_start3A_407] : memref<512x64xf32, #tpu.memory_space<vmem>> -> memref<1x64xf32, #tpu.memory_space<vmem>>
    %dma_start3A_409 = arith.constant 0 : i32
    %dma_start3A_410 = tpu.memref_slice %arg3[%squeeze3A_404, %dma_start3A_409] : memref<1000000x64xf32, #tpu.memory_space<hbm>> -> memref<1x64xf32, #tpu.memory_space<hbm>>
    %dma_start3A_411 = arith.constant 0 : i32
    %dma_start3A_412 = tpu.memref_slice %arg6[%add3A_406, %dma_start3A_411] : memref<512x64xf32, #tpu.memory_space<vmem>> -> memref<1x64xf32, #tpu.memory_space<vmem>>
    %dma_start3A_413 = arith.constant 0 : i32
    %dma_start3A_414 = tpu.memref_slice %arg3[%squeeze3A_404, %dma_start3A_413] : memref<1000000x64xf32, #tpu.memory_space<hbm>> -> memref<1x64xf32, #tpu.memory_space<hbm>>
    tpu.enqueue_dma source(%dma_start3A_414 : memref<1x64xf32, #tpu.memory_space<hbm>>) target(%dma_start3A_412 : memref<1x64xf32, #tpu.memory_space<vmem>>) target_semaphore(%arg7 : memref<!tpu.dma_semaphore, #tpu.memory_space<semaphore_mem>>)
    %slice3A_415 = vector.extract_strided_slice %get3A_402 {offsets = [1], sizes = [1], strides = [1]} : vector<16xi32> to vector<1xi32>
    %squeeze3A_416 = vector.extract %slice3A_415[0] : i32 from vector<1xi32>
    %add3A_417 = arith.constant 1 : i32
    %add3A_418 = arith.addi %multiple_of3A_399, %add3A_417 : i32
    %dma_start3A_419 = arith.constant 0 : i32
    %dma_start3A_420 = tpu.memref_slice %arg6[%add3A_418, %dma_start3A_419] : memref<512x64xf32, #tpu.memory_space<vmem>> -> memref<1x64xf32, #tpu.memory_space<vmem>>
    %dma_start3A_421 = arith.constant 0 : i32
    %dma_start3A_422 = tpu.memref_slice %arg3[%squeeze3A_416, %dma_start3A_421] : memref<1000000x64xf32, #tpu.memory_space<hbm>> -> memref<1x64xf32, #tpu.memory_space<hbm>>
    %dma_start3A_423 = arith.constant 0 : i32
    %dma_start3A_424 = tpu.memref_slice %arg6[%add3A_418, %dma_start3A_423] : memref<512x64xf32, #tpu.memory_space<vmem>> -> memref<1x64xf32, #tpu.memory_space<vmem>>
    %dma_start3A_425 = arith.constant 0 : i32
    %dma_start3A_426 = tpu.memref_slice %arg3[%squeeze3A_416, %dma_start3A_425] : memref<1000000x64xf32, #tpu.memory_space<hbm>> -> memref<1x64xf32, #tpu.memory_space<hbm>>
    tpu.enqueue_dma source(%dma_start3A_426 : memref<1x64xf32, #tpu.memory_space<hbm>>) target(%dma_start3A_424 : memref<1x64xf32, #tpu.memory_space<vmem>>) target_semaphore(%arg7 : memref<!tpu.dma_semaphore, #tpu.memory_space<semaphore_mem>>)
    %slice3A_427 = vector.extract_strided_slice %get3A_402 {offsets = [2], sizes = [1], strides = [1]} : vector<16xi32> to vector<1xi32>
    %squeeze3A_428 = vector.extract %slice3A_427[0] : i32 from vector<1xi32>
    %add3A_429 = arith.constant 2 : i32
    %add3A_430 = arith.addi %multiple_of3A_399, %add3A_429 : i32
    %dma_start3A_431 = arith.constant 0 : i32
    %dma_start3A_432 = tpu.memref_slice %arg6[%add3A_430, %dma_start3A_431] : memref<512x64xf32, #tpu.memory_space<vmem>> -> memref<1x64xf32, #tpu.memory_space<vmem>>
    %dma_start3A_433 = arith.constant 0 : i32
    %dma_start3A_434 = tpu.memref_slice %arg3[%squeeze3A_428, %dma_start3A_433] : memref<1000000x64xf32, #tpu.memory_space<hbm>> -> memref<1x64xf32, #tpu.memory_space<hbm>>
    %dma_start3A_435 = arith.constant 0 : i32
    %dma_start3A_436 = tpu.memref_slice %arg6[%add3A_430, %dma_start3A_435] : memref<512x64xf32, #tpu.memory_space<vmem>> -> memref<1x64xf32, #tpu.memory_space<vmem>>
    %dma_start3A_437 = arith.constant 0 : i32
    %dma_start3A_438 = tpu.memref_slice %arg3[%squeeze3A_428, %dma_start3A_437] : memref<1000000x64xf32, #tpu.memory_space<hbm>> -> memref<1x64xf32, #tpu.memory_space<hbm>>
    tpu.enqueue_dma source(%dma_start3A_438 : memref<1x64xf32, #tpu.memory_space<hbm>>) target(%dma_start3A_436 : memref<1x64xf32, #tpu.memory_space<vmem>>) target_semaphore(%arg7 : memref<!tpu.dma_semaphore, #tpu.memory_space<semaphore_mem>>)
    %slice3A_439 = vector.extract_strided_slice %get3A_402 {offsets = [3], sizes = [1], strides = [1]} : vector<16xi32> to vector<1xi32>
    %squeeze3A_440 = vector.extract %slice3A_439[0] : i32 from vector<1xi32>
    %add3A_441 = arith.constant 3 : i32
    %add3A_442 = arith.addi %multiple_of3A_399, %add3A_441 : i32
    %dma_start3A_443 = arith.constant 0 : i32
    %dma_start3A_444 = tpu.memref_slice %arg6[%add3A_442, %dma_start3A_443] : memref<512x64xf32, #tpu.memory_space<vmem>> -> memref<1x64xf32, #tpu.memory_space<vmem>>
    %dma_start3A_445 = arith.constant 0 : i32
    %dma_start3A_446 = tpu.memref_slice %arg3[%squeeze3A_440, %dma_start3A_445] : memref<1000000x64xf32, #tpu.memory_space<hbm>> -> memref<1x64xf32, #tpu.memory_space<hbm>>
    %dma_start3A_447 = arith.constant 0 : i32
    %dma_start3A_448 = tpu.memref_slice %arg6[%add3A_442, %dma_start3A_447] : memref<512x64xf32, #tpu.memory_space<vmem>> -> memref<1x64xf32, #tpu.memory_space<vmem>>
    %dma_start3A_449 = arith.constant 0 : i32
    %dma_start3A_450 = tpu.memref_slice %arg3[%squeeze3A_440, %dma_start3A_449] : memref<1000000x64xf32, #tpu.memory_space<hbm>> -> memref<1x64xf32, #tpu.memory_space<hbm>>
    tpu.enqueue_dma source(%dma_start3A_450 : memref<1x64xf32, #tpu.memory_space<hbm>>) target(%dma_start3A_448 : memref<1x64xf32, #tpu.memory_space<vmem>>) target_semaphore(%arg7 : memref<!tpu.dma_semaphore, #tpu.memory_space<semaphore_mem>>)
    %slice3A_451 = vector.extract_strided_slice %get3A_402 {offsets = [4], sizes = [1], strides = [1]} : vector<16xi32> to vector<1xi32>
    %squeeze3A_452 = vector.extract %slice3A_451[0] : i32 from vector<1xi32>
    %add3A_453 = arith.constant 4 : i32
    %add3A_454 = arith.addi %multiple_of3A_399, %add3A_453 : i32
    %dma_start3A_455 = arith.constant 0 : i32
    %dma_start3A_456 = tpu.memref_slice %arg6[%add3A_454, %dma_start3A_455] : memref<512x64xf32, #tpu.memory_space<vmem>> -> memref<1x64xf32, #tpu.memory_space<vmem>>
    %dma_start3A_457 = arith.constant 0 : i32
    %dma_start3A_458 = tpu.memref_slice %arg3[%squeeze3A_452, %dma_start3A_457] : memref<1000000x64xf32, #tpu.memory_space<hbm>> -> memref<1x64xf32, #tpu.memory_space<hbm>>
    %dma_start3A_459 = arith.constant 0 : i32
    %dma_start3A_460 = tpu.memref_slice %arg6[%add3A_454, %dma_start3A_459] : memref<512x64xf32, #tpu.memory_space<vmem>> -> memref<1x64xf32, #tpu.memory_space<vmem>>
    %dma_start3A_461 = arith.constant 0 : i32
    %dma_start3A_462 = tpu.memref_slice %arg3[%squeeze3A_452, %dma_start3A_461] : memref<1000000x64xf32, #tpu.memory_space<hbm>> -> memref<1x64xf32, #tpu.memory_space<hbm>>
    tpu.enqueue_dma source(%dma_start3A_462 : memref<1x64xf32, #tpu.memory_space<hbm>>) target(%dma_start3A_460 : memref<1x64xf32, #tpu.memory_space<vmem>>) target_semaphore(%arg7 : memref<!tpu.dma_semaphore, #tpu.memory_space<semaphore_mem>>)
    %slice3A_463 = vector.extract_strided_slice %get3A_402 {offsets = [5], sizes = [1], strides = [1]} : vector<16xi32> to vector<1xi32>
    %squeeze3A_464 = vector.extract %slice3A_463[0] : i32 from vector<1xi32>
    %add3A_465 = arith.constant 5 : i32
    %add3A_466 = arith.addi %multiple_of3A_399, %add3A_465 : i32
    %dma_start3A_467 = arith.constant 0 : i32
    %dma_start3A_468 = tpu.memref_slice %arg6[%add3A_466, %dma_start3A_467] : memref<512x64xf32, #tpu.memory_space<vmem>> -> memref<1x64xf32, #tpu.memory_space<vmem>>
    %dma_start3A_469 = arith.constant 0 : i32
    %dma_start3A_470 = tpu.memref_slice %arg3[%squeeze3A_464, %dma_start3A_469] : memref<1000000x64xf32, #tpu.memory_space<hbm>> -> memref<1x64xf32, #tpu.memory_space<hbm>>
    %dma_start3A_471 = arith.constant 0 : i32
    %dma_start3A_472 = tpu.memref_slice %arg6[%add3A_466, %dma_start3A_471] : memref<512x64xf32, #tpu.memory_space<vmem>> -> memref<1x64xf32, #tpu.memory_space<vmem>>
    %dma_start3A_473 = arith.constant 0 : i32
    %dma_start3A_474 = tpu.memref_slice %arg3[%squeeze3A_464, %dma_start3A_473] : memref<1000000x64xf32, #tpu.memory_space<hbm>> -> memref<1x64xf32, #tpu.memory_space<hbm>>
    tpu.enqueue_dma source(%dma_start3A_474 : memref<1x64xf32, #tpu.memory_space<hbm>>) target(%dma_start3A_472 : memref<1x64xf32, #tpu.memory_space<vmem>>) target_semaphore(%arg7 : memref<!tpu.dma_semaphore, #tpu.memory_space<semaphore_mem>>)
    %slice3A_475 = vector.extract_strided_slice %get3A_402 {offsets = [6], sizes = [1], strides = [1]} : vector<16xi32> to vector<1xi32>
    %squeeze3A_476 = vector.extract %slice3A_475[0] : i32 from vector<1xi32>
    %add3A_477 = arith.constant 6 : i32
    %add3A_478 = arith.addi %multiple_of3A_399, %add3A_477 : i32
    %dma_start3A_479 = arith.constant 0 : i32
    %dma_start3A_480 = tpu.memref_slice %arg6[%add3A_478, %dma_start3A_479] : memref<512x64xf32, #tpu.memory_space<vmem>> -> memref<1x64xf32, #tpu.memory_space<vmem>>
    %dma_start3A_481 = arith.constant 0 : i32
    %dma_start3A_482 = tpu.memref_slice %arg3[%squeeze3A_476, %dma_start3A_481] : memref<1000000x64xf32, #tpu.memory_space<hbm>> -> memref<1x64xf32, #tpu.memory_space<hbm>>
    %dma_start3A_483 = arith.constant 0 : i32
    %dma_start3A_484 = tpu.memref_slice %arg6[%add3A_478, %dma_start3A_483] : memref<512x64xf32, #tpu.memory_space<vmem>> -> memref<1x64xf32, #tpu.memory_space<vmem>>
    %dma_start3A_485 = arith.constant 0 : i32
    %dma_start3A_486 = tpu.memref_slice %arg3[%squeeze3A_476, %dma_start3A_485] : memref<1000000x64xf32, #tpu.memory_space<hbm>> -> memref<1x64xf32, #tpu.memory_space<hbm>>
    tpu.enqueue_dma source(%dma_start3A_486 : memref<1x64xf32, #tpu.memory_space<hbm>>) target(%dma_start3A_484 : memref<1x64xf32, #tpu.memory_space<vmem>>) target_semaphore(%arg7 : memref<!tpu.dma_semaphore, #tpu.memory_space<semaphore_mem>>)
    %slice3A_487 = vector.extract_strided_slice %get3A_402 {offsets = [7], sizes = [1], strides = [1]} : vector<16xi32> to vector<1xi32>
    %squeeze3A_488 = vector.extract %slice3A_487[0] : i32 from vector<1xi32>
    %add3A_489 = arith.constant 7 : i32
    %add3A_490 = arith.addi %multiple_of3A_399, %add3A_489 : i32
    %dma_start3A_491 = arith.constant 0 : i32
    %dma_start3A_492 = tpu.memref_slice %arg6[%add3A_490, %dma_start3A_491] : memref<512x64xf32, #tpu.memory_space<vmem>> -> memref<1x64xf32, #tpu.memory_space<vmem>>
    %dma_start3A_493 = arith.constant 0 : i32
    %dma_start3A_494 = tpu.memref_slice %arg3[%squeeze3A_488, %dma_start3A_493] : memref<1000000x64xf32, #tpu.memory_space<hbm>> -> memref<1x64xf32, #tpu.memory_space<hbm>>
    %dma_start3A_495 = arith.constant 0 : i32
    %dma_start3A_496 = tpu.memref_slice %arg6[%add3A_490, %dma_start3A_495] : memref<512x64xf32, #tpu.memory_space<vmem>> -> memref<1x64xf32, #tpu.memory_space<vmem>>
    %dma_start3A_497 = arith.constant 0 : i32
    %dma_start3A_498 = tpu.memref_slice %arg3[%squeeze3A_488, %dma_start3A_497] : memref<1000000x64xf32, #tpu.memory_space<hbm>> -> memref<1x64xf32, #tpu.memory_space<hbm>>
    tpu.enqueue_dma source(%dma_start3A_498 : memref<1x64xf32, #tpu.memory_space<hbm>>) target(%dma_start3A_496 : memref<1x64xf32, #tpu.memory_space<vmem>>) target_semaphore(%arg7 : memref<!tpu.dma_semaphore, #tpu.memory_space<semaphore_mem>>)
    %slice3A_499 = vector.extract_strided_slice %get3A_402 {offsets = [8], sizes = [1], strides = [1]} : vector<16xi32> to vector<1xi32>
    %squeeze3A_500 = vector.extract %slice3A_499[0] : i32 from vector<1xi32>
    %add3A_501 = arith.constant 8 : i32
    %add3A_502 = arith.addi %multiple_of3A_399, %add3A_501 : i32
    %dma_start3A_503 = arith.constant 0 : i32
    %dma_start3A_504 = tpu.memref_slice %arg6[%add3A_502, %dma_start3A_503] : memref<512x64xf32, #tpu.memory_space<vmem>> -> memref<1x64xf32, #tpu.memory_space<vmem>>
    %dma_start3A_505 = arith.constant 0 : i32
    %dma_start3A_506 = tpu.memref_slice %arg3[%squeeze3A_500, %dma_start3A_505] : memref<1000000x64xf32, #tpu.memory_space<hbm>> -> memref<1x64xf32, #tpu.memory_space<hbm>>
    %dma_start3A_507 = arith.constant 0 : i32
    %dma_start3A_508 = tpu.memref_slice %arg6[%add3A_502, %dma_start3A_507] : memref<512x64xf32, #tpu.memory_space<vmem>> -> memref<1x64xf32, #tpu.memory_space<vmem>>
    %dma_start3A_509 = arith.constant 0 : i32
    %dma_start3A_510 = tpu.memref_slice %arg3[%squeeze3A_500, %dma_start3A_509] : memref<1000000x64xf32, #tpu.memory_space<hbm>> -> memref<1x64xf32, #tpu.memory_space<hbm>>
    tpu.enqueue_dma source(%dma_start3A_510 : memref<1x64xf32, #tpu.memory_space<hbm>>) target(%dma_start3A_508 : memref<1x64xf32, #tpu.memory_space<vmem>>) target_semaphore(%arg7 : memref<!tpu.dma_semaphore, #tpu.memory_space<semaphore_mem>>)
    %slice3A_511 = vector.extract_strided_slice %get3A_402 {offsets = [9], sizes = [1], strides = [1]} : vector<16xi32> to vector<1xi32>
    %squeeze3A_512 = vector.extract %slice3A_511[0] : i32 from vector<1xi32>
    %add3A_513 = arith.constant 9 : i32
    %add3A_514 = arith.addi %multiple_of3A_399, %add3A_513 : i32
    %dma_start3A_515 = arith.constant 0 : i32
    %dma_start3A_516 = tpu.memref_slice %arg6[%add3A_514, %dma_start3A_515] : memref<512x64xf32, #tpu.memory_space<vmem>> -> memref<1x64xf32, #tpu.memory_space<vmem>>
    %dma_start3A_517 = arith.constant 0 : i32
    %dma_start3A_518 = tpu.memref_slice %arg3[%squeeze3A_512, %dma_start3A_517] : memref<1000000x64xf32, #tpu.memory_space<hbm>> -> memref<1x64xf32, #tpu.memory_space<hbm>>
    %dma_start3A_519 = arith.constant 0 : i32
    %dma_start3A_520 = tpu.memref_slice %arg6[%add3A_514, %dma_start3A_519] : memref<512x64xf32, #tpu.memory_space<vmem>> -> memref<1x64xf32, #tpu.memory_space<vmem>>
    %dma_start3A_521 = arith.constant 0 : i32
    %dma_start3A_522 = tpu.memref_slice %arg3[%squeeze3A_512, %dma_start3A_521] : memref<1000000x64xf32, #tpu.memory_space<hbm>> -> memref<1x64xf32, #tpu.memory_space<hbm>>
    tpu.enqueue_dma source(%dma_start3A_522 : memref<1x64xf32, #tpu.memory_space<hbm>>) target(%dma_start3A_520 : memref<1x64xf32, #tpu.memory_space<vmem>>) target_semaphore(%arg7 : memref<!tpu.dma_semaphore, #tpu.memory_space<semaphore_mem>>)
    %slice3A_523 = vector.extract_strided_slice %get3A_402 {offsets = [10], sizes = [1], strides = [1]} : vector<16xi32> to vector<1xi32>
    %squeeze3A_524 = vector.extract %slice3A_523[0] : i32 from vector<1xi32>
    %add3A_525 = arith.constant 10 : i32
    %add3A_526 = arith.addi %multiple_of3A_399, %add3A_525 : i32
    %dma_start3A_527 = arith.constant 0 : i32
    %dma_start3A_528 = tpu.memref_slice %arg6[%add3A_526, %dma_start3A_527] : memref<512x64xf32, #tpu.memory_space<vmem>> -> memref<1x64xf32, #tpu.memory_space<vmem>>
    %dma_start3A_529 = arith.constant 0 : i32
    %dma_start3A_530 = tpu.memref_slice %arg3[%squeeze3A_524, %dma_start3A_529] : memref<1000000x64xf32, #tpu.memory_space<hbm>> -> memref<1x64xf32, #tpu.memory_space<hbm>>
    %dma_start3A_531 = arith.constant 0 : i32
    %dma_start3A_532 = tpu.memref_slice %arg6[%add3A_526, %dma_start3A_531] : memref<512x64xf32, #tpu.memory_space<vmem>> -> memref<1x64xf32, #tpu.memory_space<vmem>>
    %dma_start3A_533 = arith.constant 0 : i32
    %dma_start3A_534 = tpu.memref_slice %arg3[%squeeze3A_524, %dma_start3A_533] : memref<1000000x64xf32, #tpu.memory_space<hbm>> -> memref<1x64xf32, #tpu.memory_space<hbm>>
    tpu.enqueue_dma source(%dma_start3A_534 : memref<1x64xf32, #tpu.memory_space<hbm>>) target(%dma_start3A_532 : memref<1x64xf32, #tpu.memory_space<vmem>>) target_semaphore(%arg7 : memref<!tpu.dma_semaphore, #tpu.memory_space<semaphore_mem>>)
    %slice3A_535 = vector.extract_strided_slice %get3A_402 {offsets = [11], sizes = [1], strides = [1]} : vector<16xi32> to vector<1xi32>
    %squeeze3A_536 = vector.extract %slice3A_535[0] : i32 from vector<1xi32>
    %add3A_537 = arith.constant 11 : i32
    %add3A_538 = arith.addi %multiple_of3A_399, %add3A_537 : i32
    %dma_start3A_539 = arith.constant 0 : i32
    %dma_start3A_540 = tpu.memref_slice %arg6[%add3A_538, %dma_start3A_539] : memref<512x64xf32, #tpu.memory_space<vmem>> -> memref<1x64xf32, #tpu.memory_space<vmem>>
    %dma_start3A_541 = arith.constant 0 : i32
    %dma_start3A_542 = tpu.memref_slice %arg3[%squeeze3A_536, %dma_start3A_541] : memref<1000000x64xf32, #tpu.memory_space<hbm>> -> memref<1x64xf32, #tpu.memory_space<hbm>>
    %dma_start3A_543 = arith.constant 0 : i32
    %dma_start3A_544 = tpu.memref_slice %arg6[%add3A_538, %dma_start3A_543] : memref<512x64xf32, #tpu.memory_space<vmem>> -> memref<1x64xf32, #tpu.memory_space<vmem>>
    %dma_start3A_545 = arith.constant 0 : i32
    %dma_start3A_546 = tpu.memref_slice %arg3[%squeeze3A_536, %dma_start3A_545] : memref<1000000x64xf32, #tpu.memory_space<hbm>> -> memref<1x64xf32, #tpu.memory_space<hbm>>
    tpu.enqueue_dma source(%dma_start3A_546 : memref<1x64xf32, #tpu.memory_space<hbm>>) target(%dma_start3A_544 : memref<1x64xf32, #tpu.memory_space<vmem>>) target_semaphore(%arg7 : memref<!tpu.dma_semaphore, #tpu.memory_space<semaphore_mem>>)
    %slice3A_547 = vector.extract_strided_slice %get3A_402 {offsets = [12], sizes = [1], strides = [1]} : vector<16xi32> to vector<1xi32>
    %squeeze3A_548 = vector.extract %slice3A_547[0] : i32 from vector<1xi32>
    %add3A_549 = arith.constant 12 : i32
    %add3A_550 = arith.addi %multiple_of3A_399, %add3A_549 : i32
    %dma_start3A_551 = arith.constant 0 : i32
    %dma_start3A_552 = tpu.memref_slice %arg6[%add3A_550, %dma_start3A_551] : memref<512x64xf32, #tpu.memory_space<vmem>> -> memref<1x64xf32, #tpu.memory_space<vmem>>
    %dma_start3A_553 = arith.constant 0 : i32
    %dma_start3A_554 = tpu.memref_slice %arg3[%squeeze3A_548, %dma_start3A_553] : memref<1000000x64xf32, #tpu.memory_space<hbm>> -> memref<1x64xf32, #tpu.memory_space<hbm>>
    %dma_start3A_555 = arith.constant 0 : i32
    %dma_start3A_556 = tpu.memref_slice %arg6[%add3A_550, %dma_start3A_555] : memref<512x64xf32, #tpu.memory_space<vmem>> -> memref<1x64xf32, #tpu.memory_space<vmem>>
    %dma_start3A_557 = arith.constant 0 : i32
    %dma_start3A_558 = tpu.memref_slice %arg3[%squeeze3A_548, %dma_start3A_557] : memref<1000000x64xf32, #tpu.memory_space<hbm>> -> memref<1x64xf32, #tpu.memory_space<hbm>>
    tpu.enqueue_dma source(%dma_start3A_558 : memref<1x64xf32, #tpu.memory_space<hbm>>) target(%dma_start3A_556 : memref<1x64xf32, #tpu.memory_space<vmem>>) target_semaphore(%arg7 : memref<!tpu.dma_semaphore, #tpu.memory_space<semaphore_mem>>)
    %slice3A_559 = vector.extract_strided_slice %get3A_402 {offsets = [13], sizes = [1], strides = [1]} : vector<16xi32> to vector<1xi32>
    %squeeze3A_560 = vector.extract %slice3A_559[0] : i32 from vector<1xi32>
    %add3A_561 = arith.constant 13 : i32
    %add3A_562 = arith.addi %multiple_of3A_399, %add3A_561 : i32
    %dma_start3A_563 = arith.constant 0 : i32
    %dma_start3A_564 = tpu.memref_slice %arg6[%add3A_562, %dma_start3A_563] : memref<512x64xf32, #tpu.memory_space<vmem>> -> memref<1x64xf32, #tpu.memory_space<vmem>>
    %dma_start3A_565 = arith.constant 0 : i32
    %dma_start3A_566 = tpu.memref_slice %arg3[%squeeze3A_560, %dma_start3A_565] : memref<1000000x64xf32, #tpu.memory_space<hbm>> -> memref<1x64xf32, #tpu.memory_space<hbm>>
    %dma_start3A_567 = arith.constant 0 : i32
    %dma_start3A_568 = tpu.memref_slice %arg6[%add3A_562, %dma_start3A_567] : memref<512x64xf32, #tpu.memory_space<vmem>> -> memref<1x64xf32, #tpu.memory_space<vmem>>
    %dma_start3A_569 = arith.constant 0 : i32
    %dma_start3A_570 = tpu.memref_slice %arg3[%squeeze3A_560, %dma_start3A_569] : memref<1000000x64xf32, #tpu.memory_space<hbm>> -> memref<1x64xf32, #tpu.memory_space<hbm>>
    tpu.enqueue_dma source(%dma_start3A_570 : memref<1x64xf32, #tpu.memory_space<hbm>>) target(%dma_start3A_568 : memref<1x64xf32, #tpu.memory_space<vmem>>) target_semaphore(%arg7 : memref<!tpu.dma_semaphore, #tpu.memory_space<semaphore_mem>>)
    %slice3A_571 = vector.extract_strided_slice %get3A_402 {offsets = [14], sizes = [1], strides = [1]} : vector<16xi32> to vector<1xi32>
    %squeeze3A_572 = vector.extract %slice3A_571[0] : i32 from vector<1xi32>
    %add3A_573 = arith.constant 14 : i32
    %add3A_574 = arith.addi %multiple_of3A_399, %add3A_573 : i32
    %dma_start3A_575 = arith.constant 0 : i32
    %dma_start3A_576 = tpu.memref_slice %arg6[%add3A_574, %dma_start3A_575] : memref<512x64xf32, #tpu.memory_space<vmem>> -> memref<1x64xf32, #tpu.memory_space<vmem>>
    %dma_start3A_577 = arith.constant 0 : i32
    %dma_start3A_578 = tpu.memref_slice %arg3[%squeeze3A_572, %dma_start3A_577] : memref<1000000x64xf32, #tpu.memory_space<hbm>> -> memref<1x64xf32, #tpu.memory_space<hbm>>
    %dma_start3A_579 = arith.constant 0 : i32
    %dma_start3A_580 = tpu.memref_slice %arg6[%add3A_574, %dma_start3A_579] : memref<512x64xf32, #tpu.memory_space<vmem>> -> memref<1x64xf32, #tpu.memory_space<vmem>>
    %dma_start3A_581 = arith.constant 0 : i32
    %dma_start3A_582 = tpu.memref_slice %arg3[%squeeze3A_572, %dma_start3A_581] : memref<1000000x64xf32, #tpu.memory_space<hbm>> -> memref<1x64xf32, #tpu.memory_space<hbm>>
    tpu.enqueue_dma source(%dma_start3A_582 : memref<1x64xf32, #tpu.memory_space<hbm>>) target(%dma_start3A_580 : memref<1x64xf32, #tpu.memory_space<vmem>>) target_semaphore(%arg7 : memref<!tpu.dma_semaphore, #tpu.memory_space<semaphore_mem>>)
    %slice3A_583 = vector.extract_strided_slice %get3A_402 {offsets = [15], sizes = [1], strides = [1]} : vector<16xi32> to vector<1xi32>
    %squeeze3A_584 = vector.extract %slice3A_583[0] : i32 from vector<1xi32>
    %add3A_585 = arith.constant 15 : i32
    %add3A_586 = arith.addi %multiple_of3A_399, %add3A_585 : i32
    %dma_start3A_587 = arith.constant 0 : i32
    %dma_start3A_588 = tpu.memref_slice %arg6[%add3A_586, %dma_start3A_587] : memref<512x64xf32, #tpu.memory_space<vmem>> -> memref<1x64xf32, #tpu.memory_space<vmem>>
    %dma_start3A_589 = arith.constant 0 : i32
    %dma_start3A_590 = tpu.memref_slice %arg3[%squeeze3A_584, %dma_start3A_589] : memref<1000000x64xf32, #tpu.memory_space<hbm>> -> memref<1x64xf32, #tpu.memory_space<hbm>>
    %dma_start3A_591 = arith.constant 0 : i32
    %dma_start3A_592 = tpu.memref_slice %arg6[%add3A_586, %dma_start3A_591] : memref<512x64xf32, #tpu.memory_space<vmem>> -> memref<1x64xf32, #tpu.memory_space<vmem>>
    %dma_start3A_593 = arith.constant 0 : i32
    %dma_start3A_594 = tpu.memref_slice %arg3[%squeeze3A_584, %dma_start3A_593] : memref<1000000x64xf32, #tpu.memory_space<hbm>> -> memref<1x64xf32, #tpu.memory_space<hbm>>
    tpu.enqueue_dma source(%dma_start3A_594 : memref<1x64xf32, #tpu.memory_space<hbm>>) target(%dma_start3A_592 : memref<1x64xf32, #tpu.memory_space<vmem>>) target_semaphore(%arg7 : memref<!tpu.dma_semaphore, #tpu.memory_space<semaphore_mem>>)
    %scan3A_595 = arith.constant 3 : i32
    %mul3A_596 = arith.constant 16 : i32
    %mul3A_597 = arith.muli %scan3A_595, %mul3A_596 : i32
    %multiple_of3A_598 = tpu.assume_multiple %mul3A_597, 16 : i32
    %get3A_599 = arith.index_cast %multiple_of3A_598 : i32 to index
    %get3A_600 = tpu.vector_load %arg5[%get3A_599] {strides = array<i32>} : memref<512xi32, #tpu.memory_space<vmem>>, vector<16xi32>,
    %get3A_601 = vector.shape_cast %get3A_600 : vector<16xi32> to vector<16xi32>
    %slice3A_602 = vector.extract_strided_slice %get3A_601 {offsets = [0], sizes = [1], strides = [1]} : vector<16xi32> to vector<1xi32>
    %squeeze3A_603 = vector.extract %slice3A_602[0] : i32 from vector<1xi32>
    %add3A_604 = arith.constant 0 : i32
    %add3A_605 = arith.addi %multiple_of3A_598, %add3A_604 : i32
    %dma_start3A_606 = arith.constant 0 : i32
    %dma_start3A_607 = tpu.memref_slice %arg6[%add3A_605, %dma_start3A_606] : memref<512x64xf32, #tpu.memory_space<vmem>> -> memref<1x64xf32, #tpu.memory_space<vmem>>
    %dma_start3A_608 = arith.constant 0 : i32
    %dma_start3A_609 = tpu.memref_slice %arg3[%squeeze3A_603, %dma_start3A_608] : memref<1000000x64xf32, #tpu.memory_space<hbm>> -> memref<1x64xf32, #tpu.memory_space<hbm>>
    %dma_start3A_610 = arith.constant 0 : i32
    %dma_start3A_611 = tpu.memref_slice %arg6[%add3A_605, %dma_start3A_610] : memref<512x64xf32, #tpu.memory_space<vmem>> -> memref<1x64xf32, #tpu.memory_space<vmem>>
    %dma_start3A_612 = arith.constant 0 : i32
    %dma_start3A_613 = tpu.memref_slice %arg3[%squeeze3A_603, %dma_start3A_612] : memref<1000000x64xf32, #tpu.memory_space<hbm>> -> memref<1x64xf32, #tpu.memory_space<hbm>>
    tpu.enqueue_dma source(%dma_start3A_613 : memref<1x64xf32, #tpu.memory_space<hbm>>) target(%dma_start3A_611 : memref<1x64xf32, #tpu.memory_space<vmem>>) target_semaphore(%arg7 : memref<!tpu.dma_semaphore, #tpu.memory_space<semaphore_mem>>)
    %slice3A_614 = vector.extract_strided_slice %get3A_601 {offsets = [1], sizes = [1], strides = [1]} : vector<16xi32> to vector<1xi32>
    %squeeze3A_615 = vector.extract %slice3A_614[0] : i32 from vector<1xi32>
    %add3A_616 = arith.constant 1 : i32
    %add3A_617 = arith.addi %multiple_of3A_598, %add3A_616 : i32
    %dma_start3A_618 = arith.constant 0 : i32
    %dma_start3A_619 = tpu.memref_slice %arg6[%add3A_617, %dma_start3A_618] : memref<512x64xf32, #tpu.memory_space<vmem>> -> memref<1x64xf32, #tpu.memory_space<vmem>>
    %dma_start3A_620 = arith.constant 0 : i32
    %dma_start3A_621 = tpu.memref_slice %arg3[%squeeze3A_615, %dma_start3A_620] : memref<1000000x64xf32, #tpu.memory_space<hbm>> -> memref<1x64xf32, #tpu.memory_space<hbm>>
    %dma_start3A_622 = arith.constant 0 : i32
    %dma_start3A_623 = tpu.memref_slice %arg6[%add3A_617, %dma_start3A_622] : memref<512x64xf32, #tpu.memory_space<vmem>> -> memref<1x64xf32, #tpu.memory_space<vmem>>
    %dma_start3A_624 = arith.constant 0 : i32
    %dma_start3A_625 = tpu.memref_slice %arg3[%squeeze3A_615, %dma_start3A_624] : memref<1000000x64xf32, #tpu.memory_space<hbm>> -> memref<1x64xf32, #tpu.memory_space<hbm>>
    tpu.enqueue_dma source(%dma_start3A_625 : memref<1x64xf32, #tpu.memory_space<hbm>>) target(%dma_start3A_623 : memref<1x64xf32, #tpu.memory_space<vmem>>) target_semaphore(%arg7 : memref<!tpu.dma_semaphore, #tpu.memory_space<semaphore_mem>>)
    %slice3A_626 = vector.extract_strided_slice %get3A_601 {offsets = [2], sizes = [1], strides = [1]} : vector<16xi32> to vector<1xi32>
    %squeeze3A_627 = vector.extract %slice3A_626[0] : i32 from vector<1xi32>
    %add3A_628 = arith.constant 2 : i32
    %add3A_629 = arith.addi %multiple_of3A_598, %add3A_628 : i32
    %dma_start3A_630 = arith.constant 0 : i32
    %dma_start3A_631 = tpu.memref_slice %arg6[%add3A_629, %dma_start3A_630] : memref<512x64xf32, #tpu.memory_space<vmem>> -> memref<1x64xf32, #tpu.memory_space<vmem>>
    %dma_start3A_632 = arith.constant 0 : i32
    %dma_start3A_633 = tpu.memref_slice %arg3[%squeeze3A_627, %dma_start3A_632] : memref<1000000x64xf32, #tpu.memory_space<hbm>> -> memref<1x64xf32, #tpu.memory_space<hbm>>
    %dma_start3A_634 = arith.constant 0 : i32
    %dma_start3A_635 = tpu.memref_slice %arg6[%add3A_629, %dma_start3A_634] : memref<512x64xf32, #tpu.memory_space<vmem>> -> memref<1x64xf32, #tpu.memory_space<vmem>>
    %dma_start3A_636 = arith.constant 0 : i32
    %dma_start3A_637 = tpu.memref_slice %arg3[%squeeze3A_627, %dma_start3A_636] : memref<1000000x64xf32, #tpu.memory_space<hbm>> -> memref<1x64xf32, #tpu.memory_space<hbm>>
    tpu.enqueue_dma source(%dma_start3A_637 : memref<1x64xf32, #tpu.memory_space<hbm>>) target(%dma_start3A_635 : memref<1x64xf32, #tpu.memory_space<vmem>>) target_semaphore(%arg7 : memref<!tpu.dma_semaphore, #tpu.memory_space<semaphore_mem>>)
    %slice3A_638 = vector.extract_strided_slice %get3A_601 {offsets = [3], sizes = [1], strides = [1]} : vector<16xi32> to vector<1xi32>
    %squeeze3A_639 = vector.extract %slice3A_638[0] : i32 from vector<1xi32>
    %add3A_640 = arith.constant 3 : i32
    %add3A_641 = arith.addi %multiple_of3A_598, %add3A_640 : i32
    %dma_start3A_642 = arith.constant 0 : i32
    %dma_start3A_643 = tpu.memref_slice %arg6[%add3A_641, %dma_start3A_642] : memref<512x64xf32, #tpu.memory_space<vmem>> -> memref<1x64xf32, #tpu.memory_space<vmem>>
    %dma_start3A_644 = arith.constant 0 : i32
    %dma_start3A_645 = tpu.memref_slice %arg3[%squeeze3A_639, %dma_start3A_644] : memref<1000000x64xf32, #tpu.memory_space<hbm>> -> memref<1x64xf32, #tpu.memory_space<hbm>>
    %dma_start3A_646 = arith.constant 0 : i32
    %dma_start3A_647 = tpu.memref_slice %arg6[%add3A_641, %dma_start3A_646] : memref<512x64xf32, #tpu.memory_space<vmem>> -> memref<1x64xf32, #tpu.memory_space<vmem>>
    %dma_start3A_648 = arith.constant 0 : i32
    %dma_start3A_649 = tpu.memref_slice %arg3[%squeeze3A_639, %dma_start3A_648] : memref<1000000x64xf32, #tpu.memory_space<hbm>> -> memref<1x64xf32, #tpu.memory_space<hbm>>
    tpu.enqueue_dma source(%dma_start3A_649 : memref<1x64xf32, #tpu.memory_space<hbm>>) target(%dma_start3A_647 : memref<1x64xf32, #tpu.memory_space<vmem>>) target_semaphore(%arg7 : memref<!tpu.dma_semaphore, #tpu.memory_space<semaphore_mem>>)
    %slice3A_650 = vector.extract_strided_slice %get3A_601 {offsets = [4], sizes = [1], strides = [1]} : vector<16xi32> to vector<1xi32>
    %squeeze3A_651 = vector.extract %slice3A_650[0] : i32 from vector<1xi32>
    %add3A_652 = arith.constant 4 : i32
    %add3A_653 = arith.addi %multiple_of3A_598, %add3A_652 : i32
    %dma_start3A_654 = arith.constant 0 : i32
    %dma_start3A_655 = tpu.memref_slice %arg6[%add3A_653, %dma_start3A_654] : memref<512x64xf32, #tpu.memory_space<vmem>> -> memref<1x64xf32, #tpu.memory_space<vmem>>
    %dma_start3A_656 = arith.constant 0 : i32
    %dma_start3A_657 = tpu.memref_slice %arg3[%squeeze3A_651, %dma_start3A_656] : memref<1000000x64xf32, #tpu.memory_space<hbm>> -> memref<1x64xf32, #tpu.memory_space<hbm>>
    %dma_start3A_658 = arith.constant 0 : i32
    %dma_start3A_659 = tpu.memref_slice %arg6[%add3A_653, %dma_start3A_658] : memref<512x64xf32, #tpu.memory_space<vmem>> -> memref<1x64xf32, #tpu.memory_space<vmem>>
    %dma_start3A_660 = arith.constant 0 : i32
    %dma_start3A_661 = tpu.memref_slice %arg3[%squeeze3A_651, %dma_start3A_660] : memref<1000000x64xf32, #tpu.memory_space<hbm>> -> memref<1x64xf32, #tpu.memory_space<hbm>>
    tpu.enqueue_dma source(%dma_start3A_661 : memref<1x64xf32, #tpu.memory_space<hbm>>) target(%dma_start3A_659 : memref<1x64xf32, #tpu.memory_space<vmem>>) target_semaphore(%arg7 : memref<!tpu.dma_semaphore, #tpu.memory_space<semaphore_mem>>)
    %slice3A_662 = vector.extract_strided_slice %get3A_601 {offsets = [5], sizes = [1], strides = [1]} : vector<16xi32> to vector<1xi32>
    %squeeze3A_663 = vector.extract %slice3A_662[0] : i32 from vector<1xi32>
    %add3A_664 = arith.constant 5 : i32
    %add3A_665 = arith.addi %multiple_of3A_598, %add3A_664 : i32
    %dma_start3A_666 = arith.constant 0 : i32
    %dma_start3A_667 = tpu.memref_slice %arg6[%add3A_665, %dma_start3A_666] : memref<512x64xf32, #tpu.memory_space<vmem>> -> memref<1x64xf32, #tpu.memory_space<vmem>>
    %dma_start3A_668 = arith.constant 0 : i32
    %dma_start3A_669 = tpu.memref_slice %arg3[%squeeze3A_663, %dma_start3A_668] : memref<1000000x64xf32, #tpu.memory_space<hbm>> -> memref<1x64xf32, #tpu.memory_space<hbm>>
    %dma_start3A_670 = arith.constant 0 : i32
    %dma_start3A_671 = tpu.memref_slice %arg6[%add3A_665, %dma_start3A_670] : memref<512x64xf32, #tpu.memory_space<vmem>> -> memref<1x64xf32, #tpu.memory_space<vmem>>
    %dma_start3A_672 = arith.constant 0 : i32
    %dma_start3A_673 = tpu.memref_slice %arg3[%squeeze3A_663, %dma_start3A_672] : memref<1000000x64xf32, #tpu.memory_space<hbm>> -> memref<1x64xf32, #tpu.memory_space<hbm>>
    tpu.enqueue_dma source(%dma_start3A_673 : memref<1x64xf32, #tpu.memory_space<hbm>>) target(%dma_start3A_671 : memref<1x64xf32, #tpu.memory_space<vmem>>) target_semaphore(%arg7 : memref<!tpu.dma_semaphore, #tpu.memory_space<semaphore_mem>>)
    %slice3A_674 = vector.extract_strided_slice %get3A_601 {offsets = [6], sizes = [1], strides = [1]} : vector<16xi32> to vector<1xi32>
    %squeeze3A_675 = vector.extract %slice3A_674[0] : i32 from vector<1xi32>
    %add3A_676 = arith.constant 6 : i32
    %add3A_677 = arith.addi %multiple_of3A_598, %add3A_676 : i32
    %dma_start3A_678 = arith.constant 0 : i32
    %dma_start3A_679 = tpu.memref_slice %arg6[%add3A_677, %dma_start3A_678] : memref<512x64xf32, #tpu.memory_space<vmem>> -> memref<1x64xf32, #tpu.memory_space<vmem>>
    %dma_start3A_680 = arith.constant 0 : i32
    %dma_start3A_681 = tpu.memref_slice %arg3[%squeeze3A_675, %dma_start3A_680] : memref<1000000x64xf32, #tpu.memory_space<hbm>> -> memref<1x64xf32, #tpu.memory_space<hbm>>
    %dma_start3A_682 = arith.constant 0 : i32
    %dma_start3A_683 = tpu.memref_slice %arg6[%add3A_677, %dma_start3A_682] : memref<512x64xf32, #tpu.memory_space<vmem>> -> memref<1x64xf32, #tpu.memory_space<vmem>>
    %dma_start3A_684 = arith.constant 0 : i32
    %dma_start3A_685 = tpu.memref_slice %arg3[%squeeze3A_675, %dma_start3A_684] : memref<1000000x64xf32, #tpu.memory_space<hbm>> -> memref<1x64xf32, #tpu.memory_space<hbm>>
    tpu.enqueue_dma source(%dma_start3A_685 : memref<1x64xf32, #tpu.memory_space<hbm>>) target(%dma_start3A_683 : memref<1x64xf32, #tpu.memory_space<vmem>>) target_semaphore(%arg7 : memref<!tpu.dma_semaphore, #tpu.memory_space<semaphore_mem>>)
    %slice3A_686 = vector.extract_strided_slice %get3A_601 {offsets = [7], sizes = [1], strides = [1]} : vector<16xi32> to vector<1xi32>
    %squeeze3A_687 = vector.extract %slice3A_686[0] : i32 from vector<1xi32>
    %add3A_688 = arith.constant 7 : i32
    %add3A_689 = arith.addi %multiple_of3A_598, %add3A_688 : i32
    %dma_start3A_690 = arith.constant 0 : i32
    %dma_start3A_691 = tpu.memref_slice %arg6[%add3A_689, %dma_start3A_690] : memref<512x64xf32, #tpu.memory_space<vmem>> -> memref<1x64xf32, #tpu.memory_space<vmem>>
    %dma_start3A_692 = arith.constant 0 : i32
    %dma_start3A_693 = tpu.memref_slice %arg3[%squeeze3A_687, %dma_start3A_692] : memref<1000000x64xf32, #tpu.memory_space<hbm>> -> memref<1x64xf32, #tpu.memory_space<hbm>>
    %dma_start3A_694 = arith.constant 0 : i32
    %dma_start3A_695 = tpu.memref_slice %arg6[%add3A_689, %dma_start3A_694] : memref<512x64xf32, #tpu.memory_space<vmem>> -> memref<1x64xf32, #tpu.memory_space<vmem>>
    %dma_start3A_696 = arith.constant 0 : i32
    %dma_start3A_697 = tpu.memref_slice %arg3[%squeeze3A_687, %dma_start3A_696] : memref<1000000x64xf32, #tpu.memory_space<hbm>> -> memref<1x64xf32, #tpu.memory_space<hbm>>
    tpu.enqueue_dma source(%dma_start3A_697 : memref<1x64xf32, #tpu.memory_space<hbm>>) target(%dma_start3A_695 : memref<1x64xf32, #tpu.memory_space<vmem>>) target_semaphore(%arg7 : memref<!tpu.dma_semaphore, #tpu.memory_space<semaphore_mem>>)
    %slice3A_698 = vector.extract_strided_slice %get3A_601 {offsets = [8], sizes = [1], strides = [1]} : vector<16xi32> to vector<1xi32>
    %squeeze3A_699 = vector.extract %slice3A_698[0] : i32 from vector<1xi32>
    %add3A_700 = arith.constant 8 : i32
    %add3A_701 = arith.addi %multiple_of3A_598, %add3A_700 : i32
    %dma_start3A_702 = arith.constant 0 : i32
    %dma_start3A_703 = tpu.memref_slice %arg6[%add3A_701, %dma_start3A_702] : memref<512x64xf32, #tpu.memory_space<vmem>> -> memref<1x64xf32, #tpu.memory_space<vmem>>
    %dma_start3A_704 = arith.constant 0 : i32
    %dma_start3A_705 = tpu.memref_slice %arg3[%squeeze3A_699, %dma_start3A_704] : memref<1000000x64xf32, #tpu.memory_space<hbm>> -> memref<1x64xf32, #tpu.memory_space<hbm>>
    %dma_start3A_706 = arith.constant 0 : i32
    %dma_start3A_707 = tpu.memref_slice %arg6[%add3A_701, %dma_start3A_706] : memref<512x64xf32, #tpu.memory_space<vmem>> -> memref<1x64xf32, #tpu.memory_space<vmem>>
    %dma_start3A_708 = arith.constant 0 : i32
    %dma_start3A_709 = tpu.memref_slice %arg3[%squeeze3A_699, %dma_start3A_708] : memref<1000000x64xf32, #tpu.memory_space<hbm>> -> memref<1x64xf32, #tpu.memory_space<hbm>>
    tpu.enqueue_dma source(%dma_start3A_709 : memref<1x64xf32, #tpu.memory_space<hbm>>) target(%dma_start3A_707 : memref<1x64xf32, #tpu.memory_space<vmem>>) target_semaphore(%arg7 : memref<!tpu.dma_semaphore, #tpu.memory_space<semaphore_mem>>)
    %slice3A_710 = vector.extract_strided_slice %get3A_601 {offsets = [9], sizes = [1], strides = [1]} : vector<16xi32> to vector<1xi32>
    %squeeze3A_711 = vector.extract %slice3A_710[0] : i32 from vector<1xi32>
    %add3A_712 = arith.constant 9 : i32
    %add3A_713 = arith.addi %multiple_of3A_598, %add3A_712 : i32
    %dma_start3A_714 = arith.constant 0 : i32
    %dma_start3A_715 = tpu.memref_slice %arg6[%add3A_713, %dma_start3A_714] : memref<512x64xf32, #tpu.memory_space<vmem>> -> memref<1x64xf32, #tpu.memory_space<vmem>>
    %dma_start3A_716 = arith.constant 0 : i32
    %dma_start3A_717 = tpu.memref_slice %arg3[%squeeze3A_711, %dma_start3A_716] : memref<1000000x64xf32, #tpu.memory_space<hbm>> -> memref<1x64xf32, #tpu.memory_space<hbm>>
    %dma_start3A_718 = arith.constant 0 : i32
    %dma_start3A_719 = tpu.memref_slice %arg6[%add3A_713, %dma_start3A_718] : memref<512x64xf32, #tpu.memory_space<vmem>> -> memref<1x64xf32, #tpu.memory_space<vmem>>
    %dma_start3A_720 = arith.constant 0 : i32
    %dma_start3A_721 = tpu.memref_slice %arg3[%squeeze3A_711, %dma_start3A_720] : memref<1000000x64xf32, #tpu.memory_space<hbm>> -> memref<1x64xf32, #tpu.memory_space<hbm>>
    tpu.enqueue_dma source(%dma_start3A_721 : memref<1x64xf32, #tpu.memory_space<hbm>>) target(%dma_start3A_719 : memref<1x64xf32, #tpu.memory_space<vmem>>) target_semaphore(%arg7 : memref<!tpu.dma_semaphore, #tpu.memory_space<semaphore_mem>>)
    %slice3A_722 = vector.extract_strided_slice %get3A_601 {offsets = [10], sizes = [1], strides = [1]} : vector<16xi32> to vector<1xi32>
    %squeeze3A_723 = vector.extract %slice3A_722[0] : i32 from vector<1xi32>
    %add3A_724 = arith.constant 10 : i32
    %add3A_725 = arith.addi %multiple_of3A_598, %add3A_724 : i32
    %dma_start3A_726 = arith.constant 0 : i32
    %dma_start3A_727 = tpu.memref_slice %arg6[%add3A_725, %dma_start3A_726] : memref<512x64xf32, #tpu.memory_space<vmem>> -> memref<1x64xf32, #tpu.memory_space<vmem>>
    %dma_start3A_728 = arith.constant 0 : i32
    %dma_start3A_729 = tpu.memref_slice %arg3[%squeeze3A_723, %dma_start3A_728] : memref<1000000x64xf32, #tpu.memory_space<hbm>> -> memref<1x64xf32, #tpu.memory_space<hbm>>
    %dma_start3A_730 = arith.constant 0 : i32
    %dma_start3A_731 = tpu.memref_slice %arg6[%add3A_725, %dma_start3A_730] : memref<512x64xf32, #tpu.memory_space<vmem>> -> memref<1x64xf32, #tpu.memory_space<vmem>>
    %dma_start3A_732 = arith.constant 0 : i32
    %dma_start3A_733 = tpu.memref_slice %arg3[%squeeze3A_723, %dma_start3A_732] : memref<1000000x64xf32, #tpu.memory_space<hbm>> -> memref<1x64xf32, #tpu.memory_space<hbm>>
    tpu.enqueue_dma source(%dma_start3A_733 : memref<1x64xf32, #tpu.memory_space<hbm>>) target(%dma_start3A_731 : memref<1x64xf32, #tpu.memory_space<vmem>>) target_semaphore(%arg7 : memref<!tpu.dma_semaphore, #tpu.memory_space<semaphore_mem>>)
    %slice3A_734 = vector.extract_strided_slice %get3A_601 {offsets = [11], sizes = [1], strides = [1]} : vector<16xi32> to vector<1xi32>
    %squeeze3A_735 = vector.extract %slice3A_734[0] : i32 from vector<1xi32>
    %add3A_736 = arith.constant 11 : i32
    %add3A_737 = arith.addi %multiple_of3A_598, %add3A_736 : i32
    %dma_start3A_738 = arith.constant 0 : i32
    %dma_start3A_739 = tpu.memref_slice %arg6[%add3A_737, %dma_start3A_738] : memref<512x64xf32, #tpu.memory_space<vmem>> -> memref<1x64xf32, #tpu.memory_space<vmem>>
    %dma_start3A_740 = arith.constant 0 : i32
    %dma_start3A_741 = tpu.memref_slice %arg3[%squeeze3A_735, %dma_start3A_740] : memref<1000000x64xf32, #tpu.memory_space<hbm>> -> memref<1x64xf32, #tpu.memory_space<hbm>>
    %dma_start3A_742 = arith.constant 0 : i32
    %dma_start3A_743 = tpu.memref_slice %arg6[%add3A_737, %dma_start3A_742] : memref<512x64xf32, #tpu.memory_space<vmem>> -> memref<1x64xf32, #tpu.memory_space<vmem>>
    %dma_start3A_744 = arith.constant 0 : i32
    %dma_start3A_745 = tpu.memref_slice %arg3[%squeeze3A_735, %dma_start3A_744] : memref<1000000x64xf32, #tpu.memory_space<hbm>> -> memref<1x64xf32, #tpu.memory_space<hbm>>
    tpu.enqueue_dma source(%dma_start3A_745 : memref<1x64xf32, #tpu.memory_space<hbm>>) target(%dma_start3A_743 : memref<1x64xf32, #tpu.memory_space<vmem>>) target_semaphore(%arg7 : memref<!tpu.dma_semaphore, #tpu.memory_space<semaphore_mem>>)
    %slice3A_746 = vector.extract_strided_slice %get3A_601 {offsets = [12], sizes = [1], strides = [1]} : vector<16xi32> to vector<1xi32>
    %squeeze3A_747 = vector.extract %slice3A_746[0] : i32 from vector<1xi32>
    %add3A_748 = arith.constant 12 : i32
    %add3A_749 = arith.addi %multiple_of3A_598, %add3A_748 : i32
    %dma_start3A_750 = arith.constant 0 : i32
    %dma_start3A_751 = tpu.memref_slice %arg6[%add3A_749, %dma_start3A_750] : memref<512x64xf32, #tpu.memory_space<vmem>> -> memref<1x64xf32, #tpu.memory_space<vmem>>
    %dma_start3A_752 = arith.constant 0 : i32
    %dma_start3A_753 = tpu.memref_slice %arg3[%squeeze3A_747, %dma_start3A_752] : memref<1000000x64xf32, #tpu.memory_space<hbm>> -> memref<1x64xf32, #tpu.memory_space<hbm>>
    %dma_start3A_754 = arith.constant 0 : i32
    %dma_start3A_755 = tpu.memref_slice %arg6[%add3A_749, %dma_start3A_754] : memref<512x64xf32, #tpu.memory_space<vmem>> -> memref<1x64xf32, #tpu.memory_space<vmem>>
    %dma_start3A_756 = arith.constant 0 : i32
    %dma_start3A_757 = tpu.memref_slice %arg3[%squeeze3A_747, %dma_start3A_756] : memref<1000000x64xf32, #tpu.memory_space<hbm>> -> memref<1x64xf32, #tpu.memory_space<hbm>>
    tpu.enqueue_dma source(%dma_start3A_757 : memref<1x64xf32, #tpu.memory_space<hbm>>) target(%dma_start3A_755 : memref<1x64xf32, #tpu.memory_space<vmem>>) target_semaphore(%arg7 : memref<!tpu.dma_semaphore, #tpu.memory_space<semaphore_mem>>)
    %slice3A_758 = vector.extract_strided_slice %get3A_601 {offsets = [13], sizes = [1], strides = [1]} : vector<16xi32> to vector<1xi32>
    %squeeze3A_759 = vector.extract %slice3A_758[0] : i32 from vector<1xi32>
    %add3A_760 = arith.constant 13 : i32
    %add3A_761 = arith.addi %multiple_of3A_598, %add3A_760 : i32
    %dma_start3A_762 = arith.constant 0 : i32
    %dma_start3A_763 = tpu.memref_slice %arg6[%add3A_761, %dma_start3A_762] : memref<512x64xf32, #tpu.memory_space<vmem>> -> memref<1x64xf32, #tpu.memory_space<vmem>>
    %dma_start3A_764 = arith.constant 0 : i32
    %dma_start3A_765 = tpu.memref_slice %arg3[%squeeze3A_759, %dma_start3A_764] : memref<1000000x64xf32, #tpu.memory_space<hbm>> -> memref<1x64xf32, #tpu.memory_space<hbm>>
    %dma_start3A_766 = arith.constant 0 : i32
    %dma_start3A_767 = tpu.memref_slice %arg6[%add3A_761, %dma_start3A_766] : memref<512x64xf32, #tpu.memory_space<vmem>> -> memref<1x64xf32, #tpu.memory_space<vmem>>
    %dma_start3A_768 = arith.constant 0 : i32
    %dma_start3A_769 = tpu.memref_slice %arg3[%squeeze3A_759, %dma_start3A_768] : memref<1000000x64xf32, #tpu.memory_space<hbm>> -> memref<1x64xf32, #tpu.memory_space<hbm>>
    tpu.enqueue_dma source(%dma_start3A_769 : memref<1x64xf32, #tpu.memory_space<hbm>>) target(%dma_start3A_767 : memref<1x64xf32, #tpu.memory_space<vmem>>) target_semaphore(%arg7 : memref<!tpu.dma_semaphore, #tpu.memory_space<semaphore_mem>>)
    %slice3A_770 = vector.extract_strided_slice %get3A_601 {offsets = [14], sizes = [1], strides = [1]} : vector<16xi32> to vector<1xi32>
    %squeeze3A_771 = vector.extract %slice3A_770[0] : i32 from vector<1xi32>
    %add3A_772 = arith.constant 14 : i32
    %add3A_773 = arith.addi %multiple_of3A_598, %add3A_772 : i32
    %dma_start3A_774 = arith.constant 0 : i32
    %dma_start3A_775 = tpu.memref_slice %arg6[%add3A_773, %dma_start3A_774] : memref<512x64xf32, #tpu.memory_space<vmem>> -> memref<1x64xf32, #tpu.memory_space<vmem>>
    %dma_start3A_776 = arith.constant 0 : i32
    %dma_start3A_777 = tpu.memref_slice %arg3[%squeeze3A_771, %dma_start3A_776] : memref<1000000x64xf32, #tpu.memory_space<hbm>> -> memref<1x64xf32, #tpu.memory_space<hbm>>
    %dma_start3A_778 = arith.constant 0 : i32
    %dma_start3A_779 = tpu.memref_slice %arg6[%add3A_773, %dma_start3A_778] : memref<512x64xf32, #tpu.memory_space<vmem>> -> memref<1x64xf32, #tpu.memory_space<vmem>>
    %dma_start3A_780 = arith.constant 0 : i32
    %dma_start3A_781 = tpu.memref_slice %arg3[%squeeze3A_771, %dma_start3A_780] : memref<1000000x64xf32, #tpu.memory_space<hbm>> -> memref<1x64xf32, #tpu.memory_space<hbm>>
    tpu.enqueue_dma source(%dma_start3A_781 : memref<1x64xf32, #tpu.memory_space<hbm>>) target(%dma_start3A_779 : memref<1x64xf32, #tpu.memory_space<vmem>>) target_semaphore(%arg7 : memref<!tpu.dma_semaphore, #tpu.memory_space<semaphore_mem>>)
    %slice3A_782 = vector.extract_strided_slice %get3A_601 {offsets = [15], sizes = [1], strides = [1]} : vector<16xi32> to vector<1xi32>
    %squeeze3A_783 = vector.extract %slice3A_782[0] : i32 from vector<1xi32>
    %add3A_784 = arith.constant 15 : i32
    %add3A_785 = arith.addi %multiple_of3A_598, %add3A_784 : i32
    %dma_start3A_786 = arith.constant 0 : i32
    %dma_start3A_787 = tpu.memref_slice %arg6[%add3A_785, %dma_start3A_786] : memref<512x64xf32, #tpu.memory_space<vmem>> -> memref<1x64xf32, #tpu.memory_space<vmem>>
    %dma_start3A_788 = arith.constant 0 : i32
    %dma_start3A_789 = tpu.memref_slice %arg3[%squeeze3A_783, %dma_start3A_788] : memref<1000000x64xf32, #tpu.memory_space<hbm>> -> memref<1x64xf32, #tpu.memory_space<hbm>>
    %dma_start3A_790 = arith.constant 0 : i32
    %dma_start3A_791 = tpu.memref_slice %arg6[%add3A_785, %dma_start3A_790] : memref<512x64xf32, #tpu.memory_space<vmem>> -> memref<1x64xf32, #tpu.memory_space<vmem>>
    %dma_start3A_792 = arith.constant 0 : i32
    %dma_start3A_793 = tpu.memref_slice %arg3[%squeeze3A_783, %dma_start3A_792] : memref<1000000x64xf32, #tpu.memory_space<hbm>> -> memref<1x64xf32, #tpu.memory_space<hbm>>
    tpu.enqueue_dma source(%dma_start3A_793 : memref<1x64xf32, #tpu.memory_space<hbm>>) target(%dma_start3A_791 : memref<1x64xf32, #tpu.memory_space<vmem>>) target_semaphore(%arg7 : memref<!tpu.dma_semaphore, #tpu.memory_space<semaphore_mem>>)
    %scan3A_794 = arith.constant 4 : i32
    %mul3A_795 = arith.constant 16 : i32
    %mul3A_796 = arith.muli %scan3A_794, %mul3A_795 : i32
    %multiple_of3A_797 = tpu.assume_multiple %mul3A_796, 16 : i32
    %get3A_798 = arith.index_cast %multiple_of3A_797 : i32 to index
    %get3A_799 = tpu.vector_load %arg5[%get3A_798] {strides = array<i32>} : memref<512xi32, #tpu.memory_space<vmem>>, vector<16xi32>,
    %get3A_800 = vector.shape_cast %get3A_799 : vector<16xi32> to vector<16xi32>
    %slice3A_801 = vector.extract_strided_slice %get3A_800 {offsets = [0], sizes = [1], strides = [1]} : vector<16xi32> to vector<1xi32>
    %squeeze3A_802 = vector.extract %slice3A_801[0] : i32 from vector<1xi32>
    %add3A_803 = arith.constant 0 : i32
    %add3A_804 = arith.addi %multiple_of3A_797, %add3A_803 : i32
    %dma_start3A_805 = arith.constant 0 : i32
    %dma_start3A_806 = tpu.memref_slice %arg6[%add3A_804, %dma_start3A_805] : memref<512x64xf32, #tpu.memory_space<vmem>> -> memref<1x64xf32, #tpu.memory_space<vmem>>
    %dma_start3A_807 = arith.constant 0 : i32
    %dma_start3A_808 = tpu.memref_slice %arg3[%squeeze3A_802, %dma_start3A_807] : memref<1000000x64xf32, #tpu.memory_space<hbm>> -> memref<1x64xf32, #tpu.memory_space<hbm>>
    %dma_start3A_809 = arith.constant 0 : i32
    %dma_start3A_810 = tpu.memref_slice %arg6[%add3A_804, %dma_start3A_809] : memref<512x64xf32, #tpu.memory_space<vmem>> -> memref<1x64xf32, #tpu.memory_space<vmem>>
    %dma_start3A_811 = arith.constant 0 : i32
    %dma_start3A_812 = tpu.memref_slice %arg3[%squeeze3A_802, %dma_start3A_811] : memref<1000000x64xf32, #tpu.memory_space<hbm>> -> memref<1x64xf32, #tpu.memory_space<hbm>>
    tpu.enqueue_dma source(%dma_start3A_812 : memref<1x64xf32, #tpu.memory_space<hbm>>) target(%dma_start3A_810 : memref<1x64xf32, #tpu.memory_space<vmem>>) target_semaphore(%arg7 : memref<!tpu.dma_semaphore, #tpu.memory_space<semaphore_mem>>)
    %slice3A_813 = vector.extract_strided_slice %get3A_800 {offsets = [1], sizes = [1], strides = [1]} : vector<16xi32> to vector<1xi32>
    %squeeze3A_814 = vector.extract %slice3A_813[0] : i32 from vector<1xi32>
    %add3A_815 = arith.constant 1 : i32
    %add3A_816 = arith.addi %multiple_of3A_797, %add3A_815 : i32
    %dma_start3A_817 = arith.constant 0 : i32
    %dma_start3A_818 = tpu.memref_slice %arg6[%add3A_816, %dma_start3A_817] : memref<512x64xf32, #tpu.memory_space<vmem>> -> memref<1x64xf32, #tpu.memory_space<vmem>>
    %dma_start3A_819 = arith.constant 0 : i32
    %dma_start3A_820 = tpu.memref_slice %arg3[%squeeze3A_814, %dma_start3A_819] : memref<1000000x64xf32, #tpu.memory_space<hbm>> -> memref<1x64xf32, #tpu.memory_space<hbm>>
    %dma_start3A_821 = arith.constant 0 : i32
    %dma_start3A_822 = tpu.memref_slice %arg6[%add3A_816, %dma_start3A_821] : memref<512x64xf32, #tpu.memory_space<vmem>> -> memref<1x64xf32, #tpu.memory_space<vmem>>
    %dma_start3A_823 = arith.constant 0 : i32
    %dma_start3A_824 = tpu.memref_slice %arg3[%squeeze3A_814, %dma_start3A_823] : memref<1000000x64xf32, #tpu.memory_space<hbm>> -> memref<1x64xf32, #tpu.memory_space<hbm>>
    tpu.enqueue_dma source(%dma_start3A_824 : memref<1x64xf32, #tpu.memory_space<hbm>>) target(%dma_start3A_822 : memref<1x64xf32, #tpu.memory_space<vmem>>) target_semaphore(%arg7 : memref<!tpu.dma_semaphore, #tpu.memory_space<semaphore_mem>>)
    %slice3A_825 = vector.extract_strided_slice %get3A_800 {offsets = [2], sizes = [1], strides = [1]} : vector<16xi32> to vector<1xi32>
    %squeeze3A_826 = vector.extract %slice3A_825[0] : i32 from vector<1xi32>
    %add3A_827 = arith.constant 2 : i32
    %add3A_828 = arith.addi %multiple_of3A_797, %add3A_827 : i32
    %dma_start3A_829 = arith.constant 0 : i32
    %dma_start3A_830 = tpu.memref_slice %arg6[%add3A_828, %dma_start3A_829] : memref<512x64xf32, #tpu.memory_space<vmem>> -> memref<1x64xf32, #tpu.memory_space<vmem>>
    %dma_start3A_831 = arith.constant 0 : i32
    %dma_start3A_832 = tpu.memref_slice %arg3[%squeeze3A_826, %dma_start3A_831] : memref<1000000x64xf32, #tpu.memory_space<hbm>> -> memref<1x64xf32, #tpu.memory_space<hbm>>
    %dma_start3A_833 = arith.constant 0 : i32
    %dma_start3A_834 = tpu.memref_slice %arg6[%add3A_828, %dma_start3A_833] : memref<512x64xf32, #tpu.memory_space<vmem>> -> memref<1x64xf32, #tpu.memory_space<vmem>>
    %dma_start3A_835 = arith.constant 0 : i32
    %dma_start3A_836 = tpu.memref_slice %arg3[%squeeze3A_826, %dma_start3A_835] : memref<1000000x64xf32, #tpu.memory_space<hbm>> -> memref<1x64xf32, #tpu.memory_space<hbm>>
    tpu.enqueue_dma source(%dma_start3A_836 : memref<1x64xf32, #tpu.memory_space<hbm>>) target(%dma_start3A_834 : memref<1x64xf32, #tpu.memory_space<vmem>>) target_semaphore(%arg7 : memref<!tpu.dma_semaphore, #tpu.memory_space<semaphore_mem>>)
    %slice3A_837 = vector.extract_strided_slice %get3A_800 {offsets = [3], sizes = [1], strides = [1]} : vector<16xi32> to vector<1xi32>
    %squeeze3A_838 = vector.extract %slice3A_837[0] : i32 from vector<1xi32>
    %add3A_839 = arith.constant 3 : i32
    %add3A_840 = arith.addi %multiple_of3A_797, %add3A_839 : i32
    %dma_start3A_841 = arith.constant 0 : i32
    %dma_start3A_842 = tpu.memref_slice %arg6[%add3A_840, %dma_start3A_841] : memref<512x64xf32, #tpu.memory_space<vmem>> -> memref<1x64xf32, #tpu.memory_space<vmem>>
    %dma_start3A_843 = arith.constant 0 : i32
    %dma_start3A_844 = tpu.memref_slice %arg3[%squeeze3A_838, %dma_start3A_843] : memref<1000000x64xf32, #tpu.memory_space<hbm>> -> memref<1x64xf32, #tpu.memory_space<hbm>>
    %dma_start3A_845 = arith.constant 0 : i32
    %dma_start3A_846 = tpu.memref_slice %arg6[%add3A_840, %dma_start3A_845] : memref<512x64xf32, #tpu.memory_space<vmem>> -> memref<1x64xf32, #tpu.memory_space<vmem>>
    %dma_start3A_847 = arith.constant 0 : i32
    %dma_start3A_848 = tpu.memref_slice %arg3[%squeeze3A_838, %dma_start3A_847] : memref<1000000x64xf32, #tpu.memory_space<hbm>> -> memref<1x64xf32, #tpu.memory_space<hbm>>
    tpu.enqueue_dma source(%dma_start3A_848 : memref<1x64xf32, #tpu.memory_space<hbm>>) target(%dma_start3A_846 : memref<1x64xf32, #tpu.memory_space<vmem>>) target_semaphore(%arg7 : memref<!tpu.dma_semaphore, #tpu.memory_space<semaphore_mem>>)
    %slice3A_849 = vector.extract_strided_slice %get3A_800 {offsets = [4], sizes = [1], strides = [1]} : vector<16xi32> to vector<1xi32>
    %squeeze3A_850 = vector.extract %slice3A_849[0] : i32 from vector<1xi32>
    %add3A_851 = arith.constant 4 : i32
    %add3A_852 = arith.addi %multiple_of3A_797, %add3A_851 : i32
    %dma_start3A_853 = arith.constant 0 : i32
    %dma_start3A_854 = tpu.memref_slice %arg6[%add3A_852, %dma_start3A_853] : memref<512x64xf32, #tpu.memory_space<vmem>> -> memref<1x64xf32, #tpu.memory_space<vmem>>
    %dma_start3A_855 = arith.constant 0 : i32
    %dma_start3A_856 = tpu.memref_slice %arg3[%squeeze3A_850, %dma_start3A_855] : memref<1000000x64xf32, #tpu.memory_space<hbm>> -> memref<1x64xf32, #tpu.memory_space<hbm>>
    %dma_start3A_857 = arith.constant 0 : i32
    %dma_start3A_858 = tpu.memref_slice %arg6[%add3A_852, %dma_start3A_857] : memref<512x64xf32, #tpu.memory_space<vmem>> -> memref<1x64xf32, #tpu.memory_space<vmem>>
    %dma_start3A_859 = arith.constant 0 : i32
    %dma_start3A_860 = tpu.memref_slice %arg3[%squeeze3A_850, %dma_start3A_859] : memref<1000000x64xf32, #tpu.memory_space<hbm>> -> memref<1x64xf32, #tpu.memory_space<hbm>>
    tpu.enqueue_dma source(%dma_start3A_860 : memref<1x64xf32, #tpu.memory_space<hbm>>) target(%dma_start3A_858 : memref<1x64xf32, #tpu.memory_space<vmem>>) target_semaphore(%arg7 : memref<!tpu.dma_semaphore, #tpu.memory_space<semaphore_mem>>)
    %slice3A_861 = vector.extract_strided_slice %get3A_800 {offsets = [5], sizes = [1], strides = [1]} : vector<16xi32> to vector<1xi32>
    %squeeze3A_862 = vector.extract %slice3A_861[0] : i32 from vector<1xi32>
    %add3A_863 = arith.constant 5 : i32
    %add3A_864 = arith.addi %multiple_of3A_797, %add3A_863 : i32
    %dma_start3A_865 = arith.constant 0 : i32
    %dma_start3A_866 = tpu.memref_slice %arg6[%add3A_864, %dma_start3A_865] : memref<512x64xf32, #tpu.memory_space<vmem>> -> memref<1x64xf32, #tpu.memory_space<vmem>>
    %dma_start3A_867 = arith.constant 0 : i32
    %dma_start3A_868 = tpu.memref_slice %arg3[%squeeze3A_862, %dma_start3A_867] : memref<1000000x64xf32, #tpu.memory_space<hbm>> -> memref<1x64xf32, #tpu.memory_space<hbm>>
    %dma_start3A_869 = arith.constant 0 : i32
    %dma_start3A_870 = tpu.memref_slice %arg6[%add3A_864, %dma_start3A_869] : memref<512x64xf32, #tpu.memory_space<vmem>> -> memref<1x64xf32, #tpu.memory_space<vmem>>
    %dma_start3A_871 = arith.constant 0 : i32
    %dma_start3A_872 = tpu.memref_slice %arg3[%squeeze3A_862, %dma_start3A_871] : memref<1000000x64xf32, #tpu.memory_space<hbm>> -> memref<1x64xf32, #tpu.memory_space<hbm>>
    tpu.enqueue_dma source(%dma_start3A_872 : memref<1x64xf32, #tpu.memory_space<hbm>>) target(%dma_start3A_870 : memref<1x64xf32, #tpu.memory_space<vmem>>) target_semaphore(%arg7 : memref<!tpu.dma_semaphore, #tpu.memory_space<semaphore_mem>>)
    %slice3A_873 = vector.extract_strided_slice %get3A_800 {offsets = [6], sizes = [1], strides = [1]} : vector<16xi32> to vector<1xi32>
    %squeeze3A_874 = vector.extract %slice3A_873[0] : i32 from vector<1xi32>
    %add3A_875 = arith.constant 6 : i32
    %add3A_876 = arith.addi %multiple_of3A_797, %add3A_875 : i32
    %dma_start3A_877 = arith.constant 0 : i32
    %dma_start3A_878 = tpu.memref_slice %arg6[%add3A_876, %dma_start3A_877] : memref<512x64xf32, #tpu.memory_space<vmem>> -> memref<1x64xf32, #tpu.memory_space<vmem>>
    %dma_start3A_879 = arith.constant 0 : i32
    %dma_start3A_880 = tpu.memref_slice %arg3[%squeeze3A_874, %dma_start3A_879] : memref<1000000x64xf32, #tpu.memory_space<hbm>> -> memref<1x64xf32, #tpu.memory_space<hbm>>
    %dma_start3A_881 = arith.constant 0 : i32
    %dma_start3A_882 = tpu.memref_slice %arg6[%add3A_876, %dma_start3A_881] : memref<512x64xf32, #tpu.memory_space<vmem>> -> memref<1x64xf32, #tpu.memory_space<vmem>>
    %dma_start3A_883 = arith.constant 0 : i32
    %dma_start3A_884 = tpu.memref_slice %arg3[%squeeze3A_874, %dma_start3A_883] : memref<1000000x64xf32, #tpu.memory_space<hbm>> -> memref<1x64xf32, #tpu.memory_space<hbm>>
    tpu.enqueue_dma source(%dma_start3A_884 : memref<1x64xf32, #tpu.memory_space<hbm>>) target(%dma_start3A_882 : memref<1x64xf32, #tpu.memory_space<vmem>>) target_semaphore(%arg7 : memref<!tpu.dma_semaphore, #tpu.memory_space<semaphore_mem>>)
    %slice3A_885 = vector.extract_strided_slice %get3A_800 {offsets = [7], sizes = [1], strides = [1]} : vector<16xi32> to vector<1xi32>
    %squeeze3A_886 = vector.extract %slice3A_885[0] : i32 from vector<1xi32>
    %add3A_887 = arith.constant 7 : i32
    %add3A_888 = arith.addi %multiple_of3A_797, %add3A_887 : i32
    %dma_start3A_889 = arith.constant 0 : i32
    %dma_start3A_890 = tpu.memref_slice %arg6[%add3A_888, %dma_start3A_889] : memref<512x64xf32, #tpu.memory_space<vmem>> -> memref<1x64xf32, #tpu.memory_space<vmem>>
    %dma_start3A_891 = arith.constant 0 : i32
    %dma_start3A_892 = tpu.memref_slice %arg3[%squeeze3A_886, %dma_start3A_891] : memref<1000000x64xf32, #tpu.memory_space<hbm>> -> memref<1x64xf32, #tpu.memory_space<hbm>>
    %dma_start3A_893 = arith.constant 0 : i32
    %dma_start3A_894 = tpu.memref_slice %arg6[%add3A_888, %dma_start3A_893] : memref<512x64xf32, #tpu.memory_space<vmem>> -> memref<1x64xf32, #tpu.memory_space<vmem>>
    %dma_start3A_895 = arith.constant 0 : i32
    %dma_start3A_896 = tpu.memref_slice %arg3[%squeeze3A_886, %dma_start3A_895] : memref<1000000x64xf32, #tpu.memory_space<hbm>> -> memref<1x64xf32, #tpu.memory_space<hbm>>
    tpu.enqueue_dma source(%dma_start3A_896 : memref<1x64xf32, #tpu.memory_space<hbm>>) target(%dma_start3A_894 : memref<1x64xf32, #tpu.memory_space<vmem>>) target_semaphore(%arg7 : memref<!tpu.dma_semaphore, #tpu.memory_space<semaphore_mem>>)
    %slice3A_897 = vector.extract_strided_slice %get3A_800 {offsets = [8], sizes = [1], strides = [1]} : vector<16xi32> to vector<1xi32>
    %squeeze3A_898 = vector.extract %slice3A_897[0] : i32 from vector<1xi32>
    %add3A_899 = arith.constant 8 : i32
    %add3A_900 = arith.addi %multiple_of3A_797, %add3A_899 : i32
    %dma_start3A_901 = arith.constant 0 : i32
    %dma_start3A_902 = tpu.memref_slice %arg6[%add3A_900, %dma_start3A_901] : memref<512x64xf32, #tpu.memory_space<vmem>> -> memref<1x64xf32, #tpu.memory_space<vmem>>
    %dma_start3A_903 = arith.constant 0 : i32
    %dma_start3A_904 = tpu.memref_slice %arg3[%squeeze3A_898, %dma_start3A_903] : memref<1000000x64xf32, #tpu.memory_space<hbm>> -> memref<1x64xf32, #tpu.memory_space<hbm>>
    %dma_start3A_905 = arith.constant 0 : i32
    %dma_start3A_906 = tpu.memref_slice %arg6[%add3A_900, %dma_start3A_905] : memref<512x64xf32, #tpu.memory_space<vmem>> -> memref<1x64xf32, #tpu.memory_space<vmem>>
    %dma_start3A_907 = arith.constant 0 : i32
    %dma_start3A_908 = tpu.memref_slice %arg3[%squeeze3A_898, %dma_start3A_907] : memref<1000000x64xf32, #tpu.memory_space<hbm>> -> memref<1x64xf32, #tpu.memory_space<hbm>>
    tpu.enqueue_dma source(%dma_start3A_908 : memref<1x64xf32, #tpu.memory_space<hbm>>) target(%dma_start3A_906 : memref<1x64xf32, #tpu.memory_space<vmem>>) target_semaphore(%arg7 : memref<!tpu.dma_semaphore, #tpu.memory_space<semaphore_mem>>)
    %slice3A_909 = vector.extract_strided_slice %get3A_800 {offsets = [9], sizes = [1], strides = [1]} : vector<16xi32> to vector<1xi32>
    %squeeze3A_910 = vector.extract %slice3A_909[0] : i32 from vector<1xi32>
    %add3A_911 = arith.constant 9 : i32
    %add3A_912 = arith.addi %multiple_of3A_797, %add3A_911 : i32
    %dma_start3A_913 = arith.constant 0 : i32
    %dma_start3A_914 = tpu.memref_slice %arg6[%add3A_912, %dma_start3A_913] : memref<512x64xf32, #tpu.memory_space<vmem>> -> memref<1x64xf32, #tpu.memory_space<vmem>>
    %dma_start3A_915 = arith.constant 0 : i32
    %dma_start3A_916 = tpu.memref_slice %arg3[%squeeze3A_910, %dma_start3A_915] : memref<1000000x64xf32, #tpu.memory_space<hbm>> -> memref<1x64xf32, #tpu.memory_space<hbm>>
    %dma_start3A_917 = arith.constant 0 : i32
    %dma_start3A_918 = tpu.memref_slice %arg6[%add3A_912, %dma_start3A_917] : memref<512x64xf32, #tpu.memory_space<vmem>> -> memref<1x64xf32, #tpu.memory_space<vmem>>
    %dma_start3A_919 = arith.constant 0 : i32
    %dma_start3A_920 = tpu.memref_slice %arg3[%squeeze3A_910, %dma_start3A_919] : memref<1000000x64xf32, #tpu.memory_space<hbm>> -> memref<1x64xf32, #tpu.memory_space<hbm>>
    tpu.enqueue_dma source(%dma_start3A_920 : memref<1x64xf32, #tpu.memory_space<hbm>>) target(%dma_start3A_918 : memref<1x64xf32, #tpu.memory_space<vmem>>) target_semaphore(%arg7 : memref<!tpu.dma_semaphore, #tpu.memory_space<semaphore_mem>>)
    %slice3A_921 = vector.extract_strided_slice %get3A_800 {offsets = [10], sizes = [1], strides = [1]} : vector<16xi32> to vector<1xi32>
    %squeeze3A_922 = vector.extract %slice3A_921[0] : i32 from vector<1xi32>
    %add3A_923 = arith.constant 10 : i32
    %add3A_924 = arith.addi %multiple_of3A_797, %add3A_923 : i32
    %dma_start3A_925 = arith.constant 0 : i32
    %dma_start3A_926 = tpu.memref_slice %arg6[%add3A_924, %dma_start3A_925] : memref<512x64xf32, #tpu.memory_space<vmem>> -> memref<1x64xf32, #tpu.memory_space<vmem>>
    %dma_start3A_927 = arith.constant 0 : i32
    %dma_start3A_928 = tpu.memref_slice %arg3[%squeeze3A_922, %dma_start3A_927] : memref<1000000x64xf32, #tpu.memory_space<hbm>> -> memref<1x64xf32, #tpu.memory_space<hbm>>
    %dma_start3A_929 = arith.constant 0 : i32
    %dma_start3A_930 = tpu.memref_slice %arg6[%add3A_924, %dma_start3A_929] : memref<512x64xf32, #tpu.memory_space<vmem>> -> memref<1x64xf32, #tpu.memory_space<vmem>>
    %dma_start3A_931 = arith.constant 0 : i32
    %dma_start3A_932 = tpu.memref_slice %arg3[%squeeze3A_922, %dma_start3A_931] : memref<1000000x64xf32, #tpu.memory_space<hbm>> -> memref<1x64xf32, #tpu.memory_space<hbm>>
    tpu.enqueue_dma source(%dma_start3A_932 : memref<1x64xf32, #tpu.memory_space<hbm>>) target(%dma_start3A_930 : memref<1x64xf32, #tpu.memory_space<vmem>>) target_semaphore(%arg7 : memref<!tpu.dma_semaphore, #tpu.memory_space<semaphore_mem>>)
    %slice3A_933 = vector.extract_strided_slice %get3A_800 {offsets = [11], sizes = [1], strides = [1]} : vector<16xi32> to vector<1xi32>
    %squeeze3A_934 = vector.extract %slice3A_933[0] : i32 from vector<1xi32>
    %add3A_935 = arith.constant 11 : i32
    %add3A_936 = arith.addi %multiple_of3A_797, %add3A_935 : i32
    %dma_start3A_937 = arith.constant 0 : i32
    %dma_start3A_938 = tpu.memref_slice %arg6[%add3A_936, %dma_start3A_937] : memref<512x64xf32, #tpu.memory_space<vmem>> -> memref<1x64xf32, #tpu.memory_space<vmem>>
    %dma_start3A_939 = arith.constant 0 : i32
    %dma_start3A_940 = tpu.memref_slice %arg3[%squeeze3A_934, %dma_start3A_939] : memref<1000000x64xf32, #tpu.memory_space<hbm>> -> memref<1x64xf32, #tpu.memory_space<hbm>>
    %dma_start3A_941 = arith.constant 0 : i32
    %dma_start3A_942 = tpu.memref_slice %arg6[%add3A_936, %dma_start3A_941] : memref<512x64xf32, #tpu.memory_space<vmem>> -> memref<1x64xf32, #tpu.memory_space<vmem>>
    %dma_start3A_943 = arith.constant 0 : i32
    %dma_start3A_944 = tpu.memref_slice %arg3[%squeeze3A_934, %dma_start3A_943] : memref<1000000x64xf32, #tpu.memory_space<hbm>> -> memref<1x64xf32, #tpu.memory_space<hbm>>
    tpu.enqueue_dma source(%dma_start3A_944 : memref<1x64xf32, #tpu.memory_space<hbm>>) target(%dma_start3A_942 : memref<1x64xf32, #tpu.memory_space<vmem>>) target_semaphore(%arg7 : memref<!tpu.dma_semaphore, #tpu.memory_space<semaphore_mem>>)
    %slice3A_945 = vector.extract_strided_slice %get3A_800 {offsets = [12], sizes = [1], strides = [1]} : vector<16xi32> to vector<1xi32>
    %squeeze3A_946 = vector.extract %slice3A_945[0] : i32 from vector<1xi32>
    %add3A_947 = arith.constant 12 : i32
    %add3A_948 = arith.addi %multiple_of3A_797, %add3A_947 : i32
    %dma_start3A_949 = arith.constant 0 : i32
    %dma_start3A_950 = tpu.memref_slice %arg6[%add3A_948, %dma_start3A_949] : memref<512x64xf32, #tpu.memory_space<vmem>> -> memref<1x64xf32, #tpu.memory_space<vmem>>
    %dma_start3A_951 = arith.constant 0 : i32
    %dma_start3A_952 = tpu.memref_slice %arg3[%squeeze3A_946, %dma_start3A_951] : memref<1000000x64xf32, #tpu.memory_space<hbm>> -> memref<1x64xf32, #tpu.memory_space<hbm>>
    %dma_start3A_953 = arith.constant 0 : i32
    %dma_start3A_954 = tpu.memref_slice %arg6[%add3A_948, %dma_start3A_953] : memref<512x64xf32, #tpu.memory_space<vmem>> -> memref<1x64xf32, #tpu.memory_space<vmem>>
    %dma_start3A_955 = arith.constant 0 : i32
    %dma_start3A_956 = tpu.memref_slice %arg3[%squeeze3A_946, %dma_start3A_955] : memref<1000000x64xf32, #tpu.memory_space<hbm>> -> memref<1x64xf32, #tpu.memory_space<hbm>>
    tpu.enqueue_dma source(%dma_start3A_956 : memref<1x64xf32, #tpu.memory_space<hbm>>) target(%dma_start3A_954 : memref<1x64xf32, #tpu.memory_space<vmem>>) target_semaphore(%arg7 : memref<!tpu.dma_semaphore, #tpu.memory_space<semaphore_mem>>)
    %slice3A_957 = vector.extract_strided_slice %get3A_800 {offsets = [13], sizes = [1], strides = [1]} : vector<16xi32> to vector<1xi32>
    %squeeze3A_958 = vector.extract %slice3A_957[0] : i32 from vector<1xi32>
    %add3A_959 = arith.constant 13 : i32
    %add3A_960 = arith.addi %multiple_of3A_797, %add3A_959 : i32
    %dma_start3A_961 = arith.constant 0 : i32
    %dma_start3A_962 = tpu.memref_slice %arg6[%add3A_960, %dma_start3A_961] : memref<512x64xf32, #tpu.memory_space<vmem>> -> memref<1x64xf32, #tpu.memory_space<vmem>>
    %dma_start3A_963 = arith.constant 0 : i32
    %dma_start3A_964 = tpu.memref_slice %arg3[%squeeze3A_958, %dma_start3A_963] : memref<1000000x64xf32, #tpu.memory_space<hbm>> -> memref<1x64xf32, #tpu.memory_space<hbm>>
    %dma_start3A_965 = arith.constant 0 : i32
    %dma_start3A_966 = tpu.memref_slice %arg6[%add3A_960, %dma_start3A_965] : memref<512x64xf32, #tpu.memory_space<vmem>> -> memref<1x64xf32, #tpu.memory_space<vmem>>
    %dma_start3A_967 = arith.constant 0 : i32
    %dma_start3A_968 = tpu.memref_slice %arg3[%squeeze3A_958, %dma_start3A_967] : memref<1000000x64xf32, #tpu.memory_space<hbm>> -> memref<1x64xf32, #tpu.memory_space<hbm>>
    tpu.enqueue_dma source(%dma_start3A_968 : memref<1x64xf32, #tpu.memory_space<hbm>>) target(%dma_start3A_966 : memref<1x64xf32, #tpu.memory_space<vmem>>) target_semaphore(%arg7 : memref<!tpu.dma_semaphore, #tpu.memory_space<semaphore_mem>>)
    %slice3A_969 = vector.extract_strided_slice %get3A_800 {offsets = [14], sizes = [1], strides = [1]} : vector<16xi32> to vector<1xi32>
    %squeeze3A_970 = vector.extract %slice3A_969[0] : i32 from vector<1xi32>
    %add3A_971 = arith.constant 14 : i32
    %add3A_972 = arith.addi %multiple_of3A_797, %add3A_971 : i32
    %dma_start3A_973 = arith.constant 0 : i32
    %dma_start3A_974 = tpu.memref_slice %arg6[%add3A_972, %dma_start3A_973] : memref<512x64xf32, #tpu.memory_space<vmem>> -> memref<1x64xf32, #tpu.memory_space<vmem>>
    %dma_start3A_975 = arith.constant 0 : i32
    %dma_start3A_976 = tpu.memref_slice %arg3[%squeeze3A_970, %dma_start3A_975] : memref<1000000x64xf32, #tpu.memory_space<hbm>> -> memref<1x64xf32, #tpu.memory_space<hbm>>
    %dma_start3A_977 = arith.constant 0 : i32
    %dma_start3A_978 = tpu.memref_slice %arg6[%add3A_972, %dma_start3A_977] : memref<512x64xf32, #tpu.memory_space<vmem>> -> memref<1x64xf32, #tpu.memory_space<vmem>>
    %dma_start3A_979 = arith.constant 0 : i32
    %dma_start3A_980 = tpu.memref_slice %arg3[%squeeze3A_970, %dma_start3A_979] : memref<1000000x64xf32, #tpu.memory_space<hbm>> -> memref<1x64xf32, #tpu.memory_space<hbm>>
    tpu.enqueue_dma source(%dma_start3A_980 : memref<1x64xf32, #tpu.memory_space<hbm>>) target(%dma_start3A_978 : memref<1x64xf32, #tpu.memory_space<vmem>>) target_semaphore(%arg7 : memref<!tpu.dma_semaphore, #tpu.memory_space<semaphore_mem>>)
    %slice3A_981 = vector.extract_strided_slice %get3A_800 {offsets = [15], sizes = [1], strides = [1]} : vector<16xi32> to vector<1xi32>
    %squeeze3A_982 = vector.extract %slice3A_981[0] : i32 from vector<1xi32>
    %add3A_983 = arith.constant 15 : i32
    %add3A_984 = arith.addi %multiple_of3A_797, %add3A_983 : i32
    %dma_start3A_985 = arith.constant 0 : i32
    %dma_start3A_986 = tpu.memref_slice %arg6[%add3A_984, %dma_start3A_985] : memref<512x64xf32, #tpu.memory_space<vmem>> -> memref<1x64xf32, #tpu.memory_space<vmem>>
    %dma_start3A_987 = arith.constant 0 : i32
    %dma_start3A_988 = tpu.memref_slice %arg3[%squeeze3A_982, %dma_start3A_987] : memref<1000000x64xf32, #tpu.memory_space<hbm>> -> memref<1x64xf32, #tpu.memory_space<hbm>>
    %dma_start3A_989 = arith.constant 0 : i32
    %dma_start3A_990 = tpu.memref_slice %arg6[%add3A_984, %dma_start3A_989] : memref<512x64xf32, #tpu.memory_space<vmem>> -> memref<1x64xf32, #tpu.memory_space<vmem>>
    %dma_start3A_991 = arith.constant 0 : i32
    %dma_start3A_992 = tpu.memref_slice %arg3[%squeeze3A_982, %dma_start3A_991] : memref<1000000x64xf32, #tpu.memory_space<hbm>> -> memref<1x64xf32, #tpu.memory_space<hbm>>
    tpu.enqueue_dma source(%dma_start3A_992 : memref<1x64xf32, #tpu.memory_space<hbm>>) target(%dma_start3A_990 : memref<1x64xf32, #tpu.memory_space<vmem>>) target_semaphore(%arg7 : memref<!tpu.dma_semaphore, #tpu.memory_space<semaphore_mem>>)
    %scan3A_993 = arith.constant 5 : i32
    %mul3A_994 = arith.constant 16 : i32
    %mul3A_995 = arith.muli %scan3A_993, %mul3A_994 : i32
    %multiple_of3A_996 = tpu.assume_multiple %mul3A_995, 16 : i32
    %get3A_997 = arith.index_cast %multiple_of3A_996 : i32 to index
    %get3A_998 = tpu.vector_load %arg5[%get3A_997] {strides = array<i32>} : memref<512xi32, #tpu.memory_space<vmem>>, vector<16xi32>,
    %get3A_999 = vector.shape_cast %get3A_998 : vector<16xi32> to vector<16xi32>
    %slice3A_1000 = vector.extract_strided_slice %get3A_999 {offsets = [0], sizes = [1], strides = [1]} : vector<16xi32> to vector<1xi32>
    %squeeze3A_1001 = vector.extract %slice3A_1000[0] : i32 from vector<1xi32>
    %add3A_1002 = arith.constant 0 : i32
    %add3A_1003 = arith.addi %multiple_of3A_996, %add3A_1002 : i32
    %dma_start3A_1004 = arith.constant 0 : i32
    %dma_start3A_1005 = tpu.memref_slice %arg6[%add3A_1003, %dma_start3A_1004] : memref<512x64xf32, #tpu.memory_space<vmem>> -> memref<1x64xf32, #tpu.memory_space<vmem>>
    %dma_start3A_1006 = arith.constant 0 : i32
    %dma_start3A_1007 = tpu.memref_slice %arg3[%squeeze3A_1001, %dma_start3A_1006] : memref<1000000x64xf32, #tpu.memory_space<hbm>> -> memref<1x64xf32, #tpu.memory_space<hbm>>
    %dma_start3A_1008 = arith.constant 0 : i32
    %dma_start3A_1009 = tpu.memref_slice %arg6[%add3A_1003, %dma_start3A_1008] : memref<512x64xf32, #tpu.memory_space<vmem>> -> memref<1x64xf32, #tpu.memory_space<vmem>>
    %dma_start3A_1010 = arith.constant 0 : i32
    %dma_start3A_1011 = tpu.memref_slice %arg3[%squeeze3A_1001, %dma_start3A_1010] : memref<1000000x64xf32, #tpu.memory_space<hbm>> -> memref<1x64xf32, #tpu.memory_space<hbm>>
    tpu.enqueue_dma source(%dma_start3A_1011 : memref<1x64xf32, #tpu.memory_space<hbm>>) target(%dma_start3A_1009 : memref<1x64xf32, #tpu.memory_space<vmem>>) target_semaphore(%arg7 : memref<!tpu.dma_semaphore, #tpu.memory_space<semaphore_mem>>)
    %slice3A_1012 = vector.extract_strided_slice %get3A_999 {offsets = [1], sizes = [1], strides = [1]} : vector<16xi32> to vector<1xi32>
    %squeeze3A_1013 = vector.extract %slice3A_1012[0] : i32 from vector<1xi32>
    %add3A_1014 = arith.constant 1 : i32
    %add3A_1015 = arith.addi %multiple_of3A_996, %add3A_1014 : i32
    %dma_start3A_1016 = arith.constant 0 : i32
    %dma_start3A_1017 = tpu.memref_slice %arg6[%add3A_1015, %dma_start3A_1016] : memref<512x64xf32, #tpu.memory_space<vmem>> -> memref<1x64xf32, #tpu.memory_space<vmem>>
    %dma_start3A_1018 = arith.constant 0 : i32
    %dma_start3A_1019 = tpu.memref_slice %arg3[%squeeze3A_1013, %dma_start3A_1018] : memref<1000000x64xf32, #tpu.memory_space<hbm>> -> memref<1x64xf32, #tpu.memory_space<hbm>>
    %dma_start3A_1020 = arith.constant 0 : i32
    %dma_start3A_1021 = tpu.memref_slice %arg6[%add3A_1015, %dma_start3A_1020] : memref<512x64xf32, #tpu.memory_space<vmem>> -> memref<1x64xf32, #tpu.memory_space<vmem>>
    %dma_start3A_1022 = arith.constant 0 : i32
    %dma_start3A_1023 = tpu.memref_slice %arg3[%squeeze3A_1013, %dma_start3A_1022] : memref<1000000x64xf32, #tpu.memory_space<hbm>> -> memref<1x64xf32, #tpu.memory_space<hbm>>
    tpu.enqueue_dma source(%dma_start3A_1023 : memref<1x64xf32, #tpu.memory_space<hbm>>) target(%dma_start3A_1021 : memref<1x64xf32, #tpu.memory_space<vmem>>) target_semaphore(%arg7 : memref<!tpu.dma_semaphore, #tpu.memory_space<semaphore_mem>>)
    %slice3A_1024 = vector.extract_strided_slice %get3A_999 {offsets = [2], sizes = [1], strides = [1]} : vector<16xi32> to vector<1xi32>
    %squeeze3A_1025 = vector.extract %slice3A_1024[0] : i32 from vector<1xi32>
    %add3A_1026 = arith.constant 2 : i32
    %add3A_1027 = arith.addi %multiple_of3A_996, %add3A_1026 : i32
    %dma_start3A_1028 = arith.constant 0 : i32
    %dma_start3A_1029 = tpu.memref_slice %arg6[%add3A_1027, %dma_start3A_1028] : memref<512x64xf32, #tpu.memory_space<vmem>> -> memref<1x64xf32, #tpu.memory_space<vmem>>
    %dma_start3A_1030 = arith.constant 0 : i32
    %dma_start3A_1031 = tpu.memref_slice %arg3[%squeeze3A_1025, %dma_start3A_1030] : memref<1000000x64xf32, #tpu.memory_space<hbm>> -> memref<1x64xf32, #tpu.memory_space<hbm>>
    %dma_start3A_1032 = arith.constant 0 : i32
    %dma_start3A_1033 = tpu.memref_slice %arg6[%add3A_1027, %dma_start3A_1032] : memref<512x64xf32, #tpu.memory_space<vmem>> -> memref<1x64xf32, #tpu.memory_space<vmem>>
    %dma_start3A_1034 = arith.constant 0 : i32
    %dma_start3A_1035 = tpu.memref_slice %arg3[%squeeze3A_1025, %dma_start3A_1034] : memref<1000000x64xf32, #tpu.memory_space<hbm>> -> memref<1x64xf32, #tpu.memory_space<hbm>>
    tpu.enqueue_dma source(%dma_start3A_1035 : memref<1x64xf32, #tpu.memory_space<hbm>>) target(%dma_start3A_1033 : memref<1x64xf32, #tpu.memory_space<vmem>>) target_semaphore(%arg7 : memref<!tpu.dma_semaphore, #tpu.memory_space<semaphore_mem>>)
    %slice3A_1036 = vector.extract_strided_slice %get3A_999 {offsets = [3], sizes = [1], strides = [1]} : vector<16xi32> to vector<1xi32>
    %squeeze3A_1037 = vector.extract %slice3A_1036[0] : i32 from vector<1xi32>
    %add3A_1038 = arith.constant 3 : i32
    %add3A_1039 = arith.addi %multiple_of3A_996, %add3A_1038 : i32
    %dma_start3A_1040 = arith.constant 0 : i32
    %dma_start3A_1041 = tpu.memref_slice %arg6[%add3A_1039, %dma_start3A_1040] : memref<512x64xf32, #tpu.memory_space<vmem>> -> memref<1x64xf32, #tpu.memory_space<vmem>>
    %dma_start3A_1042 = arith.constant 0 : i32
    %dma_start3A_1043 = tpu.memref_slice %arg3[%squeeze3A_1037, %dma_start3A_1042] : memref<1000000x64xf32, #tpu.memory_space<hbm>> -> memref<1x64xf32, #tpu.memory_space<hbm>>
    %dma_start3A_1044 = arith.constant 0 : i32
    %dma_start3A_1045 = tpu.memref_slice %arg6[%add3A_1039, %dma_start3A_1044] : memref<512x64xf32, #tpu.memory_space<vmem>> -> memref<1x64xf32, #tpu.memory_space<vmem>>
    %dma_start3A_1046 = arith.constant 0 : i32
    %dma_start3A_1047 = tpu.memref_slice %arg3[%squeeze3A_1037, %dma_start3A_1046] : memref<1000000x64xf32, #tpu.memory_space<hbm>> -> memref<1x64xf32, #tpu.memory_space<hbm>>
    tpu.enqueue_dma source(%dma_start3A_1047 : memref<1x64xf32, #tpu.memory_space<hbm>>) target(%dma_start3A_1045 : memref<1x64xf32, #tpu.memory_space<vmem>>) target_semaphore(%arg7 : memref<!tpu.dma_semaphore, #tpu.memory_space<semaphore_mem>>)
    %slice3A_1048 = vector.extract_strided_slice %get3A_999 {offsets = [4], sizes = [1], strides = [1]} : vector<16xi32> to vector<1xi32>
    %squeeze3A_1049 = vector.extract %slice3A_1048[0] : i32 from vector<1xi32>
    %add3A_1050 = arith.constant 4 : i32
    %add3A_1051 = arith.addi %multiple_of3A_996, %add3A_1050 : i32
    %dma_start3A_1052 = arith.constant 0 : i32
    %dma_start3A_1053 = tpu.memref_slice %arg6[%add3A_1051, %dma_start3A_1052] : memref<512x64xf32, #tpu.memory_space<vmem>> -> memref<1x64xf32, #tpu.memory_space<vmem>>
    %dma_start3A_1054 = arith.constant 0 : i32
    %dma_start3A_1055 = tpu.memref_slice %arg3[%squeeze3A_1049, %dma_start3A_1054] : memref<1000000x64xf32, #tpu.memory_space<hbm>> -> memref<1x64xf32, #tpu.memory_space<hbm>>
    %dma_start3A_1056 = arith.constant 0 : i32
    %dma_start3A_1057 = tpu.memref_slice %arg6[%add3A_1051, %dma_start3A_1056] : memref<512x64xf32, #tpu.memory_space<vmem>> -> memref<1x64xf32, #tpu.memory_space<vmem>>
    %dma_start3A_1058 = arith.constant 0 : i32
    %dma_start3A_1059 = tpu.memref_slice %arg3[%squeeze3A_1049, %dma_start3A_1058] : memref<1000000x64xf32, #tpu.memory_space<hbm>> -> memref<1x64xf32, #tpu.memory_space<hbm>>
    tpu.enqueue_dma source(%dma_start3A_1059 : memref<1x64xf32, #tpu.memory_space<hbm>>) target(%dma_start3A_1057 : memref<1x64xf32, #tpu.memory_space<vmem>>) target_semaphore(%arg7 : memref<!tpu.dma_semaphore, #tpu.memory_space<semaphore_mem>>)
    %slice3A_1060 = vector.extract_strided_slice %get3A_999 {offsets = [5], sizes = [1], strides = [1]} : vector<16xi32> to vector<1xi32>
    %squeeze3A_1061 = vector.extract %slice3A_1060[0] : i32 from vector<1xi32>
    %add3A_1062 = arith.constant 5 : i32
    %add3A_1063 = arith.addi %multiple_of3A_996, %add3A_1062 : i32
    %dma_start3A_1064 = arith.constant 0 : i32
    %dma_start3A_1065 = tpu.memref_slice %arg6[%add3A_1063, %dma_start3A_1064] : memref<512x64xf32, #tpu.memory_space<vmem>> -> memref<1x64xf32, #tpu.memory_space<vmem>>
    %dma_start3A_1066 = arith.constant 0 : i32
    %dma_start3A_1067 = tpu.memref_slice %arg3[%squeeze3A_1061, %dma_start3A_1066] : memref<1000000x64xf32, #tpu.memory_space<hbm>> -> memref<1x64xf32, #tpu.memory_space<hbm>>
    %dma_start3A_1068 = arith.constant 0 : i32
    %dma_start3A_1069 = tpu.memref_slice %arg6[%add3A_1063, %dma_start3A_1068] : memref<512x64xf32, #tpu.memory_space<vmem>> -> memref<1x64xf32, #tpu.memory_space<vmem>>
    %dma_start3A_1070 = arith.constant 0 : i32
    %dma_start3A_1071 = tpu.memref_slice %arg3[%squeeze3A_1061, %dma_start3A_1070] : memref<1000000x64xf32, #tpu.memory_space<hbm>> -> memref<1x64xf32, #tpu.memory_space<hbm>>
    tpu.enqueue_dma source(%dma_start3A_1071 : memref<1x64xf32, #tpu.memory_space<hbm>>) target(%dma_start3A_1069 : memref<1x64xf32, #tpu.memory_space<vmem>>) target_semaphore(%arg7 : memref<!tpu.dma_semaphore, #tpu.memory_space<semaphore_mem>>)
    %slice3A_1072 = vector.extract_strided_slice %get3A_999 {offsets = [6], sizes = [1], strides = [1]} : vector<16xi32> to vector<1xi32>
    %squeeze3A_1073 = vector.extract %slice3A_1072[0] : i32 from vector<1xi32>
    %add3A_1074 = arith.constant 6 : i32
    %add3A_1075 = arith.addi %multiple_of3A_996, %add3A_1074 : i32
    %dma_start3A_1076 = arith.constant 0 : i32
    %dma_start3A_1077 = tpu.memref_slice %arg6[%add3A_1075, %dma_start3A_1076] : memref<512x64xf32, #tpu.memory_space<vmem>> -> memref<1x64xf32, #tpu.memory_space<vmem>>
    %dma_start3A_1078 = arith.constant 0 : i32
    %dma_start3A_1079 = tpu.memref_slice %arg3[%squeeze3A_1073, %dma_start3A_1078] : memref<1000000x64xf32, #tpu.memory_space<hbm>> -> memref<1x64xf32, #tpu.memory_space<hbm>>
    %dma_start3A_1080 = arith.constant 0 : i32
    %dma_start3A_1081 = tpu.memref_slice %arg6[%add3A_1075, %dma_start3A_1080] : memref<512x64xf32, #tpu.memory_space<vmem>> -> memref<1x64xf32, #tpu.memory_space<vmem>>
    %dma_start3A_1082 = arith.constant 0 : i32
    %dma_start3A_1083 = tpu.memref_slice %arg3[%squeeze3A_1073, %dma_start3A_1082] : memref<1000000x64xf32, #tpu.memory_space<hbm>> -> memref<1x64xf32, #tpu.memory_space<hbm>>
    tpu.enqueue_dma source(%dma_start3A_1083 : memref<1x64xf32, #tpu.memory_space<hbm>>) target(%dma_start3A_1081 : memref<1x64xf32, #tpu.memory_space<vmem>>) target_semaphore(%arg7 : memref<!tpu.dma_semaphore, #tpu.memory_space<semaphore_mem>>)
    %slice3A_1084 = vector.extract_strided_slice %get3A_999 {offsets = [7], sizes = [1], strides = [1]} : vector<16xi32> to vector<1xi32>
    %squeeze3A_1085 = vector.extract %slice3A_1084[0] : i32 from vector<1xi32>
    %add3A_1086 = arith.constant 7 : i32
    %add3A_1087 = arith.addi %multiple_of3A_996, %add3A_1086 : i32
    %dma_start3A_1088 = arith.constant 0 : i32
    %dma_start3A_1089 = tpu.memref_slice %arg6[%add3A_1087, %dma_start3A_1088] : memref<512x64xf32, #tpu.memory_space<vmem>> -> memref<1x64xf32, #tpu.memory_space<vmem>>
    %dma_start3A_1090 = arith.constant 0 : i32
    %dma_start3A_1091 = tpu.memref_slice %arg3[%squeeze3A_1085, %dma_start3A_1090] : memref<1000000x64xf32, #tpu.memory_space<hbm>> -> memref<1x64xf32, #tpu.memory_space<hbm>>
    %dma_start3A_1092 = arith.constant 0 : i32
    %dma_start3A_1093 = tpu.memref_slice %arg6[%add3A_1087, %dma_start3A_1092] : memref<512x64xf32, #tpu.memory_space<vmem>> -> memref<1x64xf32, #tpu.memory_space<vmem>>
    %dma_start3A_1094 = arith.constant 0 : i32
    %dma_start3A_1095 = tpu.memref_slice %arg3[%squeeze3A_1085, %dma_start3A_1094] : memref<1000000x64xf32, #tpu.memory_space<hbm>> -> memref<1x64xf32, #tpu.memory_space<hbm>>
    tpu.enqueue_dma source(%dma_start3A_1095 : memref<1x64xf32, #tpu.memory_space<hbm>>) target(%dma_start3A_1093 : memref<1x64xf32, #tpu.memory_space<vmem>>) target_semaphore(%arg7 : memref<!tpu.dma_semaphore, #tpu.memory_space<semaphore_mem>>)
    %slice3A_1096 = vector.extract_strided_slice %get3A_999 {offsets = [8], sizes = [1], strides = [1]} : vector<16xi32> to vector<1xi32>
    %squeeze3A_1097 = vector.extract %slice3A_1096[0] : i32 from vector<1xi32>
    %add3A_1098 = arith.constant 8 : i32
    %add3A_1099 = arith.addi %multiple_of3A_996, %add3A_1098 : i32
    %dma_start3A_1100 = arith.constant 0 : i32
    %dma_start3A_1101 = tpu.memref_slice %arg6[%add3A_1099, %dma_start3A_1100] : memref<512x64xf32, #tpu.memory_space<vmem>> -> memref<1x64xf32, #tpu.memory_space<vmem>>
    %dma_start3A_1102 = arith.constant 0 : i32
    %dma_start3A_1103 = tpu.memref_slice %arg3[%squeeze3A_1097, %dma_start3A_1102] : memref<1000000x64xf32, #tpu.memory_space<hbm>> -> memref<1x64xf32, #tpu.memory_space<hbm>>
    %dma_start3A_1104 = arith.constant 0 : i32
    %dma_start3A_1105 = tpu.memref_slice %arg6[%add3A_1099, %dma_start3A_1104] : memref<512x64xf32, #tpu.memory_space<vmem>> -> memref<1x64xf32, #tpu.memory_space<vmem>>
    %dma_start3A_1106 = arith.constant 0 : i32
    %dma_start3A_1107 = tpu.memref_slice %arg3[%squeeze3A_1097, %dma_start3A_1106] : memref<1000000x64xf32, #tpu.memory_space<hbm>> -> memref<1x64xf32, #tpu.memory_space<hbm>>
    tpu.enqueue_dma source(%dma_start3A_1107 : memref<1x64xf32, #tpu.memory_space<hbm>>) target(%dma_start3A_1105 : memref<1x64xf32, #tpu.memory_space<vmem>>) target_semaphore(%arg7 : memref<!tpu.dma_semaphore, #tpu.memory_space<semaphore_mem>>)
    %slice3A_1108 = vector.extract_strided_slice %get3A_999 {offsets = [9], sizes = [1], strides = [1]} : vector<16xi32> to vector<1xi32>
    %squeeze3A_1109 = vector.extract %slice3A_1108[0] : i32 from vector<1xi32>
    %add3A_1110 = arith.constant 9 : i32
    %add3A_1111 = arith.addi %multiple_of3A_996, %add3A_1110 : i32
    %dma_start3A_1112 = arith.constant 0 : i32
    %dma_start3A_1113 = tpu.memref_slice %arg6[%add3A_1111, %dma_start3A_1112] : memref<512x64xf32, #tpu.memory_space<vmem>> -> memref<1x64xf32, #tpu.memory_space<vmem>>
    %dma_start3A_1114 = arith.constant 0 : i32
    %dma_start3A_1115 = tpu.memref_slice %arg3[%squeeze3A_1109, %dma_start3A_1114] : memref<1000000x64xf32, #tpu.memory_space<hbm>> -> memref<1x64xf32, #tpu.memory_space<hbm>>
    %dma_start3A_1116 = arith.constant 0 : i32
    %dma_start3A_1117 = tpu.memref_slice %arg6[%add3A_1111, %dma_start3A_1116] : memref<512x64xf32, #tpu.memory_space<vmem>> -> memref<1x64xf32, #tpu.memory_space<vmem>>
    %dma_start3A_1118 = arith.constant 0 : i32
    %dma_start3A_1119 = tpu.memref_slice %arg3[%squeeze3A_1109, %dma_start3A_1118] : memref<1000000x64xf32, #tpu.memory_space<hbm>> -> memref<1x64xf32, #tpu.memory_space<hbm>>
    tpu.enqueue_dma source(%dma_start3A_1119 : memref<1x64xf32, #tpu.memory_space<hbm>>) target(%dma_start3A_1117 : memref<1x64xf32, #tpu.memory_space<vmem>>) target_semaphore(%arg7 : memref<!tpu.dma_semaphore, #tpu.memory_space<semaphore_mem>>)
    %slice3A_1120 = vector.extract_strided_slice %get3A_999 {offsets = [10], sizes = [1], strides = [1]} : vector<16xi32> to vector<1xi32>
    %squeeze3A_1121 = vector.extract %slice3A_1120[0] : i32 from vector<1xi32>
    %add3A_1122 = arith.constant 10 : i32
    %add3A_1123 = arith.addi %multiple_of3A_996, %add3A_1122 : i32
    %dma_start3A_1124 = arith.constant 0 : i32
    %dma_start3A_1125 = tpu.memref_slice %arg6[%add3A_1123, %dma_start3A_1124] : memref<512x64xf32, #tpu.memory_space<vmem>> -> memref<1x64xf32, #tpu.memory_space<vmem>>
    %dma_start3A_1126 = arith.constant 0 : i32
    %dma_start3A_1127 = tpu.memref_slice %arg3[%squeeze3A_1121, %dma_start3A_1126] : memref<1000000x64xf32, #tpu.memory_space<hbm>> -> memref<1x64xf32, #tpu.memory_space<hbm>>
    %dma_start3A_1128 = arith.constant 0 : i32
    %dma_start3A_1129 = tpu.memref_slice %arg6[%add3A_1123, %dma_start3A_1128] : memref<512x64xf32, #tpu.memory_space<vmem>> -> memref<1x64xf32, #tpu.memory_space<vmem>>
    %dma_start3A_1130 = arith.constant 0 : i32
    %dma_start3A_1131 = tpu.memref_slice %arg3[%squeeze3A_1121, %dma_start3A_1130] : memref<1000000x64xf32, #tpu.memory_space<hbm>> -> memref<1x64xf32, #tpu.memory_space<hbm>>
    tpu.enqueue_dma source(%dma_start3A_1131 : memref<1x64xf32, #tpu.memory_space<hbm>>) target(%dma_start3A_1129 : memref<1x64xf32, #tpu.memory_space<vmem>>) target_semaphore(%arg7 : memref<!tpu.dma_semaphore, #tpu.memory_space<semaphore_mem>>)
    %slice3A_1132 = vector.extract_strided_slice %get3A_999 {offsets = [11], sizes = [1], strides = [1]} : vector<16xi32> to vector<1xi32>
    %squeeze3A_1133 = vector.extract %slice3A_1132[0] : i32 from vector<1xi32>
    %add3A_1134 = arith.constant 11 : i32
    %add3A_1135 = arith.addi %multiple_of3A_996, %add3A_1134 : i32
    %dma_start3A_1136 = arith.constant 0 : i32
    %dma_start3A_1137 = tpu.memref_slice %arg6[%add3A_1135, %dma_start3A_1136] : memref<512x64xf32, #tpu.memory_space<vmem>> -> memref<1x64xf32, #tpu.memory_space<vmem>>
    %dma_start3A_1138 = arith.constant 0 : i32
    %dma_start3A_1139 = tpu.memref_slice %arg3[%squeeze3A_1133, %dma_start3A_1138] : memref<1000000x64xf32, #tpu.memory_space<hbm>> -> memref<1x64xf32, #tpu.memory_space<hbm>>
    %dma_start3A_1140 = arith.constant 0 : i32
    %dma_start3A_1141 = tpu.memref_slice %arg6[%add3A_1135, %dma_start3A_1140] : memref<512x64xf32, #tpu.memory_space<vmem>> -> memref<1x64xf32, #tpu.memory_space<vmem>>
    %dma_start3A_1142 = arith.constant 0 : i32
    %dma_start3A_1143 = tpu.memref_slice %arg3[%squeeze3A_1133, %dma_start3A_1142] : memref<1000000x64xf32, #tpu.memory_space<hbm>> -> memref<1x64xf32, #tpu.memory_space<hbm>>
    tpu.enqueue_dma source(%dma_start3A_1143 : memref<1x64xf32, #tpu.memory_space<hbm>>) target(%dma_start3A_1141 : memref<1x64xf32, #tpu.memory_space<vmem>>) target_semaphore(%arg7 : memref<!tpu.dma_semaphore, #tpu.memory_space<semaphore_mem>>)
    %slice3A_1144 = vector.extract_strided_slice %get3A_999 {offsets = [12], sizes = [1], strides = [1]} : vector<16xi32> to vector<1xi32>
    %squeeze3A_1145 = vector.extract %slice3A_1144[0] : i32 from vector<1xi32>
    %add3A_1146 = arith.constant 12 : i32
    %add3A_1147 = arith.addi %multiple_of3A_996, %add3A_1146 : i32
    %dma_start3A_1148 = arith.constant 0 : i32
    %dma_start3A_1149 = tpu.memref_slice %arg6[%add3A_1147, %dma_start3A_1148] : memref<512x64xf32, #tpu.memory_space<vmem>> -> memref<1x64xf32, #tpu.memory_space<vmem>>
    %dma_start3A_1150 = arith.constant 0 : i32
    %dma_start3A_1151 = tpu.memref_slice %arg3[%squeeze3A_1145, %dma_start3A_1150] : memref<1000000x64xf32, #tpu.memory_space<hbm>> -> memref<1x64xf32, #tpu.memory_space<hbm>>
    %dma_start3A_1152 = arith.constant 0 : i32
    %dma_start3A_1153 = tpu.memref_slice %arg6[%add3A_1147, %dma_start3A_1152] : memref<512x64xf32, #tpu.memory_space<vmem>> -> memref<1x64xf32, #tpu.memory_space<vmem>>
    %dma_start3A_1154 = arith.constant 0 : i32
    %dma_start3A_1155 = tpu.memref_slice %arg3[%squeeze3A_1145, %dma_start3A_1154] : memref<1000000x64xf32, #tpu.memory_space<hbm>> -> memref<1x64xf32, #tpu.memory_space<hbm>>
    tpu.enqueue_dma source(%dma_start3A_1155 : memref<1x64xf32, #tpu.memory_space<hbm>>) target(%dma_start3A_1153 : memref<1x64xf32, #tpu.memory_space<vmem>>) target_semaphore(%arg7 : memref<!tpu.dma_semaphore, #tpu.memory_space<semaphore_mem>>)
    %slice3A_1156 = vector.extract_strided_slice %get3A_999 {offsets = [13], sizes = [1], strides = [1]} : vector<16xi32> to vector<1xi32>
    %squeeze3A_1157 = vector.extract %slice3A_1156[0] : i32 from vector<1xi32>
    %add3A_1158 = arith.constant 13 : i32
    %add3A_1159 = arith.addi %multiple_of3A_996, %add3A_1158 : i32
    %dma_start3A_1160 = arith.constant 0 : i32
    %dma_start3A_1161 = tpu.memref_slice %arg6[%add3A_1159, %dma_start3A_1160] : memref<512x64xf32, #tpu.memory_space<vmem>> -> memref<1x64xf32, #tpu.memory_space<vmem>>
    %dma_start3A_1162 = arith.constant 0 : i32
    %dma_start3A_1163 = tpu.memref_slice %arg3[%squeeze3A_1157, %dma_start3A_1162] : memref<1000000x64xf32, #tpu.memory_space<hbm>> -> memref<1x64xf32, #tpu.memory_space<hbm>>
    %dma_start3A_1164 = arith.constant 0 : i32
    %dma_start3A_1165 = tpu.memref_slice %arg6[%add3A_1159, %dma_start3A_1164] : memref<512x64xf32, #tpu.memory_space<vmem>> -> memref<1x64xf32, #tpu.memory_space<vmem>>
    %dma_start3A_1166 = arith.constant 0 : i32
    %dma_start3A_1167 = tpu.memref_slice %arg3[%squeeze3A_1157, %dma_start3A_1166] : memref<1000000x64xf32, #tpu.memory_space<hbm>> -> memref<1x64xf32, #tpu.memory_space<hbm>>
    tpu.enqueue_dma source(%dma_start3A_1167 : memref<1x64xf32, #tpu.memory_space<hbm>>) target(%dma_start3A_1165 : memref<1x64xf32, #tpu.memory_space<vmem>>) target_semaphore(%arg7 : memref<!tpu.dma_semaphore, #tpu.memory_space<semaphore_mem>>)
    %slice3A_1168 = vector.extract_strided_slice %get3A_999 {offsets = [14], sizes = [1], strides = [1]} : vector<16xi32> to vector<1xi32>
    %squeeze3A_1169 = vector.extract %slice3A_1168[0] : i32 from vector<1xi32>
    %add3A_1170 = arith.constant 14 : i32
    %add3A_1171 = arith.addi %multiple_of3A_996, %add3A_1170 : i32
    %dma_start3A_1172 = arith.constant 0 : i32
    %dma_start3A_1173 = tpu.memref_slice %arg6[%add3A_1171, %dma_start3A_1172] : memref<512x64xf32, #tpu.memory_space<vmem>> -> memref<1x64xf32, #tpu.memory_space<vmem>>
    %dma_start3A_1174 = arith.constant 0 : i32
    %dma_start3A_1175 = tpu.memref_slice %arg3[%squeeze3A_1169, %dma_start3A_1174] : memref<1000000x64xf32, #tpu.memory_space<hbm>> -> memref<1x64xf32, #tpu.memory_space<hbm>>
    %dma_start3A_1176 = arith.constant 0 : i32
    %dma_start3A_1177 = tpu.memref_slice %arg6[%add3A_1171, %dma_start3A_1176] : memref<512x64xf32, #tpu.memory_space<vmem>> -> memref<1x64xf32, #tpu.memory_space<vmem>>
    %dma_start3A_1178 = arith.constant 0 : i32
    %dma_start3A_1179 = tpu.memref_slice %arg3[%squeeze3A_1169, %dma_start3A_1178] : memref<1000000x64xf32, #tpu.memory_space<hbm>> -> memref<1x64xf32, #tpu.memory_space<hbm>>
    tpu.enqueue_dma source(%dma_start3A_1179 : memref<1x64xf32, #tpu.memory_space<hbm>>) target(%dma_start3A_1177 : memref<1x64xf32, #tpu.memory_space<vmem>>) target_semaphore(%arg7 : memref<!tpu.dma_semaphore, #tpu.memory_space<semaphore_mem>>)
    %slice3A_1180 = vector.extract_strided_slice %get3A_999 {offsets = [15], sizes = [1], strides = [1]} : vector<16xi32> to vector<1xi32>
    %squeeze3A_1181 = vector.extract %slice3A_1180[0] : i32 from vector<1xi32>
    %add3A_1182 = arith.constant 15 : i32
    %add3A_1183 = arith.addi %multiple_of3A_996, %add3A_1182 : i32
    %dma_start3A_1184 = arith.constant 0 : i32
    %dma_start3A_1185 = tpu.memref_slice %arg6[%add3A_1183, %dma_start3A_1184] : memref<512x64xf32, #tpu.memory_space<vmem>> -> memref<1x64xf32, #tpu.memory_space<vmem>>
    %dma_start3A_1186 = arith.constant 0 : i32
    %dma_start3A_1187 = tpu.memref_slice %arg3[%squeeze3A_1181, %dma_start3A_1186] : memref<1000000x64xf32, #tpu.memory_space<hbm>> -> memref<1x64xf32, #tpu.memory_space<hbm>>
    %dma_start3A_1188 = arith.constant 0 : i32
    %dma_start3A_1189 = tpu.memref_slice %arg6[%add3A_1183, %dma_start3A_1188] : memref<512x64xf32, #tpu.memory_space<vmem>> -> memref<1x64xf32, #tpu.memory_space<vmem>>
    %dma_start3A_1190 = arith.constant 0 : i32
    %dma_start3A_1191 = tpu.memref_slice %arg3[%squeeze3A_1181, %dma_start3A_1190] : memref<1000000x64xf32, #tpu.memory_space<hbm>> -> memref<1x64xf32, #tpu.memory_space<hbm>>
    tpu.enqueue_dma source(%dma_start3A_1191 : memref<1x64xf32, #tpu.memory_space<hbm>>) target(%dma_start3A_1189 : memref<1x64xf32, #tpu.memory_space<vmem>>) target_semaphore(%arg7 : memref<!tpu.dma_semaphore, #tpu.memory_space<semaphore_mem>>)
    %scan3A_1192 = arith.constant 6 : i32
    %mul3A_1193 = arith.constant 16 : i32
    %mul3A_1194 = arith.muli %scan3A_1192, %mul3A_1193 : i32
    %multiple_of3A_1195 = tpu.assume_multiple %mul3A_1194, 16 : i32
    %get3A_1196 = arith.index_cast %multiple_of3A_1195 : i32 to index
    %get3A_1197 = tpu.vector_load %arg5[%get3A_1196] {strides = array<i32>} : memref<512xi32, #tpu.memory_space<vmem>>, vector<16xi32>,
    %get3A_1198 = vector.shape_cast %get3A_1197 : vector<16xi32> to vector<16xi32>
    %slice3A_1199 = vector.extract_strided_slice %get3A_1198 {offsets = [0], sizes = [1], strides = [1]} : vector<16xi32> to vector<1xi32>
    %squeeze3A_1200 = vector.extract %slice3A_1199[0] : i32 from vector<1xi32>
    %add3A_1201 = arith.constant 0 : i32
    %add3A_1202 = arith.addi %multiple_of3A_1195, %add3A_1201 : i32
    %dma_start3A_1203 = arith.constant 0 : i32
    %dma_start3A_1204 = tpu.memref_slice %arg6[%add3A_1202, %dma_start3A_1203] : memref<512x64xf32, #tpu.memory_space<vmem>> -> memref<1x64xf32, #tpu.memory_space<vmem>>
    %dma_start3A_1205 = arith.constant 0 : i32
    %dma_start3A_1206 = tpu.memref_slice %arg3[%squeeze3A_1200, %dma_start3A_1205] : memref<1000000x64xf32, #tpu.memory_space<hbm>> -> memref<1x64xf32, #tpu.memory_space<hbm>>
    %dma_start3A_1207 = arith.constant 0 : i32
    %dma_start3A_1208 = tpu.memref_slice %arg6[%add3A_1202, %dma_start3A_1207] : memref<512x64xf32, #tpu.memory_space<vmem>> -> memref<1x64xf32, #tpu.memory_space<vmem>>
    %dma_start3A_1209 = arith.constant 0 : i32
    %dma_start3A_1210 = tpu.memref_slice %arg3[%squeeze3A_1200, %dma_start3A_1209] : memref<1000000x64xf32, #tpu.memory_space<hbm>> -> memref<1x64xf32, #tpu.memory_space<hbm>>
    tpu.enqueue_dma source(%dma_start3A_1210 : memref<1x64xf32, #tpu.memory_space<hbm>>) target(%dma_start3A_1208 : memref<1x64xf32, #tpu.memory_space<vmem>>) target_semaphore(%arg7 : memref<!tpu.dma_semaphore, #tpu.memory_space<semaphore_mem>>)
    %slice3A_1211 = vector.extract_strided_slice %get3A_1198 {offsets = [1], sizes = [1], strides = [1]} : vector<16xi32> to vector<1xi32>
    %squeeze3A_1212 = vector.extract %slice3A_1211[0] : i32 from vector<1xi32>
    %add3A_1213 = arith.constant 1 : i32
    %add3A_1214 = arith.addi %multiple_of3A_1195, %add3A_1213 : i32
    %dma_start3A_1215 = arith.constant 0 : i32
    %dma_start3A_1216 = tpu.memref_slice %arg6[%add3A_1214, %dma_start3A_1215] : memref<512x64xf32, #tpu.memory_space<vmem>> -> memref<1x64xf32, #tpu.memory_space<vmem>>
    %dma_start3A_1217 = arith.constant 0 : i32
    %dma_start3A_1218 = tpu.memref_slice %arg3[%squeeze3A_1212, %dma_start3A_1217] : memref<1000000x64xf32, #tpu.memory_space<hbm>> -> memref<1x64xf32, #tpu.memory_space<hbm>>
    %dma_start3A_1219 = arith.constant 0 : i32
    %dma_start3A_1220 = tpu.memref_slice %arg6[%add3A_1214, %dma_start3A_1219] : memref<512x64xf32, #tpu.memory_space<vmem>> -> memref<1x64xf32, #tpu.memory_space<vmem>>
    %dma_start3A_1221 = arith.constant 0 : i32
    %dma_start3A_1222 = tpu.memref_slice %arg3[%squeeze3A_1212, %dma_start3A_1221] : memref<1000000x64xf32, #tpu.memory_space<hbm>> -> memref<1x64xf32, #tpu.memory_space<hbm>>
    tpu.enqueue_dma source(%dma_start3A_1222 : memref<1x64xf32, #tpu.memory_space<hbm>>) target(%dma_start3A_1220 : memref<1x64xf32, #tpu.memory_space<vmem>>) target_semaphore(%arg7 : memref<!tpu.dma_semaphore, #tpu.memory_space<semaphore_mem>>)
    %slice3A_1223 = vector.extract_strided_slice %get3A_1198 {offsets = [2], sizes = [1], strides = [1]} : vector<16xi32> to vector<1xi32>
    %squeeze3A_1224 = vector.extract %slice3A_1223[0] : i32 from vector<1xi32>
    %add3A_1225 = arith.constant 2 : i32
    %add3A_1226 = arith.addi %multiple_of3A_1195, %add3A_1225 : i32
    %dma_start3A_1227 = arith.constant 0 : i32
    %dma_start3A_1228 = tpu.memref_slice %arg6[%add3A_1226, %dma_start3A_1227] : memref<512x64xf32, #tpu.memory_space<vmem>> -> memref<1x64xf32, #tpu.memory_space<vmem>>
    %dma_start3A_1229 = arith.constant 0 : i32
    %dma_start3A_1230 = tpu.memref_slice %arg3[%squeeze3A_1224, %dma_start3A_1229] : memref<1000000x64xf32, #tpu.memory_space<hbm>> -> memref<1x64xf32, #tpu.memory_space<hbm>>
    %dma_start3A_1231 = arith.constant 0 : i32
    %dma_start3A_1232 = tpu.memref_slice %arg6[%add3A_1226, %dma_start3A_1231] : memref<512x64xf32, #tpu.memory_space<vmem>> -> memref<1x64xf32, #tpu.memory_space<vmem>>
    %dma_start3A_1233 = arith.constant 0 : i32
    %dma_start3A_1234 = tpu.memref_slice %arg3[%squeeze3A_1224, %dma_start3A_1233] : memref<1000000x64xf32, #tpu.memory_space<hbm>> -> memref<1x64xf32, #tpu.memory_space<hbm>>
    tpu.enqueue_dma source(%dma_start3A_1234 : memref<1x64xf32, #tpu.memory_space<hbm>>) target(%dma_start3A_1232 : memref<1x64xf32, #tpu.memory_space<vmem>>) target_semaphore(%arg7 : memref<!tpu.dma_semaphore, #tpu.memory_space<semaphore_mem>>)
    %slice3A_1235 = vector.extract_strided_slice %get3A_1198 {offsets = [3], sizes = [1], strides = [1]} : vector<16xi32> to vector<1xi32>
    %squeeze3A_1236 = vector.extract %slice3A_1235[0] : i32 from vector<1xi32>
    %add3A_1237 = arith.constant 3 : i32
    %add3A_1238 = arith.addi %multiple_of3A_1195, %add3A_1237 : i32
    %dma_start3A_1239 = arith.constant 0 : i32
    %dma_start3A_1240 = tpu.memref_slice %arg6[%add3A_1238, %dma_start3A_1239] : memref<512x64xf32, #tpu.memory_space<vmem>> -> memref<1x64xf32, #tpu.memory_space<vmem>>
    %dma_start3A_1241 = arith.constant 0 : i32
    %dma_start3A_1242 = tpu.memref_slice %arg3[%squeeze3A_1236, %dma_start3A_1241] : memref<1000000x64xf32, #tpu.memory_space<hbm>> -> memref<1x64xf32, #tpu.memory_space<hbm>>
    %dma_start3A_1243 = arith.constant 0 : i32
    %dma_start3A_1244 = tpu.memref_slice %arg6[%add3A_1238, %dma_start3A_1243] : memref<512x64xf32, #tpu.memory_space<vmem>> -> memref<1x64xf32, #tpu.memory_space<vmem>>
    %dma_start3A_1245 = arith.constant 0 : i32
    %dma_start3A_1246 = tpu.memref_slice %arg3[%squeeze3A_1236, %dma_start3A_1245] : memref<1000000x64xf32, #tpu.memory_space<hbm>> -> memref<1x64xf32, #tpu.memory_space<hbm>>
    tpu.enqueue_dma source(%dma_start3A_1246 : memref<1x64xf32, #tpu.memory_space<hbm>>) target(%dma_start3A_1244 : memref<1x64xf32, #tpu.memory_space<vmem>>) target_semaphore(%arg7 : memref<!tpu.dma_semaphore, #tpu.memory_space<semaphore_mem>>)
    %slice3A_1247 = vector.extract_strided_slice %get3A_1198 {offsets = [4], sizes = [1], strides = [1]} : vector<16xi32> to vector<1xi32>
    %squeeze3A_1248 = vector.extract %slice3A_1247[0] : i32 from vector<1xi32>
    %add3A_1249 = arith.constant 4 : i32
    %add3A_1250 = arith.addi %multiple_of3A_1195, %add3A_1249 : i32
    %dma_start3A_1251 = arith.constant 0 : i32
    %dma_start3A_1252 = tpu.memref_slice %arg6[%add3A_1250, %dma_start3A_1251] : memref<512x64xf32, #tpu.memory_space<vmem>> -> memref<1x64xf32, #tpu.memory_space<vmem>>
    %dma_start3A_1253 = arith.constant 0 : i32
    %dma_start3A_1254 = tpu.memref_slice %arg3[%squeeze3A_1248, %dma_start3A_1253] : memref<1000000x64xf32, #tpu.memory_space<hbm>> -> memref<1x64xf32, #tpu.memory_space<hbm>>
    %dma_start3A_1255 = arith.constant 0 : i32
    %dma_start3A_1256 = tpu.memref_slice %arg6[%add3A_1250, %dma_start3A_1255] : memref<512x64xf32, #tpu.memory_space<vmem>> -> memref<1x64xf32, #tpu.memory_space<vmem>>
    %dma_start3A_1257 = arith.constant 0 : i32
    %dma_start3A_1258 = tpu.memref_slice %arg3[%squeeze3A_1248, %dma_start3A_1257] : memref<1000000x64xf32, #tpu.memory_space<hbm>> -> memref<1x64xf32, #tpu.memory_space<hbm>>
    tpu.enqueue_dma source(%dma_start3A_1258 : memref<1x64xf32, #tpu.memory_space<hbm>>) target(%dma_start3A_1256 : memref<1x64xf32, #tpu.memory_space<vmem>>) target_semaphore(%arg7 : memref<!tpu.dma_semaphore, #tpu.memory_space<semaphore_mem>>)
    %slice3A_1259 = vector.extract_strided_slice %get3A_1198 {offsets = [5], sizes = [1], strides = [1]} : vector<16xi32> to vector<1xi32>
    %squeeze3A_1260 = vector.extract %slice3A_1259[0] : i32 from vector<1xi32>
    %add3A_1261 = arith.constant 5 : i32
    %add3A_1262 = arith.addi %multiple_of3A_1195, %add3A_1261 : i32
    %dma_start3A_1263 = arith.constant 0 : i32
    %dma_start3A_1264 = tpu.memref_slice %arg6[%add3A_1262, %dma_start3A_1263] : memref<512x64xf32, #tpu.memory_space<vmem>> -> memref<1x64xf32, #tpu.memory_space<vmem>>
    %dma_start3A_1265 = arith.constant 0 : i32
    %dma_start3A_1266 = tpu.memref_slice %arg3[%squeeze3A_1260, %dma_start3A_1265] : memref<1000000x64xf32, #tpu.memory_space<hbm>> -> memref<1x64xf32, #tpu.memory_space<hbm>>
    %dma_start3A_1267 = arith.constant 0 : i32
    %dma_start3A_1268 = tpu.memref_slice %arg6[%add3A_1262, %dma_start3A_1267] : memref<512x64xf32, #tpu.memory_space<vmem>> -> memref<1x64xf32, #tpu.memory_space<vmem>>
    %dma_start3A_1269 = arith.constant 0 : i32
    %dma_start3A_1270 = tpu.memref_slice %arg3[%squeeze3A_1260, %dma_start3A_1269] : memref<1000000x64xf32, #tpu.memory_space<hbm>> -> memref<1x64xf32, #tpu.memory_space<hbm>>
    tpu.enqueue_dma source(%dma_start3A_1270 : memref<1x64xf32, #tpu.memory_space<hbm>>) target(%dma_start3A_1268 : memref<1x64xf32, #tpu.memory_space<vmem>>) target_semaphore(%arg7 : memref<!tpu.dma_semaphore, #tpu.memory_space<semaphore_mem>>)
    %slice3A_1271 = vector.extract_strided_slice %get3A_1198 {offsets = [6], sizes = [1], strides = [1]} : vector<16xi32> to vector<1xi32>
    %squeeze3A_1272 = vector.extract %slice3A_1271[0] : i32 from vector<1xi32>
    %add3A_1273 = arith.constant 6 : i32
    %add3A_1274 = arith.addi %multiple_of3A_1195, %add3A_1273 : i32
    %dma_start3A_1275 = arith.constant 0 : i32
    %dma_start3A_1276 = tpu.memref_slice %arg6[%add3A_1274, %dma_start3A_1275] : memref<512x64xf32, #tpu.memory_space<vmem>> -> memref<1x64xf32, #tpu.memory_space<vmem>>
    %dma_start3A_1277 = arith.constant 0 : i32
    %dma_start3A_1278 = tpu.memref_slice %arg3[%squeeze3A_1272, %dma_start3A_1277] : memref<1000000x64xf32, #tpu.memory_space<hbm>> -> memref<1x64xf32, #tpu.memory_space<hbm>>
    %dma_start3A_1279 = arith.constant 0 : i32
    %dma_start3A_1280 = tpu.memref_slice %arg6[%add3A_1274, %dma_start3A_1279] : memref<512x64xf32, #tpu.memory_space<vmem>> -> memref<1x64xf32, #tpu.memory_space<vmem>>
    %dma_start3A_1281 = arith.constant 0 : i32
    %dma_start3A_1282 = tpu.memref_slice %arg3[%squeeze3A_1272, %dma_start3A_1281] : memref<1000000x64xf32, #tpu.memory_space<hbm>> -> memref<1x64xf32, #tpu.memory_space<hbm>>
    tpu.enqueue_dma source(%dma_start3A_1282 : memref<1x64xf32, #tpu.memory_space<hbm>>) target(%dma_start3A_1280 : memref<1x64xf32, #tpu.memory_space<vmem>>) target_semaphore(%arg7 : memref<!tpu.dma_semaphore, #tpu.memory_space<semaphore_mem>>)
    %slice3A_1283 = vector.extract_strided_slice %get3A_1198 {offsets = [7], sizes = [1], strides = [1]} : vector<16xi32> to vector<1xi32>
    %squeeze3A_1284 = vector.extract %slice3A_1283[0] : i32 from vector<1xi32>
    %add3A_1285 = arith.constant 7 : i32
    %add3A_1286 = arith.addi %multiple_of3A_1195, %add3A_1285 : i32
    %dma_start3A_1287 = arith.constant 0 : i32
    %dma_start3A_1288 = tpu.memref_slice %arg6[%add3A_1286, %dma_start3A_1287] : memref<512x64xf32, #tpu.memory_space<vmem>> -> memref<1x64xf32, #tpu.memory_space<vmem>>
    %dma_start3A_1289 = arith.constant 0 : i32
    %dma_start3A_1290 = tpu.memref_slice %arg3[%squeeze3A_1284, %dma_start3A_1289] : memref<1000000x64xf32, #tpu.memory_space<hbm>> -> memref<1x64xf32, #tpu.memory_space<hbm>>
    %dma_start3A_1291 = arith.constant 0 : i32
    %dma_start3A_1292 = tpu.memref_slice %arg6[%add3A_1286, %dma_start3A_1291] : memref<512x64xf32, #tpu.memory_space<vmem>> -> memref<1x64xf32, #tpu.memory_space<vmem>>
    %dma_start3A_1293 = arith.constant 0 : i32
    %dma_start3A_1294 = tpu.memref_slice %arg3[%squeeze3A_1284, %dma_start3A_1293] : memref<1000000x64xf32, #tpu.memory_space<hbm>> -> memref<1x64xf32, #tpu.memory_space<hbm>>
    tpu.enqueue_dma source(%dma_start3A_1294 : memref<1x64xf32, #tpu.memory_space<hbm>>) target(%dma_start3A_1292 : memref<1x64xf32, #tpu.memory_space<vmem>>) target_semaphore(%arg7 : memref<!tpu.dma_semaphore, #tpu.memory_space<semaphore_mem>>)
    %slice3A_1295 = vector.extract_strided_slice %get3A_1198 {offsets = [8], sizes = [1], strides = [1]} : vector<16xi32> to vector<1xi32>
    %squeeze3A_1296 = vector.extract %slice3A_1295[0] : i32 from vector<1xi32>
    %add3A_1297 = arith.constant 8 : i32
    %add3A_1298 = arith.addi %multiple_of3A_1195, %add3A_1297 : i32
    %dma_start3A_1299 = arith.constant 0 : i32
    %dma_start3A_1300 = tpu.memref_slice %arg6[%add3A_1298, %dma_start3A_1299] : memref<512x64xf32, #tpu.memory_space<vmem>> -> memref<1x64xf32, #tpu.memory_space<vmem>>
    %dma_start3A_1301 = arith.constant 0 : i32
    %dma_start3A_1302 = tpu.memref_slice %arg3[%squeeze3A_1296, %dma_start3A_1301] : memref<1000000x64xf32, #tpu.memory_space<hbm>> -> memref<1x64xf32, #tpu.memory_space<hbm>>
    %dma_start3A_1303 = arith.constant 0 : i32
    %dma_start3A_1304 = tpu.memref_slice %arg6[%add3A_1298, %dma_start3A_1303] : memref<512x64xf32, #tpu.memory_space<vmem>> -> memref<1x64xf32, #tpu.memory_space<vmem>>
    %dma_start3A_1305 = arith.constant 0 : i32
    %dma_start3A_1306 = tpu.memref_slice %arg3[%squeeze3A_1296, %dma_start3A_1305] : memref<1000000x64xf32, #tpu.memory_space<hbm>> -> memref<1x64xf32, #tpu.memory_space<hbm>>
    tpu.enqueue_dma source(%dma_start3A_1306 : memref<1x64xf32, #tpu.memory_space<hbm>>) target(%dma_start3A_1304 : memref<1x64xf32, #tpu.memory_space<vmem>>) target_semaphore(%arg7 : memref<!tpu.dma_semaphore, #tpu.memory_space<semaphore_mem>>)
    %slice3A_1307 = vector.extract_strided_slice %get3A_1198 {offsets = [9], sizes = [1], strides = [1]} : vector<16xi32> to vector<1xi32>
    %squeeze3A_1308 = vector.extract %slice3A_1307[0] : i32 from vector<1xi32>
    %add3A_1309 = arith.constant 9 : i32
    %add3A_1310 = arith.addi %multiple_of3A_1195, %add3A_1309 : i32
    %dma_start3A_1311 = arith.constant 0 : i32
    %dma_start3A_1312 = tpu.memref_slice %arg6[%add3A_1310, %dma_start3A_1311] : memref<512x64xf32, #tpu.memory_space<vmem>> -> memref<1x64xf32, #tpu.memory_space<vmem>>
    %dma_start3A_1313 = arith.constant 0 : i32
    %dma_start3A_1314 = tpu.memref_slice %arg3[%squeeze3A_1308, %dma_start3A_1313] : memref<1000000x64xf32, #tpu.memory_space<hbm>> -> memref<1x64xf32, #tpu.memory_space<hbm>>
    %dma_start3A_1315 = arith.constant 0 : i32
    %dma_start3A_1316 = tpu.memref_slice %arg6[%add3A_1310, %dma_start3A_1315] : memref<512x64xf32, #tpu.memory_space<vmem>> -> memref<1x64xf32, #tpu.memory_space<vmem>>
    %dma_start3A_1317 = arith.constant 0 : i32
    %dma_start3A_1318 = tpu.memref_slice %arg3[%squeeze3A_1308, %dma_start3A_1317] : memref<1000000x64xf32, #tpu.memory_space<hbm>> -> memref<1x64xf32, #tpu.memory_space<hbm>>
    tpu.enqueue_dma source(%dma_start3A_1318 : memref<1x64xf32, #tpu.memory_space<hbm>>) target(%dma_start3A_1316 : memref<1x64xf32, #tpu.memory_space<vmem>>) target_semaphore(%arg7 : memref<!tpu.dma_semaphore, #tpu.memory_space<semaphore_mem>>)
    %slice3A_1319 = vector.extract_strided_slice %get3A_1198 {offsets = [10], sizes = [1], strides = [1]} : vector<16xi32> to vector<1xi32>
    %squeeze3A_1320 = vector.extract %slice3A_1319[0] : i32 from vector<1xi32>
    %add3A_1321 = arith.constant 10 : i32
    %add3A_1322 = arith.addi %multiple_of3A_1195, %add3A_1321 : i32
    %dma_start3A_1323 = arith.constant 0 : i32
    %dma_start3A_1324 = tpu.memref_slice %arg6[%add3A_1322, %dma_start3A_1323] : memref<512x64xf32, #tpu.memory_space<vmem>> -> memref<1x64xf32, #tpu.memory_space<vmem>>
    %dma_start3A_1325 = arith.constant 0 : i32
    %dma_start3A_1326 = tpu.memref_slice %arg3[%squeeze3A_1320, %dma_start3A_1325] : memref<1000000x64xf32, #tpu.memory_space<hbm>> -> memref<1x64xf32, #tpu.memory_space<hbm>>
    %dma_start3A_1327 = arith.constant 0 : i32
    %dma_start3A_1328 = tpu.memref_slice %arg6[%add3A_1322, %dma_start3A_1327] : memref<512x64xf32, #tpu.memory_space<vmem>> -> memref<1x64xf32, #tpu.memory_space<vmem>>
    %dma_start3A_1329 = arith.constant 0 : i32
    %dma_start3A_1330 = tpu.memref_slice %arg3[%squeeze3A_1320, %dma_start3A_1329] : memref<1000000x64xf32, #tpu.memory_space<hbm>> -> memref<1x64xf32, #tpu.memory_space<hbm>>
    tpu.enqueue_dma source(%dma_start3A_1330 : memref<1x64xf32, #tpu.memory_space<hbm>>) target(%dma_start3A_1328 : memref<1x64xf32, #tpu.memory_space<vmem>>) target_semaphore(%arg7 : memref<!tpu.dma_semaphore, #tpu.memory_space<semaphore_mem>>)
    %slice3A_1331 = vector.extract_strided_slice %get3A_1198 {offsets = [11], sizes = [1], strides = [1]} : vector<16xi32> to vector<1xi32>
    %squeeze3A_1332 = vector.extract %slice3A_1331[0] : i32 from vector<1xi32>
    %add3A_1333 = arith.constant 11 : i32
    %add3A_1334 = arith.addi %multiple_of3A_1195, %add3A_1333 : i32
    %dma_start3A_1335 = arith.constant 0 : i32
    %dma_start3A_1336 = tpu.memref_slice %arg6[%add3A_1334, %dma_start3A_1335] : memref<512x64xf32, #tpu.memory_space<vmem>> -> memref<1x64xf32, #tpu.memory_space<vmem>>
    %dma_start3A_1337 = arith.constant 0 : i32
    %dma_start3A_1338 = tpu.memref_slice %arg3[%squeeze3A_1332, %dma_start3A_1337] : memref<1000000x64xf32, #tpu.memory_space<hbm>> -> memref<1x64xf32, #tpu.memory_space<hbm>>
    %dma_start3A_1339 = arith.constant 0 : i32
    %dma_start3A_1340 = tpu.memref_slice %arg6[%add3A_1334, %dma_start3A_1339] : memref<512x64xf32, #tpu.memory_space<vmem>> -> memref<1x64xf32, #tpu.memory_space<vmem>>
    %dma_start3A_1341 = arith.constant 0 : i32
    %dma_start3A_1342 = tpu.memref_slice %arg3[%squeeze3A_1332, %dma_start3A_1341] : memref<1000000x64xf32, #tpu.memory_space<hbm>> -> memref<1x64xf32, #tpu.memory_space<hbm>>
    tpu.enqueue_dma source(%dma_start3A_1342 : memref<1x64xf32, #tpu.memory_space<hbm>>) target(%dma_start3A_1340 : memref<1x64xf32, #tpu.memory_space<vmem>>) target_semaphore(%arg7 : memref<!tpu.dma_semaphore, #tpu.memory_space<semaphore_mem>>)
    %slice3A_1343 = vector.extract_strided_slice %get3A_1198 {offsets = [12], sizes = [1], strides = [1]} : vector<16xi32> to vector<1xi32>
    %squeeze3A_1344 = vector.extract %slice3A_1343[0] : i32 from vector<1xi32>
    %add3A_1345 = arith.constant 12 : i32
    %add3A_1346 = arith.addi %multiple_of3A_1195, %add3A_1345 : i32
    %dma_start3A_1347 = arith.constant 0 : i32
    %dma_start3A_1348 = tpu.memref_slice %arg6[%add3A_1346, %dma_start3A_1347] : memref<512x64xf32, #tpu.memory_space<vmem>> -> memref<1x64xf32, #tpu.memory_space<vmem>>
    %dma_start3A_1349 = arith.constant 0 : i32
    %dma_start3A_1350 = tpu.memref_slice %arg3[%squeeze3A_1344, %dma_start3A_1349] : memref<1000000x64xf32, #tpu.memory_space<hbm>> -> memref<1x64xf32, #tpu.memory_space<hbm>>
    %dma_start3A_1351 = arith.constant 0 : i32
    %dma_start3A_1352 = tpu.memref_slice %arg6[%add3A_1346, %dma_start3A_1351] : memref<512x64xf32, #tpu.memory_space<vmem>> -> memref<1x64xf32, #tpu.memory_space<vmem>>
    %dma_start3A_1353 = arith.constant 0 : i32
    %dma_start3A_1354 = tpu.memref_slice %arg3[%squeeze3A_1344, %dma_start3A_1353] : memref<1000000x64xf32, #tpu.memory_space<hbm>> -> memref<1x64xf32, #tpu.memory_space<hbm>>
    tpu.enqueue_dma source(%dma_start3A_1354 : memref<1x64xf32, #tpu.memory_space<hbm>>) target(%dma_start3A_1352 : memref<1x64xf32, #tpu.memory_space<vmem>>) target_semaphore(%arg7 : memref<!tpu.dma_semaphore, #tpu.memory_space<semaphore_mem>>)
    %slice3A_1355 = vector.extract_strided_slice %get3A_1198 {offsets = [13], sizes = [1], strides = [1]} : vector<16xi32> to vector<1xi32>
    %squeeze3A_1356 = vector.extract %slice3A_1355[0] : i32 from vector<1xi32>
    %add3A_1357 = arith.constant 13 : i32
    %add3A_1358 = arith.addi %multiple_of3A_1195, %add3A_1357 : i32
    %dma_start3A_1359 = arith.constant 0 : i32
    %dma_start3A_1360 = tpu.memref_slice %arg6[%add3A_1358, %dma_start3A_1359] : memref<512x64xf32, #tpu.memory_space<vmem>> -> memref<1x64xf32, #tpu.memory_space<vmem>>
    %dma_start3A_1361 = arith.constant 0 : i32
    %dma_start3A_1362 = tpu.memref_slice %arg3[%squeeze3A_1356, %dma_start3A_1361] : memref<1000000x64xf32, #tpu.memory_space<hbm>> -> memref<1x64xf32, #tpu.memory_space<hbm>>
    %dma_start3A_1363 = arith.constant 0 : i32
    %dma_start3A_1364 = tpu.memref_slice %arg6[%add3A_1358, %dma_start3A_1363] : memref<512x64xf32, #tpu.memory_space<vmem>> -> memref<1x64xf32, #tpu.memory_space<vmem>>
    %dma_start3A_1365 = arith.constant 0 : i32
    %dma_start3A_1366 = tpu.memref_slice %arg3[%squeeze3A_1356, %dma_start3A_1365] : memref<1000000x64xf32, #tpu.memory_space<hbm>> -> memref<1x64xf32, #tpu.memory_space<hbm>>
    tpu.enqueue_dma source(%dma_start3A_1366 : memref<1x64xf32, #tpu.memory_space<hbm>>) target(%dma_start3A_1364 : memref<1x64xf32, #tpu.memory_space<vmem>>) target_semaphore(%arg7 : memref<!tpu.dma_semaphore, #tpu.memory_space<semaphore_mem>>)
    %slice3A_1367 = vector.extract_strided_slice %get3A_1198 {offsets = [14], sizes = [1], strides = [1]} : vector<16xi32> to vector<1xi32>
    %squeeze3A_1368 = vector.extract %slice3A_1367[0] : i32 from vector<1xi32>
    %add3A_1369 = arith.constant 14 : i32
    %add3A_1370 = arith.addi %multiple_of3A_1195, %add3A_1369 : i32
    %dma_start3A_1371 = arith.constant 0 : i32
    %dma_start3A_1372 = tpu.memref_slice %arg6[%add3A_1370, %dma_start3A_1371] : memref<512x64xf32, #tpu.memory_space<vmem>> -> memref<1x64xf32, #tpu.memory_space<vmem>>
    %dma_start3A_1373 = arith.constant 0 : i32
    %dma_start3A_1374 = tpu.memref_slice %arg3[%squeeze3A_1368, %dma_start3A_1373] : memref<1000000x64xf32, #tpu.memory_space<hbm>> -> memref<1x64xf32, #tpu.memory_space<hbm>>
    %dma_start3A_1375 = arith.constant 0 : i32
    %dma_start3A_1376 = tpu.memref_slice %arg6[%add3A_1370, %dma_start3A_1375] : memref<512x64xf32, #tpu.memory_space<vmem>> -> memref<1x64xf32, #tpu.memory_space<vmem>>
    %dma_start3A_1377 = arith.constant 0 : i32
    %dma_start3A_1378 = tpu.memref_slice %arg3[%squeeze3A_1368, %dma_start3A_1377] : memref<1000000x64xf32, #tpu.memory_space<hbm>> -> memref<1x64xf32, #tpu.memory_space<hbm>>
    tpu.enqueue_dma source(%dma_start3A_1378 : memref<1x64xf32, #tpu.memory_space<hbm>>) target(%dma_start3A_1376 : memref<1x64xf32, #tpu.memory_space<vmem>>) target_semaphore(%arg7 : memref<!tpu.dma_semaphore, #tpu.memory_space<semaphore_mem>>)
    %slice3A_1379 = vector.extract_strided_slice %get3A_1198 {offsets = [15], sizes = [1], strides = [1]} : vector<16xi32> to vector<1xi32>
    %squeeze3A_1380 = vector.extract %slice3A_1379[0] : i32 from vector<1xi32>
    %add3A_1381 = arith.constant 15 : i32
    %add3A_1382 = arith.addi %multiple_of3A_1195, %add3A_1381 : i32
    %dma_start3A_1383 = arith.constant 0 : i32
    %dma_start3A_1384 = tpu.memref_slice %arg6[%add3A_1382, %dma_start3A_1383] : memref<512x64xf32, #tpu.memory_space<vmem>> -> memref<1x64xf32, #tpu.memory_space<vmem>>
    %dma_start3A_1385 = arith.constant 0 : i32
    %dma_start3A_1386 = tpu.memref_slice %arg3[%squeeze3A_1380, %dma_start3A_1385] : memref<1000000x64xf32, #tpu.memory_space<hbm>> -> memref<1x64xf32, #tpu.memory_space<hbm>>
    %dma_start3A_1387 = arith.constant 0 : i32
    %dma_start3A_1388 = tpu.memref_slice %arg6[%add3A_1382, %dma_start3A_1387] : memref<512x64xf32, #tpu.memory_space<vmem>> -> memref<1x64xf32, #tpu.memory_space<vmem>>
    %dma_start3A_1389 = arith.constant 0 : i32
    %dma_start3A_1390 = tpu.memref_slice %arg3[%squeeze3A_1380, %dma_start3A_1389] : memref<1000000x64xf32, #tpu.memory_space<hbm>> -> memref<1x64xf32, #tpu.memory_space<hbm>>
    tpu.enqueue_dma source(%dma_start3A_1390 : memref<1x64xf32, #tpu.memory_space<hbm>>) target(%dma_start3A_1388 : memref<1x64xf32, #tpu.memory_space<vmem>>) target_semaphore(%arg7 : memref<!tpu.dma_semaphore, #tpu.memory_space<semaphore_mem>>)
    %scan3A_1391 = arith.constant 7 : i32
    %mul3A_1392 = arith.constant 16 : i32
    %mul3A_1393 = arith.muli %scan3A_1391, %mul3A_1392 : i32
    %multiple_of3A_1394 = tpu.assume_multiple %mul3A_1393, 16 : i32
    %get3A_1395 = arith.index_cast %multiple_of3A_1394 : i32 to index
    %get3A_1396 = tpu.vector_load %arg5[%get3A_1395] {strides = array<i32>} : memref<512xi32, #tpu.memory_space<vmem>>, vector<16xi32>,
    %get3A_1397 = vector.shape_cast %get3A_1396 : vector<16xi32> to vector<16xi32>
    %slice3A_1398 = vector.extract_strided_slice %get3A_1397 {offsets = [0], sizes = [1], strides = [1]} : vector<16xi32> to vector<1xi32>
    %squeeze3A_1399 = vector.extract %slice3A_1398[0] : i32 from vector<1xi32>
    %add3A_1400 = arith.constant 0 : i32
    %add3A_1401 = arith.addi %multiple_of3A_1394, %add3A_1400 : i32
    %dma_start3A_1402 = arith.constant 0 : i32
    %dma_start3A_1403 = tpu.memref_slice %arg6[%add3A_1401, %dma_start3A_1402] : memref<512x64xf32, #tpu.memory_space<vmem>> -> memref<1x64xf32, #tpu.memory_space<vmem>>
    %dma_start3A_1404 = arith.constant 0 : i32
    %dma_start3A_1405 = tpu.memref_slice %arg3[%squeeze3A_1399, %dma_start3A_1404] : memref<1000000x64xf32, #tpu.memory_space<hbm>> -> memref<1x64xf32, #tpu.memory_space<hbm>>
    %dma_start3A_1406 = arith.constant 0 : i32
    %dma_start3A_1407 = tpu.memref_slice %arg6[%add3A_1401, %dma_start3A_1406] : memref<512x64xf32, #tpu.memory_space<vmem>> -> memref<1x64xf32, #tpu.memory_space<vmem>>
    %dma_start3A_1408 = arith.constant 0 : i32
    %dma_start3A_1409 = tpu.memref_slice %arg3[%squeeze3A_1399, %dma_start3A_1408] : memref<1000000x64xf32, #tpu.memory_space<hbm>> -> memref<1x64xf32, #tpu.memory_space<hbm>>
    tpu.enqueue_dma source(%dma_start3A_1409 : memref<1x64xf32, #tpu.memory_space<hbm>>) target(%dma_start3A_1407 : memref<1x64xf32, #tpu.memory_space<vmem>>) target_semaphore(%arg7 : memref<!tpu.dma_semaphore, #tpu.memory_space<semaphore_mem>>)
    %slice3A_1410 = vector.extract_strided_slice %get3A_1397 {offsets = [1], sizes = [1], strides = [1]} : vector<16xi32> to vector<1xi32>
    %squeeze3A_1411 = vector.extract %slice3A_1410[0] : i32 from vector<1xi32>
    %add3A_1412 = arith.constant 1 : i32
    %add3A_1413 = arith.addi %multiple_of3A_1394, %add3A_1412 : i32
    %dma_start3A_1414 = arith.constant 0 : i32
    %dma_start3A_1415 = tpu.memref_slice %arg6[%add3A_1413, %dma_start3A_1414] : memref<512x64xf32, #tpu.memory_space<vmem>> -> memref<1x64xf32, #tpu.memory_space<vmem>>
    %dma_start3A_1416 = arith.constant 0 : i32
    %dma_start3A_1417 = tpu.memref_slice %arg3[%squeeze3A_1411, %dma_start3A_1416] : memref<1000000x64xf32, #tpu.memory_space<hbm>> -> memref<1x64xf32, #tpu.memory_space<hbm>>
    %dma_start3A_1418 = arith.constant 0 : i32
    %dma_start3A_1419 = tpu.memref_slice %arg6[%add3A_1413, %dma_start3A_1418] : memref<512x64xf32, #tpu.memory_space<vmem>> -> memref<1x64xf32, #tpu.memory_space<vmem>>
    %dma_start3A_1420 = arith.constant 0 : i32
    %dma_start3A_1421 = tpu.memref_slice %arg3[%squeeze3A_1411, %dma_start3A_1420] : memref<1000000x64xf32, #tpu.memory_space<hbm>> -> memref<1x64xf32, #tpu.memory_space<hbm>>
    tpu.enqueue_dma source(%dma_start3A_1421 : memref<1x64xf32, #tpu.memory_space<hbm>>) target(%dma_start3A_1419 : memref<1x64xf32, #tpu.memory_space<vmem>>) target_semaphore(%arg7 : memref<!tpu.dma_semaphore, #tpu.memory_space<semaphore_mem>>)
    %slice3A_1422 = vector.extract_strided_slice %get3A_1397 {offsets = [2], sizes = [1], strides = [1]} : vector<16xi32> to vector<1xi32>
    %squeeze3A_1423 = vector.extract %slice3A_1422[0] : i32 from vector<1xi32>
    %add3A_1424 = arith.constant 2 : i32
    %add3A_1425 = arith.addi %multiple_of3A_1394, %add3A_1424 : i32
    %dma_start3A_1426 = arith.constant 0 : i32
    %dma_start3A_1427 = tpu.memref_slice %arg6[%add3A_1425, %dma_start3A_1426] : memref<512x64xf32, #tpu.memory_space<vmem>> -> memref<1x64xf32, #tpu.memory_space<vmem>>
    %dma_start3A_1428 = arith.constant 0 : i32
    %dma_start3A_1429 = tpu.memref_slice %arg3[%squeeze3A_1423, %dma_start3A_1428] : memref<1000000x64xf32, #tpu.memory_space<hbm>> -> memref<1x64xf32, #tpu.memory_space<hbm>>
    %dma_start3A_1430 = arith.constant 0 : i32
    %dma_start3A_1431 = tpu.memref_slice %arg6[%add3A_1425, %dma_start3A_1430] : memref<512x64xf32, #tpu.memory_space<vmem>> -> memref<1x64xf32, #tpu.memory_space<vmem>>
    %dma_start3A_1432 = arith.constant 0 : i32
    %dma_start3A_1433 = tpu.memref_slice %arg3[%squeeze3A_1423, %dma_start3A_1432] : memref<1000000x64xf32, #tpu.memory_space<hbm>> -> memref<1x64xf32, #tpu.memory_space<hbm>>
    tpu.enqueue_dma source(%dma_start3A_1433 : memref<1x64xf32, #tpu.memory_space<hbm>>) target(%dma_start3A_1431 : memref<1x64xf32, #tpu.memory_space<vmem>>) target_semaphore(%arg7 : memref<!tpu.dma_semaphore, #tpu.memory_space<semaphore_mem>>)
    %slice3A_1434 = vector.extract_strided_slice %get3A_1397 {offsets = [3], sizes = [1], strides = [1]} : vector<16xi32> to vector<1xi32>
    %squeeze3A_1435 = vector.extract %slice3A_1434[0] : i32 from vector<1xi32>
    %add3A_1436 = arith.constant 3 : i32
    %add3A_1437 = arith.addi %multiple_of3A_1394, %add3A_1436 : i32
    %dma_start3A_1438 = arith.constant 0 : i32
    %dma_start3A_1439 = tpu.memref_slice %arg6[%add3A_1437, %dma_start3A_1438] : memref<512x64xf32, #tpu.memory_space<vmem>> -> memref<1x64xf32, #tpu.memory_space<vmem>>
    %dma_start3A_1440 = arith.constant 0 : i32
    %dma_start3A_1441 = tpu.memref_slice %arg3[%squeeze3A_1435, %dma_start3A_1440] : memref<1000000x64xf32, #tpu.memory_space<hbm>> -> memref<1x64xf32, #tpu.memory_space<hbm>>
    %dma_start3A_1442 = arith.constant 0 : i32
    %dma_start3A_1443 = tpu.memref_slice %arg6[%add3A_1437, %dma_start3A_1442] : memref<512x64xf32, #tpu.memory_space<vmem>> -> memref<1x64xf32, #tpu.memory_space<vmem>>
    %dma_start3A_1444 = arith.constant 0 : i32
    %dma_start3A_1445 = tpu.memref_slice %arg3[%squeeze3A_1435, %dma_start3A_1444] : memref<1000000x64xf32, #tpu.memory_space<hbm>> -> memref<1x64xf32, #tpu.memory_space<hbm>>
    tpu.enqueue_dma source(%dma_start3A_1445 : memref<1x64xf32, #tpu.memory_space<hbm>>) target(%dma_start3A_1443 : memref<1x64xf32, #tpu.memory_space<vmem>>) target_semaphore(%arg7 : memref<!tpu.dma_semaphore, #tpu.memory_space<semaphore_mem>>)
    %slice3A_1446 = vector.extract_strided_slice %get3A_1397 {offsets = [4], sizes = [1], strides = [1]} : vector<16xi32> to vector<1xi32>
    %squeeze3A_1447 = vector.extract %slice3A_1446[0] : i32 from vector<1xi32>
    %add3A_1448 = arith.constant 4 : i32
    %add3A_1449 = arith.addi %multiple_of3A_1394, %add3A_1448 : i32
    %dma_start3A_1450 = arith.constant 0 : i32
    %dma_start3A_1451 = tpu.memref_slice %arg6[%add3A_1449, %dma_start3A_1450] : memref<512x64xf32, #tpu.memory_space<vmem>> -> memref<1x64xf32, #tpu.memory_space<vmem>>
    %dma_start3A_1452 = arith.constant 0 : i32
    %dma_start3A_1453 = tpu.memref_slice %arg3[%squeeze3A_1447, %dma_start3A_1452] : memref<1000000x64xf32, #tpu.memory_space<hbm>> -> memref<1x64xf32, #tpu.memory_space<hbm>>
    %dma_start3A_1454 = arith.constant 0 : i32
    %dma_start3A_1455 = tpu.memref_slice %arg6[%add3A_1449, %dma_start3A_1454] : memref<512x64xf32, #tpu.memory_space<vmem>> -> memref<1x64xf32, #tpu.memory_space<vmem>>
    %dma_start3A_1456 = arith.constant 0 : i32
    %dma_start3A_1457 = tpu.memref_slice %arg3[%squeeze3A_1447, %dma_start3A_1456] : memref<1000000x64xf32, #tpu.memory_space<hbm>> -> memref<1x64xf32, #tpu.memory_space<hbm>>
    tpu.enqueue_dma source(%dma_start3A_1457 : memref<1x64xf32, #tpu.memory_space<hbm>>) target(%dma_start3A_1455 : memref<1x64xf32, #tpu.memory_space<vmem>>) target_semaphore(%arg7 : memref<!tpu.dma_semaphore, #tpu.memory_space<semaphore_mem>>)
    %slice3A_1458 = vector.extract_strided_slice %get3A_1397 {offsets = [5], sizes = [1], strides = [1]} : vector<16xi32> to vector<1xi32>
    %squeeze3A_1459 = vector.extract %slice3A_1458[0] : i32 from vector<1xi32>
    %add3A_1460 = arith.constant 5 : i32
    %add3A_1461 = arith.addi %multiple_of3A_1394, %add3A_1460 : i32
    %dma_start3A_1462 = arith.constant 0 : i32
    %dma_start3A_1463 = tpu.memref_slice %arg6[%add3A_1461, %dma_start3A_1462] : memref<512x64xf32, #tpu.memory_space<vmem>> -> memref<1x64xf32, #tpu.memory_space<vmem>>
    %dma_start3A_1464 = arith.constant 0 : i32
    %dma_start3A_1465 = tpu.memref_slice %arg3[%squeeze3A_1459, %dma_start3A_1464] : memref<1000000x64xf32, #tpu.memory_space<hbm>> -> memref<1x64xf32, #tpu.memory_space<hbm>>
    %dma_start3A_1466 = arith.constant 0 : i32
    %dma_start3A_1467 = tpu.memref_slice %arg6[%add3A_1461, %dma_start3A_1466] : memref<512x64xf32, #tpu.memory_space<vmem>> -> memref<1x64xf32, #tpu.memory_space<vmem>>
    %dma_start3A_1468 = arith.constant 0 : i32
    %dma_start3A_1469 = tpu.memref_slice %arg3[%squeeze3A_1459, %dma_start3A_1468] : memref<1000000x64xf32, #tpu.memory_space<hbm>> -> memref<1x64xf32, #tpu.memory_space<hbm>>
    tpu.enqueue_dma source(%dma_start3A_1469 : memref<1x64xf32, #tpu.memory_space<hbm>>) target(%dma_start3A_1467 : memref<1x64xf32, #tpu.memory_space<vmem>>) target_semaphore(%arg7 : memref<!tpu.dma_semaphore, #tpu.memory_space<semaphore_mem>>)
    %slice3A_1470 = vector.extract_strided_slice %get3A_1397 {offsets = [6], sizes = [1], strides = [1]} : vector<16xi32> to vector<1xi32>
    %squeeze3A_1471 = vector.extract %slice3A_1470[0] : i32 from vector<1xi32>
    %add3A_1472 = arith.constant 6 : i32
    %add3A_1473 = arith.addi %multiple_of3A_1394, %add3A_1472 : i32
    %dma_start3A_1474 = arith.constant 0 : i32
    %dma_start3A_1475 = tpu.memref_slice %arg6[%add3A_1473, %dma_start3A_1474] : memref<512x64xf32, #tpu.memory_space<vmem>> -> memref<1x64xf32, #tpu.memory_space<vmem>>
    %dma_start3A_1476 = arith.constant 0 : i32
    %dma_start3A_1477 = tpu.memref_slice %arg3[%squeeze3A_1471, %dma_start3A_1476] : memref<1000000x64xf32, #tpu.memory_space<hbm>> -> memref<1x64xf32, #tpu.memory_space<hbm>>
    %dma_start3A_1478 = arith.constant 0 : i32
    %dma_start3A_1479 = tpu.memref_slice %arg6[%add3A_1473, %dma_start3A_1478] : memref<512x64xf32, #tpu.memory_space<vmem>> -> memref<1x64xf32, #tpu.memory_space<vmem>>
    %dma_start3A_1480 = arith.constant 0 : i32
    %dma_start3A_1481 = tpu.memref_slice %arg3[%squeeze3A_1471, %dma_start3A_1480] : memref<1000000x64xf32, #tpu.memory_space<hbm>> -> memref<1x64xf32, #tpu.memory_space<hbm>>
    tpu.enqueue_dma source(%dma_start3A_1481 : memref<1x64xf32, #tpu.memory_space<hbm>>) target(%dma_start3A_1479 : memref<1x64xf32, #tpu.memory_space<vmem>>) target_semaphore(%arg7 : memref<!tpu.dma_semaphore, #tpu.memory_space<semaphore_mem>>)
    %slice3A_1482 = vector.extract_strided_slice %get3A_1397 {offsets = [7], sizes = [1], strides = [1]} : vector<16xi32> to vector<1xi32>
    %squeeze3A_1483 = vector.extract %slice3A_1482[0] : i32 from vector<1xi32>
    %add3A_1484 = arith.constant 7 : i32
    %add3A_1485 = arith.addi %multiple_of3A_1394, %add3A_1484 : i32
    %dma_start3A_1486 = arith.constant 0 : i32
    %dma_start3A_1487 = tpu.memref_slice %arg6[%add3A_1485, %dma_start3A_1486] : memref<512x64xf32, #tpu.memory_space<vmem>> -> memref<1x64xf32, #tpu.memory_space<vmem>>
    %dma_start3A_1488 = arith.constant 0 : i32
    %dma_start3A_1489 = tpu.memref_slice %arg3[%squeeze3A_1483, %dma_start3A_1488] : memref<1000000x64xf32, #tpu.memory_space<hbm>> -> memref<1x64xf32, #tpu.memory_space<hbm>>
    %dma_start3A_1490 = arith.constant 0 : i32
    %dma_start3A_1491 = tpu.memref_slice %arg6[%add3A_1485, %dma_start3A_1490] : memref<512x64xf32, #tpu.memory_space<vmem>> -> memref<1x64xf32, #tpu.memory_space<vmem>>
    %dma_start3A_1492 = arith.constant 0 : i32
    %dma_start3A_1493 = tpu.memref_slice %arg3[%squeeze3A_1483, %dma_start3A_1492] : memref<1000000x64xf32, #tpu.memory_space<hbm>> -> memref<1x64xf32, #tpu.memory_space<hbm>>
    tpu.enqueue_dma source(%dma_start3A_1493 : memref<1x64xf32, #tpu.memory_space<hbm>>) target(%dma_start3A_1491 : memref<1x64xf32, #tpu.memory_space<vmem>>) target_semaphore(%arg7 : memref<!tpu.dma_semaphore, #tpu.memory_space<semaphore_mem>>)
    %slice3A_1494 = vector.extract_strided_slice %get3A_1397 {offsets = [8], sizes = [1], strides = [1]} : vector<16xi32> to vector<1xi32>
    %squeeze3A_1495 = vector.extract %slice3A_1494[0] : i32 from vector<1xi32>
    %add3A_1496 = arith.constant 8 : i32
    %add3A_1497 = arith.addi %multiple_of3A_1394, %add3A_1496 : i32
    %dma_start3A_1498 = arith.constant 0 : i32
    %dma_start3A_1499 = tpu.memref_slice %arg6[%add3A_1497, %dma_start3A_1498] : memref<512x64xf32, #tpu.memory_space<vmem>> -> memref<1x64xf32, #tpu.memory_space<vmem>>
    %dma_start3A_1500 = arith.constant 0 : i32
    %dma_start3A_1501 = tpu.memref_slice %arg3[%squeeze3A_1495, %dma_start3A_1500] : memref<1000000x64xf32, #tpu.memory_space<hbm>> -> memref<1x64xf32, #tpu.memory_space<hbm>>
    %dma_start3A_1502 = arith.constant 0 : i32
    %dma_start3A_1503 = tpu.memref_slice %arg6[%add3A_1497, %dma_start3A_1502] : memref<512x64xf32, #tpu.memory_space<vmem>> -> memref<1x64xf32, #tpu.memory_space<vmem>>
    %dma_start3A_1504 = arith.constant 0 : i32
    %dma_start3A_1505 = tpu.memref_slice %arg3[%squeeze3A_1495, %dma_start3A_1504] : memref<1000000x64xf32, #tpu.memory_space<hbm>> -> memref<1x64xf32, #tpu.memory_space<hbm>>
    tpu.enqueue_dma source(%dma_start3A_1505 : memref<1x64xf32, #tpu.memory_space<hbm>>) target(%dma_start3A_1503 : memref<1x64xf32, #tpu.memory_space<vmem>>) target_semaphore(%arg7 : memref<!tpu.dma_semaphore, #tpu.memory_space<semaphore_mem>>)
    %slice3A_1506 = vector.extract_strided_slice %get3A_1397 {offsets = [9], sizes = [1], strides = [1]} : vector<16xi32> to vector<1xi32>
    %squeeze3A_1507 = vector.extract %slice3A_1506[0] : i32 from vector<1xi32>
    %add3A_1508 = arith.constant 9 : i32
    %add3A_1509 = arith.addi %multiple_of3A_1394, %add3A_1508 : i32
    %dma_start3A_1510 = arith.constant 0 : i32
    %dma_start3A_1511 = tpu.memref_slice %arg6[%add3A_1509, %dma_start3A_1510] : memref<512x64xf32, #tpu.memory_space<vmem>> -> memref<1x64xf32, #tpu.memory_space<vmem>>
    %dma_start3A_1512 = arith.constant 0 : i32
    %dma_start3A_1513 = tpu.memref_slice %arg3[%squeeze3A_1507, %dma_start3A_1512] : memref<1000000x64xf32, #tpu.memory_space<hbm>> -> memref<1x64xf32, #tpu.memory_space<hbm>>
    %dma_start3A_1514 = arith.constant 0 : i32
    %dma_start3A_1515 = tpu.memref_slice %arg6[%add3A_1509, %dma_start3A_1514] : memref<512x64xf32, #tpu.memory_space<vmem>> -> memref<1x64xf32, #tpu.memory_space<vmem>>
    %dma_start3A_1516 = arith.constant 0 : i32
    %dma_start3A_1517 = tpu.memref_slice %arg3[%squeeze3A_1507, %dma_start3A_1516] : memref<1000000x64xf32, #tpu.memory_space<hbm>> -> memref<1x64xf32, #tpu.memory_space<hbm>>
    tpu.enqueue_dma source(%dma_start3A_1517 : memref<1x64xf32, #tpu.memory_space<hbm>>) target(%dma_start3A_1515 : memref<1x64xf32, #tpu.memory_space<vmem>>) target_semaphore(%arg7 : memref<!tpu.dma_semaphore, #tpu.memory_space<semaphore_mem>>)
    %slice3A_1518 = vector.extract_strided_slice %get3A_1397 {offsets = [10], sizes = [1], strides = [1]} : vector<16xi32> to vector<1xi32>
    %squeeze3A_1519 = vector.extract %slice3A_1518[0] : i32 from vector<1xi32>
    %add3A_1520 = arith.constant 10 : i32
    %add3A_1521 = arith.addi %multiple_of3A_1394, %add3A_1520 : i32
    %dma_start3A_1522 = arith.constant 0 : i32
    %dma_start3A_1523 = tpu.memref_slice %arg6[%add3A_1521, %dma_start3A_1522] : memref<512x64xf32, #tpu.memory_space<vmem>> -> memref<1x64xf32, #tpu.memory_space<vmem>>
    %dma_start3A_1524 = arith.constant 0 : i32
    %dma_start3A_1525 = tpu.memref_slice %arg3[%squeeze3A_1519, %dma_start3A_1524] : memref<1000000x64xf32, #tpu.memory_space<hbm>> -> memref<1x64xf32, #tpu.memory_space<hbm>>
    %dma_start3A_1526 = arith.constant 0 : i32
    %dma_start3A_1527 = tpu.memref_slice %arg6[%add3A_1521, %dma_start3A_1526] : memref<512x64xf32, #tpu.memory_space<vmem>> -> memref<1x64xf32, #tpu.memory_space<vmem>>
    %dma_start3A_1528 = arith.constant 0 : i32
    %dma_start3A_1529 = tpu.memref_slice %arg3[%squeeze3A_1519, %dma_start3A_1528] : memref<1000000x64xf32, #tpu.memory_space<hbm>> -> memref<1x64xf32, #tpu.memory_space<hbm>>
    tpu.enqueue_dma source(%dma_start3A_1529 : memref<1x64xf32, #tpu.memory_space<hbm>>) target(%dma_start3A_1527 : memref<1x64xf32, #tpu.memory_space<vmem>>) target_semaphore(%arg7 : memref<!tpu.dma_semaphore, #tpu.memory_space<semaphore_mem>>)
    %slice3A_1530 = vector.extract_strided_slice %get3A_1397 {offsets = [11], sizes = [1], strides = [1]} : vector<16xi32> to vector<1xi32>
    %squeeze3A_1531 = vector.extract %slice3A_1530[0] : i32 from vector<1xi32>
    %add3A_1532 = arith.constant 11 : i32
    %add3A_1533 = arith.addi %multiple_of3A_1394, %add3A_1532 : i32
    %dma_start3A_1534 = arith.constant 0 : i32
    %dma_start3A_1535 = tpu.memref_slice %arg6[%add3A_1533, %dma_start3A_1534] : memref<512x64xf32, #tpu.memory_space<vmem>> -> memref<1x64xf32, #tpu.memory_space<vmem>>
    %dma_start3A_1536 = arith.constant 0 : i32
    %dma_start3A_1537 = tpu.memref_slice %arg3[%squeeze3A_1531, %dma_start3A_1536] : memref<1000000x64xf32, #tpu.memory_space<hbm>> -> memref<1x64xf32, #tpu.memory_space<hbm>>
    %dma_start3A_1538 = arith.constant 0 : i32
    %dma_start3A_1539 = tpu.memref_slice %arg6[%add3A_1533, %dma_start3A_1538] : memref<512x64xf32, #tpu.memory_space<vmem>> -> memref<1x64xf32, #tpu.memory_space<vmem>>
    %dma_start3A_1540 = arith.constant 0 : i32
    %dma_start3A_1541 = tpu.memref_slice %arg3[%squeeze3A_1531, %dma_start3A_1540] : memref<1000000x64xf32, #tpu.memory_space<hbm>> -> memref<1x64xf32, #tpu.memory_space<hbm>>
    tpu.enqueue_dma source(%dma_start3A_1541 : memref<1x64xf32, #tpu.memory_space<hbm>>) target(%dma_start3A_1539 : memref<1x64xf32, #tpu.memory_space<vmem>>) target_semaphore(%arg7 : memref<!tpu.dma_semaphore, #tpu.memory_space<semaphore_mem>>)
    %slice3A_1542 = vector.extract_strided_slice %get3A_1397 {offsets = [12], sizes = [1], strides = [1]} : vector<16xi32> to vector<1xi32>
    %squeeze3A_1543 = vector.extract %slice3A_1542[0] : i32 from vector<1xi32>
    %add3A_1544 = arith.constant 12 : i32
    %add3A_1545 = arith.addi %multiple_of3A_1394, %add3A_1544 : i32
    %dma_start3A_1546 = arith.constant 0 : i32
    %dma_start3A_1547 = tpu.memref_slice %arg6[%add3A_1545, %dma_start3A_1546] : memref<512x64xf32, #tpu.memory_space<vmem>> -> memref<1x64xf32, #tpu.memory_space<vmem>>
    %dma_start3A_1548 = arith.constant 0 : i32
    %dma_start3A_1549 = tpu.memref_slice %arg3[%squeeze3A_1543, %dma_start3A_1548] : memref<1000000x64xf32, #tpu.memory_space<hbm>> -> memref<1x64xf32, #tpu.memory_space<hbm>>
    %dma_start3A_1550 = arith.constant 0 : i32
    %dma_start3A_1551 = tpu.memref_slice %arg6[%add3A_1545, %dma_start3A_1550] : memref<512x64xf32, #tpu.memory_space<vmem>> -> memref<1x64xf32, #tpu.memory_space<vmem>>
    %dma_start3A_1552 = arith.constant 0 : i32
    %dma_start3A_1553 = tpu.memref_slice %arg3[%squeeze3A_1543, %dma_start3A_1552] : memref<1000000x64xf32, #tpu.memory_space<hbm>> -> memref<1x64xf32, #tpu.memory_space<hbm>>
    tpu.enqueue_dma source(%dma_start3A_1553 : memref<1x64xf32, #tpu.memory_space<hbm>>) target(%dma_start3A_1551 : memref<1x64xf32, #tpu.memory_space<vmem>>) target_semaphore(%arg7 : memref<!tpu.dma_semaphore, #tpu.memory_space<semaphore_mem>>)
    %slice3A_1554 = vector.extract_strided_slice %get3A_1397 {offsets = [13], sizes = [1], strides = [1]} : vector<16xi32> to vector<1xi32>
    %squeeze3A_1555 = vector.extract %slice3A_1554[0] : i32 from vector<1xi32>
    %add3A_1556 = arith.constant 13 : i32
    %add3A_1557 = arith.addi %multiple_of3A_1394, %add3A_1556 : i32
    %dma_start3A_1558 = arith.constant 0 : i32
    %dma_start3A_1559 = tpu.memref_slice %arg6[%add3A_1557, %dma_start3A_1558] : memref<512x64xf32, #tpu.memory_space<vmem>> -> memref<1x64xf32, #tpu.memory_space<vmem>>
    %dma_start3A_1560 = arith.constant 0 : i32
    %dma_start3A_1561 = tpu.memref_slice %arg3[%squeeze3A_1555, %dma_start3A_1560] : memref<1000000x64xf32, #tpu.memory_space<hbm>> -> memref<1x64xf32, #tpu.memory_space<hbm>>
    %dma_start3A_1562 = arith.constant 0 : i32
    %dma_start3A_1563 = tpu.memref_slice %arg6[%add3A_1557, %dma_start3A_1562] : memref<512x64xf32, #tpu.memory_space<vmem>> -> memref<1x64xf32, #tpu.memory_space<vmem>>
    %dma_start3A_1564 = arith.constant 0 : i32
    %dma_start3A_1565 = tpu.memref_slice %arg3[%squeeze3A_1555, %dma_start3A_1564] : memref<1000000x64xf32, #tpu.memory_space<hbm>> -> memref<1x64xf32, #tpu.memory_space<hbm>>
    tpu.enqueue_dma source(%dma_start3A_1565 : memref<1x64xf32, #tpu.memory_space<hbm>>) target(%dma_start3A_1563 : memref<1x64xf32, #tpu.memory_space<vmem>>) target_semaphore(%arg7 : memref<!tpu.dma_semaphore, #tpu.memory_space<semaphore_mem>>)
    %slice3A_1566 = vector.extract_strided_slice %get3A_1397 {offsets = [14], sizes = [1], strides = [1]} : vector<16xi32> to vector<1xi32>
    %squeeze3A_1567 = vector.extract %slice3A_1566[0] : i32 from vector<1xi32>
    %add3A_1568 = arith.constant 14 : i32
    %add3A_1569 = arith.addi %multiple_of3A_1394, %add3A_1568 : i32
    %dma_start3A_1570 = arith.constant 0 : i32
    %dma_start3A_1571 = tpu.memref_slice %arg6[%add3A_1569, %dma_start3A_1570] : memref<512x64xf32, #tpu.memory_space<vmem>> -> memref<1x64xf32, #tpu.memory_space<vmem>>
    %dma_start3A_1572 = arith.constant 0 : i32
    %dma_start3A_1573 = tpu.memref_slice %arg3[%squeeze3A_1567, %dma_start3A_1572] : memref<1000000x64xf32, #tpu.memory_space<hbm>> -> memref<1x64xf32, #tpu.memory_space<hbm>>
    %dma_start3A_1574 = arith.constant 0 : i32
    %dma_start3A_1575 = tpu.memref_slice %arg6[%add3A_1569, %dma_start3A_1574] : memref<512x64xf32, #tpu.memory_space<vmem>> -> memref<1x64xf32, #tpu.memory_space<vmem>>
    %dma_start3A_1576 = arith.constant 0 : i32
    %dma_start3A_1577 = tpu.memref_slice %arg3[%squeeze3A_1567, %dma_start3A_1576] : memref<1000000x64xf32, #tpu.memory_space<hbm>> -> memref<1x64xf32, #tpu.memory_space<hbm>>
    tpu.enqueue_dma source(%dma_start3A_1577 : memref<1x64xf32, #tpu.memory_space<hbm>>) target(%dma_start3A_1575 : memref<1x64xf32, #tpu.memory_space<vmem>>) target_semaphore(%arg7 : memref<!tpu.dma_semaphore, #tpu.memory_space<semaphore_mem>>)
    %slice3A_1578 = vector.extract_strided_slice %get3A_1397 {offsets = [15], sizes = [1], strides = [1]} : vector<16xi32> to vector<1xi32>
    %squeeze3A_1579 = vector.extract %slice3A_1578[0] : i32 from vector<1xi32>
    %add3A_1580 = arith.constant 15 : i32
    %add3A_1581 = arith.addi %multiple_of3A_1394, %add3A_1580 : i32
    %dma_start3A_1582 = arith.constant 0 : i32
    %dma_start3A_1583 = tpu.memref_slice %arg6[%add3A_1581, %dma_start3A_1582] : memref<512x64xf32, #tpu.memory_space<vmem>> -> memref<1x64xf32, #tpu.memory_space<vmem>>
    %dma_start3A_1584 = arith.constant 0 : i32
    %dma_start3A_1585 = tpu.memref_slice %arg3[%squeeze3A_1579, %dma_start3A_1584] : memref<1000000x64xf32, #tpu.memory_space<hbm>> -> memref<1x64xf32, #tpu.memory_space<hbm>>
    %dma_start3A_1586 = arith.constant 0 : i32
    %dma_start3A_1587 = tpu.memref_slice %arg6[%add3A_1581, %dma_start3A_1586] : memref<512x64xf32, #tpu.memory_space<vmem>> -> memref<1x64xf32, #tpu.memory_space<vmem>>
    %dma_start3A_1588 = arith.constant 0 : i32
    %dma_start3A_1589 = tpu.memref_slice %arg3[%squeeze3A_1579, %dma_start3A_1588] : memref<1000000x64xf32, #tpu.memory_space<hbm>> -> memref<1x64xf32, #tpu.memory_space<hbm>>
    tpu.enqueue_dma source(%dma_start3A_1589 : memref<1x64xf32, #tpu.memory_space<hbm>>) target(%dma_start3A_1587 : memref<1x64xf32, #tpu.memory_space<vmem>>) target_semaphore(%arg7 : memref<!tpu.dma_semaphore, #tpu.memory_space<semaphore_mem>>)
    %scan3A_1590 = arith.constant 8 : i32
    %scan3A_1591 = arith.constant 0 : i32
    %scan3A_1592 = arith.constant 8 : i32
    %scan3A_1593 = arith.constant 24 : i32
    %scan3A_1594 = arith.addi %scan3A_1592, %scan3A_1593 : i32
    %scan3A_1595 = arith.constant 2 : i32
    scf.for %scan3A_1702 = %scan3A_1592 to %scan3A_1594 step %scan3A_1595  : i32 {
      %mul3A_1703 = arith.constant 16 : i32
      %mul3A_1704 = arith.muli %scan3A_1702, %mul3A_1703 : i32
      %multiple_of3A_1705 = tpu.assume_multiple %mul3A_1704, 16 : i32
      %get3A_1706 = arith.index_cast %multiple_of3A_1705 : i32 to index
      %get3A_1707 = tpu.vector_load %arg5[%get3A_1706] {strides = array<i32>} : memref<512xi32, #tpu.memory_space<vmem>>, vector<16xi32>,
      %get3A_1708 = vector.shape_cast %get3A_1707 : vector<16xi32> to vector<16xi32>
      %slice3A_1709 = vector.extract_strided_slice %get3A_1708 {offsets = [0], sizes = [1], strides = [1]} : vector<16xi32> to vector<1xi32>
      %squeeze3A_1710 = vector.extract %slice3A_1709[0] : i32 from vector<1xi32>
      %add3A_1711 = arith.constant 0 : i32
      %add3A_1712 = arith.addi %multiple_of3A_1705, %add3A_1711 : i32
      %dma_start3A_1713 = arith.constant 0 : i32
      %dma_start3A_1714 = tpu.memref_slice %arg6[%add3A_1712, %dma_start3A_1713] : memref<512x64xf32, #tpu.memory_space<vmem>> -> memref<1x64xf32, #tpu.memory_space<vmem>>
      %dma_start3A_1715 = arith.constant 0 : i32
      %dma_start3A_1716 = tpu.memref_slice %arg3[%squeeze3A_1710, %dma_start3A_1715] : memref<1000000x64xf32, #tpu.memory_space<hbm>> -> memref<1x64xf32, #tpu.memory_space<hbm>>
      %dma_start3A_1717 = arith.constant 0 : i32
      %dma_start3A_1718 = tpu.memref_slice %arg6[%add3A_1712, %dma_start3A_1717] : memref<512x64xf32, #tpu.memory_space<vmem>> -> memref<1x64xf32, #tpu.memory_space<vmem>>
      %dma_start3A_1719 = arith.constant 0 : i32
      %dma_start3A_1720 = tpu.memref_slice %arg3[%squeeze3A_1710, %dma_start3A_1719] : memref<1000000x64xf32, #tpu.memory_space<hbm>> -> memref<1x64xf32, #tpu.memory_space<hbm>>
      tpu.enqueue_dma source(%dma_start3A_1720 : memref<1x64xf32, #tpu.memory_space<hbm>>) target(%dma_start3A_1718 : memref<1x64xf32, #tpu.memory_space<vmem>>) target_semaphore(%arg7 : memref<!tpu.dma_semaphore, #tpu.memory_space<semaphore_mem>>)
      %slice3A_1721 = vector.extract_strided_slice %get3A_1708 {offsets = [1], sizes = [1], strides = [1]} : vector<16xi32> to vector<1xi32>
      %squeeze3A_1722 = vector.extract %slice3A_1721[0] : i32 from vector<1xi32>
      %add3A_1723 = arith.constant 1 : i32
      %add3A_1724 = arith.addi %multiple_of3A_1705, %add3A_1723 : i32
      %dma_start3A_1725 = arith.constant 0 : i32
      %dma_start3A_1726 = tpu.memref_slice %arg6[%add3A_1724, %dma_start3A_1725] : memref<512x64xf32, #tpu.memory_space<vmem>> -> memref<1x64xf32, #tpu.memory_space<vmem>>
      %dma_start3A_1727 = arith.constant 0 : i32
      %dma_start3A_1728 = tpu.memref_slice %arg3[%squeeze3A_1722, %dma_start3A_1727] : memref<1000000x64xf32, #tpu.memory_space<hbm>> -> memref<1x64xf32, #tpu.memory_space<hbm>>
      %dma_start3A_1729 = arith.constant 0 : i32
      %dma_start3A_1730 = tpu.memref_slice %arg6[%add3A_1724, %dma_start3A_1729] : memref<512x64xf32, #tpu.memory_space<vmem>> -> memref<1x64xf32, #tpu.memory_space<vmem>>
      %dma_start3A_1731 = arith.constant 0 : i32
      %dma_start3A_1732 = tpu.memref_slice %arg3[%squeeze3A_1722, %dma_start3A_1731] : memref<1000000x64xf32, #tpu.memory_space<hbm>> -> memref<1x64xf32, #tpu.memory_space<hbm>>
      tpu.enqueue_dma source(%dma_start3A_1732 : memref<1x64xf32, #tpu.memory_space<hbm>>) target(%dma_start3A_1730 : memref<1x64xf32, #tpu.memory_space<vmem>>) target_semaphore(%arg7 : memref<!tpu.dma_semaphore, #tpu.memory_space<semaphore_mem>>)
      %slice3A_1733 = vector.extract_strided_slice %get3A_1708 {offsets = [2], sizes = [1], strides = [1]} : vector<16xi32> to vector<1xi32>
      %squeeze3A_1734 = vector.extract %slice3A_1733[0] : i32 from vector<1xi32>
      %add3A_1735 = arith.constant 2 : i32
      %add3A_1736 = arith.addi %multiple_of3A_1705, %add3A_1735 : i32
      %dma_start3A_1737 = arith.constant 0 : i32
      %dma_start3A_1738 = tpu.memref_slice %arg6[%add3A_1736, %dma_start3A_1737] : memref<512x64xf32, #tpu.memory_space<vmem>> -> memref<1x64xf32, #tpu.memory_space<vmem>>
      %dma_start3A_1739 = arith.constant 0 : i32
      %dma_start3A_1740 = tpu.memref_slice %arg3[%squeeze3A_1734, %dma_start3A_1739] : memref<1000000x64xf32, #tpu.memory_space<hbm>> -> memref<1x64xf32, #tpu.memory_space<hbm>>
      %dma_start3A_1741 = arith.constant 0 : i32
      %dma_start3A_1742 = tpu.memref_slice %arg6[%add3A_1736, %dma_start3A_1741] : memref<512x64xf32, #tpu.memory_space<vmem>> -> memref<1x64xf32, #tpu.memory_space<vmem>>
      %dma_start3A_1743 = arith.constant 0 : i32
      %dma_start3A_1744 = tpu.memref_slice %arg3[%squeeze3A_1734, %dma_start3A_1743] : memref<1000000x64xf32, #tpu.memory_space<hbm>> -> memref<1x64xf32, #tpu.memory_space<hbm>>
      tpu.enqueue_dma source(%dma_start3A_1744 : memref<1x64xf32, #tpu.memory_space<hbm>>) target(%dma_start3A_1742 : memref<1x64xf32, #tpu.memory_space<vmem>>) target_semaphore(%arg7 : memref<!tpu.dma_semaphore, #tpu.memory_space<semaphore_mem>>)
      %slice3A_1745 = vector.extract_strided_slice %get3A_1708 {offsets = [3], sizes = [1], strides = [1]} : vector<16xi32> to vector<1xi32>
      %squeeze3A_1746 = vector.extract %slice3A_1745[0] : i32 from vector<1xi32>
      %add3A_1747 = arith.constant 3 : i32
      %add3A_1748 = arith.addi %multiple_of3A_1705, %add3A_1747 : i32
      %dma_start3A_1749 = arith.constant 0 : i32
      %dma_start3A_1750 = tpu.memref_slice %arg6[%add3A_1748, %dma_start3A_1749] : memref<512x64xf32, #tpu.memory_space<vmem>> -> memref<1x64xf32, #tpu.memory_space<vmem>>
      %dma_start3A_1751 = arith.constant 0 : i32
      %dma_start3A_1752 = tpu.memref_slice %arg3[%squeeze3A_1746, %dma_start3A_1751] : memref<1000000x64xf32, #tpu.memory_space<hbm>> -> memref<1x64xf32, #tpu.memory_space<hbm>>
      %dma_start3A_1753 = arith.constant 0 : i32
      %dma_start3A_1754 = tpu.memref_slice %arg6[%add3A_1748, %dma_start3A_1753] : memref<512x64xf32, #tpu.memory_space<vmem>> -> memref<1x64xf32, #tpu.memory_space<vmem>>
      %dma_start3A_1755 = arith.constant 0 : i32
      %dma_start3A_1756 = tpu.memref_slice %arg3[%squeeze3A_1746, %dma_start3A_1755] : memref<1000000x64xf32, #tpu.memory_space<hbm>> -> memref<1x64xf32, #tpu.memory_space<hbm>>
      tpu.enqueue_dma source(%dma_start3A_1756 : memref<1x64xf32, #tpu.memory_space<hbm>>) target(%dma_start3A_1754 : memref<1x64xf32, #tpu.memory_space<vmem>>) target_semaphore(%arg7 : memref<!tpu.dma_semaphore, #tpu.memory_space<semaphore_mem>>)
      %slice3A_1757 = vector.extract_strided_slice %get3A_1708 {offsets = [4], sizes = [1], strides = [1]} : vector<16xi32> to vector<1xi32>
      %squeeze3A_1758 = vector.extract %slice3A_1757[0] : i32 from vector<1xi32>
      %add3A_1759 = arith.constant 4 : i32
      %add3A_1760 = arith.addi %multiple_of3A_1705, %add3A_1759 : i32
      %dma_start3A_1761 = arith.constant 0 : i32
      %dma_start3A_1762 = tpu.memref_slice %arg6[%add3A_1760, %dma_start3A_1761] : memref<512x64xf32, #tpu.memory_space<vmem>> -> memref<1x64xf32, #tpu.memory_space<vmem>>
      %dma_start3A_1763 = arith.constant 0 : i32
      %dma_start3A_1764 = tpu.memref_slice %arg3[%squeeze3A_1758, %dma_start3A_1763] : memref<1000000x64xf32, #tpu.memory_space<hbm>> -> memref<1x64xf32, #tpu.memory_space<hbm>>
      %dma_start3A_1765 = arith.constant 0 : i32
      %dma_start3A_1766 = tpu.memref_slice %arg6[%add3A_1760, %dma_start3A_1765] : memref<512x64xf32, #tpu.memory_space<vmem>> -> memref<1x64xf32, #tpu.memory_space<vmem>>
      %dma_start3A_1767 = arith.constant 0 : i32
      %dma_start3A_1768 = tpu.memref_slice %arg3[%squeeze3A_1758, %dma_start3A_1767] : memref<1000000x64xf32, #tpu.memory_space<hbm>> -> memref<1x64xf32, #tpu.memory_space<hbm>>
      tpu.enqueue_dma source(%dma_start3A_1768 : memref<1x64xf32, #tpu.memory_space<hbm>>) target(%dma_start3A_1766 : memref<1x64xf32, #tpu.memory_space<vmem>>) target_semaphore(%arg7 : memref<!tpu.dma_semaphore, #tpu.memory_space<semaphore_mem>>)
      %slice3A_1769 = vector.extract_strided_slice %get3A_1708 {offsets = [5], sizes = [1], strides = [1]} : vector<16xi32> to vector<1xi32>
      %squeeze3A_1770 = vector.extract %slice3A_1769[0] : i32 from vector<1xi32>
      %add3A_1771 = arith.constant 5 : i32
      %add3A_1772 = arith.addi %multiple_of3A_1705, %add3A_1771 : i32
      %dma_start3A_1773 = arith.constant 0 : i32
      %dma_start3A_1774 = tpu.memref_slice %arg6[%add3A_1772, %dma_start3A_1773] : memref<512x64xf32, #tpu.memory_space<vmem>> -> memref<1x64xf32, #tpu.memory_space<vmem>>
      %dma_start3A_1775 = arith.constant 0 : i32
      %dma_start3A_1776 = tpu.memref_slice %arg3[%squeeze3A_1770, %dma_start3A_1775] : memref<1000000x64xf32, #tpu.memory_space<hbm>> -> memref<1x64xf32, #tpu.memory_space<hbm>>
      %dma_start3A_1777 = arith.constant 0 : i32
      %dma_start3A_1778 = tpu.memref_slice %arg6[%add3A_1772, %dma_start3A_1777] : memref<512x64xf32, #tpu.memory_space<vmem>> -> memref<1x64xf32, #tpu.memory_space<vmem>>
      %dma_start3A_1779 = arith.constant 0 : i32
      %dma_start3A_1780 = tpu.memref_slice %arg3[%squeeze3A_1770, %dma_start3A_1779] : memref<1000000x64xf32, #tpu.memory_space<hbm>> -> memref<1x64xf32, #tpu.memory_space<hbm>>
      tpu.enqueue_dma source(%dma_start3A_1780 : memref<1x64xf32, #tpu.memory_space<hbm>>) target(%dma_start3A_1778 : memref<1x64xf32, #tpu.memory_space<vmem>>) target_semaphore(%arg7 : memref<!tpu.dma_semaphore, #tpu.memory_space<semaphore_mem>>)
      %slice3A_1781 = vector.extract_strided_slice %get3A_1708 {offsets = [6], sizes = [1], strides = [1]} : vector<16xi32> to vector<1xi32>
      %squeeze3A_1782 = vector.extract %slice3A_1781[0] : i32 from vector<1xi32>
      %add3A_1783 = arith.constant 6 : i32
      %add3A_1784 = arith.addi %multiple_of3A_1705, %add3A_1783 : i32
      %dma_start3A_1785 = arith.constant 0 : i32
      %dma_start3A_1786 = tpu.memref_slice %arg6[%add3A_1784, %dma_start3A_1785] : memref<512x64xf32, #tpu.memory_space<vmem>> -> memref<1x64xf32, #tpu.memory_space<vmem>>
      %dma_start3A_1787 = arith.constant 0 : i32
      %dma_start3A_1788 = tpu.memref_slice %arg3[%squeeze3A_1782, %dma_start3A_1787] : memref<1000000x64xf32, #tpu.memory_space<hbm>> -> memref<1x64xf32, #tpu.memory_space<hbm>>
      %dma_start3A_1789 = arith.constant 0 : i32
      %dma_start3A_1790 = tpu.memref_slice %arg6[%add3A_1784, %dma_start3A_1789] : memref<512x64xf32, #tpu.memory_space<vmem>> -> memref<1x64xf32, #tpu.memory_space<vmem>>
      %dma_start3A_1791 = arith.constant 0 : i32
      %dma_start3A_1792 = tpu.memref_slice %arg3[%squeeze3A_1782, %dma_start3A_1791] : memref<1000000x64xf32, #tpu.memory_space<hbm>> -> memref<1x64xf32, #tpu.memory_space<hbm>>
      tpu.enqueue_dma source(%dma_start3A_1792 : memref<1x64xf32, #tpu.memory_space<hbm>>) target(%dma_start3A_1790 : memref<1x64xf32, #tpu.memory_space<vmem>>) target_semaphore(%arg7 : memref<!tpu.dma_semaphore, #tpu.memory_space<semaphore_mem>>)
      %slice3A_1793 = vector.extract_strided_slice %get3A_1708 {offsets = [7], sizes = [1], strides = [1]} : vector<16xi32> to vector<1xi32>
      %squeeze3A_1794 = vector.extract %slice3A_1793[0] : i32 from vector<1xi32>
      %add3A_1795 = arith.constant 7 : i32
      %add3A_1796 = arith.addi %multiple_of3A_1705, %add3A_1795 : i32
      %dma_start3A_1797 = arith.constant 0 : i32
      %dma_start3A_1798 = tpu.memref_slice %arg6[%add3A_1796, %dma_start3A_1797] : memref<512x64xf32, #tpu.memory_space<vmem>> -> memref<1x64xf32, #tpu.memory_space<vmem>>
      %dma_start3A_1799 = arith.constant 0 : i32
      %dma_start3A_1800 = tpu.memref_slice %arg3[%squeeze3A_1794, %dma_start3A_1799] : memref<1000000x64xf32, #tpu.memory_space<hbm>> -> memref<1x64xf32, #tpu.memory_space<hbm>>
      %dma_start3A_1801 = arith.constant 0 : i32
      %dma_start3A_1802 = tpu.memref_slice %arg6[%add3A_1796, %dma_start3A_1801] : memref<512x64xf32, #tpu.memory_space<vmem>> -> memref<1x64xf32, #tpu.memory_space<vmem>>
      %dma_start3A_1803 = arith.constant 0 : i32
      %dma_start3A_1804 = tpu.memref_slice %arg3[%squeeze3A_1794, %dma_start3A_1803] : memref<1000000x64xf32, #tpu.memory_space<hbm>> -> memref<1x64xf32, #tpu.memory_space<hbm>>
      tpu.enqueue_dma source(%dma_start3A_1804 : memref<1x64xf32, #tpu.memory_space<hbm>>) target(%dma_start3A_1802 : memref<1x64xf32, #tpu.memory_space<vmem>>) target_semaphore(%arg7 : memref<!tpu.dma_semaphore, #tpu.memory_space<semaphore_mem>>)
      %slice3A_1805 = vector.extract_strided_slice %get3A_1708 {offsets = [8], sizes = [1], strides = [1]} : vector<16xi32> to vector<1xi32>
      %squeeze3A_1806 = vector.extract %slice3A_1805[0] : i32 from vector<1xi32>
      %add3A_1807 = arith.constant 8 : i32
      %add3A_1808 = arith.addi %multiple_of3A_1705, %add3A_1807 : i32
      %dma_start3A_1809 = arith.constant 0 : i32
      %dma_start3A_1810 = tpu.memref_slice %arg6[%add3A_1808, %dma_start3A_1809] : memref<512x64xf32, #tpu.memory_space<vmem>> -> memref<1x64xf32, #tpu.memory_space<vmem>>
      %dma_start3A_1811 = arith.constant 0 : i32
      %dma_start3A_1812 = tpu.memref_slice %arg3[%squeeze3A_1806, %dma_start3A_1811] : memref<1000000x64xf32, #tpu.memory_space<hbm>> -> memref<1x64xf32, #tpu.memory_space<hbm>>
      %dma_start3A_1813 = arith.constant 0 : i32
      %dma_start3A_1814 = tpu.memref_slice %arg6[%add3A_1808, %dma_start3A_1813] : memref<512x64xf32, #tpu.memory_space<vmem>> -> memref<1x64xf32, #tpu.memory_space<vmem>>
      %dma_start3A_1815 = arith.constant 0 : i32
      %dma_start3A_1816 = tpu.memref_slice %arg3[%squeeze3A_1806, %dma_start3A_1815] : memref<1000000x64xf32, #tpu.memory_space<hbm>> -> memref<1x64xf32, #tpu.memory_space<hbm>>
      tpu.enqueue_dma source(%dma_start3A_1816 : memref<1x64xf32, #tpu.memory_space<hbm>>) target(%dma_start3A_1814 : memref<1x64xf32, #tpu.memory_space<vmem>>) target_semaphore(%arg7 : memref<!tpu.dma_semaphore, #tpu.memory_space<semaphore_mem>>)
      %slice3A_1817 = vector.extract_strided_slice %get3A_1708 {offsets = [9], sizes = [1], strides = [1]} : vector<16xi32> to vector<1xi32>
      %squeeze3A_1818 = vector.extract %slice3A_1817[0] : i32 from vector<1xi32>
      %add3A_1819 = arith.constant 9 : i32
      %add3A_1820 = arith.addi %multiple_of3A_1705, %add3A_1819 : i32
      %dma_start3A_1821 = arith.constant 0 : i32
      %dma_start3A_1822 = tpu.memref_slice %arg6[%add3A_1820, %dma_start3A_1821] : memref<512x64xf32, #tpu.memory_space<vmem>> -> memref<1x64xf32, #tpu.memory_space<vmem>>
      %dma_start3A_1823 = arith.constant 0 : i32
      %dma_start3A_1824 = tpu.memref_slice %arg3[%squeeze3A_1818, %dma_start3A_1823] : memref<1000000x64xf32, #tpu.memory_space<hbm>> -> memref<1x64xf32, #tpu.memory_space<hbm>>
      %dma_start3A_1825 = arith.constant 0 : i32
      %dma_start3A_1826 = tpu.memref_slice %arg6[%add3A_1820, %dma_start3A_1825] : memref<512x64xf32, #tpu.memory_space<vmem>> -> memref<1x64xf32, #tpu.memory_space<vmem>>
      %dma_start3A_1827 = arith.constant 0 : i32
      %dma_start3A_1828 = tpu.memref_slice %arg3[%squeeze3A_1818, %dma_start3A_1827] : memref<1000000x64xf32, #tpu.memory_space<hbm>> -> memref<1x64xf32, #tpu.memory_space<hbm>>
      tpu.enqueue_dma source(%dma_start3A_1828 : memref<1x64xf32, #tpu.memory_space<hbm>>) target(%dma_start3A_1826 : memref<1x64xf32, #tpu.memory_space<vmem>>) target_semaphore(%arg7 : memref<!tpu.dma_semaphore, #tpu.memory_space<semaphore_mem>>)
      %slice3A_1829 = vector.extract_strided_slice %get3A_1708 {offsets = [10], sizes = [1], strides = [1]} : vector<16xi32> to vector<1xi32>
      %squeeze3A_1830 = vector.extract %slice3A_1829[0] : i32 from vector<1xi32>
      %add3A_1831 = arith.constant 10 : i32
      %add3A_1832 = arith.addi %multiple_of3A_1705, %add3A_1831 : i32
      %dma_start3A_1833 = arith.constant 0 : i32
      %dma_start3A_1834 = tpu.memref_slice %arg6[%add3A_1832, %dma_start3A_1833] : memref<512x64xf32, #tpu.memory_space<vmem>> -> memref<1x64xf32, #tpu.memory_space<vmem>>
      %dma_start3A_1835 = arith.constant 0 : i32
      %dma_start3A_1836 = tpu.memref_slice %arg3[%squeeze3A_1830, %dma_start3A_1835] : memref<1000000x64xf32, #tpu.memory_space<hbm>> -> memref<1x64xf32, #tpu.memory_space<hbm>>
      %dma_start3A_1837 = arith.constant 0 : i32
      %dma_start3A_1838 = tpu.memref_slice %arg6[%add3A_1832, %dma_start3A_1837] : memref<512x64xf32, #tpu.memory_space<vmem>> -> memref<1x64xf32, #tpu.memory_space<vmem>>
      %dma_start3A_1839 = arith.constant 0 : i32
      %dma_start3A_1840 = tpu.memref_slice %arg3[%squeeze3A_1830, %dma_start3A_1839] : memref<1000000x64xf32, #tpu.memory_space<hbm>> -> memref<1x64xf32, #tpu.memory_space<hbm>>
      tpu.enqueue_dma source(%dma_start3A_1840 : memref<1x64xf32, #tpu.memory_space<hbm>>) target(%dma_start3A_1838 : memref<1x64xf32, #tpu.memory_space<vmem>>) target_semaphore(%arg7 : memref<!tpu.dma_semaphore, #tpu.memory_space<semaphore_mem>>)
      %slice3A_1841 = vector.extract_strided_slice %get3A_1708 {offsets = [11], sizes = [1], strides = [1]} : vector<16xi32> to vector<1xi32>
      %squeeze3A_1842 = vector.extract %slice3A_1841[0] : i32 from vector<1xi32>
      %add3A_1843 = arith.constant 11 : i32
      %add3A_1844 = arith.addi %multiple_of3A_1705, %add3A_1843 : i32
      %dma_start3A_1845 = arith.constant 0 : i32
      %dma_start3A_1846 = tpu.memref_slice %arg6[%add3A_1844, %dma_start3A_1845] : memref<512x64xf32, #tpu.memory_space<vmem>> -> memref<1x64xf32, #tpu.memory_space<vmem>>
      %dma_start3A_1847 = arith.constant 0 : i32
      %dma_start3A_1848 = tpu.memref_slice %arg3[%squeeze3A_1842, %dma_start3A_1847] : memref<1000000x64xf32, #tpu.memory_space<hbm>> -> memref<1x64xf32, #tpu.memory_space<hbm>>
      %dma_start3A_1849 = arith.constant 0 : i32
      %dma_start3A_1850 = tpu.memref_slice %arg6[%add3A_1844, %dma_start3A_1849] : memref<512x64xf32, #tpu.memory_space<vmem>> -> memref<1x64xf32, #tpu.memory_space<vmem>>
      %dma_start3A_1851 = arith.constant 0 : i32
      %dma_start3A_1852 = tpu.memref_slice %arg3[%squeeze3A_1842, %dma_start3A_1851] : memref<1000000x64xf32, #tpu.memory_space<hbm>> -> memref<1x64xf32, #tpu.memory_space<hbm>>
      tpu.enqueue_dma source(%dma_start3A_1852 : memref<1x64xf32, #tpu.memory_space<hbm>>) target(%dma_start3A_1850 : memref<1x64xf32, #tpu.memory_space<vmem>>) target_semaphore(%arg7 : memref<!tpu.dma_semaphore, #tpu.memory_space<semaphore_mem>>)
      %slice3A_1853 = vector.extract_strided_slice %get3A_1708 {offsets = [12], sizes = [1], strides = [1]} : vector<16xi32> to vector<1xi32>
      %squeeze3A_1854 = vector.extract %slice3A_1853[0] : i32 from vector<1xi32>
      %add3A_1855 = arith.constant 12 : i32
      %add3A_1856 = arith.addi %multiple_of3A_1705, %add3A_1855 : i32
      %dma_start3A_1857 = arith.constant 0 : i32
      %dma_start3A_1858 = tpu.memref_slice %arg6[%add3A_1856, %dma_start3A_1857] : memref<512x64xf32, #tpu.memory_space<vmem>> -> memref<1x64xf32, #tpu.memory_space<vmem>>
      %dma_start3A_1859 = arith.constant 0 : i32
      %dma_start3A_1860 = tpu.memref_slice %arg3[%squeeze3A_1854, %dma_start3A_1859] : memref<1000000x64xf32, #tpu.memory_space<hbm>> -> memref<1x64xf32, #tpu.memory_space<hbm>>
      %dma_start3A_1861 = arith.constant 0 : i32
      %dma_start3A_1862 = tpu.memref_slice %arg6[%add3A_1856, %dma_start3A_1861] : memref<512x64xf32, #tpu.memory_space<vmem>> -> memref<1x64xf32, #tpu.memory_space<vmem>>
      %dma_start3A_1863 = arith.constant 0 : i32
      %dma_start3A_1864 = tpu.memref_slice %arg3[%squeeze3A_1854, %dma_start3A_1863] : memref<1000000x64xf32, #tpu.memory_space<hbm>> -> memref<1x64xf32, #tpu.memory_space<hbm>>
      tpu.enqueue_dma source(%dma_start3A_1864 : memref<1x64xf32, #tpu.memory_space<hbm>>) target(%dma_start3A_1862 : memref<1x64xf32, #tpu.memory_space<vmem>>) target_semaphore(%arg7 : memref<!tpu.dma_semaphore, #tpu.memory_space<semaphore_mem>>)
      %slice3A_1865 = vector.extract_strided_slice %get3A_1708 {offsets = [13], sizes = [1], strides = [1]} : vector<16xi32> to vector<1xi32>
      %squeeze3A_1866 = vector.extract %slice3A_1865[0] : i32 from vector<1xi32>
      %add3A_1867 = arith.constant 13 : i32
      %add3A_1868 = arith.addi %multiple_of3A_1705, %add3A_1867 : i32
      %dma_start3A_1869 = arith.constant 0 : i32
      %dma_start3A_1870 = tpu.memref_slice %arg6[%add3A_1868, %dma_start3A_1869] : memref<512x64xf32, #tpu.memory_space<vmem>> -> memref<1x64xf32, #tpu.memory_space<vmem>>
      %dma_start3A_1871 = arith.constant 0 : i32
      %dma_start3A_1872 = tpu.memref_slice %arg3[%squeeze3A_1866, %dma_start3A_1871] : memref<1000000x64xf32, #tpu.memory_space<hbm>> -> memref<1x64xf32, #tpu.memory_space<hbm>>
      %dma_start3A_1873 = arith.constant 0 : i32
      %dma_start3A_1874 = tpu.memref_slice %arg6[%add3A_1868, %dma_start3A_1873] : memref<512x64xf32, #tpu.memory_space<vmem>> -> memref<1x64xf32, #tpu.memory_space<vmem>>
      %dma_start3A_1875 = arith.constant 0 : i32
      %dma_start3A_1876 = tpu.memref_slice %arg3[%squeeze3A_1866, %dma_start3A_1875] : memref<1000000x64xf32, #tpu.memory_space<hbm>> -> memref<1x64xf32, #tpu.memory_space<hbm>>
      tpu.enqueue_dma source(%dma_start3A_1876 : memref<1x64xf32, #tpu.memory_space<hbm>>) target(%dma_start3A_1874 : memref<1x64xf32, #tpu.memory_space<vmem>>) target_semaphore(%arg7 : memref<!tpu.dma_semaphore, #tpu.memory_space<semaphore_mem>>)
      %slice3A_1877 = vector.extract_strided_slice %get3A_1708 {offsets = [14], sizes = [1], strides = [1]} : vector<16xi32> to vector<1xi32>
      %squeeze3A_1878 = vector.extract %slice3A_1877[0] : i32 from vector<1xi32>
      %add3A_1879 = arith.constant 14 : i32
      %add3A_1880 = arith.addi %multiple_of3A_1705, %add3A_1879 : i32
      %dma_start3A_1881 = arith.constant 0 : i32
      %dma_start3A_1882 = tpu.memref_slice %arg6[%add3A_1880, %dma_start3A_1881] : memref<512x64xf32, #tpu.memory_space<vmem>> -> memref<1x64xf32, #tpu.memory_space<vmem>>
      %dma_start3A_1883 = arith.constant 0 : i32
      %dma_start3A_1884 = tpu.memref_slice %arg3[%squeeze3A_1878, %dma_start3A_1883] : memref<1000000x64xf32, #tpu.memory_space<hbm>> -> memref<1x64xf32, #tpu.memory_space<hbm>>
      %dma_start3A_1885 = arith.constant 0 : i32
      %dma_start3A_1886 = tpu.memref_slice %arg6[%add3A_1880, %dma_start3A_1885] : memref<512x64xf32, #tpu.memory_space<vmem>> -> memref<1x64xf32, #tpu.memory_space<vmem>>
      %dma_start3A_1887 = arith.constant 0 : i32
      %dma_start3A_1888 = tpu.memref_slice %arg3[%squeeze3A_1878, %dma_start3A_1887] : memref<1000000x64xf32, #tpu.memory_space<hbm>> -> memref<1x64xf32, #tpu.memory_space<hbm>>
      tpu.enqueue_dma source(%dma_start3A_1888 : memref<1x64xf32, #tpu.memory_space<hbm>>) target(%dma_start3A_1886 : memref<1x64xf32, #tpu.memory_space<vmem>>) target_semaphore(%arg7 : memref<!tpu.dma_semaphore, #tpu.memory_space<semaphore_mem>>)
      %slice3A_1889 = vector.extract_strided_slice %get3A_1708 {offsets = [15], sizes = [1], strides = [1]} : vector<16xi32> to vector<1xi32>
      %squeeze3A_1890 = vector.extract %slice3A_1889[0] : i32 from vector<1xi32>
      %add3A_1891 = arith.constant 15 : i32
      %add3A_1892 = arith.addi %multiple_of3A_1705, %add3A_1891 : i32
      %dma_start3A_1893 = arith.constant 0 : i32
      %dma_start3A_1894 = tpu.memref_slice %arg6[%add3A_1892, %dma_start3A_1893] : memref<512x64xf32, #tpu.memory_space<vmem>> -> memref<1x64xf32, #tpu.memory_space<vmem>>
      %dma_start3A_1895 = arith.constant 0 : i32
      %dma_start3A_1896 = tpu.memref_slice %arg3[%squeeze3A_1890, %dma_start3A_1895] : memref<1000000x64xf32, #tpu.memory_space<hbm>> -> memref<1x64xf32, #tpu.memory_space<hbm>>
      %dma_start3A_1897 = arith.constant 0 : i32
      %dma_start3A_1898 = tpu.memref_slice %arg6[%add3A_1892, %dma_start3A_1897] : memref<512x64xf32, #tpu.memory_space<vmem>> -> memref<1x64xf32, #tpu.memory_space<vmem>>
      %dma_start3A_1899 = arith.constant 0 : i32
      %dma_start3A_1900 = tpu.memref_slice %arg3[%squeeze3A_1890, %dma_start3A_1899] : memref<1000000x64xf32, #tpu.memory_space<hbm>> -> memref<1x64xf32, #tpu.memory_space<hbm>>
      tpu.enqueue_dma source(%dma_start3A_1900 : memref<1x64xf32, #tpu.memory_space<hbm>>) target(%dma_start3A_1898 : memref<1x64xf32, #tpu.memory_space<vmem>>) target_semaphore(%arg7 : memref<!tpu.dma_semaphore, #tpu.memory_space<semaphore_mem>>)
      %dma_wait3A_1901 = arith.constant 0 : i32
      %dma_wait3A_1902 = arith.constant 0 : i32
      %dma_wait3A_1903 = tpu.memref_slice %arg6[%dma_wait3A_1901, %dma_wait3A_1902] : memref<512x64xf32, #tpu.memory_space<vmem>> -> memref<16x64xf32, #tpu.memory_space<vmem>>
      %dma_wait3A_1904 = arith.constant 0 : i32
      %dma_wait3A_1905 = arith.constant 0 : i32
      %dma_wait3A_1906 = tpu.memref_slice %arg3[%dma_wait3A_1904, %dma_wait3A_1905] : memref<1000000x64xf32, #tpu.memory_space<hbm>> -> memref<16x64xf32, #tpu.memory_space<hbm>>
      %dma_wait3A_1907 = arith.constant 0 : i32
      %dma_wait3A_1908 = arith.constant 0 : i32
      %dma_wait3A_1909 = tpu.memref_slice %arg6[%dma_wait3A_1907, %dma_wait3A_1908] : memref<512x64xf32, #tpu.memory_space<vmem>> -> memref<16x64xf32, #tpu.memory_space<vmem>>
      %dma_wait3A_1910 = arith.constant 0 : i32
      %dma_wait3A_1911 = arith.constant 0 : i32
      %dma_wait3A_1912 = tpu.memref_slice %arg3[%dma_wait3A_1910, %dma_wait3A_1911] : memref<1000000x64xf32, #tpu.memory_space<hbm>> -> memref<16x64xf32, #tpu.memory_space<hbm>>
      tpu.wait_dma2 semaphore(%arg7 : memref<!tpu.dma_semaphore, #tpu.memory_space<semaphore_mem>>) src(%dma_wait3A_1912 : memref<16x64xf32, #tpu.memory_space<hbm>>) dst(%dma_wait3A_1909 : memref<16x64xf32, #tpu.memory_space<vmem>>)
      %scan3A_1913 = arith.constant 1 : i32
      %scan3A_1914 = arith.addi %scan3A_1702, %scan3A_1913 : i32
      %mul3A_1915 = arith.constant 16 : i32
      %mul3A_1916 = arith.muli %scan3A_1914, %mul3A_1915 : i32
      %multiple_of3A_1917 = tpu.assume_multiple %mul3A_1916, 16 : i32
      %get3A_1918 = arith.index_cast %multiple_of3A_1917 : i32 to index
      %get3A_1919 = tpu.vector_load %arg5[%get3A_1918] {strides = array<i32>} : memref<512xi32, #tpu.memory_space<vmem>>, vector<16xi32>,
      %get3A_1920 = vector.shape_cast %get3A_1919 : vector<16xi32> to vector<16xi32>
      %slice3A_1921 = vector.extract_strided_slice %get3A_1920 {offsets = [0], sizes = [1], strides = [1]} : vector<16xi32> to vector<1xi32>
      %squeeze3A_1922 = vector.extract %slice3A_1921[0] : i32 from vector<1xi32>
      %add3A_1923 = arith.constant 0 : i32
      %add3A_1924 = arith.addi %multiple_of3A_1917, %add3A_1923 : i32
      %dma_start3A_1925 = arith.constant 0 : i32
      %dma_start3A_1926 = tpu.memref_slice %arg6[%add3A_1924, %dma_start3A_1925] : memref<512x64xf32, #tpu.memory_space<vmem>> -> memref<1x64xf32, #tpu.memory_space<vmem>>
      %dma_start3A_1927 = arith.constant 0 : i32
      %dma_start3A_1928 = tpu.memref_slice %arg3[%squeeze3A_1922, %dma_start3A_1927] : memref<1000000x64xf32, #tpu.memory_space<hbm>> -> memref<1x64xf32, #tpu.memory_space<hbm>>
      %dma_start3A_1929 = arith.constant 0 : i32
      %dma_start3A_1930 = tpu.memref_slice %arg6[%add3A_1924, %dma_start3A_1929] : memref<512x64xf32, #tpu.memory_space<vmem>> -> memref<1x64xf32, #tpu.memory_space<vmem>>
      %dma_start3A_1931 = arith.constant 0 : i32
      %dma_start3A_1932 = tpu.memref_slice %arg3[%squeeze3A_1922, %dma_start3A_1931] : memref<1000000x64xf32, #tpu.memory_space<hbm>> -> memref<1x64xf32, #tpu.memory_space<hbm>>
      tpu.enqueue_dma source(%dma_start3A_1932 : memref<1x64xf32, #tpu.memory_space<hbm>>) target(%dma_start3A_1930 : memref<1x64xf32, #tpu.memory_space<vmem>>) target_semaphore(%arg7 : memref<!tpu.dma_semaphore, #tpu.memory_space<semaphore_mem>>)
      %slice3A_1933 = vector.extract_strided_slice %get3A_1920 {offsets = [1], sizes = [1], strides = [1]} : vector<16xi32> to vector<1xi32>
      %squeeze3A_1934 = vector.extract %slice3A_1933[0] : i32 from vector<1xi32>
      %add3A_1935 = arith.constant 1 : i32
      %add3A_1936 = arith.addi %multiple_of3A_1917, %add3A_1935 : i32
      %dma_start3A_1937 = arith.constant 0 : i32
      %dma_start3A_1938 = tpu.memref_slice %arg6[%add3A_1936, %dma_start3A_1937] : memref<512x64xf32, #tpu.memory_space<vmem>> -> memref<1x64xf32, #tpu.memory_space<vmem>>
      %dma_start3A_1939 = arith.constant 0 : i32
      %dma_start3A_1940 = tpu.memref_slice %arg3[%squeeze3A_1934, %dma_start3A_1939] : memref<1000000x64xf32, #tpu.memory_space<hbm>> -> memref<1x64xf32, #tpu.memory_space<hbm>>
      %dma_start3A_1941 = arith.constant 0 : i32
      %dma_start3A_1942 = tpu.memref_slice %arg6[%add3A_1936, %dma_start3A_1941] : memref<512x64xf32, #tpu.memory_space<vmem>> -> memref<1x64xf32, #tpu.memory_space<vmem>>
      %dma_start3A_1943 = arith.constant 0 : i32
      %dma_start3A_1944 = tpu.memref_slice %arg3[%squeeze3A_1934, %dma_start3A_1943] : memref<1000000x64xf32, #tpu.memory_space<hbm>> -> memref<1x64xf32, #tpu.memory_space<hbm>>
      tpu.enqueue_dma source(%dma_start3A_1944 : memref<1x64xf32, #tpu.memory_space<hbm>>) target(%dma_start3A_1942 : memref<1x64xf32, #tpu.memory_space<vmem>>) target_semaphore(%arg7 : memref<!tpu.dma_semaphore, #tpu.memory_space<semaphore_mem>>)
      %slice3A_1945 = vector.extract_strided_slice %get3A_1920 {offsets = [2], sizes = [1], strides = [1]} : vector<16xi32> to vector<1xi32>
      %squeeze3A_1946 = vector.extract %slice3A_1945[0] : i32 from vector<1xi32>
      %add3A_1947 = arith.constant 2 : i32
      %add3A_1948 = arith.addi %multiple_of3A_1917, %add3A_1947 : i32
      %dma_start3A_1949 = arith.constant 0 : i32
      %dma_start3A_1950 = tpu.memref_slice %arg6[%add3A_1948, %dma_start3A_1949] : memref<512x64xf32, #tpu.memory_space<vmem>> -> memref<1x64xf32, #tpu.memory_space<vmem>>
      %dma_start3A_1951 = arith.constant 0 : i32
      %dma_start3A_1952 = tpu.memref_slice %arg3[%squeeze3A_1946, %dma_start3A_1951] : memref<1000000x64xf32, #tpu.memory_space<hbm>> -> memref<1x64xf32, #tpu.memory_space<hbm>>
      %dma_start3A_1953 = arith.constant 0 : i32
      %dma_start3A_1954 = tpu.memref_slice %arg6[%add3A_1948, %dma_start3A_1953] : memref<512x64xf32, #tpu.memory_space<vmem>> -> memref<1x64xf32, #tpu.memory_space<vmem>>
      %dma_start3A_1955 = arith.constant 0 : i32
      %dma_start3A_1956 = tpu.memref_slice %arg3[%squeeze3A_1946, %dma_start3A_1955] : memref<1000000x64xf32, #tpu.memory_space<hbm>> -> memref<1x64xf32, #tpu.memory_space<hbm>>
      tpu.enqueue_dma source(%dma_start3A_1956 : memref<1x64xf32, #tpu.memory_space<hbm>>) target(%dma_start3A_1954 : memref<1x64xf32, #tpu.memory_space<vmem>>) target_semaphore(%arg7 : memref<!tpu.dma_semaphore, #tpu.memory_space<semaphore_mem>>)
      %slice3A_1957 = vector.extract_strided_slice %get3A_1920 {offsets = [3], sizes = [1], strides = [1]} : vector<16xi32> to vector<1xi32>
      %squeeze3A_1958 = vector.extract %slice3A_1957[0] : i32 from vector<1xi32>
      %add3A_1959 = arith.constant 3 : i32
      %add3A_1960 = arith.addi %multiple_of3A_1917, %add3A_1959 : i32
      %dma_start3A_1961 = arith.constant 0 : i32
      %dma_start3A_1962 = tpu.memref_slice %arg6[%add3A_1960, %dma_start3A_1961] : memref<512x64xf32, #tpu.memory_space<vmem>> -> memref<1x64xf32, #tpu.memory_space<vmem>>
      %dma_start3A_1963 = arith.constant 0 : i32
      %dma_start3A_1964 = tpu.memref_slice %arg3[%squeeze3A_1958, %dma_start3A_1963] : memref<1000000x64xf32, #tpu.memory_space<hbm>> -> memref<1x64xf32, #tpu.memory_space<hbm>>
      %dma_start3A_1965 = arith.constant 0 : i32
      %dma_start3A_1966 = tpu.memref_slice %arg6[%add3A_1960, %dma_start3A_1965] : memref<512x64xf32, #tpu.memory_space<vmem>> -> memref<1x64xf32, #tpu.memory_space<vmem>>
      %dma_start3A_1967 = arith.constant 0 : i32
      %dma_start3A_1968 = tpu.memref_slice %arg3[%squeeze3A_1958, %dma_start3A_1967] : memref<1000000x64xf32, #tpu.memory_space<hbm>> -> memref<1x64xf32, #tpu.memory_space<hbm>>
      tpu.enqueue_dma source(%dma_start3A_1968 : memref<1x64xf32, #tpu.memory_space<hbm>>) target(%dma_start3A_1966 : memref<1x64xf32, #tpu.memory_space<vmem>>) target_semaphore(%arg7 : memref<!tpu.dma_semaphore, #tpu.memory_space<semaphore_mem>>)
      %slice3A_1969 = vector.extract_strided_slice %get3A_1920 {offsets = [4], sizes = [1], strides = [1]} : vector<16xi32> to vector<1xi32>
      %squeeze3A_1970 = vector.extract %slice3A_1969[0] : i32 from vector<1xi32>
      %add3A_1971 = arith.constant 4 : i32
      %add3A_1972 = arith.addi %multiple_of3A_1917, %add3A_1971 : i32
      %dma_start3A_1973 = arith.constant 0 : i32
      %dma_start3A_1974 = tpu.memref_slice %arg6[%add3A_1972, %dma_start3A_1973] : memref<512x64xf32, #tpu.memory_space<vmem>> -> memref<1x64xf32, #tpu.memory_space<vmem>>
      %dma_start3A_1975 = arith.constant 0 : i32
      %dma_start3A_1976 = tpu.memref_slice %arg3[%squeeze3A_1970, %dma_start3A_1975] : memref<1000000x64xf32, #tpu.memory_space<hbm>> -> memref<1x64xf32, #tpu.memory_space<hbm>>
      %dma_start3A_1977 = arith.constant 0 : i32
      %dma_start3A_1978 = tpu.memref_slice %arg6[%add3A_1972, %dma_start3A_1977] : memref<512x64xf32, #tpu.memory_space<vmem>> -> memref<1x64xf32, #tpu.memory_space<vmem>>
      %dma_start3A_1979 = arith.constant 0 : i32
      %dma_start3A_1980 = tpu.memref_slice %arg3[%squeeze3A_1970, %dma_start3A_1979] : memref<1000000x64xf32, #tpu.memory_space<hbm>> -> memref<1x64xf32, #tpu.memory_space<hbm>>
      tpu.enqueue_dma source(%dma_start3A_1980 : memref<1x64xf32, #tpu.memory_space<hbm>>) target(%dma_start3A_1978 : memref<1x64xf32, #tpu.memory_space<vmem>>) target_semaphore(%arg7 : memref<!tpu.dma_semaphore, #tpu.memory_space<semaphore_mem>>)
      %slice3A_1981 = vector.extract_strided_slice %get3A_1920 {offsets = [5], sizes = [1], strides = [1]} : vector<16xi32> to vector<1xi32>
      %squeeze3A_1982 = vector.extract %slice3A_1981[0] : i32 from vector<1xi32>
      %add3A_1983 = arith.constant 5 : i32
      %add3A_1984 = arith.addi %multiple_of3A_1917, %add3A_1983 : i32
      %dma_start3A_1985 = arith.constant 0 : i32
      %dma_start3A_1986 = tpu.memref_slice %arg6[%add3A_1984, %dma_start3A_1985] : memref<512x64xf32, #tpu.memory_space<vmem>> -> memref<1x64xf32, #tpu.memory_space<vmem>>
      %dma_start3A_1987 = arith.constant 0 : i32
      %dma_start3A_1988 = tpu.memref_slice %arg3[%squeeze3A_1982, %dma_start3A_1987] : memref<1000000x64xf32, #tpu.memory_space<hbm>> -> memref<1x64xf32, #tpu.memory_space<hbm>>
      %dma_start3A_1989 = arith.constant 0 : i32
      %dma_start3A_1990 = tpu.memref_slice %arg6[%add3A_1984, %dma_start3A_1989] : memref<512x64xf32, #tpu.memory_space<vmem>> -> memref<1x64xf32, #tpu.memory_space<vmem>>
      %dma_start3A_1991 = arith.constant 0 : i32
      %dma_start3A_1992 = tpu.memref_slice %arg3[%squeeze3A_1982, %dma_start3A_1991] : memref<1000000x64xf32, #tpu.memory_space<hbm>> -> memref<1x64xf32, #tpu.memory_space<hbm>>
      tpu.enqueue_dma source(%dma_start3A_1992 : memref<1x64xf32, #tpu.memory_space<hbm>>) target(%dma_start3A_1990 : memref<1x64xf32, #tpu.memory_space<vmem>>) target_semaphore(%arg7 : memref<!tpu.dma_semaphore, #tpu.memory_space<semaphore_mem>>)
      %slice3A_1993 = vector.extract_strided_slice %get3A_1920 {offsets = [6], sizes = [1], strides = [1]} : vector<16xi32> to vector<1xi32>
      %squeeze3A_1994 = vector.extract %slice3A_1993[0] : i32 from vector<1xi32>
      %add3A_1995 = arith.constant 6 : i32
      %add3A_1996 = arith.addi %multiple_of3A_1917, %add3A_1995 : i32
      %dma_start3A_1997 = arith.constant 0 : i32
      %dma_start3A_1998 = tpu.memref_slice %arg6[%add3A_1996, %dma_start3A_1997] : memref<512x64xf32, #tpu.memory_space<vmem>> -> memref<1x64xf32, #tpu.memory_space<vmem>>
      %dma_start3A_1999 = arith.constant 0 : i32
      %dma_start3A_2000 = tpu.memref_slice %arg3[%squeeze3A_1994, %dma_start3A_1999] : memref<1000000x64xf32, #tpu.memory_space<hbm>> -> memref<1x64xf32, #tpu.memory_space<hbm>>
      %dma_start3A_2001 = arith.constant 0 : i32
      %dma_start3A_2002 = tpu.memref_slice %arg6[%add3A_1996, %dma_start3A_2001] : memref<512x64xf32, #tpu.memory_space<vmem>> -> memref<1x64xf32, #tpu.memory_space<vmem>>
      %dma_start3A_2003 = arith.constant 0 : i32
      %dma_start3A_2004 = tpu.memref_slice %arg3[%squeeze3A_1994, %dma_start3A_2003] : memref<1000000x64xf32, #tpu.memory_space<hbm>> -> memref<1x64xf32, #tpu.memory_space<hbm>>
      tpu.enqueue_dma source(%dma_start3A_2004 : memref<1x64xf32, #tpu.memory_space<hbm>>) target(%dma_start3A_2002 : memref<1x64xf32, #tpu.memory_space<vmem>>) target_semaphore(%arg7 : memref<!tpu.dma_semaphore, #tpu.memory_space<semaphore_mem>>)
      %slice3A_2005 = vector.extract_strided_slice %get3A_1920 {offsets = [7], sizes = [1], strides = [1]} : vector<16xi32> to vector<1xi32>
      %squeeze3A_2006 = vector.extract %slice3A_2005[0] : i32 from vector<1xi32>
      %add3A_2007 = arith.constant 7 : i32
      %add3A_2008 = arith.addi %multiple_of3A_1917, %add3A_2007 : i32
      %dma_start3A_2009 = arith.constant 0 : i32
      %dma_start3A_2010 = tpu.memref_slice %arg6[%add3A_2008, %dma_start3A_2009] : memref<512x64xf32, #tpu.memory_space<vmem>> -> memref<1x64xf32, #tpu.memory_space<vmem>>
      %dma_start3A_2011 = arith.constant 0 : i32
      %dma_start3A_2012 = tpu.memref_slice %arg3[%squeeze3A_2006, %dma_start3A_2011] : memref<1000000x64xf32, #tpu.memory_space<hbm>> -> memref<1x64xf32, #tpu.memory_space<hbm>>
      %dma_start3A_2013 = arith.constant 0 : i32
      %dma_start3A_2014 = tpu.memref_slice %arg6[%add3A_2008, %dma_start3A_2013] : memref<512x64xf32, #tpu.memory_space<vmem>> -> memref<1x64xf32, #tpu.memory_space<vmem>>
      %dma_start3A_2015 = arith.constant 0 : i32
      %dma_start3A_2016 = tpu.memref_slice %arg3[%squeeze3A_2006, %dma_start3A_2015] : memref<1000000x64xf32, #tpu.memory_space<hbm>> -> memref<1x64xf32, #tpu.memory_space<hbm>>
      tpu.enqueue_dma source(%dma_start3A_2016 : memref<1x64xf32, #tpu.memory_space<hbm>>) target(%dma_start3A_2014 : memref<1x64xf32, #tpu.memory_space<vmem>>) target_semaphore(%arg7 : memref<!tpu.dma_semaphore, #tpu.memory_space<semaphore_mem>>)
      %slice3A_2017 = vector.extract_strided_slice %get3A_1920 {offsets = [8], sizes = [1], strides = [1]} : vector<16xi32> to vector<1xi32>
      %squeeze3A_2018 = vector.extract %slice3A_2017[0] : i32 from vector<1xi32>
      %add3A_2019 = arith.constant 8 : i32
      %add3A_2020 = arith.addi %multiple_of3A_1917, %add3A_2019 : i32
      %dma_start3A_2021 = arith.constant 0 : i32
      %dma_start3A_2022 = tpu.memref_slice %arg6[%add3A_2020, %dma_start3A_2021] : memref<512x64xf32, #tpu.memory_space<vmem>> -> memref<1x64xf32, #tpu.memory_space<vmem>>
      %dma_start3A_2023 = arith.constant 0 : i32
      %dma_start3A_2024 = tpu.memref_slice %arg3[%squeeze3A_2018, %dma_start3A_2023] : memref<1000000x64xf32, #tpu.memory_space<hbm>> -> memref<1x64xf32, #tpu.memory_space<hbm>>
      %dma_start3A_2025 = arith.constant 0 : i32
      %dma_start3A_2026 = tpu.memref_slice %arg6[%add3A_2020, %dma_start3A_2025] : memref<512x64xf32, #tpu.memory_space<vmem>> -> memref<1x64xf32, #tpu.memory_space<vmem>>
      %dma_start3A_2027 = arith.constant 0 : i32
      %dma_start3A_2028 = tpu.memref_slice %arg3[%squeeze3A_2018, %dma_start3A_2027] : memref<1000000x64xf32, #tpu.memory_space<hbm>> -> memref<1x64xf32, #tpu.memory_space<hbm>>
      tpu.enqueue_dma source(%dma_start3A_2028 : memref<1x64xf32, #tpu.memory_space<hbm>>) target(%dma_start3A_2026 : memref<1x64xf32, #tpu.memory_space<vmem>>) target_semaphore(%arg7 : memref<!tpu.dma_semaphore, #tpu.memory_space<semaphore_mem>>)
      %slice3A_2029 = vector.extract_strided_slice %get3A_1920 {offsets = [9], sizes = [1], strides = [1]} : vector<16xi32> to vector<1xi32>
      %squeeze3A_2030 = vector.extract %slice3A_2029[0] : i32 from vector<1xi32>
      %add3A_2031 = arith.constant 9 : i32
      %add3A_2032 = arith.addi %multiple_of3A_1917, %add3A_2031 : i32
      %dma_start3A_2033 = arith.constant 0 : i32
      %dma_start3A_2034 = tpu.memref_slice %arg6[%add3A_2032, %dma_start3A_2033] : memref<512x64xf32, #tpu.memory_space<vmem>> -> memref<1x64xf32, #tpu.memory_space<vmem>>
      %dma_start3A_2035 = arith.constant 0 : i32
      %dma_start3A_2036 = tpu.memref_slice %arg3[%squeeze3A_2030, %dma_start3A_2035] : memref<1000000x64xf32, #tpu.memory_space<hbm>> -> memref<1x64xf32, #tpu.memory_space<hbm>>
      %dma_start3A_2037 = arith.constant 0 : i32
      %dma_start3A_2038 = tpu.memref_slice %arg6[%add3A_2032, %dma_start3A_2037] : memref<512x64xf32, #tpu.memory_space<vmem>> -> memref<1x64xf32, #tpu.memory_space<vmem>>
      %dma_start3A_2039 = arith.constant 0 : i32
      %dma_start3A_2040 = tpu.memref_slice %arg3[%squeeze3A_2030, %dma_start3A_2039] : memref<1000000x64xf32, #tpu.memory_space<hbm>> -> memref<1x64xf32, #tpu.memory_space<hbm>>
      tpu.enqueue_dma source(%dma_start3A_2040 : memref<1x64xf32, #tpu.memory_space<hbm>>) target(%dma_start3A_2038 : memref<1x64xf32, #tpu.memory_space<vmem>>) target_semaphore(%arg7 : memref<!tpu.dma_semaphore, #tpu.memory_space<semaphore_mem>>)
      %slice3A_2041 = vector.extract_strided_slice %get3A_1920 {offsets = [10], sizes = [1], strides = [1]} : vector<16xi32> to vector<1xi32>
      %squeeze3A_2042 = vector.extract %slice3A_2041[0] : i32 from vector<1xi32>
      %add3A_2043 = arith.constant 10 : i32
      %add3A_2044 = arith.addi %multiple_of3A_1917, %add3A_2043 : i32
      %dma_start3A_2045 = arith.constant 0 : i32
      %dma_start3A_2046 = tpu.memref_slice %arg6[%add3A_2044, %dma_start3A_2045] : memref<512x64xf32, #tpu.memory_space<vmem>> -> memref<1x64xf32, #tpu.memory_space<vmem>>
      %dma_start3A_2047 = arith.constant 0 : i32
      %dma_start3A_2048 = tpu.memref_slice %arg3[%squeeze3A_2042, %dma_start3A_2047] : memref<1000000x64xf32, #tpu.memory_space<hbm>> -> memref<1x64xf32, #tpu.memory_space<hbm>>
      %dma_start3A_2049 = arith.constant 0 : i32
      %dma_start3A_2050 = tpu.memref_slice %arg6[%add3A_2044, %dma_start3A_2049] : memref<512x64xf32, #tpu.memory_space<vmem>> -> memref<1x64xf32, #tpu.memory_space<vmem>>
      %dma_start3A_2051 = arith.constant 0 : i32
      %dma_start3A_2052 = tpu.memref_slice %arg3[%squeeze3A_2042, %dma_start3A_2051] : memref<1000000x64xf32, #tpu.memory_space<hbm>> -> memref<1x64xf32, #tpu.memory_space<hbm>>
      tpu.enqueue_dma source(%dma_start3A_2052 : memref<1x64xf32, #tpu.memory_space<hbm>>) target(%dma_start3A_2050 : memref<1x64xf32, #tpu.memory_space<vmem>>) target_semaphore(%arg7 : memref<!tpu.dma_semaphore, #tpu.memory_space<semaphore_mem>>)
      %slice3A_2053 = vector.extract_strided_slice %get3A_1920 {offsets = [11], sizes = [1], strides = [1]} : vector<16xi32> to vector<1xi32>
      %squeeze3A_2054 = vector.extract %slice3A_2053[0] : i32 from vector<1xi32>
      %add3A_2055 = arith.constant 11 : i32
      %add3A_2056 = arith.addi %multiple_of3A_1917, %add3A_2055 : i32
      %dma_start3A_2057 = arith.constant 0 : i32
      %dma_start3A_2058 = tpu.memref_slice %arg6[%add3A_2056, %dma_start3A_2057] : memref<512x64xf32, #tpu.memory_space<vmem>> -> memref<1x64xf32, #tpu.memory_space<vmem>>
      %dma_start3A_2059 = arith.constant 0 : i32
      %dma_start3A_2060 = tpu.memref_slice %arg3[%squeeze3A_2054, %dma_start3A_2059] : memref<1000000x64xf32, #tpu.memory_space<hbm>> -> memref<1x64xf32, #tpu.memory_space<hbm>>
      %dma_start3A_2061 = arith.constant 0 : i32
      %dma_start3A_2062 = tpu.memref_slice %arg6[%add3A_2056, %dma_start3A_2061] : memref<512x64xf32, #tpu.memory_space<vmem>> -> memref<1x64xf32, #tpu.memory_space<vmem>>
      %dma_start3A_2063 = arith.constant 0 : i32
      %dma_start3A_2064 = tpu.memref_slice %arg3[%squeeze3A_2054, %dma_start3A_2063] : memref<1000000x64xf32, #tpu.memory_space<hbm>> -> memref<1x64xf32, #tpu.memory_space<hbm>>
      tpu.enqueue_dma source(%dma_start3A_2064 : memref<1x64xf32, #tpu.memory_space<hbm>>) target(%dma_start3A_2062 : memref<1x64xf32, #tpu.memory_space<vmem>>) target_semaphore(%arg7 : memref<!tpu.dma_semaphore, #tpu.memory_space<semaphore_mem>>)
      %slice3A_2065 = vector.extract_strided_slice %get3A_1920 {offsets = [12], sizes = [1], strides = [1]} : vector<16xi32> to vector<1xi32>
      %squeeze3A_2066 = vector.extract %slice3A_2065[0] : i32 from vector<1xi32>
      %add3A_2067 = arith.constant 12 : i32
      %add3A_2068 = arith.addi %multiple_of3A_1917, %add3A_2067 : i32
      %dma_start3A_2069 = arith.constant 0 : i32
      %dma_start3A_2070 = tpu.memref_slice %arg6[%add3A_2068, %dma_start3A_2069] : memref<512x64xf32, #tpu.memory_space<vmem>> -> memref<1x64xf32, #tpu.memory_space<vmem>>
      %dma_start3A_2071 = arith.constant 0 : i32
      %dma_start3A_2072 = tpu.memref_slice %arg3[%squeeze3A_2066, %dma_start3A_2071] : memref<1000000x64xf32, #tpu.memory_space<hbm>> -> memref<1x64xf32, #tpu.memory_space<hbm>>
      %dma_start3A_2073 = arith.constant 0 : i32
      %dma_start3A_2074 = tpu.memref_slice %arg6[%add3A_2068, %dma_start3A_2073] : memref<512x64xf32, #tpu.memory_space<vmem>> -> memref<1x64xf32, #tpu.memory_space<vmem>>
      %dma_start3A_2075 = arith.constant 0 : i32
      %dma_start3A_2076 = tpu.memref_slice %arg3[%squeeze3A_2066, %dma_start3A_2075] : memref<1000000x64xf32, #tpu.memory_space<hbm>> -> memref<1x64xf32, #tpu.memory_space<hbm>>
      tpu.enqueue_dma source(%dma_start3A_2076 : memref<1x64xf32, #tpu.memory_space<hbm>>) target(%dma_start3A_2074 : memref<1x64xf32, #tpu.memory_space<vmem>>) target_semaphore(%arg7 : memref<!tpu.dma_semaphore, #tpu.memory_space<semaphore_mem>>)
      %slice3A_2077 = vector.extract_strided_slice %get3A_1920 {offsets = [13], sizes = [1], strides = [1]} : vector<16xi32> to vector<1xi32>
      %squeeze3A_2078 = vector.extract %slice3A_2077[0] : i32 from vector<1xi32>
      %add3A_2079 = arith.constant 13 : i32
      %add3A_2080 = arith.addi %multiple_of3A_1917, %add3A_2079 : i32
      %dma_start3A_2081 = arith.constant 0 : i32
      %dma_start3A_2082 = tpu.memref_slice %arg6[%add3A_2080, %dma_start3A_2081] : memref<512x64xf32, #tpu.memory_space<vmem>> -> memref<1x64xf32, #tpu.memory_space<vmem>>
      %dma_start3A_2083 = arith.constant 0 : i32
      %dma_start3A_2084 = tpu.memref_slice %arg3[%squeeze3A_2078, %dma_start3A_2083] : memref<1000000x64xf32, #tpu.memory_space<hbm>> -> memref<1x64xf32, #tpu.memory_space<hbm>>
      %dma_start3A_2085 = arith.constant 0 : i32
      %dma_start3A_2086 = tpu.memref_slice %arg6[%add3A_2080, %dma_start3A_2085] : memref<512x64xf32, #tpu.memory_space<vmem>> -> memref<1x64xf32, #tpu.memory_space<vmem>>
      %dma_start3A_2087 = arith.constant 0 : i32
      %dma_start3A_2088 = tpu.memref_slice %arg3[%squeeze3A_2078, %dma_start3A_2087] : memref<1000000x64xf32, #tpu.memory_space<hbm>> -> memref<1x64xf32, #tpu.memory_space<hbm>>
      tpu.enqueue_dma source(%dma_start3A_2088 : memref<1x64xf32, #tpu.memory_space<hbm>>) target(%dma_start3A_2086 : memref<1x64xf32, #tpu.memory_space<vmem>>) target_semaphore(%arg7 : memref<!tpu.dma_semaphore, #tpu.memory_space<semaphore_mem>>)
      %slice3A_2089 = vector.extract_strided_slice %get3A_1920 {offsets = [14], sizes = [1], strides = [1]} : vector<16xi32> to vector<1xi32>
      %squeeze3A_2090 = vector.extract %slice3A_2089[0] : i32 from vector<1xi32>
      %add3A_2091 = arith.constant 14 : i32
      %add3A_2092 = arith.addi %multiple_of3A_1917, %add3A_2091 : i32
      %dma_start3A_2093 = arith.constant 0 : i32
      %dma_start3A_2094 = tpu.memref_slice %arg6[%add3A_2092, %dma_start3A_2093] : memref<512x64xf32, #tpu.memory_space<vmem>> -> memref<1x64xf32, #tpu.memory_space<vmem>>
      %dma_start3A_2095 = arith.constant 0 : i32
      %dma_start3A_2096 = tpu.memref_slice %arg3[%squeeze3A_2090, %dma_start3A_2095] : memref<1000000x64xf32, #tpu.memory_space<hbm>> -> memref<1x64xf32, #tpu.memory_space<hbm>>
      %dma_start3A_2097 = arith.constant 0 : i32
      %dma_start3A_2098 = tpu.memref_slice %arg6[%add3A_2092, %dma_start3A_2097] : memref<512x64xf32, #tpu.memory_space<vmem>> -> memref<1x64xf32, #tpu.memory_space<vmem>>
      %dma_start3A_2099 = arith.constant 0 : i32
      %dma_start3A_2100 = tpu.memref_slice %arg3[%squeeze3A_2090, %dma_start3A_2099] : memref<1000000x64xf32, #tpu.memory_space<hbm>> -> memref<1x64xf32, #tpu.memory_space<hbm>>
      tpu.enqueue_dma source(%dma_start3A_2100 : memref<1x64xf32, #tpu.memory_space<hbm>>) target(%dma_start3A_2098 : memref<1x64xf32, #tpu.memory_space<vmem>>) target_semaphore(%arg7 : memref<!tpu.dma_semaphore, #tpu.memory_space<semaphore_mem>>)
      %slice3A_2101 = vector.extract_strided_slice %get3A_1920 {offsets = [15], sizes = [1], strides = [1]} : vector<16xi32> to vector<1xi32>
      %squeeze3A_2102 = vector.extract %slice3A_2101[0] : i32 from vector<1xi32>
      %add3A_2103 = arith.constant 15 : i32
      %add3A_2104 = arith.addi %multiple_of3A_1917, %add3A_2103 : i32
      %dma_start3A_2105 = arith.constant 0 : i32
      %dma_start3A_2106 = tpu.memref_slice %arg6[%add3A_2104, %dma_start3A_2105] : memref<512x64xf32, #tpu.memory_space<vmem>> -> memref<1x64xf32, #tpu.memory_space<vmem>>
      %dma_start3A_2107 = arith.constant 0 : i32
      %dma_start3A_2108 = tpu.memref_slice %arg3[%squeeze3A_2102, %dma_start3A_2107] : memref<1000000x64xf32, #tpu.memory_space<hbm>> -> memref<1x64xf32, #tpu.memory_space<hbm>>
      %dma_start3A_2109 = arith.constant 0 : i32
      %dma_start3A_2110 = tpu.memref_slice %arg6[%add3A_2104, %dma_start3A_2109] : memref<512x64xf32, #tpu.memory_space<vmem>> -> memref<1x64xf32, #tpu.memory_space<vmem>>
      %dma_start3A_2111 = arith.constant 0 : i32
      %dma_start3A_2112 = tpu.memref_slice %arg3[%squeeze3A_2102, %dma_start3A_2111] : memref<1000000x64xf32, #tpu.memory_space<hbm>> -> memref<1x64xf32, #tpu.memory_space<hbm>>
      tpu.enqueue_dma source(%dma_start3A_2112 : memref<1x64xf32, #tpu.memory_space<hbm>>) target(%dma_start3A_2110 : memref<1x64xf32, #tpu.memory_space<vmem>>) target_semaphore(%arg7 : memref<!tpu.dma_semaphore, #tpu.memory_space<semaphore_mem>>)
      %dma_wait3A_2113 = arith.constant 0 : i32
      %dma_wait3A_2114 = arith.constant 0 : i32
      %dma_wait3A_2115 = tpu.memref_slice %arg6[%dma_wait3A_2113, %dma_wait3A_2114] : memref<512x64xf32, #tpu.memory_space<vmem>> -> memref<16x64xf32, #tpu.memory_space<vmem>>
      %dma_wait3A_2116 = arith.constant 0 : i32
      %dma_wait3A_2117 = arith.constant 0 : i32
      %dma_wait3A_2118 = tpu.memref_slice %arg3[%dma_wait3A_2116, %dma_wait3A_2117] : memref<1000000x64xf32, #tpu.memory_space<hbm>> -> memref<16x64xf32, #tpu.memory_space<hbm>>
      %dma_wait3A_2119 = arith.constant 0 : i32
      %dma_wait3A_2120 = arith.constant 0 : i32
      %dma_wait3A_2121 = tpu.memref_slice %arg6[%dma_wait3A_2119, %dma_wait3A_2120] : memref<512x64xf32, #tpu.memory_space<vmem>> -> memref<16x64xf32, #tpu.memory_space<vmem>>
      %dma_wait3A_2122 = arith.constant 0 : i32
      %dma_wait3A_2123 = arith.constant 0 : i32
      %dma_wait3A_2124 = tpu.memref_slice %arg3[%dma_wait3A_2122, %dma_wait3A_2123] : memref<1000000x64xf32, #tpu.memory_space<hbm>> -> memref<16x64xf32, #tpu.memory_space<hbm>>
      tpu.wait_dma2 semaphore(%arg7 : memref<!tpu.dma_semaphore, #tpu.memory_space<semaphore_mem>>) src(%dma_wait3A_2124 : memref<16x64xf32, #tpu.memory_space<hbm>>) dst(%dma_wait3A_2121 : memref<16x64xf32, #tpu.memory_space<vmem>>)
    }
    %scan3A_1596 = arith.constant 24 : i32
    %scan3A_1597 = arith.constant 0 : i32
    %scan3A_1598 = arith.constant 0 : i32
    %dma_wait3A = arith.constant 0 : i32
    %dma_wait3A_1599 = arith.constant 0 : i32
    %dma_wait3A_1600 = tpu.memref_slice %arg6[%dma_wait3A, %dma_wait3A_1599] : memref<512x64xf32, #tpu.memory_space<vmem>> -> memref<16x64xf32, #tpu.memory_space<vmem>>
    %dma_wait3A_1601 = arith.constant 0 : i32
    %dma_wait3A_1602 = arith.constant 0 : i32
    %dma_wait3A_1603 = tpu.memref_slice %arg3[%dma_wait3A_1601, %dma_wait3A_1602] : memref<1000000x64xf32, #tpu.memory_space<hbm>> -> memref<16x64xf32, #tpu.memory_space<hbm>>
    %dma_wait3A_1604 = arith.constant 0 : i32
    %dma_wait3A_1605 = arith.constant 0 : i32
    %dma_wait3A_1606 = tpu.memref_slice %arg6[%dma_wait3A_1604, %dma_wait3A_1605] : memref<512x64xf32, #tpu.memory_space<vmem>> -> memref<16x64xf32, #tpu.memory_space<vmem>>
    %dma_wait3A_1607 = arith.constant 0 : i32
    %dma_wait3A_1608 = arith.constant 0 : i32
    %dma_wait3A_1609 = tpu.memref_slice %arg3[%dma_wait3A_1607, %dma_wait3A_1608] : memref<1000000x64xf32, #tpu.memory_space<hbm>> -> memref<16x64xf32, #tpu.memory_space<hbm>>
    tpu.wait_dma2 semaphore(%arg7 : memref<!tpu.dma_semaphore, #tpu.memory_space<semaphore_mem>>) src(%dma_wait3A_1609 : memref<16x64xf32, #tpu.memory_space<hbm>>) dst(%dma_wait3A_1606 : memref<16x64xf32, #tpu.memory_space<vmem>>)
    %scan3A_1610 = arith.constant 1 : i32
    %dma_wait3A_1611 = arith.constant 0 : i32
    %dma_wait3A_1612 = arith.constant 0 : i32
    %dma_wait3A_1613 = tpu.memref_slice %arg6[%dma_wait3A_1611, %dma_wait3A_1612] : memref<512x64xf32, #tpu.memory_space<vmem>> -> memref<16x64xf32, #tpu.memory_space<vmem>>
    %dma_wait3A_1614 = arith.constant 0 : i32
    %dma_wait3A_1615 = arith.constant 0 : i32
    %dma_wait3A_1616 = tpu.memref_slice %arg3[%dma_wait3A_1614, %dma_wait3A_1615] : memref<1000000x64xf32, #tpu.memory_space<hbm>> -> memref<16x64xf32, #tpu.memory_space<hbm>>
    %dma_wait3A_1617 = arith.constant 0 : i32
    %dma_wait3A_1618 = arith.constant 0 : i32
    %dma_wait3A_1619 = tpu.memref_slice %arg6[%dma_wait3A_1617, %dma_wait3A_1618] : memref<512x64xf32, #tpu.memory_space<vmem>> -> memref<16x64xf32, #tpu.memory_space<vmem>>
    %dma_wait3A_1620 = arith.constant 0 : i32
    %dma_wait3A_1621 = arith.constant 0 : i32
    %dma_wait3A_1622 = tpu.memref_slice %arg3[%dma_wait3A_1620, %dma_wait3A_1621] : memref<1000000x64xf32, #tpu.memory_space<hbm>> -> memref<16x64xf32, #tpu.memory_space<hbm>>
    tpu.wait_dma2 semaphore(%arg7 : memref<!tpu.dma_semaphore, #tpu.memory_space<semaphore_mem>>) src(%dma_wait3A_1622 : memref<16x64xf32, #tpu.memory_space<hbm>>) dst(%dma_wait3A_1619 : memref<16x64xf32, #tpu.memory_space<vmem>>)
    %scan3A_1623 = arith.constant 2 : i32
    %dma_wait3A_1624 = arith.constant 0 : i32
    %dma_wait3A_1625 = arith.constant 0 : i32
    %dma_wait3A_1626 = tpu.memref_slice %arg6[%dma_wait3A_1624, %dma_wait3A_1625] : memref<512x64xf32, #tpu.memory_space<vmem>> -> memref<16x64xf32, #tpu.memory_space<vmem>>
    %dma_wait3A_1627 = arith.constant 0 : i32
    %dma_wait3A_1628 = arith.constant 0 : i32
    %dma_wait3A_1629 = tpu.memref_slice %arg3[%dma_wait3A_1627, %dma_wait3A_1628] : memref<1000000x64xf32, #tpu.memory_space<hbm>> -> memref<16x64xf32, #tpu.memory_space<hbm>>
    %dma_wait3A_1630 = arith.constant 0 : i32
    %dma_wait3A_1631 = arith.constant 0 : i32
    %dma_wait3A_1632 = tpu.memref_slice %arg6[%dma_wait3A_1630, %dma_wait3A_1631] : memref<512x64xf32, #tpu.memory_space<vmem>> -> memref<16x64xf32, #tpu.memory_space<vmem>>
    %dma_wait3A_1633 = arith.constant 0 : i32
    %dma_wait3A_1634 = arith.constant 0 : i32
    %dma_wait3A_1635 = tpu.memref_slice %arg3[%dma_wait3A_1633, %dma_wait3A_1634] : memref<1000000x64xf32, #tpu.memory_space<hbm>> -> memref<16x64xf32, #tpu.memory_space<hbm>>
    tpu.wait_dma2 semaphore(%arg7 : memref<!tpu.dma_semaphore, #tpu.memory_space<semaphore_mem>>) src(%dma_wait3A_1635 : memref<16x64xf32, #tpu.memory_space<hbm>>) dst(%dma_wait3A_1632 : memref<16x64xf32, #tpu.memory_space<vmem>>)
    %scan3A_1636 = arith.constant 3 : i32
    %dma_wait3A_1637 = arith.constant 0 : i32
    %dma_wait3A_1638 = arith.constant 0 : i32
    %dma_wait3A_1639 = tpu.memref_slice %arg6[%dma_wait3A_1637, %dma_wait3A_1638] : memref<512x64xf32, #tpu.memory_space<vmem>> -> memref<16x64xf32, #tpu.memory_space<vmem>>
    %dma_wait3A_1640 = arith.constant 0 : i32
    %dma_wait3A_1641 = arith.constant 0 : i32
    %dma_wait3A_1642 = tpu.memref_slice %arg3[%dma_wait3A_1640, %dma_wait3A_1641] : memref<1000000x64xf32, #tpu.memory_space<hbm>> -> memref<16x64xf32, #tpu.memory_space<hbm>>
    %dma_wait3A_1643 = arith.constant 0 : i32
    %dma_wait3A_1644 = arith.constant 0 : i32
    %dma_wait3A_1645 = tpu.memref_slice %arg6[%dma_wait3A_1643, %dma_wait3A_1644] : memref<512x64xf32, #tpu.memory_space<vmem>> -> memref<16x64xf32, #tpu.memory_space<vmem>>
    %dma_wait3A_1646 = arith.constant 0 : i32
    %dma_wait3A_1647 = arith.constant 0 : i32
    %dma_wait3A_1648 = tpu.memref_slice %arg3[%dma_wait3A_1646, %dma_wait3A_1647] : memref<1000000x64xf32, #tpu.memory_space<hbm>> -> memref<16x64xf32, #tpu.memory_space<hbm>>
    tpu.wait_dma2 semaphore(%arg7 : memref<!tpu.dma_semaphore, #tpu.memory_space<semaphore_mem>>) src(%dma_wait3A_1648 : memref<16x64xf32, #tpu.memory_space<hbm>>) dst(%dma_wait3A_1645 : memref<16x64xf32, #tpu.memory_space<vmem>>)
    %scan3A_1649 = arith.constant 4 : i32
    %dma_wait3A_1650 = arith.constant 0 : i32
    %dma_wait3A_1651 = arith.constant 0 : i32
    %dma_wait3A_1652 = tpu.memref_slice %arg6[%dma_wait3A_1650, %dma_wait3A_1651] : memref<512x64xf32, #tpu.memory_space<vmem>> -> memref<16x64xf32, #tpu.memory_space<vmem>>
    %dma_wait3A_1653 = arith.constant 0 : i32
    %dma_wait3A_1654 = arith.constant 0 : i32
    %dma_wait3A_1655 = tpu.memref_slice %arg3[%dma_wait3A_1653, %dma_wait3A_1654] : memref<1000000x64xf32, #tpu.memory_space<hbm>> -> memref<16x64xf32, #tpu.memory_space<hbm>>
    %dma_wait3A_1656 = arith.constant 0 : i32
    %dma_wait3A_1657 = arith.constant 0 : i32
    %dma_wait3A_1658 = tpu.memref_slice %arg6[%dma_wait3A_1656, %dma_wait3A_1657] : memref<512x64xf32, #tpu.memory_space<vmem>> -> memref<16x64xf32, #tpu.memory_space<vmem>>
    %dma_wait3A_1659 = arith.constant 0 : i32
    %dma_wait3A_1660 = arith.constant 0 : i32
    %dma_wait3A_1661 = tpu.memref_slice %arg3[%dma_wait3A_1659, %dma_wait3A_1660] : memref<1000000x64xf32, #tpu.memory_space<hbm>> -> memref<16x64xf32, #tpu.memory_space<hbm>>
    tpu.wait_dma2 semaphore(%arg7 : memref<!tpu.dma_semaphore, #tpu.memory_space<semaphore_mem>>) src(%dma_wait3A_1661 : memref<16x64xf32, #tpu.memory_space<hbm>>) dst(%dma_wait3A_1658 : memref<16x64xf32, #tpu.memory_space<vmem>>)
    %scan3A_1662 = arith.constant 5 : i32
    %dma_wait3A_1663 = arith.constant 0 : i32
    %dma_wait3A_1664 = arith.constant 0 : i32
    %dma_wait3A_1665 = tpu.memref_slice %arg6[%dma_wait3A_1663, %dma_wait3A_1664] : memref<512x64xf32, #tpu.memory_space<vmem>> -> memref<16x64xf32, #tpu.memory_space<vmem>>
    %dma_wait3A_1666 = arith.constant 0 : i32
    %dma_wait3A_1667 = arith.constant 0 : i32
    %dma_wait3A_1668 = tpu.memref_slice %arg3[%dma_wait3A_1666, %dma_wait3A_1667] : memref<1000000x64xf32, #tpu.memory_space<hbm>> -> memref<16x64xf32, #tpu.memory_space<hbm>>
    %dma_wait3A_1669 = arith.constant 0 : i32
    %dma_wait3A_1670 = arith.constant 0 : i32
    %dma_wait3A_1671 = tpu.memref_slice %arg6[%dma_wait3A_1669, %dma_wait3A_1670] : memref<512x64xf32, #tpu.memory_space<vmem>> -> memref<16x64xf32, #tpu.memory_space<vmem>>
    %dma_wait3A_1672 = arith.constant 0 : i32
    %dma_wait3A_1673 = arith.constant 0 : i32
    %dma_wait3A_1674 = tpu.memref_slice %arg3[%dma_wait3A_1672, %dma_wait3A_1673] : memref<1000000x64xf32, #tpu.memory_space<hbm>> -> memref<16x64xf32, #tpu.memory_space<hbm>>
    tpu.wait_dma2 semaphore(%arg7 : memref<!tpu.dma_semaphore, #tpu.memory_space<semaphore_mem>>) src(%dma_wait3A_1674 : memref<16x64xf32, #tpu.memory_space<hbm>>) dst(%dma_wait3A_1671 : memref<16x64xf32, #tpu.memory_space<vmem>>)
    %scan3A_1675 = arith.constant 6 : i32
    %dma_wait3A_1676 = arith.constant 0 : i32
    %dma_wait3A_1677 = arith.constant 0 : i32
    %dma_wait3A_1678 = tpu.memref_slice %arg6[%dma_wait3A_1676, %dma_wait3A_1677] : memref<512x64xf32, #tpu.memory_space<vmem>> -> memref<16x64xf32, #tpu.memory_space<vmem>>
    %dma_wait3A_1679 = arith.constant 0 : i32
    %dma_wait3A_1680 = arith.constant 0 : i32
    %dma_wait3A_1681 = tpu.memref_slice %arg3[%dma_wait3A_1679, %dma_wait3A_1680] : memref<1000000x64xf32, #tpu.memory_space<hbm>> -> memref<16x64xf32, #tpu.memory_space<hbm>>
    %dma_wait3A_1682 = arith.constant 0 : i32
    %dma_wait3A_1683 = arith.constant 0 : i32
    %dma_wait3A_1684 = tpu.memref_slice %arg6[%dma_wait3A_1682, %dma_wait3A_1683] : memref<512x64xf32, #tpu.memory_space<vmem>> -> memref<16x64xf32, #tpu.memory_space<vmem>>
    %dma_wait3A_1685 = arith.constant 0 : i32
    %dma_wait3A_1686 = arith.constant 0 : i32
    %dma_wait3A_1687 = tpu.memref_slice %arg3[%dma_wait3A_1685, %dma_wait3A_1686] : memref<1000000x64xf32, #tpu.memory_space<hbm>> -> memref<16x64xf32, #tpu.memory_space<hbm>>
    tpu.wait_dma2 semaphore(%arg7 : memref<!tpu.dma_semaphore, #tpu.memory_space<semaphore_mem>>) src(%dma_wait3A_1687 : memref<16x64xf32, #tpu.memory_space<hbm>>) dst(%dma_wait3A_1684 : memref<16x64xf32, #tpu.memory_space<vmem>>)
    %scan3A_1688 = arith.constant 7 : i32
    %dma_wait3A_1689 = arith.constant 0 : i32
    %dma_wait3A_1690 = arith.constant 0 : i32
    %dma_wait3A_1691 = tpu.memref_slice %arg6[%dma_wait3A_1689, %dma_wait3A_1690] : memref<512x64xf32, #tpu.memory_space<vmem>> -> memref<16x64xf32, #tpu.memory_space<vmem>>
    %dma_wait3A_1692 = arith.constant 0 : i32
    %dma_wait3A_1693 = arith.constant 0 : i32
    %dma_wait3A_1694 = tpu.memref_slice %arg3[%dma_wait3A_1692, %dma_wait3A_1693] : memref<1000000x64xf32, #tpu.memory_space<hbm>> -> memref<16x64xf32, #tpu.memory_space<hbm>>
    %dma_wait3A_1695 = arith.constant 0 : i32
    %dma_wait3A_1696 = arith.constant 0 : i32
    %dma_wait3A_1697 = tpu.memref_slice %arg6[%dma_wait3A_1695, %dma_wait3A_1696] : memref<512x64xf32, #tpu.memory_space<vmem>> -> memref<16x64xf32, #tpu.memory_space<vmem>>
    %dma_wait3A_1698 = arith.constant 0 : i32
    %dma_wait3A_1699 = arith.constant 0 : i32
    %dma_wait3A_1700 = tpu.memref_slice %arg3[%dma_wait3A_1698, %dma_wait3A_1699] : memref<1000000x64xf32, #tpu.memory_space<hbm>> -> memref<16x64xf32, #tpu.memory_space<hbm>>
    tpu.wait_dma2 semaphore(%arg7 : memref<!tpu.dma_semaphore, #tpu.memory_space<semaphore_mem>>) src(%dma_wait3A_1700 : memref<16x64xf32, #tpu.memory_space<hbm>>) dst(%dma_wait3A_1697 : memref<16x64xf32, #tpu.memory_space<vmem>>)
    %scan3A_1701 = arith.constant 8 : i32
    "tpu.region"() ({
      %run_scoped3A = tpu.sem_alloc : memref<!tpu.dma_semaphore, #tpu.memory_space<semaphore_mem>>
      %dma_start3A_1702 = arith.constant 0 : i32
      %dma_start3A_1703 = tpu.memref_slice %arg4[%mul3A_2, %dma_start3A_1702] : memref<16384x64xf32, #tpu.memory_space<hbm>> -> memref<512x64xf32, #tpu.memory_space<hbm>>
      %dma_start3A_1704 = arith.constant 0 : i32
      %dma_start3A_1705 = tpu.memref_slice %arg4[%mul3A_2, %dma_start3A_1704] : memref<16384x64xf32, #tpu.memory_space<hbm>> -> memref<512x64xf32, #tpu.memory_space<hbm>>
      tpu.enqueue_dma source(%arg6 : memref<512x64xf32, #tpu.memory_space<vmem>>) target(%dma_start3A_1705 : memref<512x64xf32, #tpu.memory_space<hbm>>) target_semaphore(%run_scoped3A : memref<!tpu.dma_semaphore, #tpu.memory_space<semaphore_mem>>)
      %dma_wait3A_1706 = arith.constant 0 : i32
      %dma_wait3A_1707 = tpu.memref_slice %arg4[%mul3A_2, %dma_wait3A_1706] : memref<16384x64xf32, #tpu.memory_space<hbm>> -> memref<512x64xf32, #tpu.memory_space<hbm>>
      %dma_wait3A_1708 = arith.constant 0 : i32
      %dma_wait3A_1709 = tpu.memref_slice %arg4[%mul3A_2, %dma_wait3A_1708] : memref<16384x64xf32, #tpu.memory_space<hbm>> -> memref<512x64xf32, #tpu.memory_space<hbm>>
      tpu.wait_dma2 semaphore(%run_scoped3A : memref<!tpu.dma_semaphore, #tpu.memory_space<semaphore_mem>>) src(%arg6 : memref<512x64xf32, #tpu.memory_space<vmem>>) dst(%dma_wait3A_1709 : memref<512x64xf32, #tpu.memory_space<hbm>>)
      tpu.yield
    }) : () -> ()
    return
  }
}

</mosaic_0001>

<sc_bundles>
// kernel: kernel.3.cloned.1.call-start
scs
__scs_entry_jumppad:
0x0: {  	(pc) =	sbr.rel $0x88, $3  }
0x1: {  	(tag) =	ssettag $0x0;
	lr =	simm.s32 $0x1  }
0x2: {  	[smem:$0x3F9F] =	sst lr;
	_ =	strace $0xD0000000  }
0x3: {  	_ = 	snop  }
0x4: {  	_ = 	snop  }
0x5: {  	_ = 	snop  }
0x6: {  	_ = 	snop  }
0x7: {  	_ = 	snop  }
__scs_overlays_trampoline_lowered:
0x8: {  	[smem:$0x3FAE] =	sst s0  }
0x9: {  	[smem:$0x3FAF] =	sst s1  }
0xa: {  	[smem:$0x3FB0] =	sst s2  }
0xb: {  	[smem:$0x3FB1] =	sst s3  }
0xc: {  	[smem:$0x3FB2] =	sst s4  }
0xd: {  	[smem:$0x3FB3] =	sst s5  }
0xe: {  	[smem:$0x3FB4] =	sst s6  }
0xf: {  	[smem:$0x3FB5] =	sst s7  }
0x10: {  	[smem:$0x3FB6] =	sst s8  }
0x11: {  	[smem:$0x3FB7] =	sst s9;
	s0 =	simm.s32 @!p0 $0x0  }
0x12: {  	s1 =	sld [smem:$0x3F9D];
	s0 =	simm.s32 @p0 $0x1  }
0x13: {  	[smem:$0x3FB8] =	sst s0;
	s0 =	simm.s32 @!p1 $0x0  }
0x14: {  	s2 =	sld [smem:$0x3F9C];
	s0 =	simm.s32 @p1 $0x1  }
0x15: {  	[smem:$0x3FB9] =	sst s0;
	s0 =	simm.s32 @!p2 $0x0  }
0x16: {  	s3 =	sld [smem:$0x3FDB];
	s0 =	simm.s32 @p2 $0x1  }
0x17: {  	s4 =	simm.s32 $0x1BF5;
	[smem:$0x3FBB] =	sst s0  }
0x18: {  	s0 =	sld [smem:$0x3F9E];
	_ =	swait.ge [sflag:s4], $0x0  }
0x19: {  	s7 =	sld [smem:$0x3F9F]  }
0x1a: {  	s8 =	sadd.s32 $0xFFFFE003, lr  }
0x1b: {  	s9 =	sadd.s32 $0xFFFFFEF7, lr;
	s5 =	simm.s32 $0xFFFFFFFF;
	p2 =	slt.u32 s8, $0xFFFFF086  }
0x1c: {  	p1 =	slt.u32 s9, $0xF7A;
	s5 =	simm.s32 @!p2 $0x0  }
0x1d: {  	s5 =	simm.s32 @p1 $0x1;
	p0 =	seq.s32 s7, s2  }
0x1e: {  	s7 =	smul.u32 @!p0 $0xF7A, s2;
	p2 =	seq.s32 @!p0 s5, $0x0  }
0x1f: {  	s9 =	smul.u32 $0xF7A, s1;
	s8 =	simm.s32 @!p0 $0x1BF5;
	p2 =	por !p2, p0  }
0x20: {  	[sflag:s8] =	ssyncset.s32 @!p0 $0xFFFFF086;
	s6 =	sadd.s32 @!p0 s3, s7;
	s7 =	simm.s32 @!p0 $0x108  }
0x21: {  	s3 =	sadd.s32 s3, s9;
	s6 =	sadd.s32 @!p0 $0x88, s6;
	s7 =	simm.s32 @p2 $0x1082  }
0x22: {  	[simem:s7], [sflag:s8] =	dma.local @!p0 [hbm:s6], $0xF7A  }
0x23: {  	s9 =	sor.u32 $0xD0000000, s2;
	s6 =	simm.s32 $0x108;
	_ =	swait.ge @!p0 [sflag:s8], $0x0  }
0x24: {  	s3 =	sadd.s32 $0x88, s3;
	s6 =	simm.s32 @!p1 $0x1082;
	[sflag:s4] =	ssyncset.s32 $0xFFFFF086  }
0x25: {  	[simem:s6], [sflag:s4] =	dma.local [hbm:s3], $0xF7A  }
0x26: {  	[smem:$0x3F9F] =	sst s1;
	(tag) =	ssettag s2;
	_ =	strace s9  }
0x27: {  	s1 =	sld [smem:$0x3FAF]  }
0x28: {  	s2 =	sld [smem:$0x3FB0]  }
0x29: {  	s4 =	sld [smem:$0x3FB2]  }
0x2a: {  	p0 =	seq.s32 s5, $0x0;
	s5 =	sld [smem:$0x3FB3]  }
0x2b: {  	s6 =	sld [smem:$0x3FB4]  }
0x2c: {  	s7 =	sld [smem:$0x3FB5]  }
0x2d: {  	s3 =	simm.s32 $0x108;
	s8 =	sld [smem:$0x3FB6]  }
0x2e: {  	s3 =	simm.s32 @!p0 $0x1082;
	s9 =	sld [smem:$0x3FB7]  }
0x2f: {  	lr =	sadd.s32 s0, s3;
	s0 =	sld [smem:$0x3FAE]  }
0x30: {  	s3 =	sld [smem:$0x3FB1]  }
0x31: {  	[smem:$0x3FBA] =	sst s10  }
0x32: {  	s10 =	sld [smem:$0x3FB8];
	_ =	sdelay $0x3  }
0x33: {  	p0 =	seq.s32 s10, $0x1;
	s10 =	sld [smem:$0x3FBA];
	_ =	sdelay $0x3  }
0x34: {  	[smem:$0x3FBA] =	sst s10  }
0x35: {  	s10 =	sld [smem:$0x3FB9];
	_ =	sdelay $0x3  }
0x36: {  	p1 =	seq.s32 s10, $0x1;
	s10 =	sld [smem:$0x3FBA];
	_ =	sdelay $0x3  }
0x37: {  	[smem:$0x3FBA] =	sst s10  }
0x38: {  	s10 =	sld [smem:$0x3FBB]  }
0x39: {  	_ = 	snop;
	(pc) =	sbr.ind lr, $3  }
0x3a: {  	_ = 	snop  }
0x3b: {  	_ = 	snop  }
0x3c: {  	p2 =	seq.s32 s10, $0x1;
	s10 =	sld [smem:$0x3FBA]  }
0x3d: {  	_ =	shalt  }
0x3e: {  	_ =	shalt  }
0x3f: {  	_ =	shalt  }
0x40: {  	_ =	shalt  }
0x41: {  	_ =	shalt  }
0x42: {  	_ =	shalt  }
0x43: {  	_ =	shalt  }
0x44: {  	_ =	shalt  }
0x45: {  	_ =	shalt  }
0x46: {  	_ =	shalt  }
0x47: {  	_ =	shalt  }
0x48: {  	_ =	shalt  }
0x49: {  	_ =	shalt  }
0x4a: {  	_ =	shalt  }
0x4b: {  	_ =	shalt  }
0x4c: {  	_ =	shalt  }
0x4d: {  	_ =	shalt  }
0x4e: {  	_ =	shalt  }
0x4f: {  	_ =	shalt  }
0x50: {  	_ =	shalt  }
0x51: {  	_ =	shalt  }
0x52: {  	_ =	shalt  }
0x53: {  	_ =	shalt  }
0x54: {  	_ =	shalt  }
0x55: {  	_ =	shalt  }
0x56: {  	_ =	shalt  }
0x57: {  	_ =	shalt  }
0x58: {  	_ =	shalt  }
0x59: {  	_ =	shalt  }
0x5a: {  	_ =	shalt  }
0x5b: {  	_ =	shalt  }
0x5c: {  	_ =	shalt  }
0x5d: {  	_ =	shalt  }
0x5e: {  	_ =	shalt  }
0x5f: {  	_ =	shalt  }
0x60: {  	_ =	shalt  }
0x61: {  	_ =	shalt  }
0x62: {  	_ =	shalt  }
0x63: {  	_ =	shalt  }
0x64: {  	_ =	shalt  }
0x65: {  	_ =	shalt  }
0x66: {  	_ =	shalt  }
0x67: {  	_ =	shalt  }
0x68: {  	_ =	shalt  }
0x69: {  	_ =	shalt  }
0x6a: {  	_ =	shalt  }
0x6b: {  	_ =	shalt  }
0x6c: {  	_ =	shalt  }
0x6d: {  	_ =	shalt  }
0x6e: {  	_ =	shalt  }
0x6f: {  	_ =	shalt  }
0x70: {  	_ =	shalt  }
0x71: {  	_ =	shalt  }
0x72: {  	_ =	shalt  }
0x73: {  	_ =	shalt  }
0x74: {  	_ =	shalt  }
0x75: {  	_ =	shalt  }
0x76: {  	_ =	shalt  }
0x77: {  	_ =	shalt  }
0x78: {  	_ =	shalt  }
0x79: {  	_ =	shalt  }
0x7a: {  	_ =	shalt  }
0x7b: {  	_ =	shalt  }
0x7c: {  	_ =	shalt  }
0x7d: {  	_ =	shalt  }
0x7e: {  	_ =	shalt  }
0x7f: {  	_ =	shalt  }
0x80: {  	_ =	shalt  }
0x81: {  	_ =	shalt  }
0x82: {  	_ =	shalt  }
0x83: {  	_ =	shalt  }
0x84: {  	_ =	shalt  }
0x85: {  	_ =	shalt  }
0x86: {  	_ =	shalt  }
0x87: {  	_ =	shalt  }
.Lfunc_end0:
.L_simem_size_0:
called_computation_lowered:
.L_overlay_start_0:
0x88: {  	s2 =	sld [smem:$0x3FD9]  }
0x89: {  	s3 =	sld [smem:$0x3FFE];
	_ =	sdelay $0x1  }
0x8a: {  	s1 =	srdreg.scid  }
0x8b: {  	s0 =	sand.u32 $0x1, s1  }
0x8c: {  	s17 =	sshll.u32 s0, $0xA;
	s2 =	sadd.s32 s3, s2  }
0x8d: {  	s2 =	sadd.s32 s2, s17  }
0x8e: {  	[smem:$0x3FC6] =	sst s2  }
0x8f: {  	_ = 	snop  }
0x90: {  	s2 =	sld [smem:$0x3FC9];
	(tm) =	ssettm $0x1  }
0x91: {  	s18 =	sld [smem:$0x3FFB];
	_ =	sdelay $0x3  }
0x92: {  	_ =	strace s18  }
0x93: {  	s3 =	sld [smem:$0x3FFC];
	_ =	sdelay $0x3  }
0x94: {  	_ =	strace s3  }
0x95: {  	s3 =	sld [smem:$0x3FFD];
	_ =	sdelay $0x3  }
0x96: {  	_ =	strace s3  }
0x97: {  	_ =	strace $0x8FFFFFFF  }
0x98: {  	s19 =	sld [smem:$0x3FDB];
	_ =	sdelay $0x1  }
0x99: {  	s4 =	simm.s32 $_scs_section_size  }
0x9a: {  	s5 =	simm.s32 $_size__tile_overlayer_lowered;
	s6 =	simm.s32 $_tile_overlayer_lowered  }
0x9b: {  	s22 =	simm.s32 $0x1BFF;
	s21 =	sshll.u32 s6, $0x1;
	s3 =	sadd.s32 s4, s19  }
0x9c: {  	s7 =	simm.s32 $0x0;
	s20 =	sshll.u32 s5, $0x1;
	s5 =	sadd.s32 s21, s3  }
0x9d: {  	[timem:s7], [sflag:s22] =	dma.local [hbm:s5], s20  }
0x9e: {  	_ =	swait.ge [sflag:s22], s20  }
0x9f: {  	s4 =	ssub.s32 $0x0, s20;
	[sflag:s22] =	ssyncset.done $0x0  }
0xa0: {  	[sflag:s22] =	ssyncadd.s32 s4;
	_ =	sdelay $0x1  }
0xa1: {  	s23 =	simm.s32 $0x1B8B  }
0xa2: {  	_ =	swait.ge [sflag:s23], $0x1  }
0xa3: {  	[sflag:s23] =	ssyncset.done $0x0  }
0xa4: {  	s25 =	simm.s32 $0x1B8E;
	s24 =	sld [smem:$0x3FFE];
	[sflag:s23] =	ssyncadd.s32 $0xFFFFFFFF  }
0xa5: {  	s26 =	simm.s32 $execute0_lowered;
	[smem:$0x3FD2] =	sst s25  }
0xa6: {  	s5 =	sshll.u32 s26, $0x1;
	_ =	strace $0x80000046;
	[dreg:$0x1] =	wrdreg $0xFFFFFFFF  }
0xa7: {  	s28 =	simm.s32 $_size_execute0_lowered;
	s3 =	sadd.s32 s3, s5;
	[dreg:$0x0] =	wrdreg $0x0  }
0xa8: {  	s5 =	sshll.u32 s28, $0x1;
	[dreg:$0x2] =	wrdreg s3  }
0xa9: {  	[dreg:$0x3] =	wrdreg s5  }
0xaa: {  	[dreg:$0x4] =	wrdreg $0xC0  }
0xab: {  	_ =	task [dreg:s7], $0x5FFFF  }
0xac: {  	[dreg:$0x1] =	wrdreg $0xFFFFFFFF  }
0xad: {  	[dreg:$0x0] =	wrdreg $0x60  }
0xae: {  	[dreg:$0x2] =	wrdreg s2  }
0xaf: {  	[dreg:$0x3] =	wrdreg s24  }
0xb0: {  	[dreg:$0x4] =	wrdreg $0x9  }
0xb1: {  	_ =	task.clear_ibuf [dreg:s7], $0x5FFFF;
	_ =	strace $0x90000046  }
0xb2: {  	s29 =	simm.s32 $0x9;
	_ =	strace $0x80000048  }
0xb3: {  	_ =	swait.ge [sflag:s29], $0x1  }
0xb4: {  	[sflag:s29] =	ssyncadd.s32 $0xFFFFFFFF  }
0xb5: {  	_ =	strace $0x90000048  }
0xb6: {  	_ =	sfence  }
0xb7: {  	s30 =	sld [smem:$0x0];
	_ =	sdelay $0x2  }
0xb8: {  	s31 =	sshll.u32 s1, $0xD;
	s1 =	sshrl.u32 s1, $0x2  }
0xb9: {  	s3 =	sand.u32 $0x4000, s31;
	s1 =	sadd.s32 s1, s30  }
0xba: {  	s0 =	sor.u32 s3, s0;
	s1 =	sshll.u32 s1, $0x11  }
0xbb: {  	s0 =	sor.u32 s1, s0  }
0xbc: {  	s0 =	sadd.s32 $0x8F2B, s0  }
0xbd: {  	[sflag:s0] =	ssyncadd.remote.s32 $0x1  }
0xbe: {  	_ =	sfence.sel $0xFFFF  }
0xbf: {  	[dreg:$0x0] =	wrdreg $0xFFFFFFFF;
	(pc) =	sbr.abs _section_cstart, $3  }
0xc0: {  	[dreg:$0x1] =	wrdreg $0xFFFFFFFF  }
0xc1: {  	_ =	task.clear_ibuf [dreg:s7], $0x2FFFF;
	_ =	strace $0x9FFFFFFF  }
0xc2: {  	(tm) =	ssettm $0x7FFFFFFF  }
0xc3: {  	_ =	shalt  }
tec
execute0_lowered:
.L_overlay_start_1:
0x0: {  	(tag) =	ssettag $0x1  }
0x1: {  	s0 =	rddreg [dreg:$0x0]  }
0x2: {  	s1 =	rddreg [dreg:$0x1];
	s3 =	srdreg.scid  }
0x3: {  	s2 =	simm.s32 $0x0;
	s5 =	stileid.u32;
	s7 =	simm.s32 $0x2  }
0x4: {  	s8 =	simm.s32 $0x200;
	s14 =	simm.s32 $0x4100;
	s15 =	simm.s32 $0x4180  }
0x5: {  	s16 =	simm.s32 $0x1;
	s17 =	simm.s32 $0x0;
	s4 =	sand.u32 $0x1, s3  }
0x6: {  	[smem:$0x7FF] =	sst s2;
	s29 =	sshll.u32 s5, $0xA;
	s30 =	sshll.u32 s4, $0x9  }
0x7: {  	s3 =	sadd.s32 $0x400, s1;
	s4 =	ssub.s32 $0x2, s4;
	s5 =	sor.u32 s30, s29  }
0x8: {  	_ =	strace $0x80000047;
	s31 =	sshrl.u32 s4, $0x1;
	s6 =	sshll.u32 s5, $0x4  }
0x9: {  	s5 =	sshrl.u32 s5, $0x3;
	s1 =	sadd.s32 s6, s1;
	s6 =	ssub.s32 s4, s31  }
0xa: {  	s4 =	sadd.s32 s0, s5;
	s5 =	sadd.s32 $0xF42800, s1;
	s6 =	smax.u32 s6, $0x1  }
.LBB2_1:
0xb: {  	[tilespmem:s2], [sflag:$0x2] =	stream.linear.gather [hbm4b:s4+s2], $0x200, $0x38;
	[tilespmem:$0x10200] =	vst v63  }
0xc: {  	_ =	swait.ge [sflag:s7], $0x200  }
0xd: {  	[sflag:s7] =	ssyncset.done $0x0  }
0xe: {  	[sflag:s7] =	ssyncadd.s32 $0xFFFFFE00  }
0xf: {  	v0 =	vld [tilespmem:$0x0];
	_ =	sdelay $0x4  }
0x10: {  	v0 =	vshll.u32 v0, $0x4  }
0x11: {  	(v2sf) =	vpush v0, $0x0;
	_ =	sdelay $0x6  }
0x12: {  	(v2sf) =	vpush v0, $0x1;
	_ =	sdelay $0x2  }
0x13: {  	(v2sf) =	vpush v0, $0x2;
	_ =	sdelay $0x2  }
0x14: {  	(v2sf) =	vpush v0, $0x3;
	_ =	sdelay $0x1  }
0x15: {  	s18 =	spop (v2sf);
	(v2sf) =	vpush v0, $0x4;
	_ =	sdelay $0x1  }
0x16: {  	(v2sf) =	vpush v0, $0x5;
	_ =	sdelay $0x1  }
0x17: {  	(v2sf) =	vpush v0, $0x6;
	_ =	sdelay $0x1  }
0x18: {  	s18 =	sand.u32 $0x1FFFFFF0, s18  }
0x19: {  	s11 =	spop (v2sf);
	s18 =	sadd.s32 s3, s18;
	(v2sf) =	vpush v0, $0x7  }
0x1a: {  	[tilespmem:s8], [sflag:$0x1] =	stream.linear.gather [hbm4b:s18+s2], $0x80, $0x38;
	[tilespmem:$0x10200] =	vst v63  }
0x1b: {  	s18 =	sand.u32 $0x1FFFFFF0, s11  }
0x1c: {  	s0 =	simm.s32 $0x280;
	s12 =	spop (v2sf);
	s18 =	sadd.s32 s3, s18  }
0x1d: {  	[tilespmem:s0], [sflag:$0x1] =	stream.linear.gather [hbm4b:s18+s2], $0x80, $0x38;
	[tilespmem:$0x10200] =	vst v63  }
0x1e: {  	s18 =	sand.u32 $0x1FFFFFF0, s12  }
0x1f: {  	s13 =	simm.s32 $0x300;
	s19 =	spop (v2sf);
	s18 =	sadd.s32 s3, s18  }
0x20: {  	[tilespmem:s13], [sflag:$0x1] =	stream.linear.gather [hbm4b:s18+s2], $0x80, $0x38;
	[tilespmem:$0x10200] =	vst v63  }
0x21: {  	s21 =	spop (v2sf);
	(v2sf) =	vpush v0, $0x8  }
0x22: {  	s18 =	sand.u32 $0x1FFFFFF0, s19  }
0x23: {  	s20 =	simm.s32 $0x380;
	s18 =	sadd.s32 s3, s18;
	s23 =	spop (v2sf);
	(v2sf) =	vpush v0, $0x9  }
0x24: {  	[tilespmem:s20], [sflag:$0x1] =	stream.linear.gather [hbm4b:s18+s2], $0x80, $0x38;
	[tilespmem:$0x10200] =	vst v63  }
0x25: {  	s18 =	sand.u32 $0x1FFFFFF0, s21;
	s25 =	spop (v2sf);
	(v2sf) =	vpush v0, $0xA  }
0x26: {  	s22 =	simm.s32 $0x400;
	s18 =	sadd.s32 s3, s18  }
0x27: {  	[tilespmem:s22], [sflag:$0x1] =	stream.linear.gather [hbm4b:s18+s2], $0x80, $0x38;
	[tilespmem:$0x10200] =	vst v63  }
0x28: {  	s28 =	spop (v2sf);
	(v2sf) =	vpush v0, $0xB  }
0x29: {  	s18 =	sand.u32 $0x1FFFFFF0, s23  }
0x2a: {  	s24 =	simm.s32 $0x480;
	s18 =	sadd.s32 s3, s18  }
0x2b: {  	[tilespmem:s24], [sflag:$0x1] =	stream.linear.gather [hbm4b:s18+s2], $0x80, $0x38;
	[tilespmem:$0x10200] =	vst v63  }
0x2c: {  	s18 =	sand.u32 $0x1FFFFFF0, s25  }
0x2d: {  	s26 =	simm.s32 $0x500;
	s18 =	sadd.s32 s3, s18  }
0x2e: {  	[tilespmem:s26], [sflag:$0x1] =	stream.linear.gather [hbm4b:s18+s2], $0x80, $0x38;
	[tilespmem:$0x10200] =	vst v63  }
0x2f: {  	s18 =	sand.u32 $0x1FFFFFF0, s28  }
0x30: {  	s29 =	simm.s32 $0x580;
	s18 =	sadd.s32 s3, s18;
	s30 =	spop (v2sf);
	(v2sf) =	vpush v0, $0xC  }
0x31: {  	[tilespmem:s29], [sflag:$0x1] =	stream.linear.gather [hbm4b:s18+s2], $0x80, $0x38;
	[tilespmem:$0x10200] =	vst v63  }
0x32: {  	s1 =	spop (v2sf);
	(v2sf) =	vpush v0, $0xD  }
0x33: {  	s18 =	sand.u32 $0x1FFFFFF0, s30  }
0x34: {  	s31 =	simm.s32 $0x600;
	s18 =	sadd.s32 s3, s18;
	s10 =	spop (v2sf)  }
0x35: {  	(v2sf) =	vpush v0, $0xE;
	[tilespmem:s31], [sflag:$0x1] =	stream.linear.gather [hbm4b:s18+s2], $0x80, $0x38;
	[tilespmem:$0x10200] =	vst v63  }
0x36: {  	s18 =	sand.u32 $0x1FFFFFF0, s1  }
0x37: {  	s9 =	simm.s32 $0x680;
	s12 =	spop (v2sf);
	s18 =	sadd.s32 s3, s18  }
0x38: {  	(v2sf) =	vpush v0, $0xF;
	[tilespmem:s9], [sflag:$0x1] =	stream.linear.gather [hbm4b:s18+s2], $0x80, $0x38;
	[tilespmem:$0x10200] =	vst v63  }
0x39: {  	s18 =	sand.u32 $0x1FFFFFF0, s10  }
0x3a: {  	s11 =	simm.s32 $0x700;
	s18 =	sadd.s32 s3, s18  }
0x3b: {  	[tilespmem:s11], [sflag:$0x1] =	stream.linear.gather [hbm4b:s18+s2], $0x80, $0x38;
	[tilespmem:$0x10200] =	vst v63  }
0x3c: {  	s18 =	sand.u32 $0x1FFFFFF0, s12  }
0x3d: {  	s13 =	simm.s32 $0x780;
	s18 =	sadd.s32 s3, s18  }
0x3e: {  	[tilespmem:s13], [sflag:$0x1] =	stream.linear.gather [hbm4b:s18+s2], $0x80, $0x38;
	[tilespmem:$0x10200] =	vst v63  }
0x3f: {  	s19 =	spop (v2sf)  }
0x40: {  	s18 =	sand.u32 $0x1FFFFFF0, s19  }
0x41: {  	s20 =	simm.s32 $0x800;
	s21 =	spop (v2sf);
	s18 =	sadd.s32 s3, s18  }
0x42: {  	[tilespmem:s20], [sflag:$0x1] =	stream.linear.gather [hbm4b:s18+s2], $0x80, $0x38;
	[tilespmem:$0x10200] =	vst v63  }
0x43: {  	s18 =	sand.u32 $0x1FFFFFF0, s21  }
0x44: {  	s22 =	simm.s32 $0x880;
	s23 =	spop (v2sf);
	s18 =	sadd.s32 s3, s18  }
0x45: {  	[tilespmem:s22], [sflag:$0x1] =	stream.linear.gather [hbm4b:s18+s2], $0x80, $0x38;
	[tilespmem:$0x10200] =	vst v63  }
0x46: {  	s18 =	sand.u32 $0x1FFFFFF0, s23  }
0x47: {  	s24 =	simm.s32 $0x900;
	s25 =	spop (v2sf);
	s18 =	sadd.s32 s3, s18  }
0x48: {  	[tilespmem:s24], [sflag:$0x1] =	stream.linear.gather [hbm4b:s18+s2], $0x80, $0x38;
	[tilespmem:$0x10200] =	vst v63  }
0x49: {  	s18 =	sand.u32 $0x1FFFFFF0, s25  }
0x4a: {  	s26 =	simm.s32 $0x980;
	s18 =	sadd.s32 s3, s18  }
0x4b: {  	[tilespmem:s26], [sflag:$0x1] =	stream.linear.gather [hbm4b:s18+s2], $0x80, $0x38;
	[tilespmem:$0x10200] =	vst v63  }
0x4c: {  	v55 =	vld [tilespmem:$0x10];
	_ =	sdelay $0x4  }
0x4d: {  	v0 =	vshll.u32 v55, $0x4  }
0x4e: {  	(v2sf) =	vpush v0, $0x0  }
0x4f: {  	(v2sf) =	vpush v0, $0x1;
	_ =	sdelay $0x1  }
0x50: {  	(v2sf) =	vpush v0, $0x2;
	_ =	sdelay $0x1  }
0x51: {  	(v2sf) =	vpush v0, $0x3;
	_ =	sdelay $0x4  }
0x52: {  	(v2sf) =	vpush v0, $0x4;
	_ =	sdelay $0x4  }
0x53: {  	s28 =	spop (v2sf)  }
0x54: {  	s30 =	spop (v2sf);
	(v2sf) =	vpush v0, $0x5;
	_ =	sdelay $0x1  }
0x55: {  	s1 =	spop (v2sf);
	(v2sf) =	vpush v0, $0x6  }
0x56: {  	s18 =	sand.u32 $0x1FFFFFF0, s28  }
0x57: {  	s29 =	simm.s32 $0xA00;
	s18 =	sadd.s32 s3, s18;
	s10 =	spop (v2sf);
	(v2sf) =	vpush v0, $0x7  }
0x58: {  	[tilespmem:s29], [sflag:$0x1] =	stream.linear.gather [hbm4b:s18+s2], $0x80, $0x38;
	[tilespmem:$0x10200] =	vst v63  }
0x59: {  	s18 =	sand.u32 $0x1FFFFFF0, s30  }
0x5a: {  	s31 =	simm.s32 $0xA80;
	s18 =	sadd.s32 s3, s18  }
0x5b: {  	[tilespmem:s31], [sflag:$0x1] =	stream.linear.gather [hbm4b:s18+s2], $0x80, $0x38;
	[tilespmem:$0x10200] =	vst v63  }
0x5c: {  	s12 =	spop (v2sf);
	(v2sf) =	vpush v0, $0x8;
	s18 =	sand.u32 $0x1FFFFFF0, s1  }
0x5d: {  	s9 =	simm.s32 $0xB00;
	s18 =	sadd.s32 s3, s18  }
0x5e: {  	[tilespmem:s9], [sflag:$0x1] =	stream.linear.gather [hbm4b:s18+s2], $0x80, $0x38;
	[tilespmem:$0x10200] =	vst v63  }
0x5f: {  	s18 =	sand.u32 $0x1FFFFFF0, s10  }
0x60: {  	s11 =	simm.s32 $0xB80;
	s18 =	sadd.s32 s3, s18  }
0x61: {  	[tilespmem:s11], [sflag:$0x1] =	stream.linear.gather [hbm4b:s18+s2], $0x80, $0x38;
	[tilespmem:$0x10200] =	vst v63  }
0x62: {  	s19 =	spop (v2sf);
	(v2sf) =	vpush v0, $0x9  }
0x63: {  	s18 =	sand.u32 $0x1FFFFFF0, s12  }
0x64: {  	s13 =	simm.s32 $0xC00;
	s18 =	sadd.s32 s3, s18;
	s21 =	spop (v2sf);
	(v2sf) =	vpush v0, $0xA  }
0x65: {  	[tilespmem:s13], [sflag:$0x1] =	stream.linear.gather [hbm4b:s18+s2], $0x80, $0x38;
	[tilespmem:$0x10200] =	vst v63  }
0x66: {  	s23 =	spop (v2sf);
	(v2sf) =	vpush v0, $0xB  }
0x67: {  	s18 =	sand.u32 $0x1FFFFFF0, s19  }
0x68: {  	s20 =	simm.s32 $0xC80;
	s18 =	sadd.s32 s3, s18  }
0x69: {  	[tilespmem:s20], [sflag:$0x1] =	stream.linear.gather [hbm4b:s18+s2], $0x80, $0x38;
	[tilespmem:$0x10200] =	vst v63  }
0x6a: {  	s18 =	sand.u32 $0x1FFFFFF0, s21  }
0x6b: {  	s22 =	simm.s32 $0xD00;
	s25 =	spop (v2sf);
	s18 =	sadd.s32 s3, s18  }
0x6c: {  	(v2sf) =	vpush v0, $0xC;
	[tilespmem:s22], [sflag:$0x1] =	stream.linear.gather [hbm4b:s18+s2], $0x80, $0x38;
	[tilespmem:$0x10200] =	vst v63  }
0x6d: {  	s18 =	sand.u32 $0x1FFFFFF0, s23  }
0x6e: {  	s24 =	simm.s32 $0xD80;
	s18 =	sadd.s32 s3, s18  }
0x6f: {  	[tilespmem:s24], [sflag:$0x1] =	stream.linear.gather [hbm4b:s18+s2], $0x80, $0x38;
	[tilespmem:$0x10200] =	vst v63  }
0x70: {  	s18 =	sand.u32 $0x1FFFFFF0, s25  }
0x71: {  	s26 =	simm.s32 $0xE00;
	s18 =	sadd.s32 s3, s18;
	s28 =	spop (v2sf);
	(v2sf) =	vpush v0, $0xD  }
0x72: {  	[tilespmem:s26], [sflag:$0x1] =	stream.linear.gather [hbm4b:s18+s2], $0x80, $0x38;
	[tilespmem:$0x10200] =	vst v63  }
0x73: {  	s30 =	spop (v2sf);
	(v2sf) =	vpush v0, $0xE  }
0x74: {  	s18 =	sand.u32 $0x1FFFFFF0, s28  }
0x75: {  	s29 =	simm.s32 $0xE80;
	s18 =	sadd.s32 s3, s18;
	s1 =	spop (v2sf)  }
0x76: {  	(v2sf) =	vpush v0, $0xF;
	[tilespmem:s29], [sflag:$0x1] =	stream.linear.gather [hbm4b:s18+s2], $0x80, $0x38;
	[tilespmem:$0x10200] =	vst v63  }
0x77: {  	s18 =	sand.u32 $0x1FFFFFF0, s30  }
0x78: {  	s31 =	simm.s32 $0xF00;
	s18 =	sadd.s32 s3, s18  }
0x79: {  	[tilespmem:s31], [sflag:$0x1] =	stream.linear.gather [hbm4b:s18+s2], $0x80, $0x38;
	[tilespmem:$0x10200] =	vst v63  }
0x7a: {  	s18 =	sand.u32 $0x1FFFFFF0, s1  }
0x7b: {  	s9 =	simm.s32 $0xF80;
	s10 =	spop (v2sf);
	s18 =	sadd.s32 s3, s18  }
0x7c: {  	[tilespmem:s9], [sflag:$0x1] =	stream.linear.gather [hbm4b:s18+s2], $0x80, $0x38;
	[tilespmem:$0x10200] =	vst v63  }
0x7d: {  	s18 =	sand.u32 $0x1FFFFFF0, s10  }
0x7e: {  	s11 =	simm.s32 $0x1000;
	s18 =	sadd.s32 s3, s18  }
0x7f: {  	[tilespmem:s11], [sflag:$0x1] =	stream.linear.gather [hbm4b:s18+s2], $0x80, $0x38;
	[tilespmem:$0x10200] =	vst v63  }
0x80: {  	s12 =	spop (v2sf)  }
0x81: {  	s18 =	sand.u32 $0x1FFFFFF0, s12  }
0x82: {  	s13 =	simm.s32 $0x1080;
	s19 =	spop (v2sf);
	s18 =	sadd.s32 s3, s18  }
0x83: {  	[tilespmem:s13], [sflag:$0x1] =	stream.linear.gather [hbm4b:s18+s2], $0x80, $0x38;
	[tilespmem:$0x10200] =	vst v63  }
0x84: {  	s18 =	sand.u32 $0x1FFFFFF0, s19  }
0x85: {  	s20 =	simm.s32 $0x1100;
	s21 =	spop (v2sf);
	s18 =	sadd.s32 s3, s18  }
0x86: {  	[tilespmem:s20], [sflag:$0x1] =	stream.linear.gather [hbm4b:s18+s2], $0x80, $0x38;
	[tilespmem:$0x10200] =	vst v63  }
0x87: {  	s18 =	sand.u32 $0x1FFFFFF0, s21  }
0x88: {  	s22 =	simm.s32 $0x1180;
	s18 =	sadd.s32 s3, s18  }
0x89: {  	[tilespmem:s22], [sflag:$0x1] =	stream.linear.gather [hbm4b:s18+s2], $0x80, $0x38;
	[tilespmem:$0x10200] =	vst v63  }
0x8a: {  	v56 =	vld [tilespmem:$0x20];
	_ =	sdelay $0x4  }
0x8b: {  	v0 =	vshll.u32 v56, $0x4  }
0x8c: {  	(v2sf) =	vpush v0, $0x0  }
0x8d: {  	(v2sf) =	vpush v0, $0x1;
	_ =	sdelay $0x1  }
0x8e: {  	(v2sf) =	vpush v0, $0x2;
	_ =	sdelay $0x1  }
0x8f: {  	(v2sf) =	vpush v0, $0x3;
	_ =	sdelay $0x4  }
0x90: {  	(v2sf) =	vpush v0, $0x4;
	_ =	sdelay $0x4  }
0x91: {  	s23 =	spop (v2sf)  }
0x92: {  	s25 =	spop (v2sf);
	(v2sf) =	vpush v0, $0x5;
	_ =	sdelay $0x1  }
0x93: {  	s28 =	spop (v2sf);
	(v2sf) =	vpush v0, $0x6  }
0x94: {  	s18 =	sand.u32 $0x1FFFFFF0, s23  }
0x95: {  	s24 =	simm.s32 $0x1200;
	s18 =	sadd.s32 s3, s18;
	s30 =	spop (v2sf);
	(v2sf) =	vpush v0, $0x7  }
0x96: {  	[tilespmem:s24], [sflag:$0x1] =	stream.linear.gather [hbm4b:s18+s2], $0x80, $0x38;
	[tilespmem:$0x10200] =	vst v63  }
0x97: {  	s18 =	sand.u32 $0x1FFFFFF0, s25  }
0x98: {  	s26 =	simm.s32 $0x1280;
	s18 =	sadd.s32 s3, s18  }
0x99: {  	[tilespmem:s26], [sflag:$0x1] =	stream.linear.gather [hbm4b:s18+s2], $0x80, $0x38;
	[tilespmem:$0x10200] =	vst v63  }
0x9a: {  	s1 =	spop (v2sf);
	(v2sf) =	vpush v0, $0x8;
	s18 =	sand.u32 $0x1FFFFFF0, s28  }
0x9b: {  	s29 =	simm.s32 $0x1300;
	s18 =	sadd.s32 s3, s18  }
0x9c: {  	[tilespmem:s29], [sflag:$0x1] =	stream.linear.gather [hbm4b:s18+s2], $0x80, $0x38;
	[tilespmem:$0x10200] =	vst v63  }
0x9d: {  	s18 =	sand.u32 $0x1FFFFFF0, s30  }
0x9e: {  	s31 =	simm.s32 $0x1380;
	s18 =	sadd.s32 s3, s18  }
0x9f: {  	[tilespmem:s31], [sflag:$0x1] =	stream.linear.gather [hbm4b:s18+s2], $0x80, $0x38;
	[tilespmem:$0x10200] =	vst v63  }
0xa0: {  	s10 =	spop (v2sf);
	(v2sf) =	vpush v0, $0x9  }
0xa1: {  	s18 =	sand.u32 $0x1FFFFFF0, s1  }
0xa2: {  	s9 =	simm.s32 $0x1400;
	s18 =	sadd.s32 s3, s18;
	s12 =	spop (v2sf);
	(v2sf) =	vpush v0, $0xA  }
0xa3: {  	[tilespmem:s9], [sflag:$0x1] =	stream.linear.gather [hbm4b:s18+s2], $0x80, $0x38;
	[tilespmem:$0x10200] =	vst v63  }
0xa4: {  	s19 =	spop (v2sf);
	(v2sf) =	vpush v0, $0xB  }
0xa5: {  	s18 =	sand.u32 $0x1FFFFFF0, s10  }
0xa6: {  	s11 =	simm.s32 $0x1480;
	s18 =	sadd.s32 s3, s18  }
0xa7: {  	[tilespmem:s11], [sflag:$0x1] =	stream.linear.gather [hbm4b:s18+s2], $0x80, $0x38;
	[tilespmem:$0x10200] =	vst v63  }
0xa8: {  	s18 =	sand.u32 $0x1FFFFFF0, s12  }
0xa9: {  	s13 =	simm.s32 $0x1500;
	s21 =	spop (v2sf);
	s18 =	sadd.s32 s3, s18  }
0xaa: {  	(v2sf) =	vpush v0, $0xC;
	[tilespmem:s13], [sflag:$0x1] =	stream.linear.gather [hbm4b:s18+s2], $0x80, $0x38;
	[tilespmem:$0x10200] =	vst v63  }
0xab: {  	s18 =	sand.u32 $0x1FFFFFF0, s19  }
0xac: {  	s20 =	simm.s32 $0x1580;
	s18 =	sadd.s32 s3, s18  }
0xad: {  	[tilespmem:s20], [sflag:$0x1] =	stream.linear.gather [hbm4b:s18+s2], $0x80, $0x38;
	[tilespmem:$0x10200] =	vst v63  }
0xae: {  	s18 =	sand.u32 $0x1FFFFFF0, s21  }
0xaf: {  	s22 =	simm.s32 $0x1600;
	s18 =	sadd.s32 s3, s18;
	s23 =	spop (v2sf);
	(v2sf) =	vpush v0, $0xD  }
0xb0: {  	[tilespmem:s22], [sflag:$0x1] =	stream.linear.gather [hbm4b:s18+s2], $0x80, $0x38;
	[tilespmem:$0x10200] =	vst v63  }
0xb1: {  	s25 =	spop (v2sf);
	(v2sf) =	vpush v0, $0xE  }
0xb2: {  	s18 =	sand.u32 $0x1FFFFFF0, s23  }
0xb3: {  	s24 =	simm.s32 $0x1680;
	s18 =	sadd.s32 s3, s18;
	s28 =	spop (v2sf)  }
0xb4: {  	(v2sf) =	vpush v0, $0xF;
	[tilespmem:s24], [sflag:$0x1] =	stream.linear.gather [hbm4b:s18+s2], $0x80, $0x38;
	[tilespmem:$0x10200] =	vst v63  }
0xb5: {  	s18 =	sand.u32 $0x1FFFFFF0, s25  }
0xb6: {  	s26 =	simm.s32 $0x1700;
	s18 =	sadd.s32 s3, s18  }
0xb7: {  	[tilespmem:s26], [sflag:$0x1] =	stream.linear.gather [hbm4b:s18+s2], $0x80, $0x38;
	[tilespmem:$0x10200] =	vst v63  }
0xb8: {  	s18 =	sand.u32 $0x1FFFFFF0, s28  }
0xb9: {  	s29 =	simm.s32 $0x1780;
	s30 =	spop (v2sf);
	s18 =	sadd.s32 s3, s18  }
0xba: {  	[tilespmem:s29], [sflag:$0x1] =	stream.linear.gather [hbm4b:s18+s2], $0x80, $0x38;
	[tilespmem:$0x10200] =	vst v63  }
0xbb: {  	s18 =	sand.u32 $0x1FFFFFF0, s30  }
0xbc: {  	s31 =	simm.s32 $0x1800;
	s18 =	sadd.s32 s3, s18  }
0xbd: {  	[tilespmem:s31], [sflag:$0x1] =	stream.linear.gather [hbm4b:s18+s2], $0x80, $0x38;
	[tilespmem:$0x10200] =	vst v63  }
0xbe: {  	s1 =	spop (v2sf)  }
0xbf: {  	s18 =	sand.u32 $0x1FFFFFF0, s1  }
0xc0: {  	s9 =	simm.s32 $0x1880;
	s10 =	spop (v2sf);
	s18 =	sadd.s32 s3, s18  }
0xc1: {  	[tilespmem:s9], [sflag:$0x1] =	stream.linear.gather [hbm4b:s18+s2], $0x80, $0x38;
	[tilespmem:$0x10200] =	vst v63  }
0xc2: {  	s18 =	sand.u32 $0x1FFFFFF0, s10  }
0xc3: {  	s11 =	simm.s32 $0x1900;
	s12 =	spop (v2sf);
	s18 =	sadd.s32 s3, s18  }
0xc4: {  	[tilespmem:s11], [sflag:$0x1] =	stream.linear.gather [hbm4b:s18+s2], $0x80, $0x38;
	[tilespmem:$0x10200] =	vst v63  }
0xc5: {  	s18 =	sand.u32 $0x1FFFFFF0, s12  }
0xc6: {  	s13 =	simm.s32 $0x1980;
	s18 =	sadd.s32 s3, s18  }
0xc7: {  	[tilespmem:s13], [sflag:$0x1] =	stream.linear.gather [hbm4b:s18+s2], $0x80, $0x38;
	[tilespmem:$0x10200] =	vst v63  }
0xc8: {  	v57 =	vld [tilespmem:$0x30];
	_ =	sdelay $0x4  }
0xc9: {  	v0 =	vshll.u32 v57, $0x4  }
0xca: {  	(v2sf) =	vpush v0, $0x0  }
0xcb: {  	(v2sf) =	vpush v0, $0x1;
	_ =	sdelay $0x1  }
0xcc: {  	(v2sf) =	vpush v0, $0x2;
	_ =	sdelay $0x1  }
0xcd: {  	(v2sf) =	vpush v0, $0x3;
	_ =	sdelay $0x4  }
0xce: {  	(v2sf) =	vpush v0, $0x4;
	_ =	sdelay $0x4  }
0xcf: {  	s19 =	spop (v2sf)  }
0xd0: {  	s21 =	spop (v2sf);
	(v2sf) =	vpush v0, $0x5;
	_ =	sdelay $0x1  }
0xd1: {  	s23 =	spop (v2sf);
	(v2sf) =	vpush v0, $0x6  }
0xd2: {  	s18 =	sand.u32 $0x1FFFFFF0, s19  }
0xd3: {  	s20 =	simm.s32 $0x1A00;
	s18 =	sadd.s32 s3, s18;
	s25 =	spop (v2sf);
	(v2sf) =	vpush v0, $0x7  }
0xd4: {  	[tilespmem:s20], [sflag:$0x1] =	stream.linear.gather [hbm4b:s18+s2], $0x80, $0x38;
	[tilespmem:$0x10200] =	vst v63  }
0xd5: {  	s18 =	sand.u32 $0x1FFFFFF0, s21  }
0xd6: {  	s22 =	simm.s32 $0x1A80;
	s18 =	sadd.s32 s3, s18  }
0xd7: {  	[tilespmem:s22], [sflag:$0x1] =	stream.linear.gather [hbm4b:s18+s2], $0x80, $0x38;
	[tilespmem:$0x10200] =	vst v63  }
0xd8: {  	s28 =	spop (v2sf);
	(v2sf) =	vpush v0, $0x8;
	s18 =	sand.u32 $0x1FFFFFF0, s23  }
0xd9: {  	s24 =	simm.s32 $0x1B00;
	s18 =	sadd.s32 s3, s18  }
0xda: {  	[tilespmem:s24], [sflag:$0x1] =	stream.linear.gather [hbm4b:s18+s2], $0x80, $0x38;
	[tilespmem:$0x10200] =	vst v63  }
0xdb: {  	s18 =	sand.u32 $0x1FFFFFF0, s25  }
0xdc: {  	s26 =	simm.s32 $0x1B80;
	s18 =	sadd.s32 s3, s18  }
0xdd: {  	[tilespmem:s26], [sflag:$0x1] =	stream.linear.gather [hbm4b:s18+s2], $0x80, $0x38;
	[tilespmem:$0x10200] =	vst v63  }
0xde: {  	s30 =	spop (v2sf);
	(v2sf) =	vpush v0, $0x9  }
0xdf: {  	s18 =	sand.u32 $0x1FFFFFF0, s28  }
0xe0: {  	s29 =	simm.s32 $0x1C00;
	s18 =	sadd.s32 s3, s18;
	s1 =	spop (v2sf);
	(v2sf) =	vpush v0, $0xA  }
0xe1: {  	[tilespmem:s29], [sflag:$0x1] =	stream.linear.gather [hbm4b:s18+s2], $0x80, $0x38;
	[tilespmem:$0x10200] =	vst v63  }
0xe2: {  	s10 =	spop (v2sf);
	(v2sf) =	vpush v0, $0xB  }
0xe3: {  	s18 =	sand.u32 $0x1FFFFFF0, s30  }
0xe4: {  	s31 =	simm.s32 $0x1C80;
	s18 =	sadd.s32 s3, s18  }
0xe5: {  	[tilespmem:s31], [sflag:$0x1] =	stream.linear.gather [hbm4b:s18+s2], $0x80, $0x38;
	[tilespmem:$0x10200] =	vst v63  }
0xe6: {  	s18 =	sand.u32 $0x1FFFFFF0, s1  }
0xe7: {  	s9 =	simm.s32 $0x1D00;
	s12 =	spop (v2sf);
	s18 =	sadd.s32 s3, s18  }
0xe8: {  	(v2sf) =	vpush v0, $0xC;
	[tilespmem:s9], [sflag:$0x1] =	stream.linear.gather [hbm4b:s18+s2], $0x80, $0x38;
	[tilespmem:$0x10200] =	vst v63  }
0xe9: {  	s18 =	sand.u32 $0x1FFFFFF0, s10  }
0xea: {  	s11 =	simm.s32 $0x1D80;
	s18 =	sadd.s32 s3, s18  }
0xeb: {  	[tilespmem:s11], [sflag:$0x1] =	stream.linear.gather [hbm4b:s18+s2], $0x80, $0x38;
	[tilespmem:$0x10200] =	vst v63  }
0xec: {  	s18 =	sand.u32 $0x1FFFFFF0, s12  }
0xed: {  	s13 =	simm.s32 $0x1E00;
	s18 =	sadd.s32 s3, s18;
	s19 =	spop (v2sf);
	(v2sf) =	vpush v0, $0xD  }
0xee: {  	[tilespmem:s13], [sflag:$0x1] =	stream.linear.gather [hbm4b:s18+s2], $0x80, $0x38;
	[tilespmem:$0x10200] =	vst v63  }
0xef: {  	s21 =	spop (v2sf);
	(v2sf) =	vpush v0, $0xE  }
0xf0: {  	s18 =	sand.u32 $0x1FFFFFF0, s19  }
0xf1: {  	s20 =	simm.s32 $0x1E80;
	s18 =	sadd.s32 s3, s18;
	s23 =	spop (v2sf)  }
0xf2: {  	(v2sf) =	vpush v0, $0xF;
	[tilespmem:s20], [sflag:$0x1] =	stream.linear.gather [hbm4b:s18+s2], $0x80, $0x38;
	[tilespmem:$0x10200] =	vst v63  }
0xf3: {  	s18 =	sand.u32 $0x1FFFFFF0, s21  }
0xf4: {  	s22 =	simm.s32 $0x1F00;
	s18 =	sadd.s32 s3, s18  }
0xf5: {  	[tilespmem:s22], [sflag:$0x1] =	stream.linear.gather [hbm4b:s18+s2], $0x80, $0x38;
	[tilespmem:$0x10200] =	vst v63  }
0xf6: {  	s18 =	sand.u32 $0x1FFFFFF0, s23  }
0xf7: {  	s24 =	simm.s32 $0x1F80;
	s25 =	spop (v2sf);
	s18 =	sadd.s32 s3, s18  }
0xf8: {  	[tilespmem:s24], [sflag:$0x1] =	stream.linear.gather [hbm4b:s18+s2], $0x80, $0x38;
	[tilespmem:$0x10200] =	vst v63  }
0xf9: {  	s18 =	sand.u32 $0x1FFFFFF0, s25  }
0xfa: {  	s26 =	simm.s32 $0x2000;
	s18 =	sadd.s32 s3, s18  }
0xfb: {  	[tilespmem:s26], [sflag:$0x1] =	stream.linear.gather [hbm4b:s18+s2], $0x80, $0x38;
	[tilespmem:$0x10200] =	vst v63  }
0xfc: {  	s28 =	spop (v2sf)  }
0xfd: {  	s18 =	sand.u32 $0x1FFFFFF0, s28  }
0xfe: {  	s29 =	simm.s32 $0x2080;
	s30 =	spop (v2sf);
	s18 =	sadd.s32 s3, s18  }
0xff: {  	[tilespmem:s29], [sflag:$0x1] =	stream.linear.gather [hbm4b:s18+s2], $0x80, $0x38;
	[tilespmem:$0x10200] =	vst v63  }
0x100: {  	s18 =	sand.u32 $0x1FFFFFF0, s30  }
0x101: {  	s31 =	simm.s32 $0x2100;
	s1 =	spop (v2sf);
	s18 =	sadd.s32 s3, s18  }
0x102: {  	[tilespmem:s31], [sflag:$0x1] =	stream.linear.gather [hbm4b:s18+s2], $0x80, $0x38;
	[tilespmem:$0x10200] =	vst v63  }
0x103: {  	s18 =	sand.u32 $0x1FFFFFF0, s1  }
0x104: {  	s9 =	simm.s32 $0x2180;
	s18 =	sadd.s32 s3, s18  }
0x105: {  	[tilespmem:s9], [sflag:$0x1] =	stream.linear.gather [hbm4b:s18+s2], $0x80, $0x38;
	[tilespmem:$0x10200] =	vst v63  }
0x106: {  	v58 =	vld [tilespmem:$0x40];
	_ =	sdelay $0x4  }
0x107: {  	v0 =	vshll.u32 v58, $0x4  }
0x108: {  	(v2sf) =	vpush v0, $0x0  }
0x109: {  	(v2sf) =	vpush v0, $0x1;
	_ =	sdelay $0x1  }
0x10a: {  	(v2sf) =	vpush v0, $0x2;
	_ =	sdelay $0x1  }
0x10b: {  	(v2sf) =	vpush v0, $0x3;
	_ =	sdelay $0x4  }
0x10c: {  	(v2sf) =	vpush v0, $0x4;
	_ =	sdelay $0x4  }
0x10d: {  	s10 =	spop (v2sf)  }
0x10e: {  	s12 =	spop (v2sf);
	(v2sf) =	vpush v0, $0x5;
	_ =	sdelay $0x1  }
0x10f: {  	s19 =	spop (v2sf);
	(v2sf) =	vpush v0, $0x6  }
0x110: {  	s18 =	sand.u32 $0x1FFFFFF0, s10  }
0x111: {  	s11 =	simm.s32 $0x2200;
	s18 =	sadd.s32 s3, s18;
	s21 =	spop (v2sf);
	(v2sf) =	vpush v0, $0x7  }
0x112: {  	[tilespmem:s11], [sflag:$0x1] =	stream.linear.gather [hbm4b:s18+s2], $0x80, $0x38;
	[tilespmem:$0x10200] =	vst v63  }
0x113: {  	s18 =	sand.u32 $0x1FFFFFF0, s12  }
0x114: {  	s13 =	simm.s32 $0x2280;
	s18 =	sadd.s32 s3, s18  }
0x115: {  	[tilespmem:s13], [sflag:$0x1] =	stream.linear.gather [hbm4b:s18+s2], $0x80, $0x38;
	[tilespmem:$0x10200] =	vst v63  }
0x116: {  	s23 =	spop (v2sf);
	(v2sf) =	vpush v0, $0x8;
	s18 =	sand.u32 $0x1FFFFFF0, s19  }
0x117: {  	s20 =	simm.s32 $0x2300;
	s18 =	sadd.s32 s3, s18  }
0x118: {  	[tilespmem:s20], [sflag:$0x1] =	stream.linear.gather [hbm4b:s18+s2], $0x80, $0x38;
	[tilespmem:$0x10200] =	vst v63  }
0x119: {  	s18 =	sand.u32 $0x1FFFFFF0, s21  }
0x11a: {  	s22 =	simm.s32 $0x2380;
	s18 =	sadd.s32 s3, s18  }
0x11b: {  	[tilespmem:s22], [sflag:$0x1] =	stream.linear.gather [hbm4b:s18+s2], $0x80, $0x38;
	[tilespmem:$0x10200] =	vst v63  }
0x11c: {  	s25 =	spop (v2sf);
	(v2sf) =	vpush v0, $0x9  }
0x11d: {  	s18 =	sand.u32 $0x1FFFFFF0, s23  }
0x11e: {  	s24 =	simm.s32 $0x2400;
	s18 =	sadd.s32 s3, s18;
	s28 =	spop (v2sf);
	(v2sf) =	vpush v0, $0xA  }
0x11f: {  	[tilespmem:s24], [sflag:$0x1] =	stream.linear.gather [hbm4b:s18+s2], $0x80, $0x38;
	[tilespmem:$0x10200] =	vst v63  }
0x120: {  	s30 =	spop (v2sf);
	(v2sf) =	vpush v0, $0xB  }
0x121: {  	s18 =	sand.u32 $0x1FFFFFF0, s25  }
0x122: {  	s26 =	simm.s32 $0x2480;
	s18 =	sadd.s32 s3, s18  }
0x123: {  	[tilespmem:s26], [sflag:$0x1] =	stream.linear.gather [hbm4b:s18+s2], $0x80, $0x38;
	[tilespmem:$0x10200] =	vst v63  }
0x124: {  	s18 =	sand.u32 $0x1FFFFFF0, s28  }
0x125: {  	s29 =	simm.s32 $0x2500;
	s1 =	spop (v2sf);
	s18 =	sadd.s32 s3, s18  }
0x126: {  	(v2sf) =	vpush v0, $0xC;
	[tilespmem:s29], [sflag:$0x1] =	stream.linear.gather [hbm4b:s18+s2], $0x80, $0x38;
	[tilespmem:$0x10200] =	vst v63  }
0x127: {  	s18 =	sand.u32 $0x1FFFFFF0, s30  }
0x128: {  	s31 =	simm.s32 $0x2580;
	s18 =	sadd.s32 s3, s18  }
0x129: {  	[tilespmem:s31], [sflag:$0x1] =	stream.linear.gather [hbm4b:s18+s2], $0x80, $0x38;
	[tilespmem:$0x10200] =	vst v63  }
0x12a: {  	s18 =	sand.u32 $0x1FFFFFF0, s1  }
0x12b: {  	s9 =	simm.s32 $0x2600;
	s18 =	sadd.s32 s3, s18;
	s10 =	spop (v2sf);
	(v2sf) =	vpush v0, $0xD  }
0x12c: {  	[tilespmem:s9], [sflag:$0x1] =	stream.linear.gather [hbm4b:s18+s2], $0x80, $0x38;
	[tilespmem:$0x10200] =	vst v63  }
0x12d: {  	s12 =	spop (v2sf);
	(v2sf) =	vpush v0, $0xE  }
0x12e: {  	s18 =	sand.u32 $0x1FFFFFF0, s10  }
0x12f: {  	s11 =	simm.s32 $0x2680;
	s18 =	sadd.s32 s3, s18;
	s19 =	spop (v2sf)  }
0x130: {  	(v2sf) =	vpush v0, $0xF;
	[tilespmem:s11], [sflag:$0x1] =	stream.linear.gather [hbm4b:s18+s2], $0x80, $0x38;
	[tilespmem:$0x10200] =	vst v63  }
0x131: {  	s18 =	sand.u32 $0x1FFFFFF0, s12  }
0x132: {  	s13 =	simm.s32 $0x2700;
	s18 =	sadd.s32 s3, s18  }
0x133: {  	[tilespmem:s13], [sflag:$0x1] =	stream.linear.gather [hbm4b:s18+s2], $0x80, $0x38;
	[tilespmem:$0x10200] =	vst v63  }
0x134: {  	s18 =	sand.u32 $0x1FFFFFF0, s19  }
0x135: {  	s20 =	simm.s32 $0x2780;
	s21 =	spop (v2sf);
	s18 =	sadd.s32 s3, s18  }
0x136: {  	[tilespmem:s20], [sflag:$0x1] =	stream.linear.gather [hbm4b:s18+s2], $0x80, $0x38;
	[tilespmem:$0x10200] =	vst v63  }
0x137: {  	s18 =	sand.u32 $0x1FFFFFF0, s21  }
0x138: {  	s22 =	simm.s32 $0x2800;
	s18 =	sadd.s32 s3, s18  }
0x139: {  	[tilespmem:s22], [sflag:$0x1] =	stream.linear.gather [hbm4b:s18+s2], $0x80, $0x38;
	[tilespmem:$0x10200] =	vst v63  }
0x13a: {  	s23 =	spop (v2sf)  }
0x13b: {  	s18 =	sand.u32 $0x1FFFFFF0, s23  }
0x13c: {  	s24 =	simm.s32 $0x2880;
	s25 =	spop (v2sf);
	s18 =	sadd.s32 s3, s18  }
0x13d: {  	[tilespmem:s24], [sflag:$0x1] =	stream.linear.gather [hbm4b:s18+s2], $0x80, $0x38;
	[tilespmem:$0x10200] =	vst v63  }
0x13e: {  	s18 =	sand.u32 $0x1FFFFFF0, s25  }
0x13f: {  	s26 =	simm.s32 $0x2900;
	s28 =	spop (v2sf);
	s18 =	sadd.s32 s3, s18  }
0x140: {  	[tilespmem:s26], [sflag:$0x1] =	stream.linear.gather [hbm4b:s18+s2], $0x80, $0x38;
	[tilespmem:$0x10200] =	vst v63  }
0x141: {  	s18 =	sand.u32 $0x1FFFFFF0, s28  }
0x142: {  	s29 =	simm.s32 $0x2980;
	s18 =	sadd.s32 s3, s18  }
0x143: {  	[tilespmem:s29], [sflag:$0x1] =	stream.linear.gather [hbm4b:s18+s2], $0x80, $0x38;
	[tilespmem:$0x10200] =	vst v63  }
0x144: {  	v59 =	vld [tilespmem:$0x50];
	_ =	sdelay $0x4  }
0x145: {  	v0 =	vshll.u32 v59, $0x4  }
0x146: {  	(v2sf) =	vpush v0, $0x0  }
0x147: {  	(v2sf) =	vpush v0, $0x1;
	_ =	sdelay $0x1  }
0x148: {  	(v2sf) =	vpush v0, $0x2;
	_ =	sdelay $0x1  }
0x149: {  	(v2sf) =	vpush v0, $0x3;
	_ =	sdelay $0x4  }
0x14a: {  	(v2sf) =	vpush v0, $0x4;
	_ =	sdelay $0x4  }
0x14b: {  	s30 =	spop (v2sf)  }
0x14c: {  	s1 =	spop (v2sf);
	(v2sf) =	vpush v0, $0x5;
	_ =	sdelay $0x1  }
0x14d: {  	s10 =	spop (v2sf);
	(v2sf) =	vpush v0, $0x6  }
0x14e: {  	s18 =	sand.u32 $0x1FFFFFF0, s30  }
0x14f: {  	s31 =	simm.s32 $0x2A00;
	s18 =	sadd.s32 s3, s18;
	s12 =	spop (v2sf);
	(v2sf) =	vpush v0, $0x7  }
0x150: {  	[tilespmem:s31], [sflag:$0x1] =	stream.linear.gather [hbm4b:s18+s2], $0x80, $0x38;
	[tilespmem:$0x10200] =	vst v63  }
0x151: {  	s18 =	sand.u32 $0x1FFFFFF0, s1  }
0x152: {  	s9 =	simm.s32 $0x2A80;
	s18 =	sadd.s32 s3, s18  }
0x153: {  	[tilespmem:s9], [sflag:$0x1] =	stream.linear.gather [hbm4b:s18+s2], $0x80, $0x38;
	[tilespmem:$0x10200] =	vst v63  }
0x154: {  	s19 =	spop (v2sf);
	(v2sf) =	vpush v0, $0x8;
	s18 =	sand.u32 $0x1FFFFFF0, s10  }
0x155: {  	s11 =	simm.s32 $0x2B00;
	s18 =	sadd.s32 s3, s18  }
0x156: {  	[tilespmem:s11], [sflag:$0x1] =	stream.linear.gather [hbm4b:s18+s2], $0x80, $0x38;
	[tilespmem:$0x10200] =	vst v63  }
0x157: {  	s18 =	sand.u32 $0x1FFFFFF0, s12  }
0x158: {  	s13 =	simm.s32 $0x2B80;
	s18 =	sadd.s32 s3, s18  }
0x159: {  	[tilespmem:s13], [sflag:$0x1] =	stream.linear.gather [hbm4b:s18+s2], $0x80, $0x38;
	[tilespmem:$0x10200] =	vst v63  }
0x15a: {  	s21 =	spop (v2sf);
	(v2sf) =	vpush v0, $0x9  }
0x15b: {  	s18 =	sand.u32 $0x1FFFFFF0, s19  }
0x15c: {  	s20 =	simm.s32 $0x2C00;
	s18 =	sadd.s32 s3, s18;
	s23 =	spop (v2sf);
	(v2sf) =	vpush v0, $0xA  }
0x15d: {  	[tilespmem:s20], [sflag:$0x1] =	stream.linear.gather [hbm4b:s18+s2], $0x80, $0x38;
	[tilespmem:$0x10200] =	vst v63  }
0x15e: {  	s25 =	spop (v2sf);
	(v2sf) =	vpush v0, $0xB  }
0x15f: {  	s18 =	sand.u32 $0x1FFFFFF0, s21  }
0x160: {  	s22 =	simm.s32 $0x2C80;
	s18 =	sadd.s32 s3, s18  }
0x161: {  	[tilespmem:s22], [sflag:$0x1] =	stream.linear.gather [hbm4b:s18+s2], $0x80, $0x38;
	[tilespmem:$0x10200] =	vst v63  }
0x162: {  	s18 =	sand.u32 $0x1FFFFFF0, s23  }
0x163: {  	s24 =	simm.s32 $0x2D00;
	s28 =	spop (v2sf);
	s18 =	sadd.s32 s3, s18  }
0x164: {  	(v2sf) =	vpush v0, $0xC;
	[tilespmem:s24], [sflag:$0x1] =	stream.linear.gather [hbm4b:s18+s2], $0x80, $0x38;
	[tilespmem:$0x10200] =	vst v63  }
0x165: {  	s18 =	sand.u32 $0x1FFFFFF0, s25  }
0x166: {  	s26 =	simm.s32 $0x2D80;
	s18 =	sadd.s32 s3, s18  }
0x167: {  	[tilespmem:s26], [sflag:$0x1] =	stream.linear.gather [hbm4b:s18+s2], $0x80, $0x38;
	[tilespmem:$0x10200] =	vst v63  }
0x168: {  	s18 =	sand.u32 $0x1FFFFFF0, s28  }
0x169: {  	s29 =	simm.s32 $0x2E00;
	s18 =	sadd.s32 s3, s18;
	s30 =	spop (v2sf);
	(v2sf) =	vpush v0, $0xD  }
0x16a: {  	[tilespmem:s29], [sflag:$0x1] =	stream.linear.gather [hbm4b:s18+s2], $0x80, $0x38;
	[tilespmem:$0x10200] =	vst v63  }
0x16b: {  	s1 =	spop (v2sf);
	(v2sf) =	vpush v0, $0xE  }
0x16c: {  	s18 =	sand.u32 $0x1FFFFFF0, s30  }
0x16d: {  	s31 =	simm.s32 $0x2E80;
	s18 =	sadd.s32 s3, s18;
	s10 =	spop (v2sf)  }
0x16e: {  	(v2sf) =	vpush v0, $0xF;
	[tilespmem:s31], [sflag:$0x1] =	stream.linear.gather [hbm4b:s18+s2], $0x80, $0x38;
	[tilespmem:$0x10200] =	vst v63  }
0x16f: {  	s18 =	sand.u32 $0x1FFFFFF0, s1  }
0x170: {  	s9 =	simm.s32 $0x2F00;
	s18 =	sadd.s32 s3, s18  }
0x171: {  	[tilespmem:s9], [sflag:$0x1] =	stream.linear.gather [hbm4b:s18+s2], $0x80, $0x38;
	[tilespmem:$0x10200] =	vst v63  }
0x172: {  	s18 =	sand.u32 $0x1FFFFFF0, s10  }
0x173: {  	s11 =	simm.s32 $0x2F80;
	s12 =	spop (v2sf);
	s18 =	sadd.s32 s3, s18  }
0x174: {  	[tilespmem:s11], [sflag:$0x1] =	stream.linear.gather [hbm4b:s18+s2], $0x80, $0x38;
	[tilespmem:$0x10200] =	vst v63  }
0x175: {  	s18 =	sand.u32 $0x1FFFFFF0, s12  }
0x176: {  	s13 =	simm.s32 $0x3000;
	s18 =	sadd.s32 s3, s18  }
0x177: {  	[tilespmem:s13], [sflag:$0x1] =	stream.linear.gather [hbm4b:s18+s2], $0x80, $0x38;
	[tilespmem:$0x10200] =	vst v63  }
0x178: {  	s19 =	spop (v2sf)  }
0x179: {  	s18 =	sand.u32 $0x1FFFFFF0, s19  }
0x17a: {  	s20 =	simm.s32 $0x3080;
	s21 =	spop (v2sf);
	s18 =	sadd.s32 s3, s18  }
0x17b: {  	[tilespmem:s20], [sflag:$0x1] =	stream.linear.gather [hbm4b:s18+s2], $0x80, $0x38;
	[tilespmem:$0x10200] =	vst v63  }
0x17c: {  	s18 =	sand.u32 $0x1FFFFFF0, s21  }
0x17d: {  	s22 =	simm.s32 $0x3100;
	s23 =	spop (v2sf);
	s18 =	sadd.s32 s3, s18  }
0x17e: {  	[tilespmem:s22], [sflag:$0x1] =	stream.linear.gather [hbm4b:s18+s2], $0x80, $0x38;
	[tilespmem:$0x10200] =	vst v63  }
0x17f: {  	s18 =	sand.u32 $0x1FFFFFF0, s23  }
0x180: {  	s24 =	simm.s32 $0x3180;
	s18 =	sadd.s32 s3, s18  }
0x181: {  	[tilespmem:s24], [sflag:$0x1] =	stream.linear.gather [hbm4b:s18+s2], $0x80, $0x38;
	[tilespmem:$0x10200] =	vst v63  }
0x182: {  	v60 =	vld [tilespmem:$0x60];
	_ =	sdelay $0x4  }
0x183: {  	v0 =	vshll.u32 v60, $0x4  }
0x184: {  	(v2sf) =	vpush v0, $0x0  }
0x185: {  	(v2sf) =	vpush v0, $0x1;
	_ =	sdelay $0x1  }
0x186: {  	(v2sf) =	vpush v0, $0x2;
	_ =	sdelay $0x1  }
0x187: {  	(v2sf) =	vpush v0, $0x3;
	_ =	sdelay $0x4  }
0x188: {  	(v2sf) =	vpush v0, $0x4;
	_ =	sdelay $0x4  }
0x189: {  	s25 =	spop (v2sf)  }
0x18a: {  	s28 =	spop (v2sf);
	(v2sf) =	vpush v0, $0x5;
	_ =	sdelay $0x1  }
0x18b: {  	s30 =	spop (v2sf);
	(v2sf) =	vpush v0, $0x6  }
0x18c: {  	s18 =	sand.u32 $0x1FFFFFF0, s25  }
0x18d: {  	s26 =	simm.s32 $0x3200;
	s18 =	sadd.s32 s3, s18;
	s1 =	spop (v2sf);
	(v2sf) =	vpush v0, $0x7  }
0x18e: {  	[tilespmem:s26], [sflag:$0x1] =	stream.linear.gather [hbm4b:s18+s2], $0x80, $0x38;
	[tilespmem:$0x10200] =	vst v63  }
0x18f: {  	s18 =	sand.u32 $0x1FFFFFF0, s28  }
0x190: {  	s29 =	simm.s32 $0x3280;
	s18 =	sadd.s32 s3, s18  }
0x191: {  	[tilespmem:s29], [sflag:$0x1] =	stream.linear.gather [hbm4b:s18+s2], $0x80, $0x38;
	[tilespmem:$0x10200] =	vst v63  }
0x192: {  	s10 =	spop (v2sf);
	(v2sf) =	vpush v0, $0x8;
	s18 =	sand.u32 $0x1FFFFFF0, s30  }
0x193: {  	s31 =	simm.s32 $0x3300;
	s18 =	sadd.s32 s3, s18  }
0x194: {  	[tilespmem:s31], [sflag:$0x1] =	stream.linear.gather [hbm4b:s18+s2], $0x80, $0x38;
	[tilespmem:$0x10200] =	vst v63  }
0x195: {  	s18 =	sand.u32 $0x1FFFFFF0, s1  }
0x196: {  	s9 =	simm.s32 $0x3380;
	s18 =	sadd.s32 s3, s18  }
0x197: {  	[tilespmem:s9], [sflag:$0x1] =	stream.linear.gather [hbm4b:s18+s2], $0x80, $0x38;
	[tilespmem:$0x10200] =	vst v63  }
0x198: {  	s12 =	spop (v2sf);
	(v2sf) =	vpush v0, $0x9  }
0x199: {  	s18 =	sand.u32 $0x1FFFFFF0, s10  }
0x19a: {  	s11 =	simm.s32 $0x3400;
	s18 =	sadd.s32 s3, s18;
	s19 =	spop (v2sf);
	(v2sf) =	vpush v0, $0xA  }
0x19b: {  	[tilespmem:s11], [sflag:$0x1] =	stream.linear.gather [hbm4b:s18+s2], $0x80, $0x38;
	[tilespmem:$0x10200] =	vst v63  }
0x19c: {  	s21 =	spop (v2sf);
	(v2sf) =	vpush v0, $0xB  }
0x19d: {  	s18 =	sand.u32 $0x1FFFFFF0, s12  }
0x19e: {  	s13 =	simm.s32 $0x3480;
	s18 =	sadd.s32 s3, s18  }
0x19f: {  	[tilespmem:s13], [sflag:$0x1] =	stream.linear.gather [hbm4b:s18+s2], $0x80, $0x38;
	[tilespmem:$0x10200] =	vst v63  }
0x1a0: {  	s18 =	sand.u32 $0x1FFFFFF0, s19  }
0x1a1: {  	s20 =	simm.s32 $0x3500;
	s23 =	spop (v2sf);
	s18 =	sadd.s32 s3, s18  }
0x1a2: {  	(v2sf) =	vpush v0, $0xC;
	[tilespmem:s20], [sflag:$0x1] =	stream.linear.gather [hbm4b:s18+s2], $0x80, $0x38;
	[tilespmem:$0x10200] =	vst v63  }
0x1a3: {  	s18 =	sand.u32 $0x1FFFFFF0, s21  }
0x1a4: {  	s22 =	simm.s32 $0x3580;
	s18 =	sadd.s32 s3, s18  }
0x1a5: {  	[tilespmem:s22], [sflag:$0x1] =	stream.linear.gather [hbm4b:s18+s2], $0x80, $0x38;
	[tilespmem:$0x10200] =	vst v63  }
0x1a6: {  	s18 =	sand.u32 $0x1FFFFFF0, s23  }
0x1a7: {  	s24 =	simm.s32 $0x3600;
	s18 =	sadd.s32 s3, s18;
	s25 =	spop (v2sf);
	(v2sf) =	vpush v0, $0xD  }
0x1a8: {  	[tilespmem:s24], [sflag:$0x1] =	stream.linear.gather [hbm4b:s18+s2], $0x80, $0x38;
	[tilespmem:$0x10200] =	vst v63  }
0x1a9: {  	s28 =	spop (v2sf);
	(v2sf) =	vpush v0, $0xE  }
0x1aa: {  	s18 =	sand.u32 $0x1FFFFFF0, s25  }
0x1ab: {  	s26 =	simm.s32 $0x3680;
	s18 =	sadd.s32 s3, s18;
	s30 =	spop (v2sf)  }
0x1ac: {  	(v2sf) =	vpush v0, $0xF;
	[tilespmem:s26], [sflag:$0x1] =	stream.linear.gather [hbm4b:s18+s2], $0x80, $0x38;
	[tilespmem:$0x10200] =	vst v63  }
0x1ad: {  	s18 =	sand.u32 $0x1FFFFFF0, s28  }
0x1ae: {  	s29 =	simm.s32 $0x3700;
	s18 =	sadd.s32 s3, s18  }
0x1af: {  	[tilespmem:s29], [sflag:$0x1] =	stream.linear.gather [hbm4b:s18+s2], $0x80, $0x38;
	[tilespmem:$0x10200] =	vst v63  }
0x1b0: {  	s18 =	sand.u32 $0x1FFFFFF0, s30  }
0x1b1: {  	s31 =	simm.s32 $0x3780;
	s1 =	spop (v2sf);
	s18 =	sadd.s32 s3, s18  }
0x1b2: {  	[tilespmem:s31], [sflag:$0x1] =	stream.linear.gather [hbm4b:s18+s2], $0x80, $0x38;
	[tilespmem:$0x10200] =	vst v63  }
0x1b3: {  	s18 =	sand.u32 $0x1FFFFFF0, s1  }
0x1b4: {  	s9 =	simm.s32 $0x3800;
	s18 =	sadd.s32 s3, s18  }
0x1b5: {  	[tilespmem:s9], [sflag:$0x1] =	stream.linear.gather [hbm4b:s18+s2], $0x80, $0x38;
	[tilespmem:$0x10200] =	vst v63  }
0x1b6: {  	s10 =	spop (v2sf)  }
0x1b7: {  	s18 =	sand.u32 $0x1FFFFFF0, s10  }
0x1b8: {  	s11 =	simm.s32 $0x3880;
	s12 =	spop (v2sf);
	s18 =	sadd.s32 s3, s18  }
0x1b9: {  	[tilespmem:s11], [sflag:$0x1] =	stream.linear.gather [hbm4b:s18+s2], $0x80, $0x38;
	[tilespmem:$0x10200] =	vst v63  }
0x1ba: {  	s18 =	sand.u32 $0x1FFFFFF0, s12  }
0x1bb: {  	s13 =	simm.s32 $0x3900;
	s19 =	spop (v2sf);
	s18 =	sadd.s32 s3, s18  }
0x1bc: {  	[tilespmem:s13], [sflag:$0x1] =	stream.linear.gather [hbm4b:s18+s2], $0x80, $0x38;
	[tilespmem:$0x10200] =	vst v63  }
0x1bd: {  	s18 =	sand.u32 $0x1FFFFFF0, s19  }
0x1be: {  	s20 =	simm.s32 $0x3980;
	s18 =	sadd.s32 s3, s18  }
0x1bf: {  	[tilespmem:s20], [sflag:$0x1] =	stream.linear.gather [hbm4b:s18+s2], $0x80, $0x38;
	[tilespmem:$0x10200] =	vst v63  }
0x1c0: {  	v61 =	vld [tilespmem:$0x70];
	_ =	sdelay $0x4  }
0x1c1: {  	v0 =	vshll.u32 v61, $0x4  }
0x1c2: {  	(v2sf) =	vpush v0, $0x0  }
0x1c3: {  	(v2sf) =	vpush v0, $0x1;
	_ =	sdelay $0x1  }
0x1c4: {  	(v2sf) =	vpush v0, $0x2;
	_ =	sdelay $0x1  }
0x1c5: {  	(v2sf) =	vpush v0, $0x3;
	_ =	sdelay $0x4  }
0x1c6: {  	(v2sf) =	vpush v0, $0x4;
	_ =	sdelay $0x4  }
0x1c7: {  	s21 =	spop (v2sf)  }
0x1c8: {  	s23 =	spop (v2sf);
	(v2sf) =	vpush v0, $0x5;
	_ =	sdelay $0x1  }
0x1c9: {  	s25 =	spop (v2sf);
	(v2sf) =	vpush v0, $0x6  }
0x1ca: {  	s18 =	sand.u32 $0x1FFFFFF0, s21  }
0x1cb: {  	s22 =	simm.s32 $0x3A00;
	s18 =	sadd.s32 s3, s18;
	s28 =	spop (v2sf);
	(v2sf) =	vpush v0, $0x7  }
0x1cc: {  	[tilespmem:s22], [sflag:$0x1] =	stream.linear.gather [hbm4b:s18+s2], $0x80, $0x38;
	[tilespmem:$0x10200] =	vst v63  }
0x1cd: {  	s18 =	sand.u32 $0x1FFFFFF0, s23  }
0x1ce: {  	s24 =	simm.s32 $0x3A80;
	s18 =	sadd.s32 s3, s18  }
0x1cf: {  	[tilespmem:s24], [sflag:$0x1] =	stream.linear.gather [hbm4b:s18+s2], $0x80, $0x38;
	[tilespmem:$0x10200] =	vst v63  }
0x1d0: {  	s30 =	spop (v2sf);
	(v2sf) =	vpush v0, $0x8;
	s18 =	sand.u32 $0x1FFFFFF0, s25  }
0x1d1: {  	s26 =	simm.s32 $0x3B00;
	s18 =	sadd.s32 s3, s18  }
0x1d2: {  	[tilespmem:s26], [sflag:$0x1] =	stream.linear.gather [hbm4b:s18+s2], $0x80, $0x38;
	[tilespmem:$0x10200] =	vst v63  }
0x1d3: {  	s18 =	sand.u32 $0x1FFFFFF0, s28  }
0x1d4: {  	s29 =	simm.s32 $0x3B80;
	s18 =	sadd.s32 s3, s18  }
0x1d5: {  	[tilespmem:s29], [sflag:$0x1] =	stream.linear.gather [hbm4b:s18+s2], $0x80, $0x38;
	[tilespmem:$0x10200] =	vst v63  }
0x1d6: {  	s1 =	spop (v2sf);
	(v2sf) =	vpush v0, $0x9  }
0x1d7: {  	s18 =	sand.u32 $0x1FFFFFF0, s30  }
0x1d8: {  	s31 =	simm.s32 $0x3C00;
	s18 =	sadd.s32 s3, s18;
	s10 =	spop (v2sf);
	(v2sf) =	vpush v0, $0xA  }
0x1d9: {  	[tilespmem:s31], [sflag:$0x1] =	stream.linear.gather [hbm4b:s18+s2], $0x80, $0x38;
	[tilespmem:$0x10200] =	vst v63  }
0x1da: {  	s12 =	spop (v2sf);
	(v2sf) =	vpush v0, $0xB  }
0x1db: {  	s18 =	sand.u32 $0x1FFFFFF0, s1  }
0x1dc: {  	s9 =	simm.s32 $0x3C80;
	s18 =	sadd.s32 s3, s18  }
0x1dd: {  	[tilespmem:s9], [sflag:$0x1] =	stream.linear.gather [hbm4b:s18+s2], $0x80, $0x38;
	[tilespmem:$0x10200] =	vst v63  }
0x1de: {  	s18 =	sand.u32 $0x1FFFFFF0, s10  }
0x1df: {  	s11 =	simm.s32 $0x3D00;
	s19 =	spop (v2sf);
	s18 =	sadd.s32 s3, s18  }
0x1e0: {  	(v2sf) =	vpush v0, $0xC;
	[tilespmem:s11], [sflag:$0x1] =	stream.linear.gather [hbm4b:s18+s2], $0x80, $0x38;
	[tilespmem:$0x10200] =	vst v63  }
0x1e1: {  	s18 =	sand.u32 $0x1FFFFFF0, s12  }
0x1e2: {  	s13 =	simm.s32 $0x3D80;
	s18 =	sadd.s32 s3, s18  }
0x1e3: {  	[tilespmem:s13], [sflag:$0x1] =	stream.linear.gather [hbm4b:s18+s2], $0x80, $0x38;
	[tilespmem:$0x10200] =	vst v63  }
0x1e4: {  	s18 =	sand.u32 $0x1FFFFFF0, s19  }
0x1e5: {  	s20 =	simm.s32 $0x3E00;
	s18 =	sadd.s32 s3, s18;
	s21 =	spop (v2sf);
	(v2sf) =	vpush v0, $0xD  }
0x1e6: {  	[tilespmem:s20], [sflag:$0x1] =	stream.linear.gather [hbm4b:s18+s2], $0x80, $0x38;
	[tilespmem:$0x10200] =	vst v63  }
0x1e7: {  	s23 =	spop (v2sf);
	(v2sf) =	vpush v0, $0xE  }
0x1e8: {  	s18 =	sand.u32 $0x1FFFFFF0, s21  }
0x1e9: {  	s22 =	simm.s32 $0x3E80;
	s18 =	sadd.s32 s3, s18;
	s25 =	spop (v2sf)  }
0x1ea: {  	(v2sf) =	vpush v0, $0xF;
	[tilespmem:s22], [sflag:$0x1] =	stream.linear.gather [hbm4b:s18+s2], $0x80, $0x38;
	[tilespmem:$0x10200] =	vst v63  }
0x1eb: {  	s18 =	sand.u32 $0x1FFFFFF0, s23  }
0x1ec: {  	s24 =	simm.s32 $0x3F00;
	s18 =	sadd.s32 s3, s18  }
0x1ed: {  	[tilespmem:s24], [sflag:$0x1] =	stream.linear.gather [hbm4b:s18+s2], $0x80, $0x38;
	[tilespmem:$0x10200] =	vst v63  }
0x1ee: {  	s18 =	sand.u32 $0x1FFFFFF0, s25  }
0x1ef: {  	s26 =	simm.s32 $0x3F80;
	s28 =	spop (v2sf);
	s18 =	sadd.s32 s3, s18  }
0x1f0: {  	[tilespmem:s26], [sflag:$0x1] =	stream.linear.gather [hbm4b:s18+s2], $0x80, $0x38;
	[tilespmem:$0x10200] =	vst v63  }
0x1f1: {  	s18 =	sand.u32 $0x1FFFFFF0, s28  }
0x1f2: {  	s29 =	simm.s32 $0x4000;
	s18 =	sadd.s32 s3, s18  }
0x1f3: {  	[tilespmem:s29], [sflag:$0x1] =	stream.linear.gather [hbm4b:s18+s2], $0x80, $0x38;
	[tilespmem:$0x10200] =	vst v63  }
0x1f4: {  	s30 =	spop (v2sf)  }
0x1f5: {  	s18 =	sand.u32 $0x1FFFFFF0, s30  }
0x1f6: {  	s31 =	simm.s32 $0x4080;
	s1 =	spop (v2sf);
	s18 =	sadd.s32 s3, s18  }
0x1f7: {  	[tilespmem:s31], [sflag:$0x1] =	stream.linear.gather [hbm4b:s18+s2], $0x80, $0x38;
	[tilespmem:$0x10200] =	vst v63  }
0x1f8: {  	s18 =	sand.u32 $0x1FFFFFF0, s1  }
0x1f9: {  	s9 =	spop (v2sf);
	s18 =	sadd.s32 s3, s18  }
0x1fa: {  	[tilespmem:s14], [sflag:$0x1] =	stream.linear.gather [hbm4b:s18+s2], $0x80, $0x38;
	[tilespmem:$0x10200] =	vst v63  }
0x1fb: {  	s18 =	sand.u32 $0x1FFFFFF0, s9  }
0x1fc: {  	s18 =	sadd.s32 s3, s18  }
0x1fd: {  	[tilespmem:s15], [sflag:$0x1] =	stream.linear.gather [hbm4b:s18+s2], $0x80, $0x38;
	[tilespmem:$0x10200] =	vst v63  }
0x1fe: {  	s18 =	simm.s32 $0x90  }
0x1ff: {  	v62 =	vld [tilespmem:s18+$0xFFFFFFF0];
	_ =	sdelay $0x4  }
0x200: {  	v0 =	vshll.u32 v62, $0x4  }
0x201: {  	(v2sf) =	vpush v0, $0x0  }
0x202: {  	(v2sf) =	vpush v0, $0x1;
	_ =	sdelay $0x1  }
0x203: {  	(v2sf) =	vpush v0, $0x2;
	_ =	sdelay $0x1  }
0x204: {  	(v2sf) =	vpush v0, $0x3;
	_ =	sdelay $0x4  }
0x205: {  	(v2sf) =	vpush v0, $0x4;
	_ =	sdelay $0x4  }
0x206: {  	s19 =	spop (v2sf)  }
0x207: {  	s10 =	spop (v2sf);
	(v2sf) =	vpush v0, $0x5  }
0x208: {  	s19 =	sand.u32 $0x1FFFFFF0, s19  }
0x209: {  	s20 =	simm.s32 $0x4200;
	s19 =	sadd.s32 s3, s19;
	s12 =	spop (v2sf);
	(v2sf) =	vpush v0, $0x6  }
0x20a: {  	[tilespmem:s20], [sflag:$0x1] =	stream.linear.gather [hbm4b:s19+s2], $0x80, $0x38;
	[tilespmem:$0x10200] =	vst v63  }
0x20b: {  	s20 =	spop (v2sf);
	(v2sf) =	vpush v0, $0x7;
	_ =	sdelay $0x1  }
0x20c: {  	s19 =	sand.u32 $0x1FFFFFF0, s10  }
0x20d: {  	s11 =	simm.s32 $0x4280;
	s19 =	sadd.s32 s3, s19  }
0x20e: {  	[tilespmem:s11], [sflag:$0x1] =	stream.linear.gather [hbm4b:s19+s2], $0x80, $0x38;
	[tilespmem:$0x10200] =	vst v63  }
0x20f: {  	s22 =	spop (v2sf);
	(v2sf) =	vpush v0, $0x8;
	s19 =	sand.u32 $0x1FFFFFF0, s12  }
0x210: {  	s13 =	simm.s32 $0x4300;
	s19 =	sadd.s32 s3, s19  }
0x211: {  	[tilespmem:s13], [sflag:$0x1] =	stream.linear.gather [hbm4b:s19+s2], $0x80, $0x38;
	[tilespmem:$0x10200] =	vst v63  }
0x212: {  	s19 =	sand.u32 $0x1FFFFFF0, s20  }
0x213: {  	s21 =	simm.s32 $0x4380;
	s19 =	sadd.s32 s3, s19  }
0x214: {  	[tilespmem:s21], [sflag:$0x1] =	stream.linear.gather [hbm4b:s19+s2], $0x80, $0x38;
	[tilespmem:$0x10200] =	vst v63  }
0x215: {  	s24 =	spop (v2sf);
	(v2sf) =	vpush v0, $0x9  }
0x216: {  	s19 =	sand.u32 $0x1FFFFFF0, s22  }
0x217: {  	s23 =	simm.s32 $0x4400;
	s19 =	sadd.s32 s3, s19;
	s26 =	spop (v2sf);
	(v2sf) =	vpush v0, $0xA  }
0x218: {  	[tilespmem:s23], [sflag:$0x1] =	stream.linear.gather [hbm4b:s19+s2], $0x80, $0x38;
	[tilespmem:$0x10200] =	vst v63  }
0x219: {  	s29 =	spop (v2sf);
	(v2sf) =	vpush v0, $0xB  }
0x21a: {  	s19 =	sand.u32 $0x1FFFFFF0, s24  }
0x21b: {  	s25 =	simm.s32 $0x4480;
	s19 =	sadd.s32 s3, s19  }
0x21c: {  	[tilespmem:s25], [sflag:$0x1] =	stream.linear.gather [hbm4b:s19+s2], $0x80, $0x38;
	[tilespmem:$0x10200] =	vst v63  }
0x21d: {  	s19 =	sand.u32 $0x1FFFFFF0, s26  }
0x21e: {  	s28 =	simm.s32 $0x4500;
	s31 =	spop (v2sf);
	s19 =	sadd.s32 s3, s19  }
0x21f: {  	(v2sf) =	vpush v0, $0xC;
	[tilespmem:s28], [sflag:$0x1] =	stream.linear.gather [hbm4b:s19+s2], $0x80, $0x38;
	[tilespmem:$0x10200] =	vst v63  }
0x220: {  	s19 =	sand.u32 $0x1FFFFFF0, s29  }
0x221: {  	s30 =	simm.s32 $0x4580;
	s19 =	sadd.s32 s3, s19  }
0x222: {  	[tilespmem:s30], [sflag:$0x1] =	stream.linear.gather [hbm4b:s19+s2], $0x80, $0x38;
	[tilespmem:$0x10200] =	vst v63  }
0x223: {  	s19 =	sand.u32 $0x1FFFFFF0, s31  }
0x224: {  	s0 =	simm.s32 $0x4600;
	s19 =	sadd.s32 s3, s19;
	s1 =	spop (v2sf);
	(v2sf) =	vpush v0, $0xD  }
0x225: {  	[tilespmem:s0], [sflag:$0x1] =	stream.linear.gather [hbm4b:s19+s2], $0x80, $0x38;
	[tilespmem:$0x10200] =	vst v63  }
0x226: {  	s10 =	spop (v2sf);
	(v2sf) =	vpush v0, $0xE  }
0x227: {  	s19 =	sand.u32 $0x1FFFFFF0, s1  }
0x228: {  	s9 =	simm.s32 $0x4680;
	s19 =	sadd.s32 s3, s19;
	s12 =	spop (v2sf)  }
0x229: {  	(v2sf) =	vpush v0, $0xF;
	[tilespmem:s9], [sflag:$0x1] =	stream.linear.gather [hbm4b:s19+s2], $0x80, $0x38;
	[tilespmem:$0x10200] =	vst v63  }
0x22a: {  	s19 =	sand.u32 $0x1FFFFFF0, s10  }
0x22b: {  	s11 =	simm.s32 $0x4700;
	s19 =	sadd.s32 s3, s19  }
0x22c: {  	[tilespmem:s11], [sflag:$0x1] =	stream.linear.gather [hbm4b:s19+s2], $0x80, $0x38;
	[tilespmem:$0x10200] =	vst v63  }
0x22d: {  	s19 =	sand.u32 $0x1FFFFFF0, s12  }
0x22e: {  	s13 =	simm.s32 $0x4780;
	s20 =	spop (v2sf);
	s19 =	sadd.s32 s3, s19  }
0x22f: {  	[tilespmem:s13], [sflag:$0x1] =	stream.linear.gather [hbm4b:s19+s2], $0x80, $0x38;
	[tilespmem:$0x10200] =	vst v63  }
0x230: {  	s19 =	sand.u32 $0x1FFFFFF0, s20  }
0x231: {  	s21 =	simm.s32 $0x4800;
	s19 =	sadd.s32 s3, s19  }
0x232: {  	[tilespmem:s21], [sflag:$0x1] =	stream.linear.gather [hbm4b:s19+s2], $0x80, $0x38;
	[tilespmem:$0x10200] =	vst v63  }
0x233: {  	s22 =	spop (v2sf)  }
0x234: {  	s19 =	sand.u32 $0x1FFFFFF0, s22  }
0x235: {  	s23 =	simm.s32 $0x4880;
	s24 =	spop (v2sf);
	s19 =	sadd.s32 s3, s19  }
0x236: {  	[tilespmem:s23], [sflag:$0x1] =	stream.linear.gather [hbm4b:s19+s2], $0x80, $0x38;
	[tilespmem:$0x10200] =	vst v63  }
0x237: {  	s19 =	sand.u32 $0x1FFFFFF0, s24  }
0x238: {  	s25 =	simm.s32 $0x4900;
	s26 =	spop (v2sf);
	s19 =	sadd.s32 s3, s19  }
0x239: {  	[tilespmem:s25], [sflag:$0x1] =	stream.linear.gather [hbm4b:s19+s2], $0x80, $0x38;
	[tilespmem:$0x10200] =	vst v63  }
0x23a: {  	s19 =	sand.u32 $0x1FFFFFF0, s26  }
0x23b: {  	s28 =	simm.s32 $0x4980;
	s19 =	sadd.s32 s3, s19  }
0x23c: {  	[tilespmem:s28], [sflag:$0x1] =	stream.linear.gather [hbm4b:s19+s2], $0x80, $0x38;
	[tilespmem:$0x10200] =	vst v63  }
0x23d: {  	_ =	swait.ge [sflag:s16], $0x800  }
0x23e: {  	[sflag:s16] =	ssyncset.done $0x0  }
0x23f: {  	[sflag:s16] =	ssyncadd.s32 $0xFFFFF800  }
0x240: {  	v63 =	vld [tilespmem:s18+$0x0];
	_ =	sdelay $0x4  }
0x241: {  	v0 =	vshll.u32 v63, $0x4  }
0x242: {  	(v2sf) =	vpush v0, $0x0  }
0x243: {  	(v2sf) =	vpush v0, $0x1  }
0x244: {  	(v2sf) =	vpush v0, $0x2;
	_ =	sdelay $0x2  }
0x245: {  	(v2sf) =	vpush v0, $0x3;
	_ =	sdelay $0x1  }
0x246: {  	(v2sf) =	vpush v0, $0x4;
	_ =	sdelay $0x1  }
0x247: {  	(v2sf) =	vpush v0, $0x5;
	_ =	sdelay $0x1  }
0x248: {  	(v2sf) =	vpush v0, $0x6;
	_ =	sdelay $0x2  }
0x249: {  	s31 =	simm.s32 $0x4A00;
	s0 =	simm.s32 $0x4A80;
	s11 =	simm.s32 $0x4B00  }
0x24a: {  	s12 =	simm.s32 $0x4B80;
	s22 =	simm.s32 $0x4C00;
	s29 =	spop (v2sf);
	(v2sf) =	vpush v0, $0x7  }
0x24b: {  	s23 =	simm.s32 $0x4C80;
	s18 =	sand.u32 $0x1FFFFFF0, s29;
	s30 =	spop (v2sf)  }
0x24c: {  	(v2sf) =	vpush v0, $0x8;
	s18 =	sadd.s32 s3, s18;
	s19 =	sand.u32 $0x1FFFFFF0, s30;
	s1 =	spop (v2sf)  }
0x24d: {  	(v2sf) =	vpush v0, $0x9;
	[tilespmem:s31], [sflag:$0x1] =	stream.linear.gather [hbm4b:s18+s2], $0x80, $0x38;
	[tilespmem:$0x10200] =	vst v63  }
0x24e: {  	s28 =	simm.s32 $0x4D00;
	s29 =	simm.s32 $0x4D80;
	s19 =	sadd.s32 s3, s19  }
0x24f: {  	s9 =	sand.u32 $0x1FFFFFF0, s1;
	s10 =	spop (v2sf);
	(v2sf) =	vpush v0, $0xA;
	s1 =	simm.s32 $0x4E00  }
0x250: {  	[tilespmem:s0], [sflag:$0x1] =	stream.linear.gather [hbm4b:s19+s2], $0x80, $0x38;
	[tilespmem:$0x10200] =	vst v63  }
0x251: {  	s18 =	sadd.s32 s3, s9;
	s13 =	spop (v2sf);
	(v2sf) =	vpush v0, $0xB;
	s19 =	sand.u32 $0x1FFFFFF0, s10  }
0x252: {  	[tilespmem:s11], [sflag:$0x1] =	stream.linear.gather [hbm4b:s18+s2], $0x80, $0x38;
	[tilespmem:$0x10200] =	vst v63  }
0x253: {  	s20 =	sand.u32 $0x1FFFFFF0, s13;
	s21 =	spop (v2sf);
	(v2sf) =	vpush v0, $0xC;
	s19 =	sadd.s32 s3, s19  }
0x254: {  	[tilespmem:s12], [sflag:$0x1] =	stream.linear.gather [hbm4b:s19+s2], $0x80, $0x38;
	[tilespmem:$0x10200] =	vst v63  }
0x255: {  	s24 =	spop (v2sf);
	(v2sf) =	vpush v0, $0xD;
	s18 =	sadd.s32 s3, s20;
	s19 =	sand.u32 $0x1FFFFFF0, s21  }
0x256: {  	[tilespmem:s22], [sflag:$0x1] =	stream.linear.gather [hbm4b:s18+s2], $0x80, $0x38;
	[tilespmem:$0x10200] =	vst v63  }
0x257: {  	s9 =	simm.s32 $0x4E80;
	s25 =	sand.u32 $0x1FFFFFF0, s24;
	s19 =	sadd.s32 s3, s19  }
0x258: {  	[tilespmem:s23], [sflag:$0x1] =	stream.linear.gather [hbm4b:s19+s2], $0x80, $0x38;
	[tilespmem:$0x10200] =	vst v63  }
0x259: {  	s13 =	simm.s32 $0x4F00;
	s18 =	sadd.s32 s3, s25;
	s26 =	spop (v2sf);
	(v2sf) =	vpush v0, $0xE  }
0x25a: {  	[tilespmem:s28], [sflag:$0x1] =	stream.linear.gather [hbm4b:s18+s2], $0x80, $0x38;
	[tilespmem:$0x10200] =	vst v63  }
0x25b: {  	s21 =	simm.s32 $0x4F80;
	s19 =	sand.u32 $0x1FFFFFF0, s26;
	s30 =	spop (v2sf);
	(v2sf) =	vpush v0, $0xF  }
0x25c: {  	s19 =	sadd.s32 s3, s19;
	s31 =	sand.u32 $0x1FFFFFF0, s30;
	s0 =	spop (v2sf)  }
0x25d: {  	[tilespmem:s29], [sflag:$0x1] =	stream.linear.gather [hbm4b:s19+s2], $0x80, $0x38;
	[tilespmem:$0x10200] =	vst v63  }
0x25e: {  	s18 =	sadd.s32 s3, s31;
	s19 =	sand.u32 $0x1FFFFFF0, s0;
	s10 =	spop (v2sf)  }
0x25f: {  	[tilespmem:s1], [sflag:$0x1] =	stream.linear.gather [hbm4b:s18+s2], $0x80, $0x38;
	[tilespmem:$0x10200] =	vst v63  }
0x260: {  	s19 =	sadd.s32 s3, s19;
	s11 =	sand.u32 $0x1FFFFFF0, s10;
	s12 =	spop (v2sf)  }
0x261: {  	[tilespmem:s9], [sflag:$0x1] =	stream.linear.gather [hbm4b:s19+s2], $0x80, $0x38;
	[tilespmem:$0x10200] =	vst v63  }
0x262: {  	s18 =	sadd.s32 s3, s11;
	s22 =	spop (v2sf);
	s19 =	sand.u32 $0x1FFFFFF0, s12  }
0x263: {  	[tilespmem:s13], [sflag:$0x1] =	stream.linear.gather [hbm4b:s18+s2], $0x80, $0x38;
	[tilespmem:$0x10200] =	vst v63  }
0x264: {  	s23 =	sand.u32 $0x1FFFFFF0, s22;
	s24 =	spop (v2sf);
	s19 =	sadd.s32 s3, s19  }
0x265: {  	[tilespmem:s21], [sflag:$0x1] =	stream.linear.gather [hbm4b:s19+s2], $0x80, $0x38;
	[tilespmem:$0x10200] =	vst v63  }
0x266: {  	s25 =	simm.s32 $0x5000;
	s18 =	sadd.s32 s3, s23;
	s19 =	sand.u32 $0x1FFFFFF0, s24  }
0x267: {  	[tilespmem:s25], [sflag:$0x1] =	stream.linear.gather [hbm4b:s18+s2], $0x80, $0x38;
	[tilespmem:$0x10200] =	vst v63  }
0x268: {  	s26 =	simm.s32 $0x5080;
	s19 =	sadd.s32 s3, s19;
	s28 =	spop (v2sf)  }
0x269: {  	[tilespmem:s26], [sflag:$0x1] =	stream.linear.gather [hbm4b:s19+s2], $0x80, $0x38;
	[tilespmem:$0x10200] =	vst v63  }
0x26a: {  	s29 =	sand.u32 $0x1FFFFFF0, s28;
	s30 =	spop (v2sf)  }
0x26b: {  	s31 =	simm.s32 $0x5100;
	s18 =	sadd.s32 s3, s29;
	s19 =	sand.u32 $0x1FFFFFF0, s30  }
0x26c: {  	[tilespmem:s31], [sflag:$0x1] =	stream.linear.gather [hbm4b:s18+s2], $0x80, $0x38;
	[tilespmem:$0x10200] =	vst v63  }
0x26d: {  	s18 =	simm.s32 $0x5180;
	s19 =	sadd.s32 s3, s19  }
0x26e: {  	[tilespmem:s18], [sflag:$0x1] =	stream.linear.gather [hbm4b:s19+s2], $0x80, $0x38;
	[tilespmem:$0x10200] =	vst v63  }
0x26f: {  	_ =	swait.ge [sflag:s16], $0x800  }
0x270: {  	s20 =	simm.s32 $0xB0;
	s19 =	simm.s32 $0x8;
	[sflag:s16] =	ssyncset.done $0x0  }
.LBB2_2:
0x271: {  	s19 =	sadd.s32 $0x2, s19;
	[sflag:s16] =	ssyncadd.s32 $0xFFFFF800;
	s18 =	sadd.s32 $0x1000, s18  }
0x272: {  	p0 =	slt.u32 s19, $0x1E  }
0x273: {  	v0 =	vld [tilespmem:s20+$0xFFFFFFF0];
	_ =	sdelay $0x4  }
0x274: {  	v0 =	vshll.u32 v0, $0x4  }
0x275: {  	(v2sf) =	vpush v0, $0x0  }
0x276: {  	(v2sf) =	vpush v0, $0x1  }
0x277: {  	(v2sf) =	vpush v0, $0x2;
	_ =	sdelay $0x1  }
0x278: {  	(v2sf) =	vpush v0, $0x3;
	_ =	sdelay $0x1  }
0x279: {  	(v2sf) =	vpush v0, $0x4;
	_ =	sdelay $0x1  }
0x27a: {  	(v2sf) =	vpush v0, $0x5;
	_ =	sdelay $0x1  }
0x27b: {  	(v2sf) =	vpush v0, $0x6  }
0x27c: {  	s22 =	sadd.s32 $0xFFFFF680, s18;
	s21 =	sadd.s32 $0xFFFFF700, s18  }
0x27d: {  	s25 =	sadd.s32 $0xFFFFF500, s18;
	s24 =	sadd.s32 $0xFFFFF580, s18;
	s23 =	sadd.s32 $0xFFFFF600, s18;
	(v2sf) =	vpush v0, $0x7  }
0x27e: {  	s29 =	sadd.s32 $0xFFFFF380, s18;
	s28 =	sadd.s32 $0xFFFFF400, s18;
	s26 =	sadd.s32 $0xFFFFF480, s18  }
0x27f: {  	s30 =	sadd.s32 $0xFFFFF200, s18;
	s31 =	sadd.s32 $0xFFFFF280, s18;
	s0 =	sadd.s32 $0xFFFFF300, s18;
	(v2sf) =	vpush v0, $0x8  }
0x280: {  	s1 =	sadd.s32 $0xFFFFF100, s18;
	s9 =	sadd.s32 $0xFFFFF180, s18;
	s10 =	spop (v2sf)  }
0x281: {  	s11 =	sadd.s32 $0xFFFFF080, s18;
	s10 =	sand.u32 $0x1FFFFFF0, s10;
	s12 =	spop (v2sf);
	(v2sf) =	vpush v0, $0x9  }
0x282: {  	s10 =	sadd.s32 s3, s10;
	s12 =	sand.u32 $0x1FFFFFF0, s12;
	s13 =	spop (v2sf)  }
0x283: {  	[tilespmem:s11], [sflag:$0x1] =	stream.linear.gather [hbm4b:s10+s2], $0x80, $0x38;
	(v2sf) =	vpush v0, $0xA;
	[tilespmem:$0x10200] =	vst v63  }
0x284: {  	s10 =	sadd.s32 s3, s12;
	s11 =	sand.u32 $0x1FFFFFF0, s13;
	s12 =	spop (v2sf)  }
0x285: {  	[tilespmem:s1], [sflag:$0x1] =	stream.linear.gather [hbm4b:s10+s2], $0x80, $0x38;
	(v2sf) =	vpush v0, $0xB;
	[tilespmem:$0x10200] =	vst v63  }
0x286: {  	s1 =	sadd.s32 s3, s11;
	s10 =	sand.u32 $0x1FFFFFF0, s12;
	s11 =	spop (v2sf)  }
0x287: {  	[tilespmem:s9], [sflag:$0x1] =	stream.linear.gather [hbm4b:s1+s2], $0x80, $0x38;
	(v2sf) =	vpush v0, $0xC;
	[tilespmem:$0x10200] =	vst v63  }
0x288: {  	s1 =	sadd.s32 s3, s10;
	s9 =	sand.u32 $0x1FFFFFF0, s11;
	s10 =	spop (v2sf)  }
0x289: {  	[tilespmem:s30], [sflag:$0x1] =	stream.linear.gather [hbm4b:s1+s2], $0x80, $0x38;
	(v2sf) =	vpush v0, $0xD;
	[tilespmem:$0x10200] =	vst v63  }
0x28a: {  	s1 =	sadd.s32 s3, s9;
	s9 =	sand.u32 $0x1FFFFFF0, s10;
	s10 =	spop (v2sf)  }
0x28b: {  	[tilespmem:s31], [sflag:$0x1] =	stream.linear.gather [hbm4b:s1+s2], $0x80, $0x38;
	(v2sf) =	vpush v0, $0xE;
	[tilespmem:$0x10200] =	vst v63  }
0x28c: {  	s1 =	sadd.s32 s3, s9;
	s9 =	sand.u32 $0x1FFFFFF0, s10;
	s10 =	spop (v2sf)  }
0x28d: {  	[tilespmem:s0], [sflag:$0x1] =	stream.linear.gather [hbm4b:s1+s2], $0x80, $0x38;
	(v2sf) =	vpush v0, $0xF;
	[tilespmem:$0x10200] =	vst v63  }
0x28e: {  	s0 =	sadd.s32 s3, s9;
	s1 =	sand.u32 $0x1FFFFFF0, s10;
	s9 =	spop (v2sf)  }
0x28f: {  	[tilespmem:s29], [sflag:$0x1] =	stream.linear.gather [hbm4b:s0+s2], $0x80, $0x38;
	[tilespmem:$0x10200] =	vst v63  }
0x290: {  	s0 =	sadd.s32 s3, s1;
	s1 =	sand.u32 $0x1FFFFFF0, s9;
	s9 =	spop (v2sf)  }
0x291: {  	[tilespmem:s28], [sflag:$0x1] =	stream.linear.gather [hbm4b:s0+s2], $0x80, $0x38;
	[tilespmem:$0x10200] =	vst v63  }
0x292: {  	s0 =	sadd.s32 s3, s1;
	s1 =	sand.u32 $0x1FFFFFF0, s9;
	s9 =	spop (v2sf)  }
0x293: {  	[tilespmem:s26], [sflag:$0x1] =	stream.linear.gather [hbm4b:s0+s2], $0x80, $0x38;
	[tilespmem:$0x10200] =	vst v63  }
0x294: {  	s0 =	sadd.s32 s3, s1;
	s1 =	sand.u32 $0x1FFFFFF0, s9;
	s9 =	spop (v2sf)  }
0x295: {  	[tilespmem:s25], [sflag:$0x1] =	stream.linear.gather [hbm4b:s0+s2], $0x80, $0x38;
	[tilespmem:$0x10200] =	vst v63  }
0x296: {  	s0 =	sadd.s32 s3, s1;
	s1 =	sand.u32 $0x1FFFFFF0, s9;
	s9 =	spop (v2sf)  }
0x297: {  	[tilespmem:s24], [sflag:$0x1] =	stream.linear.gather [hbm4b:s0+s2], $0x80, $0x38;
	[tilespmem:$0x10200] =	vst v63  }
0x298: {  	s0 =	sadd.s32 s3, s1;
	s1 =	sand.u32 $0x1FFFFFF0, s9;
	s9 =	spop (v2sf)  }
0x299: {  	[tilespmem:s23], [sflag:$0x1] =	stream.linear.gather [hbm4b:s0+s2], $0x80, $0x38;
	[tilespmem:$0x10200] =	vst v63  }
0x29a: {  	s0 =	sadd.s32 s3, s1;
	s1 =	sand.u32 $0x1FFFFFF0, s9;
	s9 =	spop (v2sf)  }
0x29b: {  	[tilespmem:s22], [sflag:$0x1] =	stream.linear.gather [hbm4b:s0+s2], $0x80, $0x38;
	[tilespmem:$0x10200] =	vst v63  }
0x29c: {  	s0 =	sadd.s32 s3, s1;
	s1 =	sand.u32 $0x1FFFFFF0, s9;
	s9 =	spop (v2sf)  }
0x29d: {  	[tilespmem:s21], [sflag:$0x1] =	stream.linear.gather [hbm4b:s0+s2], $0x80, $0x38;
	[tilespmem:$0x10200] =	vst v63  }
0x29e: {  	s1 =	sadd.s32 s3, s1;
	s0 =	sadd.s32 $0xFFFFF780, s18;
	s9 =	sand.u32 $0x1FFFFFF0, s9  }
0x29f: {  	[tilespmem:s0], [sflag:$0x1] =	stream.linear.gather [hbm4b:s1+s2], $0x80, $0x38;
	[tilespmem:$0x10200] =	vst v63  }
0x2a0: {  	s0 =	sadd.s32 $0xFFFFF800, s18;
	s1 =	sadd.s32 s3, s9  }
0x2a1: {  	[tilespmem:s0], [sflag:$0x1] =	stream.linear.gather [hbm4b:s1+s2], $0x80, $0x38;
	[tilespmem:$0x10200] =	vst v63  }
0x2a2: {  	_ =	swait.ge [sflag:s16], $0x800  }
0x2a3: {  	[sflag:s16] =	ssyncset.done $0x0  }
0x2a4: {  	[sflag:s16] =	ssyncadd.s32 $0xFFFFF800  }
0x2a5: {  	v0 =	vld [tilespmem:s20+$0x0];
	_ =	sdelay $0x4  }
0x2a6: {  	v0 =	vshll.u32 v0, $0x4  }
0x2a7: {  	(v2sf) =	vpush v0, $0x0  }
0x2a8: {  	(v2sf) =	vpush v0, $0x1  }
0x2a9: {  	(v2sf) =	vpush v0, $0x2;
	_ =	sdelay $0x1  }
0x2aa: {  	(v2sf) =	vpush v0, $0x3;
	_ =	sdelay $0x1  }
0x2ab: {  	(v2sf) =	vpush v0, $0x4;
	_ =	sdelay $0x1  }
0x2ac: {  	(v2sf) =	vpush v0, $0x5;
	_ =	sdelay $0x1  }
0x2ad: {  	(v2sf) =	vpush v0, $0x6  }
0x2ae: {  	s22 =	sadd.s32 $0xFFFFFE80, s18;
	s21 =	sadd.s32 $0xFFFFFF00, s18  }
0x2af: {  	s25 =	sadd.s32 $0xFFFFFD00, s18;
	s24 =	sadd.s32 $0xFFFFFD80, s18;
	s23 =	sadd.s32 $0xFFFFFE00, s18;
	(v2sf) =	vpush v0, $0x7  }
0x2b0: {  	s29 =	sadd.s32 $0xFFFFFB80, s18;
	s28 =	sadd.s32 $0xFFFFFC00, s18;
	s26 =	sadd.s32 $0xFFFFFC80, s18  }
0x2b1: {  	s9 =	sadd.s32 $0xFFFFFB00, s18;
	s0 =	sadd.s32 $0xFFFFFA00, s18;
	s1 =	sadd.s32 $0xFFFFFA80, s18;
	(v2sf) =	vpush v0, $0x8  }
0x2b2: {  	s11 =	sadd.s32 $0xFFFFF980, s18;
	s10 =	sadd.s32 $0xFFFFF900, s18;
	s12 =	spop (v2sf)  }
0x2b3: {  	s13 =	sadd.s32 $0xFFFFF880, s18;
	s12 =	sand.u32 $0x1FFFFFF0, s12;
	s30 =	spop (v2sf);
	(v2sf) =	vpush v0, $0x9  }
0x2b4: {  	s12 =	sadd.s32 s3, s12;
	s30 =	sand.u32 $0x1FFFFFF0, s30;
	s31 =	spop (v2sf)  }
0x2b5: {  	[tilespmem:s13], [sflag:$0x1] =	stream.linear.gather [hbm4b:s12+s2], $0x80, $0x38;
	(v2sf) =	vpush v0, $0xA;
	[tilespmem:$0x10200] =	vst v63  }
0x2b6: {  	s12 =	sadd.s32 s3, s30;
	s13 =	sand.u32 $0x1FFFFFF0, s31;
	s30 =	spop (v2sf)  }
0x2b7: {  	[tilespmem:s10], [sflag:$0x1] =	stream.linear.gather [hbm4b:s12+s2], $0x80, $0x38;
	(v2sf) =	vpush v0, $0xB;
	[tilespmem:$0x10200] =	vst v63  }
0x2b8: {  	s10 =	sadd.s32 s3, s13;
	s12 =	sand.u32 $0x1FFFFFF0, s30;
	s13 =	spop (v2sf)  }
0x2b9: {  	[tilespmem:s11], [sflag:$0x1] =	stream.linear.gather [hbm4b:s10+s2], $0x80, $0x38;
	(v2sf) =	vpush v0, $0xC;
	[tilespmem:$0x10200] =	vst v63  }
0x2ba: {  	s10 =	sadd.s32 s3, s12;
	s11 =	sand.u32 $0x1FFFFFF0, s13;
	s12 =	spop (v2sf)  }
0x2bb: {  	[tilespmem:s0], [sflag:$0x1] =	stream.linear.gather [hbm4b:s10+s2], $0x80, $0x38;
	(v2sf) =	vpush v0, $0xD;
	[tilespmem:$0x10200] =	vst v63  }
0x2bc: {  	s0 =	sadd.s32 s3, s11;
	s10 =	sand.u32 $0x1FFFFFF0, s12;
	s11 =	spop (v2sf)  }
0x2bd: {  	[tilespmem:s1], [sflag:$0x1] =	stream.linear.gather [hbm4b:s0+s2], $0x80, $0x38;
	(v2sf) =	vpush v0, $0xE;
	[tilespmem:$0x10200] =	vst v63  }
0x2be: {  	s0 =	sadd.s32 s3, s10;
	s1 =	sand.u32 $0x1FFFFFF0, s11;
	s10 =	spop (v2sf)  }
0x2bf: {  	[tilespmem:s9], [sflag:$0x1] =	stream.linear.gather [hbm4b:s0+s2], $0x80, $0x38;
	(v2sf) =	vpush v0, $0xF;
	[tilespmem:$0x10200] =	vst v63  }
0x2c0: {  	s0 =	sadd.s32 s3, s1;
	s1 =	sand.u32 $0x1FFFFFF0, s10;
	s9 =	spop (v2sf)  }
0x2c1: {  	[tilespmem:s29], [sflag:$0x1] =	stream.linear.gather [hbm4b:s0+s2], $0x80, $0x38;
	[tilespmem:$0x10200] =	vst v63  }
0x2c2: {  	s0 =	sadd.s32 s3, s1;
	s1 =	sand.u32 $0x1FFFFFF0, s9;
	s9 =	spop (v2sf)  }
0x2c3: {  	[tilespmem:s28], [sflag:$0x1] =	stream.linear.gather [hbm4b:s0+s2], $0x80, $0x38;
	[tilespmem:$0x10200] =	vst v63  }
0x2c4: {  	s0 =	sadd.s32 s3, s1;
	s1 =	sand.u32 $0x1FFFFFF0, s9;
	s9 =	spop (v2sf)  }
0x2c5: {  	[tilespmem:s26], [sflag:$0x1] =	stream.linear.gather [hbm4b:s0+s2], $0x80, $0x38;
	[tilespmem:$0x10200] =	vst v63  }
0x2c6: {  	s0 =	sadd.s32 s3, s1;
	s1 =	sand.u32 $0x1FFFFFF0, s9;
	s9 =	spop (v2sf)  }
0x2c7: {  	[tilespmem:s25], [sflag:$0x1] =	stream.linear.gather [hbm4b:s0+s2], $0x80, $0x38;
	[tilespmem:$0x10200] =	vst v63  }
0x2c8: {  	s0 =	sadd.s32 s3, s1;
	s1 =	sand.u32 $0x1FFFFFF0, s9;
	s9 =	spop (v2sf)  }
0x2c9: {  	[tilespmem:s24], [sflag:$0x1] =	stream.linear.gather [hbm4b:s0+s2], $0x80, $0x38;
	[tilespmem:$0x10200] =	vst v63  }
0x2ca: {  	s0 =	sadd.s32 s3, s1;
	s1 =	sand.u32 $0x1FFFFFF0, s9;
	s9 =	spop (v2sf)  }
0x2cb: {  	[tilespmem:s23], [sflag:$0x1] =	stream.linear.gather [hbm4b:s0+s2], $0x80, $0x38;
	[tilespmem:$0x10200] =	vst v63  }
0x2cc: {  	s0 =	sadd.s32 s3, s1;
	s1 =	sand.u32 $0x1FFFFFF0, s9;
	s9 =	spop (v2sf)  }
0x2cd: {  	[tilespmem:s22], [sflag:$0x1] =	stream.linear.gather [hbm4b:s0+s2], $0x80, $0x38;
	[tilespmem:$0x10200] =	vst v63  }
0x2ce: {  	s0 =	sadd.s32 s3, s1;
	s1 =	sand.u32 $0x1FFFFFF0, s9;
	s9 =	spop (v2sf)  }
0x2cf: {  	[tilespmem:s21], [sflag:$0x1] =	stream.linear.gather [hbm4b:s0+s2], $0x80, $0x38;
	[tilespmem:$0x10200] =	vst v63  }
0x2d0: {  	s1 =	sadd.s32 s3, s1;
	s0 =	sadd.s32 $0xFFFFFF80, s18;
	s9 =	sand.u32 $0x1FFFFFF0, s9  }
0x2d1: {  	[tilespmem:s0], [sflag:$0x1] =	stream.linear.gather [hbm4b:s1+s2], $0x80, $0x38;
	[tilespmem:$0x10200] =	vst v63  }
.Ltmp0:
0x2d2: {  	_ = 	snop;
	(pc) =	sbr.rel @p0 .LBB2_2-.Ltmp0, $4  }
0x2d3: {  	s0 =	sadd.s32 s3, s9  }
0x2d4: {  	[tilespmem:s18], [sflag:$0x1] =	stream.linear.gather [hbm4b:s0+s2], $0x80, $0x38;
	[tilespmem:$0x10200] =	vst v63  }
0x2d5: {  	_ =	swait.ge [sflag:s16], $0x800  }
0x2d6: {  	s20 =	sadd.s32 $0x20, s20;
	[sflag:s16] =	ssyncset.done $0x0  }
0x2d7: {  	[sflag:s16] =	ssyncadd.s32 $0xFFFFF800  }
0x2d8: {  	_ =	swait.ge [sflag:s16], $0x800  }
0x2d9: {  	[sflag:s16] =	ssyncset.done $0x0  }
0x2da: {  	[sflag:s16] =	ssyncadd.s32 $0xFFFFF800  }
0x2db: {  	_ =	swait.ge [sflag:s16], $0x800  }
0x2dc: {  	[sflag:s16] =	ssyncset.done $0x0  }
0x2dd: {  	[sflag:s16] =	ssyncadd.s32 $0xFFFFF800  }
0x2de: {  	_ =	swait.ge [sflag:s16], $0x800  }
0x2df: {  	[sflag:s16] =	ssyncset.done $0x0  }
0x2e0: {  	[sflag:s16] =	ssyncadd.s32 $0xFFFFF800  }
0x2e1: {  	_ =	swait.ge [sflag:s16], $0x800  }
0x2e2: {  	[sflag:s16] =	ssyncset.done $0x0  }
0x2e3: {  	[sflag:s16] =	ssyncadd.s32 $0xFFFFF800  }
0x2e4: {  	_ =	swait.ge [sflag:s16], $0x800  }
0x2e5: {  	[sflag:s16] =	ssyncset.done $0x0  }
0x2e6: {  	[sflag:s16] =	ssyncadd.s32 $0xFFFFF800  }
0x2e7: {  	_ =	swait.ge [sflag:s16], $0x800  }
0x2e8: {  	[sflag:s16] =	ssyncset.done $0x0  }
0x2e9: {  	[sflag:s16] =	ssyncadd.s32 $0xFFFFF800  }
0x2ea: {  	_ =	swait.ge [sflag:s16], $0x800  }
0x2eb: {  	[sflag:s16] =	ssyncset.done $0x0  }
0x2ec: {  	[sflag:s16] =	ssyncadd.s32 $0xFFFFF800  }
0x2ed: {  	s17 =	sadd.s32 $0x1, s17;
	_ =	swait.ge [sflag:s16], $0x800  }
0x2ee: {  	p0 =	sne.s32 s17, s6;
	[sflag:s16] =	ssyncset.done $0x0  }
.Ltmp1:
0x2ef: {  	[sflag:s16] =	ssyncadd.s32 $0xFFFFF800;
	(pc) =	sbr.rel @p0 .LBB2_1-.Ltmp1, $4  }
0x2f0: {  	[hbm4b:s5+s2] =	stream.linear.scatter [tilespmem:s8], [sflag:$0x2], $0x10000, $0x38;
	[tilespmem:$0x10200] =	vst v63  }
0x2f1: {  	_ =	swait.ge [sflag:s7], $0x10000  }
0x2f2: {  	[sflag:s7] =	ssyncset.done $0x0  }
0x2f3: {  	[sflag:s7] =	ssyncadd.s32 $0xFFFF0000  }
0x2f4: {  	_ =	sfence.sel $0x180000  }
0x2f5: {  	[bflag:$0x0] =	sbarrier.arrive $0xFFFF  }
0x2f6: {  	_ =	strace $0x90000047  }
0x2f7: {  	s0 =	stileid.u32;
	[bflag:$0x2] =	sbarrier.arrive $0xFFFF  }
0x2f8: {  	p0 =	sne.s32 s0, $0x0;
	s0 =	rddreg [dreg:$0x2]  }
0x2f9: {  	s0 =	sadd.s32 @!p0 $0x100000, s0  }
0x2fa: {  	[sflag:s0] =	ssyncadd.tile.s32 @!p0 $0x1;
	_ =	shalt  }
.Lfunc_end2:
_tile_overlayer_lowered:
.L_overlay_start_2:
0x2fb: {  	(tag) =	ssettag $0x2  }
0x2fc: {  	s0 =	rddreg [dreg:$0x0];
	s2 =	stileid.u32  }
0x2fd: {  	s1 =	rddreg [dreg:$0x1];
	p0 =	sne.s32 s2, $0x0  }
0x2fe: {  	s3 =	rddreg [dreg:$0x2];
	[bflag:$0x3] =	sbarrier.arrive $0xFFFF;
	s2 =	simm.s32 @!p0 $0x1C02  }
0x2ff: {  	[timem:s3], [sflag:s2] =	dma.local @!p0 [hbm:s0], s1  }
0x300: {  	s0 =	simm.s32 @!p0 $0x2  }
0x301: {  	_ =	swait.ge @!p0 [sflag:s0], s1  }
0x302: {  	s1 =	ssub.s32 @!p0 $0x0, s1;
	[sflag:s0] =	ssyncset.done @!p0 $0x0  }
0x303: {  	[sflag:s0] =	ssyncadd.s32 @!p0 s1  }
0x304: {  	[bflag:$0x3] =	sbarrier.arrive $0xFFFF  }
0x305: {  	_ =	shalt  }

</sc_bundles>
